<compile_context>
chip_gen: v7x
topology: tpu7x:2x2x1
jax: 0.10.2.dev20260603
libtpu: 0.0.44.dev20260713+nightly
codegen_flags: <defaults>
</compile_context>

<pallas_src>
import functools

import jax
import jax.numpy as jnp
from jax import lax
from jax.experimental import pallas as pl
from jax.experimental.pallas import tpu as pltpu
from jax.experimental.pallas import tpu_sc as plsc

_MAXP = 2048
_NH = 16
_TBL = 2 * _MAXP - 1
_TBLP = 4104
_SEQ = 2048
_NC, _NS = 2, 16
_NW = _NC * _NS
_ROWS_PER_W = _SEQ // _NW
_WIN = 2552
_WINP = 2560

_mesh = plsc.VectorSubcoreMesh(core_axis_name="c", subcore_axis_name="s")


@functools.partial(
    pl.kernel,
    mesh=_mesh,
    out_type=jax.ShapeDtypeStruct((_SEQ, 2, 16, 8, 128), jnp.float32),
    scratch_types=[
        pltpu.VMEM((_WIN * _NH,), jnp.float32),
        pltpu.VMEM((2, 8, _WINP), jnp.float32),
        pltpu.SemaphoreType.DMA,
    ],
    compiler_params=pltpu.CompilerParams(
        use_tc_tiling_on_sc=False, needs_layout_passes=False
    ),
)
def _rel_embed(tab_hbm, out_hbm, win_v, revt_v, ssem):
    wid = lax.axis_index("s") * _NC + lax.axis_index("c")
    m = wid % 8
    q = wid // 8
    t0 = m + 512 * q

    pltpu.sync_copy(tab_hbm.at[pl.ds(t0 * _NH, _WIN * _NH)], win_v)

    lane = lax.iota(jnp.int32, 16)
    off0 = lane * _NH

    @plsc.parallel_loop(0, _WINP // 16, step=1, unroll=2)
    def _build(s):
        w0 = s * 16
        base = jnp.maximum(
            jnp.full((16,), (_WIN - 1 - w0) * _NH, jnp.int32) - off0, 0
        )
        for h in range(16):
            vec = plsc.load_gather(win_v, [base + h])
            revt_v[h // 8, h % 8, pl.ds(pl.multiple_of(w0, 16), 16)] = vec

    def _scatter(t, _):
        o = (_WIN - _SEQ) - 8 * t
        i = t0 + 8 * t
        handles = []
        for ab in range(32):
            a = ab // 16
            b = ab % 16
            handles.append(
                pltpu.async_copy(
                    revt_v.at[a, :, pl.ds(pl.multiple_of(o + 128 * b, 8), 128)],
                    out_hbm.at[i, a, b],
                    ssem,
                )
            )
        for h in handles:
            h.wait()
        return 0

    lax.fori_loop(0, _ROWS_PER_W, _scatter, 0)


def kernel(rel_table, seq_len):
    del seq_len
    padded = jnp.concatenate(
        [rel_table, jnp.zeros((_TBLP - _TBL, _NH), rel_table.dtype)], axis=0
    )
    five = _rel_embed(padded.reshape(-1))
    return five.transpose(0, 2, 4, 1, 3).reshape(_SEQ, _SEQ, _NH)

# --- scband reference (transcript-rebuilt; emitter-appended) ---
"""Pipeline reference for scband-relative-positional-embedding-90426241450570 (READ-ONLY COPY).

The authoritative reference and input builder live on the scoring server;
editing this copy changes nothing except your own understanding.
"""

import jax, jax.numpy as jnp
import numpy as np

MAX_POSITION = 2048
NUM_HEADS = 16

def setup_inputs(seed: int = 0) -> dict:
    key = jax.random.key(seed)
    rel_table = jax.random.normal(key, (2 * MAX_POSITION - 1, NUM_HEADS), dtype=jnp.float32) * 0.02
    return {"rel_table": rel_table, "seq_len": 2048}

def reference(rel_table, seq_len):
    range_vec = jnp.arange(MAX_POSITION) + 0 * seq_len
    relative_positions_matrix = range_vec[:, None] - range_vec[None, :]
    relative_positions_matrix = relative_positions_matrix + (MAX_POSITION - 1)
    relative_positions_matrix = jnp.clip(relative_positions_matrix, 0, 2 * MAX_POSITION - 2)
    rel_embeddings = jnp.take(rel_table, relative_positions_matrix, axis=0)
    return rel_embeddings

if __name__ == "__main__":
    import jax
    _d = setup_inputs()
    print(jax.jit(kernel)(*tuple(_d.values())))

</pallas_src>

<mosaic_0001>
#map = affine_map<(d0, d1) -> (0)>
#map1 = affine_map<(d0, d1) -> (0, 0, 0, 0, 0)>
module attributes {stable_mosaic.version = 14 : i64} {
  func.func @_rel_embed(%arg0: i32, %arg1: i32, %arg2: memref<65664xf32, #tpu.memory_space<hbm>>, %arg3: memref<2048x2x16x8x128xf32, #tpu.memory_space<hbm>>, %arg4: memref<40832xf32, #tpu.memory_space<vmem>>, %arg5: memref<2x8x2560xf32, #tpu.memory_space<vmem>>, %arg6: memref<!tpu.dma_semaphore, #tpu.memory_space<semaphore_mem>>) attributes {dimension_semantics = [#tpu.dimension_semantics<core_parallel>, #tpu.dimension_semantics<subcore_parallel>], iteration_bounds = array<i64: 2, 16>, scalar_prefetch = 0 : i64, scratch_operands = 3 : i64, tpu.core_type = #tpu.core_type<sc_vector_subcore>, window_params = [{transform_indices = #map}, {transform_indices = #map1}]} {
    %mul3A = arith.constant 2 : i32
    %mul3A_0 = arith.muli %arg1, %mul3A : i32
    %add3A = arith.addi %mul3A_0, %arg0 : i32
    %jit3A = arith.constant 8 : i32
    %eq3A = arith.constant 0 : i32
    %eq3A_1 = arith.cmpi eq, %jit3A, %eq3A : i32
    %jit3A_2 = arith.constant 1 : i32
    %select_n3A = arith.select %eq3A_1, %jit3A_2, %jit3A : i32
    %rem3A = arith.remsi %add3A, %select_n3A : i32
    %ne3A = arith.constant 0 : i32
    %ne3A_3 = arith.cmpi ne, %rem3A, %ne3A : i32
    %lt3A = arith.constant 0 : i32
    %lt3A_4 = arith.cmpi slt, %rem3A, %lt3A : i32
    %lt3A_5 = arith.constant 0 : i32
    %lt3A_6 = arith.cmpi slt, %select_n3A, %lt3A_5 : i32
    %ne3A_7 = arith.xori %lt3A_4, %lt3A_6 : i1
    %and3A = arith.andi %ne3A_7, %ne3A_3 : i1
    %add3A_8 = arith.addi %rem3A, %select_n3A : i32
    %select_n3A_9 = arith.select %and3A, %add3A_8, %rem3A : i32
    %jit3A_10 = arith.constant 8 : i32
    %div3A = arith.divsi %add3A, %jit3A_10 : i32
    %sign3A = arith.constant 0 : i32
    %sign3A_11 = arith.cmpi sgt, %add3A, %sign3A : i32
    %sign3A_12 = arith.extui %sign3A_11 : i1 to i32
    %sign3A_13 = arith.constant 0 : i32
    %sign3A_14 = arith.cmpi slt, %add3A, %sign3A_13 : i32
    %sign3A_15 = arith.extui %sign3A_14 : i1 to i32
    %sign3A_16 = arith.subi %sign3A_12, %sign3A_15 : i32
    %sign3A_17 = arith.constant 0 : i32
    %sign3A_18 = arith.cmpi sgt, %jit3A_10, %sign3A_17 : i32
    %sign3A_19 = arith.extui %sign3A_18 : i1 to i32
    %sign3A_20 = arith.constant 0 : i32
    %sign3A_21 = arith.cmpi slt, %jit3A_10, %sign3A_20 : i32
    %sign3A_22 = arith.extui %sign3A_21 : i1 to i32
    %sign3A_23 = arith.subi %sign3A_19, %sign3A_22 : i32
    %ne3A_24 = arith.cmpi ne, %sign3A_16, %sign3A_23 : i32
    %rem3A_25 = arith.remsi %add3A, %jit3A_10 : i32
    %ne3A_26 = arith.constant 0 : i32
    %ne3A_27 = arith.cmpi ne, %rem3A_25, %ne3A_26 : i32
    %and3A_28 = arith.andi %ne3A_24, %ne3A_27 : i1
    %sub3A = arith.constant 1 : i32
    %sub3A_29 = arith.subi %div3A, %sub3A : i32
    %select_n3A_30 = arith.select %and3A_28, %sub3A_29, %div3A : i32
    %mul3A_31 = arith.constant 512 : i32
    %mul3A_32 = arith.muli %mul3A_31, %select_n3A_30 : i32
    %add3A_33 = arith.addi %select_n3A_9, %mul3A_32 : i32
    %mul3A_34 = arith.constant 16 : i32
    %mul3A_35 = arith.muli %add3A_33, %mul3A_34 : i32
    "tpu.region"() ({
      %run_scoped3A = tpu.sem_alloc : memref<!tpu.dma_semaphore, #tpu.memory_space<semaphore_mem>>
      %dma_start3A = tpu.memref_slice %arg2[%mul3A_35] : memref<65664xf32, #tpu.memory_space<hbm>> -> memref<40832xf32, #tpu.memory_space<hbm>>
      %dma_start3A_47 = tpu.memref_slice %arg2[%mul3A_35] : memref<65664xf32, #tpu.memory_space<hbm>> -> memref<40832xf32, #tpu.memory_space<hbm>>
      tpu.enqueue_dma source(%dma_start3A_47 : memref<40832xf32, #tpu.memory_space<hbm>>) target(%arg4 : memref<40832xf32, #tpu.memory_space<vmem>>) target_semaphore(%run_scoped3A : memref<!tpu.dma_semaphore, #tpu.memory_space<semaphore_mem>>)
      %dma_wait3A = tpu.memref_slice %arg2[%mul3A_35] : memref<65664xf32, #tpu.memory_space<hbm>> -> memref<40832xf32, #tpu.memory_space<hbm>>
      %dma_wait3A_48 = tpu.memref_slice %arg2[%mul3A_35] : memref<65664xf32, #tpu.memory_space<hbm>> -> memref<40832xf32, #tpu.memory_space<hbm>>
      tpu.wait_dma2 semaphore(%run_scoped3A : memref<!tpu.dma_semaphore, #tpu.memory_space<semaphore_mem>>) src(%dma_wait3A_48 : memref<40832xf32, #tpu.memory_space<hbm>>) dst(%arg4 : memref<40832xf32, #tpu.memory_space<vmem>>)
      tpu.yield
    }) : () -> ()
    %iota3A = tpu.iota {dimensions = array<i32: 0>} : vector<16xi32>
    %mul3A_36 = arith.constant 16 : i32
    %mul3A_37 = vector.broadcast %mul3A_36 : i32 to vector<16xi32>
    %mul3A_38 = arith.muli %iota3A, %mul3A_37 : vector<16xi32>
    %parallel_loop3A = arith.constant 0 : i32
    %parallel_loop3A_39 = arith.constant 160 : i32
    %parallel_loop3A_40 = arith.constant 1 : i32
    scf.for %parallel_loop3A_47 = %parallel_loop3A to %parallel_loop3A_39 step %parallel_loop3A_40  : i32 {
      %parallel_loop3A_48 = arith.constant 16 : i32
      %parallel_loop3A_49 = arith.muli %parallel_loop3A_47, %parallel_loop3A_48 : i32
      %parallel_loop3A_50 = arith.constant 2551 : i32
      %parallel_loop3A_51 = arith.subi %parallel_loop3A_50, %parallel_loop3A_49 : i32
      %parallel_loop3A_52 = arith.constant 16 : i32
      %parallel_loop3A_53 = arith.muli %parallel_loop3A_51, %parallel_loop3A_52 : i32
      %parallel_loop3A_54 = vector.broadcast %parallel_loop3A_53 : i32 to vector<16xi32>
      %parallel_loop3A_55 = arith.subi %parallel_loop3A_54, %mul3A_38 : vector<16xi32>
      %parallel_loop3A_56 = arith.constant 0 : i32
      %parallel_loop3A_57 = vector.broadcast %parallel_loop3A_56 : i32 to vector<16xi32>
      %parallel_loop3A_58 = arith.maxsi %parallel_loop3A_55, %parallel_loop3A_57 : vector<16xi32>
      %parallel_loop3A_59 = arith.constant 0 : i32
      %parallel_loop3A_60 = vector.broadcast %parallel_loop3A_59 : i32 to vector<16xi32>
      %parallel_loop3A_61 = arith.addi %parallel_loop3A_58, %parallel_loop3A_60 : vector<16xi32>
      %parallel_loop3A_62 = tpu.vector_load_idx %arg4[%parallel_loop3A_61] : memref<40832xf32, #tpu.memory_space<vmem>>[vector<16xi32>], vector<16xf32>,
      %parallel_loop3A_63 = tpu.assume_multiple %parallel_loop3A_49, 16 : i32
      %parallel_loop3A_64 = arith.constant 0 : i32
      %parallel_loop3A_65 = arith.constant 0 : i32
      %parallel_loop3A_66 = arith.index_cast %parallel_loop3A_64 : i32 to index
      %parallel_loop3A_67 = arith.index_cast %parallel_loop3A_65 : i32 to index
      %parallel_loop3A_68 = arith.index_cast %parallel_loop3A_63 : i32 to index
      %parallel_loop3A_69 = tpu.vector_load %arg5[%parallel_loop3A_66, %parallel_loop3A_67, %parallel_loop3A_68] {strides = array<i32>} : memref<2x8x2560xf32, #tpu.memory_space<vmem>>, vector<16xf32>,
      tpu.vector_store %arg5[%parallel_loop3A_66, %parallel_loop3A_67, %parallel_loop3A_68], %parallel_loop3A_62 {strides = array<i32>} : memref<2x8x2560xf32, #tpu.memory_space<vmem>>, vector<16xf32>,
      %parallel_loop3A_70 = arith.constant 1 : i32
      %parallel_loop3A_71 = vector.broadcast %parallel_loop3A_70 : i32 to vector<16xi32>
      %parallel_loop3A_72 = arith.addi %parallel_loop3A_58, %parallel_loop3A_71 : vector<16xi32>
      %parallel_loop3A_73 = tpu.vector_load_idx %arg4[%parallel_loop3A_72] : memref<40832xf32, #tpu.memory_space<vmem>>[vector<16xi32>], vector<16xf32>,
      %parallel_loop3A_74 = tpu.assume_multiple %parallel_loop3A_49, 16 : i32
      %parallel_loop3A_75 = arith.constant 0 : i32
      %parallel_loop3A_76 = arith.constant 1 : i32
      %parallel_loop3A_77 = arith.index_cast %parallel_loop3A_75 : i32 to index
      %parallel_loop3A_78 = arith.index_cast %parallel_loop3A_76 : i32 to index
      %parallel_loop3A_79 = arith.index_cast %parallel_loop3A_74 : i32 to index
      %parallel_loop3A_80 = tpu.vector_load %arg5[%parallel_loop3A_77, %parallel_loop3A_78, %parallel_loop3A_79] {strides = array<i32>} : memref<2x8x2560xf32, #tpu.memory_space<vmem>>, vector<16xf32>,
      tpu.vector_store %arg5[%parallel_loop3A_77, %parallel_loop3A_78, %parallel_loop3A_79], %parallel_loop3A_73 {strides = array<i32>} : memref<2x8x2560xf32, #tpu.memory_space<vmem>>, vector<16xf32>,
      %parallel_loop3A_81 = arith.constant 2 : i32
      %parallel_loop3A_82 = vector.broadcast %parallel_loop3A_81 : i32 to vector<16xi32>
      %parallel_loop3A_83 = arith.addi %parallel_loop3A_58, %parallel_loop3A_82 : vector<16xi32>
      %parallel_loop3A_84 = tpu.vector_load_idx %arg4[%parallel_loop3A_83] : memref<40832xf32, #tpu.memory_space<vmem>>[vector<16xi32>], vector<16xf32>,
      %parallel_loop3A_85 = tpu.assume_multiple %parallel_loop3A_49, 16 : i32
      %parallel_loop3A_86 = arith.constant 0 : i32
      %parallel_loop3A_87 = arith.constant 2 : i32
      %parallel_loop3A_88 = arith.index_cast %parallel_loop3A_86 : i32 to index
      %parallel_loop3A_89 = arith.index_cast %parallel_loop3A_87 : i32 to index
      %parallel_loop3A_90 = arith.index_cast %parallel_loop3A_85 : i32 to index
      %parallel_loop3A_91 = tpu.vector_load %arg5[%parallel_loop3A_88, %parallel_loop3A_89, %parallel_loop3A_90] {strides = array<i32>} : memref<2x8x2560xf32, #tpu.memory_space<vmem>>, vector<16xf32>,
      tpu.vector_store %arg5[%parallel_loop3A_88, %parallel_loop3A_89, %parallel_loop3A_90], %parallel_loop3A_84 {strides = array<i32>} : memref<2x8x2560xf32, #tpu.memory_space<vmem>>, vector<16xf32>,
      %parallel_loop3A_92 = arith.constant 3 : i32
      %parallel_loop3A_93 = vector.broadcast %parallel_loop3A_92 : i32 to vector<16xi32>
      %parallel_loop3A_94 = arith.addi %parallel_loop3A_58, %parallel_loop3A_93 : vector<16xi32>
      %parallel_loop3A_95 = tpu.vector_load_idx %arg4[%parallel_loop3A_94] : memref<40832xf32, #tpu.memory_space<vmem>>[vector<16xi32>], vector<16xf32>,
      %parallel_loop3A_96 = tpu.assume_multiple %parallel_loop3A_49, 16 : i32
      %parallel_loop3A_97 = arith.constant 0 : i32
      %parallel_loop3A_98 = arith.constant 3 : i32
      %parallel_loop3A_99 = arith.index_cast %parallel_loop3A_97 : i32 to index
      %parallel_loop3A_100 = arith.index_cast %parallel_loop3A_98 : i32 to index
      %parallel_loop3A_101 = arith.index_cast %parallel_loop3A_96 : i32 to index
      %parallel_loop3A_102 = tpu.vector_load %arg5[%parallel_loop3A_99, %parallel_loop3A_100, %parallel_loop3A_101] {strides = array<i32>} : memref<2x8x2560xf32, #tpu.memory_space<vmem>>, vector<16xf32>,
      tpu.vector_store %arg5[%parallel_loop3A_99, %parallel_loop3A_100, %parallel_loop3A_101], %parallel_loop3A_95 {strides = array<i32>} : memref<2x8x2560xf32, #tpu.memory_space<vmem>>, vector<16xf32>,
      %parallel_loop3A_103 = arith.constant 4 : i32
      %parallel_loop3A_104 = vector.broadcast %parallel_loop3A_103 : i32 to vector<16xi32>
      %parallel_loop3A_105 = arith.addi %parallel_loop3A_58, %parallel_loop3A_104 : vector<16xi32>
      %parallel_loop3A_106 = tpu.vector_load_idx %arg4[%parallel_loop3A_105] : memref<40832xf32, #tpu.memory_space<vmem>>[vector<16xi32>], vector<16xf32>,
      %parallel_loop3A_107 = tpu.assume_multiple %parallel_loop3A_49, 16 : i32
      %parallel_loop3A_108 = arith.constant 0 : i32
      %parallel_loop3A_109 = arith.constant 4 : i32
      %parallel_loop3A_110 = arith.index_cast %parallel_loop3A_108 : i32 to index
      %parallel_loop3A_111 = arith.index_cast %parallel_loop3A_109 : i32 to index
      %parallel_loop3A_112 = arith.index_cast %parallel_loop3A_107 : i32 to index
      %parallel_loop3A_113 = tpu.vector_load %arg5[%parallel_loop3A_110, %parallel_loop3A_111, %parallel_loop3A_112] {strides = array<i32>} : memref<2x8x2560xf32, #tpu.memory_space<vmem>>, vector<16xf32>,
      tpu.vector_store %arg5[%parallel_loop3A_110, %parallel_loop3A_111, %parallel_loop3A_112], %parallel_loop3A_106 {strides = array<i32>} : memref<2x8x2560xf32, #tpu.memory_space<vmem>>, vector<16xf32>,
      %parallel_loop3A_114 = arith.constant 5 : i32
      %parallel_loop3A_115 = vector.broadcast %parallel_loop3A_114 : i32 to vector<16xi32>
      %parallel_loop3A_116 = arith.addi %parallel_loop3A_58, %parallel_loop3A_115 : vector<16xi32>
      %parallel_loop3A_117 = tpu.vector_load_idx %arg4[%parallel_loop3A_116] : memref<40832xf32, #tpu.memory_space<vmem>>[vector<16xi32>], vector<16xf32>,
      %parallel_loop3A_118 = tpu.assume_multiple %parallel_loop3A_49, 16 : i32
      %parallel_loop3A_119 = arith.constant 0 : i32
      %parallel_loop3A_120 = arith.constant 5 : i32
      %parallel_loop3A_121 = arith.index_cast %parallel_loop3A_119 : i32 to index
      %parallel_loop3A_122 = arith.index_cast %parallel_loop3A_120 : i32 to index
      %parallel_loop3A_123 = arith.index_cast %parallel_loop3A_118 : i32 to index
      %parallel_loop3A_124 = tpu.vector_load %arg5[%parallel_loop3A_121, %parallel_loop3A_122, %parallel_loop3A_123] {strides = array<i32>} : memref<2x8x2560xf32, #tpu.memory_space<vmem>>, vector<16xf32>,
      tpu.vector_store %arg5[%parallel_loop3A_121, %parallel_loop3A_122, %parallel_loop3A_123], %parallel_loop3A_117 {strides = array<i32>} : memref<2x8x2560xf32, #tpu.memory_space<vmem>>, vector<16xf32>,
      %parallel_loop3A_125 = arith.constant 6 : i32
      %parallel_loop3A_126 = vector.broadcast %parallel_loop3A_125 : i32 to vector<16xi32>
      %parallel_loop3A_127 = arith.addi %parallel_loop3A_58, %parallel_loop3A_126 : vector<16xi32>
      %parallel_loop3A_128 = tpu.vector_load_idx %arg4[%parallel_loop3A_127] : memref<40832xf32, #tpu.memory_space<vmem>>[vector<16xi32>], vector<16xf32>,
      %parallel_loop3A_129 = tpu.assume_multiple %parallel_loop3A_49, 16 : i32
      %parallel_loop3A_130 = arith.constant 0 : i32
      %parallel_loop3A_131 = arith.constant 6 : i32
      %parallel_loop3A_132 = arith.index_cast %parallel_loop3A_130 : i32 to index
      %parallel_loop3A_133 = arith.index_cast %parallel_loop3A_131 : i32 to index
      %parallel_loop3A_134 = arith.index_cast %parallel_loop3A_129 : i32 to index
      %parallel_loop3A_135 = tpu.vector_load %arg5[%parallel_loop3A_132, %parallel_loop3A_133, %parallel_loop3A_134] {strides = array<i32>} : memref<2x8x2560xf32, #tpu.memory_space<vmem>>, vector<16xf32>,
      tpu.vector_store %arg5[%parallel_loop3A_132, %parallel_loop3A_133, %parallel_loop3A_134], %parallel_loop3A_128 {strides = array<i32>} : memref<2x8x2560xf32, #tpu.memory_space<vmem>>, vector<16xf32>,
      %parallel_loop3A_136 = arith.constant 7 : i32
      %parallel_loop3A_137 = vector.broadcast %parallel_loop3A_136 : i32 to vector<16xi32>
      %parallel_loop3A_138 = arith.addi %parallel_loop3A_58, %parallel_loop3A_137 : vector<16xi32>
      %parallel_loop3A_139 = tpu.vector_load_idx %arg4[%parallel_loop3A_138] : memref<40832xf32, #tpu.memory_space<vmem>>[vector<16xi32>], vector<16xf32>,
      %parallel_loop3A_140 = tpu.assume_multiple %parallel_loop3A_49, 16 : i32
      %parallel_loop3A_141 = arith.constant 0 : i32
      %parallel_loop3A_142 = arith.constant 7 : i32
      %parallel_loop3A_143 = arith.index_cast %parallel_loop3A_141 : i32 to index
      %parallel_loop3A_144 = arith.index_cast %parallel_loop3A_142 : i32 to index
      %parallel_loop3A_145 = arith.index_cast %parallel_loop3A_140 : i32 to index
      %parallel_loop3A_146 = tpu.vector_load %arg5[%parallel_loop3A_143, %parallel_loop3A_144, %parallel_loop3A_145] {strides = array<i32>} : memref<2x8x2560xf32, #tpu.memory_space<vmem>>, vector<16xf32>,
      tpu.vector_store %arg5[%parallel_loop3A_143, %parallel_loop3A_144, %parallel_loop3A_145], %parallel_loop3A_139 {strides = array<i32>} : memref<2x8x2560xf32, #tpu.memory_space<vmem>>, vector<16xf32>,
      %parallel_loop3A_147 = arith.constant 8 : i32
      %parallel_loop3A_148 = vector.broadcast %parallel_loop3A_147 : i32 to vector<16xi32>
      %parallel_loop3A_149 = arith.addi %parallel_loop3A_58, %parallel_loop3A_148 : vector<16xi32>
      %parallel_loop3A_150 = tpu.vector_load_idx %arg4[%parallel_loop3A_149] : memref<40832xf32, #tpu.memory_space<vmem>>[vector<16xi32>], vector<16xf32>,
      %parallel_loop3A_151 = tpu.assume_multiple %parallel_loop3A_49, 16 : i32
      %parallel_loop3A_152 = arith.constant 1 : i32
      %parallel_loop3A_153 = arith.constant 0 : i32
      %parallel_loop3A_154 = arith.index_cast %parallel_loop3A_152 : i32 to index
      %parallel_loop3A_155 = arith.index_cast %parallel_loop3A_153 : i32 to index
      %parallel_loop3A_156 = arith.index_cast %parallel_loop3A_151 : i32 to index
      %parallel_loop3A_157 = tpu.vector_load %arg5[%parallel_loop3A_154, %parallel_loop3A_155, %parallel_loop3A_156] {strides = array<i32>} : memref<2x8x2560xf32, #tpu.memory_space<vmem>>, vector<16xf32>,
      tpu.vector_store %arg5[%parallel_loop3A_154, %parallel_loop3A_155, %parallel_loop3A_156], %parallel_loop3A_150 {strides = array<i32>} : memref<2x8x2560xf32, #tpu.memory_space<vmem>>, vector<16xf32>,
      %parallel_loop3A_158 = arith.constant 9 : i32
      %parallel_loop3A_159 = vector.broadcast %parallel_loop3A_158 : i32 to vector<16xi32>
      %parallel_loop3A_160 = arith.addi %parallel_loop3A_58, %parallel_loop3A_159 : vector<16xi32>
      %parallel_loop3A_161 = tpu.vector_load_idx %arg4[%parallel_loop3A_160] : memref<40832xf32, #tpu.memory_space<vmem>>[vector<16xi32>], vector<16xf32>,
      %parallel_loop3A_162 = tpu.assume_multiple %parallel_loop3A_49, 16 : i32
      %parallel_loop3A_163 = arith.constant 1 : i32
      %parallel_loop3A_164 = arith.constant 1 : i32
      %parallel_loop3A_165 = arith.index_cast %parallel_loop3A_163 : i32 to index
      %parallel_loop3A_166 = arith.index_cast %parallel_loop3A_164 : i32 to index
      %parallel_loop3A_167 = arith.index_cast %parallel_loop3A_162 : i32 to index
      %parallel_loop3A_168 = tpu.vector_load %arg5[%parallel_loop3A_165, %parallel_loop3A_166, %parallel_loop3A_167] {strides = array<i32>} : memref<2x8x2560xf32, #tpu.memory_space<vmem>>, vector<16xf32>,
      tpu.vector_store %arg5[%parallel_loop3A_165, %parallel_loop3A_166, %parallel_loop3A_167], %parallel_loop3A_161 {strides = array<i32>} : memref<2x8x2560xf32, #tpu.memory_space<vmem>>, vector<16xf32>,
      %parallel_loop3A_169 = arith.constant 10 : i32
      %parallel_loop3A_170 = vector.broadcast %parallel_loop3A_169 : i32 to vector<16xi32>
      %parallel_loop3A_171 = arith.addi %parallel_loop3A_58, %parallel_loop3A_170 : vector<16xi32>
      %parallel_loop3A_172 = tpu.vector_load_idx %arg4[%parallel_loop3A_171] : memref<40832xf32, #tpu.memory_space<vmem>>[vector<16xi32>], vector<16xf32>,
      %parallel_loop3A_173 = tpu.assume_multiple %parallel_loop3A_49, 16 : i32
      %parallel_loop3A_174 = arith.constant 1 : i32
      %parallel_loop3A_175 = arith.constant 2 : i32
      %parallel_loop3A_176 = arith.index_cast %parallel_loop3A_174 : i32 to index
      %parallel_loop3A_177 = arith.index_cast %parallel_loop3A_175 : i32 to index
      %parallel_loop3A_178 = arith.index_cast %parallel_loop3A_173 : i32 to index
      %parallel_loop3A_179 = tpu.vector_load %arg5[%parallel_loop3A_176, %parallel_loop3A_177, %parallel_loop3A_178] {strides = array<i32>} : memref<2x8x2560xf32, #tpu.memory_space<vmem>>, vector<16xf32>,
      tpu.vector_store %arg5[%parallel_loop3A_176, %parallel_loop3A_177, %parallel_loop3A_178], %parallel_loop3A_172 {strides = array<i32>} : memref<2x8x2560xf32, #tpu.memory_space<vmem>>, vector<16xf32>,
      %parallel_loop3A_180 = arith.constant 11 : i32
      %parallel_loop3A_181 = vector.broadcast %parallel_loop3A_180 : i32 to vector<16xi32>
      %parallel_loop3A_182 = arith.addi %parallel_loop3A_58, %parallel_loop3A_181 : vector<16xi32>
      %parallel_loop3A_183 = tpu.vector_load_idx %arg4[%parallel_loop3A_182] : memref<40832xf32, #tpu.memory_space<vmem>>[vector<16xi32>], vector<16xf32>,
      %parallel_loop3A_184 = tpu.assume_multiple %parallel_loop3A_49, 16 : i32
      %parallel_loop3A_185 = arith.constant 1 : i32
      %parallel_loop3A_186 = arith.constant 3 : i32
      %parallel_loop3A_187 = arith.index_cast %parallel_loop3A_185 : i32 to index
      %parallel_loop3A_188 = arith.index_cast %parallel_loop3A_186 : i32 to index
      %parallel_loop3A_189 = arith.index_cast %parallel_loop3A_184 : i32 to index
      %parallel_loop3A_190 = tpu.vector_load %arg5[%parallel_loop3A_187, %parallel_loop3A_188, %parallel_loop3A_189] {strides = array<i32>} : memref<2x8x2560xf32, #tpu.memory_space<vmem>>, vector<16xf32>,
      tpu.vector_store %arg5[%parallel_loop3A_187, %parallel_loop3A_188, %parallel_loop3A_189], %parallel_loop3A_183 {strides = array<i32>} : memref<2x8x2560xf32, #tpu.memory_space<vmem>>, vector<16xf32>,
      %parallel_loop3A_191 = arith.constant 12 : i32
      %parallel_loop3A_192 = vector.broadcast %parallel_loop3A_191 : i32 to vector<16xi32>
      %parallel_loop3A_193 = arith.addi %parallel_loop3A_58, %parallel_loop3A_192 : vector<16xi32>
      %parallel_loop3A_194 = tpu.vector_load_idx %arg4[%parallel_loop3A_193] : memref<40832xf32, #tpu.memory_space<vmem>>[vector<16xi32>], vector<16xf32>,
      %parallel_loop3A_195 = tpu.assume_multiple %parallel_loop3A_49, 16 : i32
      %parallel_loop3A_196 = arith.constant 1 : i32
      %parallel_loop3A_197 = arith.constant 4 : i32
      %parallel_loop3A_198 = arith.index_cast %parallel_loop3A_196 : i32 to index
      %parallel_loop3A_199 = arith.index_cast %parallel_loop3A_197 : i32 to index
      %parallel_loop3A_200 = arith.index_cast %parallel_loop3A_195 : i32 to index
      %parallel_loop3A_201 = tpu.vector_load %arg5[%parallel_loop3A_198, %parallel_loop3A_199, %parallel_loop3A_200] {strides = array<i32>} : memref<2x8x2560xf32, #tpu.memory_space<vmem>>, vector<16xf32>,
      tpu.vector_store %arg5[%parallel_loop3A_198, %parallel_loop3A_199, %parallel_loop3A_200], %parallel_loop3A_194 {strides = array<i32>} : memref<2x8x2560xf32, #tpu.memory_space<vmem>>, vector<16xf32>,
      %parallel_loop3A_202 = arith.constant 13 : i32
      %parallel_loop3A_203 = vector.broadcast %parallel_loop3A_202 : i32 to vector<16xi32>
      %parallel_loop3A_204 = arith.addi %parallel_loop3A_58, %parallel_loop3A_203 : vector<16xi32>
      %parallel_loop3A_205 = tpu.vector_load_idx %arg4[%parallel_loop3A_204] : memref<40832xf32, #tpu.memory_space<vmem>>[vector<16xi32>], vector<16xf32>,
      %parallel_loop3A_206 = tpu.assume_multiple %parallel_loop3A_49, 16 : i32
      %parallel_loop3A_207 = arith.constant 1 : i32
      %parallel_loop3A_208 = arith.constant 5 : i32
      %parallel_loop3A_209 = arith.index_cast %parallel_loop3A_207 : i32 to index
      %parallel_loop3A_210 = arith.index_cast %parallel_loop3A_208 : i32 to index
      %parallel_loop3A_211 = arith.index_cast %parallel_loop3A_206 : i32 to index
      %parallel_loop3A_212 = tpu.vector_load %arg5[%parallel_loop3A_209, %parallel_loop3A_210, %parallel_loop3A_211] {strides = array<i32>} : memref<2x8x2560xf32, #tpu.memory_space<vmem>>, vector<16xf32>,
      tpu.vector_store %arg5[%parallel_loop3A_209, %parallel_loop3A_210, %parallel_loop3A_211], %parallel_loop3A_205 {strides = array<i32>} : memref<2x8x2560xf32, #tpu.memory_space<vmem>>, vector<16xf32>,
      %parallel_loop3A_213 = arith.constant 14 : i32
      %parallel_loop3A_214 = vector.broadcast %parallel_loop3A_213 : i32 to vector<16xi32>
      %parallel_loop3A_215 = arith.addi %parallel_loop3A_58, %parallel_loop3A_214 : vector<16xi32>
      %parallel_loop3A_216 = tpu.vector_load_idx %arg4[%parallel_loop3A_215] : memref<40832xf32, #tpu.memory_space<vmem>>[vector<16xi32>], vector<16xf32>,
      %parallel_loop3A_217 = tpu.assume_multiple %parallel_loop3A_49, 16 : i32
      %parallel_loop3A_218 = arith.constant 1 : i32
      %parallel_loop3A_219 = arith.constant 6 : i32
      %parallel_loop3A_220 = arith.index_cast %parallel_loop3A_218 : i32 to index
      %parallel_loop3A_221 = arith.index_cast %parallel_loop3A_219 : i32 to index
      %parallel_loop3A_222 = arith.index_cast %parallel_loop3A_217 : i32 to index
      %parallel_loop3A_223 = tpu.vector_load %arg5[%parallel_loop3A_220, %parallel_loop3A_221, %parallel_loop3A_222] {strides = array<i32>} : memref<2x8x2560xf32, #tpu.memory_space<vmem>>, vector<16xf32>,
      tpu.vector_store %arg5[%parallel_loop3A_220, %parallel_loop3A_221, %parallel_loop3A_222], %parallel_loop3A_216 {strides = array<i32>} : memref<2x8x2560xf32, #tpu.memory_space<vmem>>, vector<16xf32>,
      %parallel_loop3A_224 = arith.constant 15 : i32
      %parallel_loop3A_225 = vector.broadcast %parallel_loop3A_224 : i32 to vector<16xi32>
      %parallel_loop3A_226 = arith.addi %parallel_loop3A_58, %parallel_loop3A_225 : vector<16xi32>
      %parallel_loop3A_227 = tpu.vector_load_idx %arg4[%parallel_loop3A_226] : memref<40832xf32, #tpu.memory_space<vmem>>[vector<16xi32>], vector<16xf32>,
      %parallel_loop3A_228 = tpu.assume_multiple %parallel_loop3A_49, 16 : i32
      %parallel_loop3A_229 = arith.constant 1 : i32
      %parallel_loop3A_230 = arith.constant 7 : i32
      %parallel_loop3A_231 = arith.index_cast %parallel_loop3A_229 : i32 to index
      %parallel_loop3A_232 = arith.index_cast %parallel_loop3A_230 : i32 to index
      %parallel_loop3A_233 = arith.index_cast %parallel_loop3A_228 : i32 to index
      %parallel_loop3A_234 = tpu.vector_load %arg5[%parallel_loop3A_231, %parallel_loop3A_232, %parallel_loop3A_233] {strides = array<i32>} : memref<2x8x2560xf32, #tpu.memory_space<vmem>>, vector<16xf32>,
      tpu.vector_store %arg5[%parallel_loop3A_231, %parallel_loop3A_232, %parallel_loop3A_233], %parallel_loop3A_227 {strides = array<i32>} : memref<2x8x2560xf32, #tpu.memory_space<vmem>>, vector<16xf32>,
    } {sc.loop_unroll_factor = 2 : i64, sc.parallel_access}
    %scan3A = arith.constant 0 : i32
    %scan3A_41 = arith.constant 0 : i32
    %scan3A_42 = arith.constant 64 : i32
    %scan3A_43 = arith.addi %scan3A_41, %scan3A_42 : i32
    %scan3A_44 = arith.constant 1 : i32
    %scan3A_45 = scf.for %scan3A_47 = %scan3A_41 to %scan3A_43 step %scan3A_44 iter_args(%scan3A_48 = %scan3A) -> (i32)  : i32 {
      %mul3A_49 = arith.constant 8 : i32
      %mul3A_50 = arith.muli %mul3A_49, %scan3A_47 : i32
      %sub3A_51 = arith.constant 504 : i32
      %sub3A_52 = arith.subi %sub3A_51, %mul3A_50 : i32
      %mul3A_53 = arith.constant 8 : i32
      %mul3A_54 = arith.muli %mul3A_53, %scan3A_47 : i32
      %add3A_55 = arith.addi %add3A_33, %mul3A_54 : i32
      %add3A_56 = arith.constant 0 : i32
      %add3A_57 = arith.addi %sub3A_52, %add3A_56 : i32
      %multiple_of3A = tpu.assume_multiple %add3A_57, 8 : i32
      %dma_start3A = arith.constant 0 : i32
      %dma_start3A_58 = arith.constant 0 : i32
      %dma_start3A_59 = arith.constant 0 : i32
      %dma_start3A_60 = arith.constant 0 : i32
      %dma_start3A_61 = tpu.memref_slice %arg5[%dma_start3A, %dma_start3A_60, %multiple_of3A] : memref<2x8x2560xf32, #tpu.memory_space<vmem>> -> memref<1x8x128xf32, #tpu.memory_space<vmem>>
      %dma_start3A_62 = tpu.memref_squeeze %dma_start3A_61 : memref<1x8x128xf32, #tpu.memory_space<vmem>> -> memref<8x128xf32, #tpu.memory_space<vmem>>
      %dma_start3A_63 = arith.constant 0 : i32
      %dma_start3A_64 = arith.constant 0 : i32
      %dma_start3A_65 = tpu.memref_slice %arg3[%add3A_55, %dma_start3A_58, %dma_start3A_59, %dma_start3A_63, %dma_start3A_64] : memref<2048x2x16x8x128xf32, #tpu.memory_space<hbm>> -> memref<1x1x1x8x128xf32, #tpu.memory_space<hbm>>
      %dma_start3A_66 = tpu.memref_squeeze %dma_start3A_65 : memref<1x1x1x8x128xf32, #tpu.memory_space<hbm>> -> memref<8x128xf32, #tpu.memory_space<hbm>>
      %dma_start3A_67 = arith.constant 0 : i32
      %dma_start3A_68 = arith.constant 0 : i32
      %dma_start3A_69 = tpu.memref_slice %arg3[%add3A_55, %dma_start3A_58, %dma_start3A_59, %dma_start3A_67, %dma_start3A_68] : memref<2048x2x16x8x128xf32, #tpu.memory_space<hbm>> -> memref<1x1x1x8x128xf32, #tpu.memory_space<hbm>>
      %dma_start3A_70 = tpu.memref_squeeze %dma_start3A_69 : memref<1x1x1x8x128xf32, #tpu.memory_space<hbm>> -> memref<8x128xf32, #tpu.memory_space<hbm>>
      %dma_start3A_71 = arith.constant 0 : i32
      %dma_start3A_72 = tpu.memref_slice %arg5[%dma_start3A, %dma_start3A_71, %multiple_of3A] : memref<2x8x2560xf32, #tpu.memory_space<vmem>> -> memref<1x8x128xf32, #tpu.memory_space<vmem>>
      %dma_start3A_73 = tpu.memref_squeeze %dma_start3A_72 : memref<1x8x128xf32, #tpu.memory_space<vmem>> -> memref<8x128xf32, #tpu.memory_space<vmem>>
      tpu.enqueue_dma source(%dma_start3A_73 : memref<8x128xf32, #tpu.memory_space<vmem>>) target(%dma_start3A_70 : memref<8x128xf32, #tpu.memory_space<hbm>>) target_semaphore(%arg6 : memref<!tpu.dma_semaphore, #tpu.memory_space<semaphore_mem>>)
      %add3A_74 = arith.constant 128 : i32
      %add3A_75 = arith.addi %sub3A_52, %add3A_74 : i32
      %multiple_of3A_76 = tpu.assume_multiple %add3A_75, 8 : i32
      %dma_start3A_77 = arith.constant 0 : i32
      %dma_start3A_78 = arith.constant 0 : i32
      %dma_start3A_79 = arith.constant 1 : i32
      %dma_start3A_80 = arith.constant 0 : i32
      %dma_start3A_81 = tpu.memref_slice %arg5[%dma_start3A_77, %dma_start3A_80, %multiple_of3A_76] : memref<2x8x2560xf32, #tpu.memory_space<vmem>> -> memref<1x8x128xf32, #tpu.memory_space<vmem>>
      %dma_start3A_82 = tpu.memref_squeeze %dma_start3A_81 : memref<1x8x128xf32, #tpu.memory_space<vmem>> -> memref<8x128xf32, #tpu.memory_space<vmem>>
      %dma_start3A_83 = arith.constant 0 : i32
      %dma_start3A_84 = arith.constant 0 : i32
      %dma_start3A_85 = tpu.memref_slice %arg3[%add3A_55, %dma_start3A_78, %dma_start3A_79, %dma_start3A_83, %dma_start3A_84] : memref<2048x2x16x8x128xf32, #tpu.memory_space<hbm>> -> memref<1x1x1x8x128xf32, #tpu.memory_space<hbm>>
      %dma_start3A_86 = tpu.memref_squeeze %dma_start3A_85 : memref<1x1x1x8x128xf32, #tpu.memory_space<hbm>> -> memref<8x128xf32, #tpu.memory_space<hbm>>
      %dma_start3A_87 = arith.constant 0 : i32
      %dma_start3A_88 = arith.constant 0 : i32
      %dma_start3A_89 = tpu.memref_slice %arg3[%add3A_55, %dma_start3A_78, %dma_start3A_79, %dma_start3A_87, %dma_start3A_88] : memref<2048x2x16x8x128xf32, #tpu.memory_space<hbm>> -> memref<1x1x1x8x128xf32, #tpu.memory_space<hbm>>
      %dma_start3A_90 = tpu.memref_squeeze %dma_start3A_89 : memref<1x1x1x8x128xf32, #tpu.memory_space<hbm>> -> memref<8x128xf32, #tpu.memory_space<hbm>>
      %dma_start3A_91 = arith.constant 0 : i32
      %dma_start3A_92 = tpu.memref_slice %arg5[%dma_start3A_77, %dma_start3A_91, %multiple_of3A_76] : memref<2x8x2560xf32, #tpu.memory_space<vmem>> -> memref<1x8x128xf32, #tpu.memory_space<vmem>>
      %dma_start3A_93 = tpu.memref_squeeze %dma_start3A_92 : memref<1x8x128xf32, #tpu.memory_space<vmem>> -> memref<8x128xf32, #tpu.memory_space<vmem>>
      tpu.enqueue_dma source(%dma_start3A_93 : memref<8x128xf32, #tpu.memory_space<vmem>>) target(%dma_start3A_90 : memref<8x128xf32, #tpu.memory_space<hbm>>) target_semaphore(%arg6 : memref<!tpu.dma_semaphore, #tpu.memory_space<semaphore_mem>>)
      %add3A_94 = arith.constant 256 : i32
      %add3A_95 = arith.addi %sub3A_52, %add3A_94 : i32
      %multiple_of3A_96 = tpu.assume_multiple %add3A_95, 8 : i32
      %dma_start3A_97 = arith.constant 0 : i32
      %dma_start3A_98 = arith.constant 0 : i32
      %dma_start3A_99 = arith.constant 2 : i32
      %dma_start3A_100 = arith.constant 0 : i32
      %dma_start3A_101 = tpu.memref_slice %arg5[%dma_start3A_97, %dma_start3A_100, %multiple_of3A_96] : memref<2x8x2560xf32, #tpu.memory_space<vmem>> -> memref<1x8x128xf32, #tpu.memory_space<vmem>>
      %dma_start3A_102 = tpu.memref_squeeze %dma_start3A_101 : memref<1x8x128xf32, #tpu.memory_space<vmem>> -> memref<8x128xf32, #tpu.memory_space<vmem>>
      %dma_start3A_103 = arith.constant 0 : i32
      %dma_start3A_104 = arith.constant 0 : i32
      %dma_start3A_105 = tpu.memref_slice %arg3[%add3A_55, %dma_start3A_98, %dma_start3A_99, %dma_start3A_103, %dma_start3A_104] : memref<2048x2x16x8x128xf32, #tpu.memory_space<hbm>> -> memref<1x1x1x8x128xf32, #tpu.memory_space<hbm>>
      %dma_start3A_106 = tpu.memref_squeeze %dma_start3A_105 : memref<1x1x1x8x128xf32, #tpu.memory_space<hbm>> -> memref<8x128xf32, #tpu.memory_space<hbm>>
      %dma_start3A_107 = arith.constant 0 : i32
      %dma_start3A_108 = arith.constant 0 : i32
      %dma_start3A_109 = tpu.memref_slice %arg3[%add3A_55, %dma_start3A_98, %dma_start3A_99, %dma_start3A_107, %dma_start3A_108] : memref<2048x2x16x8x128xf32, #tpu.memory_space<hbm>> -> memref<1x1x1x8x128xf32, #tpu.memory_space<hbm>>
      %dma_start3A_110 = tpu.memref_squeeze %dma_start3A_109 : memref<1x1x1x8x128xf32, #tpu.memory_space<hbm>> -> memref<8x128xf32, #tpu.memory_space<hbm>>
      %dma_start3A_111 = arith.constant 0 : i32
      %dma_start3A_112 = tpu.memref_slice %arg5[%dma_start3A_97, %dma_start3A_111, %multiple_of3A_96] : memref<2x8x2560xf32, #tpu.memory_space<vmem>> -> memref<1x8x128xf32, #tpu.memory_space<vmem>>
      %dma_start3A_113 = tpu.memref_squeeze %dma_start3A_112 : memref<1x8x128xf32, #tpu.memory_space<vmem>> -> memref<8x128xf32, #tpu.memory_space<vmem>>
      tpu.enqueue_dma source(%dma_start3A_113 : memref<8x128xf32, #tpu.memory_space<vmem>>) target(%dma_start3A_110 : memref<8x128xf32, #tpu.memory_space<hbm>>) target_semaphore(%arg6 : memref<!tpu.dma_semaphore, #tpu.memory_space<semaphore_mem>>)
      %add3A_114 = arith.constant 384 : i32
      %add3A_115 = arith.addi %sub3A_52, %add3A_114 : i32
      %multiple_of3A_116 = tpu.assume_multiple %add3A_115, 8 : i32
      %dma_start3A_117 = arith.constant 0 : i32
      %dma_start3A_118 = arith.constant 0 : i32
      %dma_start3A_119 = arith.constant 3 : i32
      %dma_start3A_120 = arith.constant 0 : i32
      %dma_start3A_121 = tpu.memref_slice %arg5[%dma_start3A_117, %dma_start3A_120, %multiple_of3A_116] : memref<2x8x2560xf32, #tpu.memory_space<vmem>> -> memref<1x8x128xf32, #tpu.memory_space<vmem>>
      %dma_start3A_122 = tpu.memref_squeeze %dma_start3A_121 : memref<1x8x128xf32, #tpu.memory_space<vmem>> -> memref<8x128xf32, #tpu.memory_space<vmem>>
      %dma_start3A_123 = arith.constant 0 : i32
      %dma_start3A_124 = arith.constant 0 : i32
      %dma_start3A_125 = tpu.memref_slice %arg3[%add3A_55, %dma_start3A_118, %dma_start3A_119, %dma_start3A_123, %dma_start3A_124] : memref<2048x2x16x8x128xf32, #tpu.memory_space<hbm>> -> memref<1x1x1x8x128xf32, #tpu.memory_space<hbm>>
      %dma_start3A_126 = tpu.memref_squeeze %dma_start3A_125 : memref<1x1x1x8x128xf32, #tpu.memory_space<hbm>> -> memref<8x128xf32, #tpu.memory_space<hbm>>
      %dma_start3A_127 = arith.constant 0 : i32
      %dma_start3A_128 = arith.constant 0 : i32
      %dma_start3A_129 = tpu.memref_slice %arg3[%add3A_55, %dma_start3A_118, %dma_start3A_119, %dma_start3A_127, %dma_start3A_128] : memref<2048x2x16x8x128xf32, #tpu.memory_space<hbm>> -> memref<1x1x1x8x128xf32, #tpu.memory_space<hbm>>
      %dma_start3A_130 = tpu.memref_squeeze %dma_start3A_129 : memref<1x1x1x8x128xf32, #tpu.memory_space<hbm>> -> memref<8x128xf32, #tpu.memory_space<hbm>>
      %dma_start3A_131 = arith.constant 0 : i32
      %dma_start3A_132 = tpu.memref_slice %arg5[%dma_start3A_117, %dma_start3A_131, %multiple_of3A_116] : memref<2x8x2560xf32, #tpu.memory_space<vmem>> -> memref<1x8x128xf32, #tpu.memory_space<vmem>>
      %dma_start3A_133 = tpu.memref_squeeze %dma_start3A_132 : memref<1x8x128xf32, #tpu.memory_space<vmem>> -> memref<8x128xf32, #tpu.memory_space<vmem>>
      tpu.enqueue_dma source(%dma_start3A_133 : memref<8x128xf32, #tpu.memory_space<vmem>>) target(%dma_start3A_130 : memref<8x128xf32, #tpu.memory_space<hbm>>) target_semaphore(%arg6 : memref<!tpu.dma_semaphore, #tpu.memory_space<semaphore_mem>>)
      %add3A_134 = arith.constant 512 : i32
      %add3A_135 = arith.addi %sub3A_52, %add3A_134 : i32
      %multiple_of3A_136 = tpu.assume_multiple %add3A_135, 8 : i32
      %dma_start3A_137 = arith.constant 0 : i32
      %dma_start3A_138 = arith.constant 0 : i32
      %dma_start3A_139 = arith.constant 4 : i32
      %dma_start3A_140 = arith.constant 0 : i32
      %dma_start3A_141 = tpu.memref_slice %arg5[%dma_start3A_137, %dma_start3A_140, %multiple_of3A_136] : memref<2x8x2560xf32, #tpu.memory_space<vmem>> -> memref<1x8x128xf32, #tpu.memory_space<vmem>>
      %dma_start3A_142 = tpu.memref_squeeze %dma_start3A_141 : memref<1x8x128xf32, #tpu.memory_space<vmem>> -> memref<8x128xf32, #tpu.memory_space<vmem>>
      %dma_start3A_143 = arith.constant 0 : i32
      %dma_start3A_144 = arith.constant 0 : i32
      %dma_start3A_145 = tpu.memref_slice %arg3[%add3A_55, %dma_start3A_138, %dma_start3A_139, %dma_start3A_143, %dma_start3A_144] : memref<2048x2x16x8x128xf32, #tpu.memory_space<hbm>> -> memref<1x1x1x8x128xf32, #tpu.memory_space<hbm>>
      %dma_start3A_146 = tpu.memref_squeeze %dma_start3A_145 : memref<1x1x1x8x128xf32, #tpu.memory_space<hbm>> -> memref<8x128xf32, #tpu.memory_space<hbm>>
      %dma_start3A_147 = arith.constant 0 : i32
      %dma_start3A_148 = arith.constant 0 : i32
      %dma_start3A_149 = tpu.memref_slice %arg3[%add3A_55, %dma_start3A_138, %dma_start3A_139, %dma_start3A_147, %dma_start3A_148] : memref<2048x2x16x8x128xf32, #tpu.memory_space<hbm>> -> memref<1x1x1x8x128xf32, #tpu.memory_space<hbm>>
      %dma_start3A_150 = tpu.memref_squeeze %dma_start3A_149 : memref<1x1x1x8x128xf32, #tpu.memory_space<hbm>> -> memref<8x128xf32, #tpu.memory_space<hbm>>
      %dma_start3A_151 = arith.constant 0 : i32
      %dma_start3A_152 = tpu.memref_slice %arg5[%dma_start3A_137, %dma_start3A_151, %multiple_of3A_136] : memref<2x8x2560xf32, #tpu.memory_space<vmem>> -> memref<1x8x128xf32, #tpu.memory_space<vmem>>
      %dma_start3A_153 = tpu.memref_squeeze %dma_start3A_152 : memref<1x8x128xf32, #tpu.memory_space<vmem>> -> memref<8x128xf32, #tpu.memory_space<vmem>>
      tpu.enqueue_dma source(%dma_start3A_153 : memref<8x128xf32, #tpu.memory_space<vmem>>) target(%dma_start3A_150 : memref<8x128xf32, #tpu.memory_space<hbm>>) target_semaphore(%arg6 : memref<!tpu.dma_semaphore, #tpu.memory_space<semaphore_mem>>)
      %add3A_154 = arith.constant 640 : i32
      %add3A_155 = arith.addi %sub3A_52, %add3A_154 : i32
      %multiple_of3A_156 = tpu.assume_multiple %add3A_155, 8 : i32
      %dma_start3A_157 = arith.constant 0 : i32
      %dma_start3A_158 = arith.constant 0 : i32
      %dma_start3A_159 = arith.constant 5 : i32
      %dma_start3A_160 = arith.constant 0 : i32
      %dma_start3A_161 = tpu.memref_slice %arg5[%dma_start3A_157, %dma_start3A_160, %multiple_of3A_156] : memref<2x8x2560xf32, #tpu.memory_space<vmem>> -> memref<1x8x128xf32, #tpu.memory_space<vmem>>
      %dma_start3A_162 = tpu.memref_squeeze %dma_start3A_161 : memref<1x8x128xf32, #tpu.memory_space<vmem>> -> memref<8x128xf32, #tpu.memory_space<vmem>>
      %dma_start3A_163 = arith.constant 0 : i32
      %dma_start3A_164 = arith.constant 0 : i32
      %dma_start3A_165 = tpu.memref_slice %arg3[%add3A_55, %dma_start3A_158, %dma_start3A_159, %dma_start3A_163, %dma_start3A_164] : memref<2048x2x16x8x128xf32, #tpu.memory_space<hbm>> -> memref<1x1x1x8x128xf32, #tpu.memory_space<hbm>>
      %dma_start3A_166 = tpu.memref_squeeze %dma_start3A_165 : memref<1x1x1x8x128xf32, #tpu.memory_space<hbm>> -> memref<8x128xf32, #tpu.memory_space<hbm>>
      %dma_start3A_167 = arith.constant 0 : i32
      %dma_start3A_168 = arith.constant 0 : i32
      %dma_start3A_169 = tpu.memref_slice %arg3[%add3A_55, %dma_start3A_158, %dma_start3A_159, %dma_start3A_167, %dma_start3A_168] : memref<2048x2x16x8x128xf32, #tpu.memory_space<hbm>> -> memref<1x1x1x8x128xf32, #tpu.memory_space<hbm>>
      %dma_start3A_170 = tpu.memref_squeeze %dma_start3A_169 : memref<1x1x1x8x128xf32, #tpu.memory_space<hbm>> -> memref<8x128xf32, #tpu.memory_space<hbm>>
      %dma_start3A_171 = arith.constant 0 : i32
      %dma_start3A_172 = tpu.memref_slice %arg5[%dma_start3A_157, %dma_start3A_171, %multiple_of3A_156] : memref<2x8x2560xf32, #tpu.memory_space<vmem>> -> memref<1x8x128xf32, #tpu.memory_space<vmem>>
      %dma_start3A_173 = tpu.memref_squeeze %dma_start3A_172 : memref<1x8x128xf32, #tpu.memory_space<vmem>> -> memref<8x128xf32, #tpu.memory_space<vmem>>
      tpu.enqueue_dma source(%dma_start3A_173 : memref<8x128xf32, #tpu.memory_space<vmem>>) target(%dma_start3A_170 : memref<8x128xf32, #tpu.memory_space<hbm>>) target_semaphore(%arg6 : memref<!tpu.dma_semaphore, #tpu.memory_space<semaphore_mem>>)
      %add3A_174 = arith.constant 768 : i32
      %add3A_175 = arith.addi %sub3A_52, %add3A_174 : i32
      %multiple_of3A_176 = tpu.assume_multiple %add3A_175, 8 : i32
      %dma_start3A_177 = arith.constant 0 : i32
      %dma_start3A_178 = arith.constant 0 : i32
      %dma_start3A_179 = arith.constant 6 : i32
      %dma_start3A_180 = arith.constant 0 : i32
      %dma_start3A_181 = tpu.memref_slice %arg5[%dma_start3A_177, %dma_start3A_180, %multiple_of3A_176] : memref<2x8x2560xf32, #tpu.memory_space<vmem>> -> memref<1x8x128xf32, #tpu.memory_space<vmem>>
      %dma_start3A_182 = tpu.memref_squeeze %dma_start3A_181 : memref<1x8x128xf32, #tpu.memory_space<vmem>> -> memref<8x128xf32, #tpu.memory_space<vmem>>
      %dma_start3A_183 = arith.constant 0 : i32
      %dma_start3A_184 = arith.constant 0 : i32
      %dma_start3A_185 = tpu.memref_slice %arg3[%add3A_55, %dma_start3A_178, %dma_start3A_179, %dma_start3A_183, %dma_start3A_184] : memref<2048x2x16x8x128xf32, #tpu.memory_space<hbm>> -> memref<1x1x1x8x128xf32, #tpu.memory_space<hbm>>
      %dma_start3A_186 = tpu.memref_squeeze %dma_start3A_185 : memref<1x1x1x8x128xf32, #tpu.memory_space<hbm>> -> memref<8x128xf32, #tpu.memory_space<hbm>>
      %dma_start3A_187 = arith.constant 0 : i32
      %dma_start3A_188 = arith.constant 0 : i32
      %dma_start3A_189 = tpu.memref_slice %arg3[%add3A_55, %dma_start3A_178, %dma_start3A_179, %dma_start3A_187, %dma_start3A_188] : memref<2048x2x16x8x128xf32, #tpu.memory_space<hbm>> -> memref<1x1x1x8x128xf32, #tpu.memory_space<hbm>>
      %dma_start3A_190 = tpu.memref_squeeze %dma_start3A_189 : memref<1x1x1x8x128xf32, #tpu.memory_space<hbm>> -> memref<8x128xf32, #tpu.memory_space<hbm>>
      %dma_start3A_191 = arith.constant 0 : i32
      %dma_start3A_192 = tpu.memref_slice %arg5[%dma_start3A_177, %dma_start3A_191, %multiple_of3A_176] : memref<2x8x2560xf32, #tpu.memory_space<vmem>> -> memref<1x8x128xf32, #tpu.memory_space<vmem>>
      %dma_start3A_193 = tpu.memref_squeeze %dma_start3A_192 : memref<1x8x128xf32, #tpu.memory_space<vmem>> -> memref<8x128xf32, #tpu.memory_space<vmem>>
      tpu.enqueue_dma source(%dma_start3A_193 : memref<8x128xf32, #tpu.memory_space<vmem>>) target(%dma_start3A_190 : memref<8x128xf32, #tpu.memory_space<hbm>>) target_semaphore(%arg6 : memref<!tpu.dma_semaphore, #tpu.memory_space<semaphore_mem>>)
      %add3A_194 = arith.constant 896 : i32
      %add3A_195 = arith.addi %sub3A_52, %add3A_194 : i32
      %multiple_of3A_196 = tpu.assume_multiple %add3A_195, 8 : i32
      %dma_start3A_197 = arith.constant 0 : i32
      %dma_start3A_198 = arith.constant 0 : i32
      %dma_start3A_199 = arith.constant 7 : i32
      %dma_start3A_200 = arith.constant 0 : i32
      %dma_start3A_201 = tpu.memref_slice %arg5[%dma_start3A_197, %dma_start3A_200, %multiple_of3A_196] : memref<2x8x2560xf32, #tpu.memory_space<vmem>> -> memref<1x8x128xf32, #tpu.memory_space<vmem>>
      %dma_start3A_202 = tpu.memref_squeeze %dma_start3A_201 : memref<1x8x128xf32, #tpu.memory_space<vmem>> -> memref<8x128xf32, #tpu.memory_space<vmem>>
      %dma_start3A_203 = arith.constant 0 : i32
      %dma_start3A_204 = arith.constant 0 : i32
      %dma_start3A_205 = tpu.memref_slice %arg3[%add3A_55, %dma_start3A_198, %dma_start3A_199, %dma_start3A_203, %dma_start3A_204] : memref<2048x2x16x8x128xf32, #tpu.memory_space<hbm>> -> memref<1x1x1x8x128xf32, #tpu.memory_space<hbm>>
      %dma_start3A_206 = tpu.memref_squeeze %dma_start3A_205 : memref<1x1x1x8x128xf32, #tpu.memory_space<hbm>> -> memref<8x128xf32, #tpu.memory_space<hbm>>
      %dma_start3A_207 = arith.constant 0 : i32
      %dma_start3A_208 = arith.constant 0 : i32
      %dma_start3A_209 = tpu.memref_slice %arg3[%add3A_55, %dma_start3A_198, %dma_start3A_199, %dma_start3A_207, %dma_start3A_208] : memref<2048x2x16x8x128xf32, #tpu.memory_space<hbm>> -> memref<1x1x1x8x128xf32, #tpu.memory_space<hbm>>
      %dma_start3A_210 = tpu.memref_squeeze %dma_start3A_209 : memref<1x1x1x8x128xf32, #tpu.memory_space<hbm>> -> memref<8x128xf32, #tpu.memory_space<hbm>>
      %dma_start3A_211 = arith.constant 0 : i32
      %dma_start3A_212 = tpu.memref_slice %arg5[%dma_start3A_197, %dma_start3A_211, %multiple_of3A_196] : memref<2x8x2560xf32, #tpu.memory_space<vmem>> -> memref<1x8x128xf32, #tpu.memory_space<vmem>>
      %dma_start3A_213 = tpu.memref_squeeze %dma_start3A_212 : memref<1x8x128xf32, #tpu.memory_space<vmem>> -> memref<8x128xf32, #tpu.memory_space<vmem>>
      tpu.enqueue_dma source(%dma_start3A_213 : memref<8x128xf32, #tpu.memory_space<vmem>>) target(%dma_start3A_210 : memref<8x128xf32, #tpu.memory_space<hbm>>) target_semaphore(%arg6 : memref<!tpu.dma_semaphore, #tpu.memory_space<semaphore_mem>>)
      %add3A_214 = arith.constant 1024 : i32
      %add3A_215 = arith.addi %sub3A_52, %add3A_214 : i32
      %multiple_of3A_216 = tpu.assume_multiple %add3A_215, 8 : i32
      %dma_start3A_217 = arith.constant 0 : i32
      %dma_start3A_218 = arith.constant 0 : i32
      %dma_start3A_219 = arith.constant 8 : i32
      %dma_start3A_220 = arith.constant 0 : i32
      %dma_start3A_221 = tpu.memref_slice %arg5[%dma_start3A_217, %dma_start3A_220, %multiple_of3A_216] : memref<2x8x2560xf32, #tpu.memory_space<vmem>> -> memref<1x8x128xf32, #tpu.memory_space<vmem>>
      %dma_start3A_222 = tpu.memref_squeeze %dma_start3A_221 : memref<1x8x128xf32, #tpu.memory_space<vmem>> -> memref<8x128xf32, #tpu.memory_space<vmem>>
      %dma_start3A_223 = arith.constant 0 : i32
      %dma_start3A_224 = arith.constant 0 : i32
      %dma_start3A_225 = tpu.memref_slice %arg3[%add3A_55, %dma_start3A_218, %dma_start3A_219, %dma_start3A_223, %dma_start3A_224] : memref<2048x2x16x8x128xf32, #tpu.memory_space<hbm>> -> memref<1x1x1x8x128xf32, #tpu.memory_space<hbm>>
      %dma_start3A_226 = tpu.memref_squeeze %dma_start3A_225 : memref<1x1x1x8x128xf32, #tpu.memory_space<hbm>> -> memref<8x128xf32, #tpu.memory_space<hbm>>
      %dma_start3A_227 = arith.constant 0 : i32
      %dma_start3A_228 = arith.constant 0 : i32
      %dma_start3A_229 = tpu.memref_slice %arg3[%add3A_55, %dma_start3A_218, %dma_start3A_219, %dma_start3A_227, %dma_start3A_228] : memref<2048x2x16x8x128xf32, #tpu.memory_space<hbm>> -> memref<1x1x1x8x128xf32, #tpu.memory_space<hbm>>
      %dma_start3A_230 = tpu.memref_squeeze %dma_start3A_229 : memref<1x1x1x8x128xf32, #tpu.memory_space<hbm>> -> memref<8x128xf32, #tpu.memory_space<hbm>>
      %dma_start3A_231 = arith.constant 0 : i32
      %dma_start3A_232 = tpu.memref_slice %arg5[%dma_start3A_217, %dma_start3A_231, %multiple_of3A_216] : memref<2x8x2560xf32, #tpu.memory_space<vmem>> -> memref<1x8x128xf32, #tpu.memory_space<vmem>>
      %dma_start3A_233 = tpu.memref_squeeze %dma_start3A_232 : memref<1x8x128xf32, #tpu.memory_space<vmem>> -> memref<8x128xf32, #tpu.memory_space<vmem>>
      tpu.enqueue_dma source(%dma_start3A_233 : memref<8x128xf32, #tpu.memory_space<vmem>>) target(%dma_start3A_230 : memref<8x128xf32, #tpu.memory_space<hbm>>) target_semaphore(%arg6 : memref<!tpu.dma_semaphore, #tpu.memory_space<semaphore_mem>>)
      %add3A_234 = arith.constant 1152 : i32
      %add3A_235 = arith.addi %sub3A_52, %add3A_234 : i32
      %multiple_of3A_236 = tpu.assume_multiple %add3A_235, 8 : i32
      %dma_start3A_237 = arith.constant 0 : i32
      %dma_start3A_238 = arith.constant 0 : i32
      %dma_start3A_239 = arith.constant 9 : i32
      %dma_start3A_240 = arith.constant 0 : i32
      %dma_start3A_241 = tpu.memref_slice %arg5[%dma_start3A_237, %dma_start3A_240, %multiple_of3A_236] : memref<2x8x2560xf32, #tpu.memory_space<vmem>> -> memref<1x8x128xf32, #tpu.memory_space<vmem>>
      %dma_start3A_242 = tpu.memref_squeeze %dma_start3A_241 : memref<1x8x128xf32, #tpu.memory_space<vmem>> -> memref<8x128xf32, #tpu.memory_space<vmem>>
      %dma_start3A_243 = arith.constant 0 : i32
      %dma_start3A_244 = arith.constant 0 : i32
      %dma_start3A_245 = tpu.memref_slice %arg3[%add3A_55, %dma_start3A_238, %dma_start3A_239, %dma_start3A_243, %dma_start3A_244] : memref<2048x2x16x8x128xf32, #tpu.memory_space<hbm>> -> memref<1x1x1x8x128xf32, #tpu.memory_space<hbm>>
      %dma_start3A_246 = tpu.memref_squeeze %dma_start3A_245 : memref<1x1x1x8x128xf32, #tpu.memory_space<hbm>> -> memref<8x128xf32, #tpu.memory_space<hbm>>
      %dma_start3A_247 = arith.constant 0 : i32
      %dma_start3A_248 = arith.constant 0 : i32
      %dma_start3A_249 = tpu.memref_slice %arg3[%add3A_55, %dma_start3A_238, %dma_start3A_239, %dma_start3A_247, %dma_start3A_248] : memref<2048x2x16x8x128xf32, #tpu.memory_space<hbm>> -> memref<1x1x1x8x128xf32, #tpu.memory_space<hbm>>
      %dma_start3A_250 = tpu.memref_squeeze %dma_start3A_249 : memref<1x1x1x8x128xf32, #tpu.memory_space<hbm>> -> memref<8x128xf32, #tpu.memory_space<hbm>>
      %dma_start3A_251 = arith.constant 0 : i32
      %dma_start3A_252 = tpu.memref_slice %arg5[%dma_start3A_237, %dma_start3A_251, %multiple_of3A_236] : memref<2x8x2560xf32, #tpu.memory_space<vmem>> -> memref<1x8x128xf32, #tpu.memory_space<vmem>>
      %dma_start3A_253 = tpu.memref_squeeze %dma_start3A_252 : memref<1x8x128xf32, #tpu.memory_space<vmem>> -> memref<8x128xf32, #tpu.memory_space<vmem>>
      tpu.enqueue_dma source(%dma_start3A_253 : memref<8x128xf32, #tpu.memory_space<vmem>>) target(%dma_start3A_250 : memref<8x128xf32, #tpu.memory_space<hbm>>) target_semaphore(%arg6 : memref<!tpu.dma_semaphore, #tpu.memory_space<semaphore_mem>>)
      %add3A_254 = arith.constant 1280 : i32
      %add3A_255 = arith.addi %sub3A_52, %add3A_254 : i32
      %multiple_of3A_256 = tpu.assume_multiple %add3A_255, 8 : i32
      %dma_start3A_257 = arith.constant 0 : i32
      %dma_start3A_258 = arith.constant 0 : i32
      %dma_start3A_259 = arith.constant 10 : i32
      %dma_start3A_260 = arith.constant 0 : i32
      %dma_start3A_261 = tpu.memref_slice %arg5[%dma_start3A_257, %dma_start3A_260, %multiple_of3A_256] : memref<2x8x2560xf32, #tpu.memory_space<vmem>> -> memref<1x8x128xf32, #tpu.memory_space<vmem>>
      %dma_start3A_262 = tpu.memref_squeeze %dma_start3A_261 : memref<1x8x128xf32, #tpu.memory_space<vmem>> -> memref<8x128xf32, #tpu.memory_space<vmem>>
      %dma_start3A_263 = arith.constant 0 : i32
      %dma_start3A_264 = arith.constant 0 : i32
      %dma_start3A_265 = tpu.memref_slice %arg3[%add3A_55, %dma_start3A_258, %dma_start3A_259, %dma_start3A_263, %dma_start3A_264] : memref<2048x2x16x8x128xf32, #tpu.memory_space<hbm>> -> memref<1x1x1x8x128xf32, #tpu.memory_space<hbm>>
      %dma_start3A_266 = tpu.memref_squeeze %dma_start3A_265 : memref<1x1x1x8x128xf32, #tpu.memory_space<hbm>> -> memref<8x128xf32, #tpu.memory_space<hbm>>
      %dma_start3A_267 = arith.constant 0 : i32
      %dma_start3A_268 = arith.constant 0 : i32
      %dma_start3A_269 = tpu.memref_slice %arg3[%add3A_55, %dma_start3A_258, %dma_start3A_259, %dma_start3A_267, %dma_start3A_268] : memref<2048x2x16x8x128xf32, #tpu.memory_space<hbm>> -> memref<1x1x1x8x128xf32, #tpu.memory_space<hbm>>
      %dma_start3A_270 = tpu.memref_squeeze %dma_start3A_269 : memref<1x1x1x8x128xf32, #tpu.memory_space<hbm>> -> memref<8x128xf32, #tpu.memory_space<hbm>>
      %dma_start3A_271 = arith.constant 0 : i32
      %dma_start3A_272 = tpu.memref_slice %arg5[%dma_start3A_257, %dma_start3A_271, %multiple_of3A_256] : memref<2x8x2560xf32, #tpu.memory_space<vmem>> -> memref<1x8x128xf32, #tpu.memory_space<vmem>>
      %dma_start3A_273 = tpu.memref_squeeze %dma_start3A_272 : memref<1x8x128xf32, #tpu.memory_space<vmem>> -> memref<8x128xf32, #tpu.memory_space<vmem>>
      tpu.enqueue_dma source(%dma_start3A_273 : memref<8x128xf32, #tpu.memory_space<vmem>>) target(%dma_start3A_270 : memref<8x128xf32, #tpu.memory_space<hbm>>) target_semaphore(%arg6 : memref<!tpu.dma_semaphore, #tpu.memory_space<semaphore_mem>>)
      %add3A_274 = arith.constant 1408 : i32
      %add3A_275 = arith.addi %sub3A_52, %add3A_274 : i32
      %multiple_of3A_276 = tpu.assume_multiple %add3A_275, 8 : i32
      %dma_start3A_277 = arith.constant 0 : i32
      %dma_start3A_278 = arith.constant 0 : i32
      %dma_start3A_279 = arith.constant 11 : i32
      %dma_start3A_280 = arith.constant 0 : i32
      %dma_start3A_281 = tpu.memref_slice %arg5[%dma_start3A_277, %dma_start3A_280, %multiple_of3A_276] : memref<2x8x2560xf32, #tpu.memory_space<vmem>> -> memref<1x8x128xf32, #tpu.memory_space<vmem>>
      %dma_start3A_282 = tpu.memref_squeeze %dma_start3A_281 : memref<1x8x128xf32, #tpu.memory_space<vmem>> -> memref<8x128xf32, #tpu.memory_space<vmem>>
      %dma_start3A_283 = arith.constant 0 : i32
      %dma_start3A_284 = arith.constant 0 : i32
      %dma_start3A_285 = tpu.memref_slice %arg3[%add3A_55, %dma_start3A_278, %dma_start3A_279, %dma_start3A_283, %dma_start3A_284] : memref<2048x2x16x8x128xf32, #tpu.memory_space<hbm>> -> memref<1x1x1x8x128xf32, #tpu.memory_space<hbm>>
      %dma_start3A_286 = tpu.memref_squeeze %dma_start3A_285 : memref<1x1x1x8x128xf32, #tpu.memory_space<hbm>> -> memref<8x128xf32, #tpu.memory_space<hbm>>
      %dma_start3A_287 = arith.constant 0 : i32
      %dma_start3A_288 = arith.constant 0 : i32
      %dma_start3A_289 = tpu.memref_slice %arg3[%add3A_55, %dma_start3A_278, %dma_start3A_279, %dma_start3A_287, %dma_start3A_288] : memref<2048x2x16x8x128xf32, #tpu.memory_space<hbm>> -> memref<1x1x1x8x128xf32, #tpu.memory_space<hbm>>
      %dma_start3A_290 = tpu.memref_squeeze %dma_start3A_289 : memref<1x1x1x8x128xf32, #tpu.memory_space<hbm>> -> memref<8x128xf32, #tpu.memory_space<hbm>>
      %dma_start3A_291 = arith.constant 0 : i32
      %dma_start3A_292 = tpu.memref_slice %arg5[%dma_start3A_277, %dma_start3A_291, %multiple_of3A_276] : memref<2x8x2560xf32, #tpu.memory_space<vmem>> -> memref<1x8x128xf32, #tpu.memory_space<vmem>>
      %dma_start3A_293 = tpu.memref_squeeze %dma_start3A_292 : memref<1x8x128xf32, #tpu.memory_space<vmem>> -> memref<8x128xf32, #tpu.memory_space<vmem>>
      tpu.enqueue_dma source(%dma_start3A_293 : memref<8x128xf32, #tpu.memory_space<vmem>>) target(%dma_start3A_290 : memref<8x128xf32, #tpu.memory_space<hbm>>) target_semaphore(%arg6 : memref<!tpu.dma_semaphore, #tpu.memory_space<semaphore_mem>>)
      %add3A_294 = arith.constant 1536 : i32
      %add3A_295 = arith.addi %sub3A_52, %add3A_294 : i32
      %multiple_of3A_296 = tpu.assume_multiple %add3A_295, 8 : i32
      %dma_start3A_297 = arith.constant 0 : i32
      %dma_start3A_298 = arith.constant 0 : i32
      %dma_start3A_299 = arith.constant 12 : i32
      %dma_start3A_300 = arith.constant 0 : i32
      %dma_start3A_301 = tpu.memref_slice %arg5[%dma_start3A_297, %dma_start3A_300, %multiple_of3A_296] : memref<2x8x2560xf32, #tpu.memory_space<vmem>> -> memref<1x8x128xf32, #tpu.memory_space<vmem>>
      %dma_start3A_302 = tpu.memref_squeeze %dma_start3A_301 : memref<1x8x128xf32, #tpu.memory_space<vmem>> -> memref<8x128xf32, #tpu.memory_space<vmem>>
      %dma_start3A_303 = arith.constant 0 : i32
      %dma_start3A_304 = arith.constant 0 : i32
      %dma_start3A_305 = tpu.memref_slice %arg3[%add3A_55, %dma_start3A_298, %dma_start3A_299, %dma_start3A_303, %dma_start3A_304] : memref<2048x2x16x8x128xf32, #tpu.memory_space<hbm>> -> memref<1x1x1x8x128xf32, #tpu.memory_space<hbm>>
      %dma_start3A_306 = tpu.memref_squeeze %dma_start3A_305 : memref<1x1x1x8x128xf32, #tpu.memory_space<hbm>> -> memref<8x128xf32, #tpu.memory_space<hbm>>
      %dma_start3A_307 = arith.constant 0 : i32
      %dma_start3A_308 = arith.constant 0 : i32
      %dma_start3A_309 = tpu.memref_slice %arg3[%add3A_55, %dma_start3A_298, %dma_start3A_299, %dma_start3A_307, %dma_start3A_308] : memref<2048x2x16x8x128xf32, #tpu.memory_space<hbm>> -> memref<1x1x1x8x128xf32, #tpu.memory_space<hbm>>
      %dma_start3A_310 = tpu.memref_squeeze %dma_start3A_309 : memref<1x1x1x8x128xf32, #tpu.memory_space<hbm>> -> memref<8x128xf32, #tpu.memory_space<hbm>>
      %dma_start3A_311 = arith.constant 0 : i32
      %dma_start3A_312 = tpu.memref_slice %arg5[%dma_start3A_297, %dma_start3A_311, %multiple_of3A_296] : memref<2x8x2560xf32, #tpu.memory_space<vmem>> -> memref<1x8x128xf32, #tpu.memory_space<vmem>>
      %dma_start3A_313 = tpu.memref_squeeze %dma_start3A_312 : memref<1x8x128xf32, #tpu.memory_space<vmem>> -> memref<8x128xf32, #tpu.memory_space<vmem>>
      tpu.enqueue_dma source(%dma_start3A_313 : memref<8x128xf32, #tpu.memory_space<vmem>>) target(%dma_start3A_310 : memref<8x128xf32, #tpu.memory_space<hbm>>) target_semaphore(%arg6 : memref<!tpu.dma_semaphore, #tpu.memory_space<semaphore_mem>>)
      %add3A_314 = arith.constant 1664 : i32
      %add3A_315 = arith.addi %sub3A_52, %add3A_314 : i32
      %multiple_of3A_316 = tpu.assume_multiple %add3A_315, 8 : i32
      %dma_start3A_317 = arith.constant 0 : i32
      %dma_start3A_318 = arith.constant 0 : i32
      %dma_start3A_319 = arith.constant 13 : i32
      %dma_start3A_320 = arith.constant 0 : i32
      %dma_start3A_321 = tpu.memref_slice %arg5[%dma_start3A_317, %dma_start3A_320, %multiple_of3A_316] : memref<2x8x2560xf32, #tpu.memory_space<vmem>> -> memref<1x8x128xf32, #tpu.memory_space<vmem>>
      %dma_start3A_322 = tpu.memref_squeeze %dma_start3A_321 : memref<1x8x128xf32, #tpu.memory_space<vmem>> -> memref<8x128xf32, #tpu.memory_space<vmem>>
      %dma_start3A_323 = arith.constant 0 : i32
      %dma_start3A_324 = arith.constant 0 : i32
      %dma_start3A_325 = tpu.memref_slice %arg3[%add3A_55, %dma_start3A_318, %dma_start3A_319, %dma_start3A_323, %dma_start3A_324] : memref<2048x2x16x8x128xf32, #tpu.memory_space<hbm>> -> memref<1x1x1x8x128xf32, #tpu.memory_space<hbm>>
      %dma_start3A_326 = tpu.memref_squeeze %dma_start3A_325 : memref<1x1x1x8x128xf32, #tpu.memory_space<hbm>> -> memref<8x128xf32, #tpu.memory_space<hbm>>
      %dma_start3A_327 = arith.constant 0 : i32
      %dma_start3A_328 = arith.constant 0 : i32
      %dma_start3A_329 = tpu.memref_slice %arg3[%add3A_55, %dma_start3A_318, %dma_start3A_319, %dma_start3A_327, %dma_start3A_328] : memref<2048x2x16x8x128xf32, #tpu.memory_space<hbm>> -> memref<1x1x1x8x128xf32, #tpu.memory_space<hbm>>
      %dma_start3A_330 = tpu.memref_squeeze %dma_start3A_329 : memref<1x1x1x8x128xf32, #tpu.memory_space<hbm>> -> memref<8x128xf32, #tpu.memory_space<hbm>>
      %dma_start3A_331 = arith.constant 0 : i32
      %dma_start3A_332 = tpu.memref_slice %arg5[%dma_start3A_317, %dma_start3A_331, %multiple_of3A_316] : memref<2x8x2560xf32, #tpu.memory_space<vmem>> -> memref<1x8x128xf32, #tpu.memory_space<vmem>>
      %dma_start3A_333 = tpu.memref_squeeze %dma_start3A_332 : memref<1x8x128xf32, #tpu.memory_space<vmem>> -> memref<8x128xf32, #tpu.memory_space<vmem>>
      tpu.enqueue_dma source(%dma_start3A_333 : memref<8x128xf32, #tpu.memory_space<vmem>>) target(%dma_start3A_330 : memref<8x128xf32, #tpu.memory_space<hbm>>) target_semaphore(%arg6 : memref<!tpu.dma_semaphore, #tpu.memory_space<semaphore_mem>>)
      %add3A_334 = arith.constant 1792 : i32
      %add3A_335 = arith.addi %sub3A_52, %add3A_334 : i32
      %multiple_of3A_336 = tpu.assume_multiple %add3A_335, 8 : i32
      %dma_start3A_337 = arith.constant 0 : i32
      %dma_start3A_338 = arith.constant 0 : i32
      %dma_start3A_339 = arith.constant 14 : i32
      %dma_start3A_340 = arith.constant 0 : i32
      %dma_start3A_341 = tpu.memref_slice %arg5[%dma_start3A_337, %dma_start3A_340, %multiple_of3A_336] : memref<2x8x2560xf32, #tpu.memory_space<vmem>> -> memref<1x8x128xf32, #tpu.memory_space<vmem>>
      %dma_start3A_342 = tpu.memref_squeeze %dma_start3A_341 : memref<1x8x128xf32, #tpu.memory_space<vmem>> -> memref<8x128xf32, #tpu.memory_space<vmem>>
      %dma_start3A_343 = arith.constant 0 : i32
      %dma_start3A_344 = arith.constant 0 : i32
      %dma_start3A_345 = tpu.memref_slice %arg3[%add3A_55, %dma_start3A_338, %dma_start3A_339, %dma_start3A_343, %dma_start3A_344] : memref<2048x2x16x8x128xf32, #tpu.memory_space<hbm>> -> memref<1x1x1x8x128xf32, #tpu.memory_space<hbm>>
      %dma_start3A_346 = tpu.memref_squeeze %dma_start3A_345 : memref<1x1x1x8x128xf32, #tpu.memory_space<hbm>> -> memref<8x128xf32, #tpu.memory_space<hbm>>
      %dma_start3A_347 = arith.constant 0 : i32
      %dma_start3A_348 = arith.constant 0 : i32
      %dma_start3A_349 = tpu.memref_slice %arg3[%add3A_55, %dma_start3A_338, %dma_start3A_339, %dma_start3A_347, %dma_start3A_348] : memref<2048x2x16x8x128xf32, #tpu.memory_space<hbm>> -> memref<1x1x1x8x128xf32, #tpu.memory_space<hbm>>
      %dma_start3A_350 = tpu.memref_squeeze %dma_start3A_349 : memref<1x1x1x8x128xf32, #tpu.memory_space<hbm>> -> memref<8x128xf32, #tpu.memory_space<hbm>>
      %dma_start3A_351 = arith.constant 0 : i32
      %dma_start3A_352 = tpu.memref_slice %arg5[%dma_start3A_337, %dma_start3A_351, %multiple_of3A_336] : memref<2x8x2560xf32, #tpu.memory_space<vmem>> -> memref<1x8x128xf32, #tpu.memory_space<vmem>>
      %dma_start3A_353 = tpu.memref_squeeze %dma_start3A_352 : memref<1x8x128xf32, #tpu.memory_space<vmem>> -> memref<8x128xf32, #tpu.memory_space<vmem>>
      tpu.enqueue_dma source(%dma_start3A_353 : memref<8x128xf32, #tpu.memory_space<vmem>>) target(%dma_start3A_350 : memref<8x128xf32, #tpu.memory_space<hbm>>) target_semaphore(%arg6 : memref<!tpu.dma_semaphore, #tpu.memory_space<semaphore_mem>>)
      %add3A_354 = arith.constant 1920 : i32
      %add3A_355 = arith.addi %sub3A_52, %add3A_354 : i32
      %multiple_of3A_356 = tpu.assume_multiple %add3A_355, 8 : i32
      %dma_start3A_357 = arith.constant 0 : i32
      %dma_start3A_358 = arith.constant 0 : i32
      %dma_start3A_359 = arith.constant 15 : i32
      %dma_start3A_360 = arith.constant 0 : i32
      %dma_start3A_361 = tpu.memref_slice %arg5[%dma_start3A_357, %dma_start3A_360, %multiple_of3A_356] : memref<2x8x2560xf32, #tpu.memory_space<vmem>> -> memref<1x8x128xf32, #tpu.memory_space<vmem>>
      %dma_start3A_362 = tpu.memref_squeeze %dma_start3A_361 : memref<1x8x128xf32, #tpu.memory_space<vmem>> -> memref<8x128xf32, #tpu.memory_space<vmem>>
      %dma_start3A_363 = arith.constant 0 : i32
      %dma_start3A_364 = arith.constant 0 : i32
      %dma_start3A_365 = tpu.memref_slice %arg3[%add3A_55, %dma_start3A_358, %dma_start3A_359, %dma_start3A_363, %dma_start3A_364] : memref<2048x2x16x8x128xf32, #tpu.memory_space<hbm>> -> memref<1x1x1x8x128xf32, #tpu.memory_space<hbm>>
      %dma_start3A_366 = tpu.memref_squeeze %dma_start3A_365 : memref<1x1x1x8x128xf32, #tpu.memory_space<hbm>> -> memref<8x128xf32, #tpu.memory_space<hbm>>
      %dma_start3A_367 = arith.constant 0 : i32
      %dma_start3A_368 = arith.constant 0 : i32
      %dma_start3A_369 = tpu.memref_slice %arg3[%add3A_55, %dma_start3A_358, %dma_start3A_359, %dma_start3A_367, %dma_start3A_368] : memref<2048x2x16x8x128xf32, #tpu.memory_space<hbm>> -> memref<1x1x1x8x128xf32, #tpu.memory_space<hbm>>
      %dma_start3A_370 = tpu.memref_squeeze %dma_start3A_369 : memref<1x1x1x8x128xf32, #tpu.memory_space<hbm>> -> memref<8x128xf32, #tpu.memory_space<hbm>>
      %dma_start3A_371 = arith.constant 0 : i32
      %dma_start3A_372 = tpu.memref_slice %arg5[%dma_start3A_357, %dma_start3A_371, %multiple_of3A_356] : memref<2x8x2560xf32, #tpu.memory_space<vmem>> -> memref<1x8x128xf32, #tpu.memory_space<vmem>>
      %dma_start3A_373 = tpu.memref_squeeze %dma_start3A_372 : memref<1x8x128xf32, #tpu.memory_space<vmem>> -> memref<8x128xf32, #tpu.memory_space<vmem>>
      tpu.enqueue_dma source(%dma_start3A_373 : memref<8x128xf32, #tpu.memory_space<vmem>>) target(%dma_start3A_370 : memref<8x128xf32, #tpu.memory_space<hbm>>) target_semaphore(%arg6 : memref<!tpu.dma_semaphore, #tpu.memory_space<semaphore_mem>>)
      %add3A_374 = arith.constant 0 : i32
      %add3A_375 = arith.addi %sub3A_52, %add3A_374 : i32
      %multiple_of3A_376 = tpu.assume_multiple %add3A_375, 8 : i32
      %dma_start3A_377 = arith.constant 1 : i32
      %dma_start3A_378 = arith.constant 1 : i32
      %dma_start3A_379 = arith.constant 0 : i32
      %dma_start3A_380 = arith.constant 0 : i32
      %dma_start3A_381 = tpu.memref_slice %arg5[%dma_start3A_377, %dma_start3A_380, %multiple_of3A_376] : memref<2x8x2560xf32, #tpu.memory_space<vmem>> -> memref<1x8x128xf32, #tpu.memory_space<vmem>>
      %dma_start3A_382 = tpu.memref_squeeze %dma_start3A_381 : memref<1x8x128xf32, #tpu.memory_space<vmem>> -> memref<8x128xf32, #tpu.memory_space<vmem>>
      %dma_start3A_383 = arith.constant 0 : i32
      %dma_start3A_384 = arith.constant 0 : i32
      %dma_start3A_385 = tpu.memref_slice %arg3[%add3A_55, %dma_start3A_378, %dma_start3A_379, %dma_start3A_383, %dma_start3A_384] : memref<2048x2x16x8x128xf32, #tpu.memory_space<hbm>> -> memref<1x1x1x8x128xf32, #tpu.memory_space<hbm>>
      %dma_start3A_386 = tpu.memref_squeeze %dma_start3A_385 : memref<1x1x1x8x128xf32, #tpu.memory_space<hbm>> -> memref<8x128xf32, #tpu.memory_space<hbm>>
      %dma_start3A_387 = arith.constant 0 : i32
      %dma_start3A_388 = arith.constant 0 : i32
      %dma_start3A_389 = tpu.memref_slice %arg3[%add3A_55, %dma_start3A_378, %dma_start3A_379, %dma_start3A_387, %dma_start3A_388] : memref<2048x2x16x8x128xf32, #tpu.memory_space<hbm>> -> memref<1x1x1x8x128xf32, #tpu.memory_space<hbm>>
      %dma_start3A_390 = tpu.memref_squeeze %dma_start3A_389 : memref<1x1x1x8x128xf32, #tpu.memory_space<hbm>> -> memref<8x128xf32, #tpu.memory_space<hbm>>
      %dma_start3A_391 = arith.constant 0 : i32
      %dma_start3A_392 = tpu.memref_slice %arg5[%dma_start3A_377, %dma_start3A_391, %multiple_of3A_376] : memref<2x8x2560xf32, #tpu.memory_space<vmem>> -> memref<1x8x128xf32, #tpu.memory_space<vmem>>
      %dma_start3A_393 = tpu.memref_squeeze %dma_start3A_392 : memref<1x8x128xf32, #tpu.memory_space<vmem>> -> memref<8x128xf32, #tpu.memory_space<vmem>>
      tpu.enqueue_dma source(%dma_start3A_393 : memref<8x128xf32, #tpu.memory_space<vmem>>) target(%dma_start3A_390 : memref<8x128xf32, #tpu.memory_space<hbm>>) target_semaphore(%arg6 : memref<!tpu.dma_semaphore, #tpu.memory_space<semaphore_mem>>)
      %add3A_394 = arith.constant 128 : i32
      %add3A_395 = arith.addi %sub3A_52, %add3A_394 : i32
      %multiple_of3A_396 = tpu.assume_multiple %add3A_395, 8 : i32
      %dma_start3A_397 = arith.constant 1 : i32
      %dma_start3A_398 = arith.constant 1 : i32
      %dma_start3A_399 = arith.constant 1 : i32
      %dma_start3A_400 = arith.constant 0 : i32
      %dma_start3A_401 = tpu.memref_slice %arg5[%dma_start3A_397, %dma_start3A_400, %multiple_of3A_396] : memref<2x8x2560xf32, #tpu.memory_space<vmem>> -> memref<1x8x128xf32, #tpu.memory_space<vmem>>
      %dma_start3A_402 = tpu.memref_squeeze %dma_start3A_401 : memref<1x8x128xf32, #tpu.memory_space<vmem>> -> memref<8x128xf32, #tpu.memory_space<vmem>>
      %dma_start3A_403 = arith.constant 0 : i32
      %dma_start3A_404 = arith.constant 0 : i32
      %dma_start3A_405 = tpu.memref_slice %arg3[%add3A_55, %dma_start3A_398, %dma_start3A_399, %dma_start3A_403, %dma_start3A_404] : memref<2048x2x16x8x128xf32, #tpu.memory_space<hbm>> -> memref<1x1x1x8x128xf32, #tpu.memory_space<hbm>>
      %dma_start3A_406 = tpu.memref_squeeze %dma_start3A_405 : memref<1x1x1x8x128xf32, #tpu.memory_space<hbm>> -> memref<8x128xf32, #tpu.memory_space<hbm>>
      %dma_start3A_407 = arith.constant 0 : i32
      %dma_start3A_408 = arith.constant 0 : i32
      %dma_start3A_409 = tpu.memref_slice %arg3[%add3A_55, %dma_start3A_398, %dma_start3A_399, %dma_start3A_407, %dma_start3A_408] : memref<2048x2x16x8x128xf32, #tpu.memory_space<hbm>> -> memref<1x1x1x8x128xf32, #tpu.memory_space<hbm>>
      %dma_start3A_410 = tpu.memref_squeeze %dma_start3A_409 : memref<1x1x1x8x128xf32, #tpu.memory_space<hbm>> -> memref<8x128xf32, #tpu.memory_space<hbm>>
      %dma_start3A_411 = arith.constant 0 : i32
      %dma_start3A_412 = tpu.memref_slice %arg5[%dma_start3A_397, %dma_start3A_411, %multiple_of3A_396] : memref<2x8x2560xf32, #tpu.memory_space<vmem>> -> memref<1x8x128xf32, #tpu.memory_space<vmem>>
      %dma_start3A_413 = tpu.memref_squeeze %dma_start3A_412 : memref<1x8x128xf32, #tpu.memory_space<vmem>> -> memref<8x128xf32, #tpu.memory_space<vmem>>
      tpu.enqueue_dma source(%dma_start3A_413 : memref<8x128xf32, #tpu.memory_space<vmem>>) target(%dma_start3A_410 : memref<8x128xf32, #tpu.memory_space<hbm>>) target_semaphore(%arg6 : memref<!tpu.dma_semaphore, #tpu.memory_space<semaphore_mem>>)
      %add3A_414 = arith.constant 256 : i32
      %add3A_415 = arith.addi %sub3A_52, %add3A_414 : i32
      %multiple_of3A_416 = tpu.assume_multiple %add3A_415, 8 : i32
      %dma_start3A_417 = arith.constant 1 : i32
      %dma_start3A_418 = arith.constant 1 : i32
      %dma_start3A_419 = arith.constant 2 : i32
      %dma_start3A_420 = arith.constant 0 : i32
      %dma_start3A_421 = tpu.memref_slice %arg5[%dma_start3A_417, %dma_start3A_420, %multiple_of3A_416] : memref<2x8x2560xf32, #tpu.memory_space<vmem>> -> memref<1x8x128xf32, #tpu.memory_space<vmem>>
      %dma_start3A_422 = tpu.memref_squeeze %dma_start3A_421 : memref<1x8x128xf32, #tpu.memory_space<vmem>> -> memref<8x128xf32, #tpu.memory_space<vmem>>
      %dma_start3A_423 = arith.constant 0 : i32
      %dma_start3A_424 = arith.constant 0 : i32
      %dma_start3A_425 = tpu.memref_slice %arg3[%add3A_55, %dma_start3A_418, %dma_start3A_419, %dma_start3A_423, %dma_start3A_424] : memref<2048x2x16x8x128xf32, #tpu.memory_space<hbm>> -> memref<1x1x1x8x128xf32, #tpu.memory_space<hbm>>
      %dma_start3A_426 = tpu.memref_squeeze %dma_start3A_425 : memref<1x1x1x8x128xf32, #tpu.memory_space<hbm>> -> memref<8x128xf32, #tpu.memory_space<hbm>>
      %dma_start3A_427 = arith.constant 0 : i32
      %dma_start3A_428 = arith.constant 0 : i32
      %dma_start3A_429 = tpu.memref_slice %arg3[%add3A_55, %dma_start3A_418, %dma_start3A_419, %dma_start3A_427, %dma_start3A_428] : memref<2048x2x16x8x128xf32, #tpu.memory_space<hbm>> -> memref<1x1x1x8x128xf32, #tpu.memory_space<hbm>>
      %dma_start3A_430 = tpu.memref_squeeze %dma_start3A_429 : memref<1x1x1x8x128xf32, #tpu.memory_space<hbm>> -> memref<8x128xf32, #tpu.memory_space<hbm>>
      %dma_start3A_431 = arith.constant 0 : i32
      %dma_start3A_432 = tpu.memref_slice %arg5[%dma_start3A_417, %dma_start3A_431, %multiple_of3A_416] : memref<2x8x2560xf32, #tpu.memory_space<vmem>> -> memref<1x8x128xf32, #tpu.memory_space<vmem>>
      %dma_start3A_433 = tpu.memref_squeeze %dma_start3A_432 : memref<1x8x128xf32, #tpu.memory_space<vmem>> -> memref<8x128xf32, #tpu.memory_space<vmem>>
      tpu.enqueue_dma source(%dma_start3A_433 : memref<8x128xf32, #tpu.memory_space<vmem>>) target(%dma_start3A_430 : memref<8x128xf32, #tpu.memory_space<hbm>>) target_semaphore(%arg6 : memref<!tpu.dma_semaphore, #tpu.memory_space<semaphore_mem>>)
      %add3A_434 = arith.constant 384 : i32
      %add3A_435 = arith.addi %sub3A_52, %add3A_434 : i32
      %multiple_of3A_436 = tpu.assume_multiple %add3A_435, 8 : i32
      %dma_start3A_437 = arith.constant 1 : i32
      %dma_start3A_438 = arith.constant 1 : i32
      %dma_start3A_439 = arith.constant 3 : i32
      %dma_start3A_440 = arith.constant 0 : i32
      %dma_start3A_441 = tpu.memref_slice %arg5[%dma_start3A_437, %dma_start3A_440, %multiple_of3A_436] : memref<2x8x2560xf32, #tpu.memory_space<vmem>> -> memref<1x8x128xf32, #tpu.memory_space<vmem>>
      %dma_start3A_442 = tpu.memref_squeeze %dma_start3A_441 : memref<1x8x128xf32, #tpu.memory_space<vmem>> -> memref<8x128xf32, #tpu.memory_space<vmem>>
      %dma_start3A_443 = arith.constant 0 : i32
      %dma_start3A_444 = arith.constant 0 : i32
      %dma_start3A_445 = tpu.memref_slice %arg3[%add3A_55, %dma_start3A_438, %dma_start3A_439, %dma_start3A_443, %dma_start3A_444] : memref<2048x2x16x8x128xf32, #tpu.memory_space<hbm>> -> memref<1x1x1x8x128xf32, #tpu.memory_space<hbm>>
      %dma_start3A_446 = tpu.memref_squeeze %dma_start3A_445 : memref<1x1x1x8x128xf32, #tpu.memory_space<hbm>> -> memref<8x128xf32, #tpu.memory_space<hbm>>
      %dma_start3A_447 = arith.constant 0 : i32
      %dma_start3A_448 = arith.constant 0 : i32
      %dma_start3A_449 = tpu.memref_slice %arg3[%add3A_55, %dma_start3A_438, %dma_start3A_439, %dma_start3A_447, %dma_start3A_448] : memref<2048x2x16x8x128xf32, #tpu.memory_space<hbm>> -> memref<1x1x1x8x128xf32, #tpu.memory_space<hbm>>
      %dma_start3A_450 = tpu.memref_squeeze %dma_start3A_449 : memref<1x1x1x8x128xf32, #tpu.memory_space<hbm>> -> memref<8x128xf32, #tpu.memory_space<hbm>>
      %dma_start3A_451 = arith.constant 0 : i32
      %dma_start3A_452 = tpu.memref_slice %arg5[%dma_start3A_437, %dma_start3A_451, %multiple_of3A_436] : memref<2x8x2560xf32, #tpu.memory_space<vmem>> -> memref<1x8x128xf32, #tpu.memory_space<vmem>>
      %dma_start3A_453 = tpu.memref_squeeze %dma_start3A_452 : memref<1x8x128xf32, #tpu.memory_space<vmem>> -> memref<8x128xf32, #tpu.memory_space<vmem>>
      tpu.enqueue_dma source(%dma_start3A_453 : memref<8x128xf32, #tpu.memory_space<vmem>>) target(%dma_start3A_450 : memref<8x128xf32, #tpu.memory_space<hbm>>) target_semaphore(%arg6 : memref<!tpu.dma_semaphore, #tpu.memory_space<semaphore_mem>>)
      %add3A_454 = arith.constant 512 : i32
      %add3A_455 = arith.addi %sub3A_52, %add3A_454 : i32
      %multiple_of3A_456 = tpu.assume_multiple %add3A_455, 8 : i32
      %dma_start3A_457 = arith.constant 1 : i32
      %dma_start3A_458 = arith.constant 1 : i32
      %dma_start3A_459 = arith.constant 4 : i32
      %dma_start3A_460 = arith.constant 0 : i32
      %dma_start3A_461 = tpu.memref_slice %arg5[%dma_start3A_457, %dma_start3A_460, %multiple_of3A_456] : memref<2x8x2560xf32, #tpu.memory_space<vmem>> -> memref<1x8x128xf32, #tpu.memory_space<vmem>>
      %dma_start3A_462 = tpu.memref_squeeze %dma_start3A_461 : memref<1x8x128xf32, #tpu.memory_space<vmem>> -> memref<8x128xf32, #tpu.memory_space<vmem>>
      %dma_start3A_463 = arith.constant 0 : i32
      %dma_start3A_464 = arith.constant 0 : i32
      %dma_start3A_465 = tpu.memref_slice %arg3[%add3A_55, %dma_start3A_458, %dma_start3A_459, %dma_start3A_463, %dma_start3A_464] : memref<2048x2x16x8x128xf32, #tpu.memory_space<hbm>> -> memref<1x1x1x8x128xf32, #tpu.memory_space<hbm>>
      %dma_start3A_466 = tpu.memref_squeeze %dma_start3A_465 : memref<1x1x1x8x128xf32, #tpu.memory_space<hbm>> -> memref<8x128xf32, #tpu.memory_space<hbm>>
      %dma_start3A_467 = arith.constant 0 : i32
      %dma_start3A_468 = arith.constant 0 : i32
      %dma_start3A_469 = tpu.memref_slice %arg3[%add3A_55, %dma_start3A_458, %dma_start3A_459, %dma_start3A_467, %dma_start3A_468] : memref<2048x2x16x8x128xf32, #tpu.memory_space<hbm>> -> memref<1x1x1x8x128xf32, #tpu.memory_space<hbm>>
      %dma_start3A_470 = tpu.memref_squeeze %dma_start3A_469 : memref<1x1x1x8x128xf32, #tpu.memory_space<hbm>> -> memref<8x128xf32, #tpu.memory_space<hbm>>
      %dma_start3A_471 = arith.constant 0 : i32
      %dma_start3A_472 = tpu.memref_slice %arg5[%dma_start3A_457, %dma_start3A_471, %multiple_of3A_456] : memref<2x8x2560xf32, #tpu.memory_space<vmem>> -> memref<1x8x128xf32, #tpu.memory_space<vmem>>
      %dma_start3A_473 = tpu.memref_squeeze %dma_start3A_472 : memref<1x8x128xf32, #tpu.memory_space<vmem>> -> memref<8x128xf32, #tpu.memory_space<vmem>>
      tpu.enqueue_dma source(%dma_start3A_473 : memref<8x128xf32, #tpu.memory_space<vmem>>) target(%dma_start3A_470 : memref<8x128xf32, #tpu.memory_space<hbm>>) target_semaphore(%arg6 : memref<!tpu.dma_semaphore, #tpu.memory_space<semaphore_mem>>)
      %add3A_474 = arith.constant 640 : i32
      %add3A_475 = arith.addi %sub3A_52, %add3A_474 : i32
      %multiple_of3A_476 = tpu.assume_multiple %add3A_475, 8 : i32
      %dma_start3A_477 = arith.constant 1 : i32
      %dma_start3A_478 = arith.constant 1 : i32
      %dma_start3A_479 = arith.constant 5 : i32
      %dma_start3A_480 = arith.constant 0 : i32
      %dma_start3A_481 = tpu.memref_slice %arg5[%dma_start3A_477, %dma_start3A_480, %multiple_of3A_476] : memref<2x8x2560xf32, #tpu.memory_space<vmem>> -> memref<1x8x128xf32, #tpu.memory_space<vmem>>
      %dma_start3A_482 = tpu.memref_squeeze %dma_start3A_481 : memref<1x8x128xf32, #tpu.memory_space<vmem>> -> memref<8x128xf32, #tpu.memory_space<vmem>>
      %dma_start3A_483 = arith.constant 0 : i32
      %dma_start3A_484 = arith.constant 0 : i32
      %dma_start3A_485 = tpu.memref_slice %arg3[%add3A_55, %dma_start3A_478, %dma_start3A_479, %dma_start3A_483, %dma_start3A_484] : memref<2048x2x16x8x128xf32, #tpu.memory_space<hbm>> -> memref<1x1x1x8x128xf32, #tpu.memory_space<hbm>>
      %dma_start3A_486 = tpu.memref_squeeze %dma_start3A_485 : memref<1x1x1x8x128xf32, #tpu.memory_space<hbm>> -> memref<8x128xf32, #tpu.memory_space<hbm>>
      %dma_start3A_487 = arith.constant 0 : i32
      %dma_start3A_488 = arith.constant 0 : i32
      %dma_start3A_489 = tpu.memref_slice %arg3[%add3A_55, %dma_start3A_478, %dma_start3A_479, %dma_start3A_487, %dma_start3A_488] : memref<2048x2x16x8x128xf32, #tpu.memory_space<hbm>> -> memref<1x1x1x8x128xf32, #tpu.memory_space<hbm>>
      %dma_start3A_490 = tpu.memref_squeeze %dma_start3A_489 : memref<1x1x1x8x128xf32, #tpu.memory_space<hbm>> -> memref<8x128xf32, #tpu.memory_space<hbm>>
      %dma_start3A_491 = arith.constant 0 : i32
      %dma_start3A_492 = tpu.memref_slice %arg5[%dma_start3A_477, %dma_start3A_491, %multiple_of3A_476] : memref<2x8x2560xf32, #tpu.memory_space<vmem>> -> memref<1x8x128xf32, #tpu.memory_space<vmem>>
      %dma_start3A_493 = tpu.memref_squeeze %dma_start3A_492 : memref<1x8x128xf32, #tpu.memory_space<vmem>> -> memref<8x128xf32, #tpu.memory_space<vmem>>
      tpu.enqueue_dma source(%dma_start3A_493 : memref<8x128xf32, #tpu.memory_space<vmem>>) target(%dma_start3A_490 : memref<8x128xf32, #tpu.memory_space<hbm>>) target_semaphore(%arg6 : memref<!tpu.dma_semaphore, #tpu.memory_space<semaphore_mem>>)
      %add3A_494 = arith.constant 768 : i32
      %add3A_495 = arith.addi %sub3A_52, %add3A_494 : i32
      %multiple_of3A_496 = tpu.assume_multiple %add3A_495, 8 : i32
      %dma_start3A_497 = arith.constant 1 : i32
      %dma_start3A_498 = arith.constant 1 : i32
      %dma_start3A_499 = arith.constant 6 : i32
      %dma_start3A_500 = arith.constant 0 : i32
      %dma_start3A_501 = tpu.memref_slice %arg5[%dma_start3A_497, %dma_start3A_500, %multiple_of3A_496] : memref<2x8x2560xf32, #tpu.memory_space<vmem>> -> memref<1x8x128xf32, #tpu.memory_space<vmem>>
      %dma_start3A_502 = tpu.memref_squeeze %dma_start3A_501 : memref<1x8x128xf32, #tpu.memory_space<vmem>> -> memref<8x128xf32, #tpu.memory_space<vmem>>
      %dma_start3A_503 = arith.constant 0 : i32
      %dma_start3A_504 = arith.constant 0 : i32
      %dma_start3A_505 = tpu.memref_slice %arg3[%add3A_55, %dma_start3A_498, %dma_start3A_499, %dma_start3A_503, %dma_start3A_504] : memref<2048x2x16x8x128xf32, #tpu.memory_space<hbm>> -> memref<1x1x1x8x128xf32, #tpu.memory_space<hbm>>
      %dma_start3A_506 = tpu.memref_squeeze %dma_start3A_505 : memref<1x1x1x8x128xf32, #tpu.memory_space<hbm>> -> memref<8x128xf32, #tpu.memory_space<hbm>>
      %dma_start3A_507 = arith.constant 0 : i32
      %dma_start3A_508 = arith.constant 0 : i32
      %dma_start3A_509 = tpu.memref_slice %arg3[%add3A_55, %dma_start3A_498, %dma_start3A_499, %dma_start3A_507, %dma_start3A_508] : memref<2048x2x16x8x128xf32, #tpu.memory_space<hbm>> -> memref<1x1x1x8x128xf32, #tpu.memory_space<hbm>>
      %dma_start3A_510 = tpu.memref_squeeze %dma_start3A_509 : memref<1x1x1x8x128xf32, #tpu.memory_space<hbm>> -> memref<8x128xf32, #tpu.memory_space<hbm>>
      %dma_start3A_511 = arith.constant 0 : i32
      %dma_start3A_512 = tpu.memref_slice %arg5[%dma_start3A_497, %dma_start3A_511, %multiple_of3A_496] : memref<2x8x2560xf32, #tpu.memory_space<vmem>> -> memref<1x8x128xf32, #tpu.memory_space<vmem>>
      %dma_start3A_513 = tpu.memref_squeeze %dma_start3A_512 : memref<1x8x128xf32, #tpu.memory_space<vmem>> -> memref<8x128xf32, #tpu.memory_space<vmem>>
      tpu.enqueue_dma source(%dma_start3A_513 : memref<8x128xf32, #tpu.memory_space<vmem>>) target(%dma_start3A_510 : memref<8x128xf32, #tpu.memory_space<hbm>>) target_semaphore(%arg6 : memref<!tpu.dma_semaphore, #tpu.memory_space<semaphore_mem>>)
      %add3A_514 = arith.constant 896 : i32
      %add3A_515 = arith.addi %sub3A_52, %add3A_514 : i32
      %multiple_of3A_516 = tpu.assume_multiple %add3A_515, 8 : i32
      %dma_start3A_517 = arith.constant 1 : i32
      %dma_start3A_518 = arith.constant 1 : i32
      %dma_start3A_519 = arith.constant 7 : i32
      %dma_start3A_520 = arith.constant 0 : i32
      %dma_start3A_521 = tpu.memref_slice %arg5[%dma_start3A_517, %dma_start3A_520, %multiple_of3A_516] : memref<2x8x2560xf32, #tpu.memory_space<vmem>> -> memref<1x8x128xf32, #tpu.memory_space<vmem>>
      %dma_start3A_522 = tpu.memref_squeeze %dma_start3A_521 : memref<1x8x128xf32, #tpu.memory_space<vmem>> -> memref<8x128xf32, #tpu.memory_space<vmem>>
      %dma_start3A_523 = arith.constant 0 : i32
      %dma_start3A_524 = arith.constant 0 : i32
      %dma_start3A_525 = tpu.memref_slice %arg3[%add3A_55, %dma_start3A_518, %dma_start3A_519, %dma_start3A_523, %dma_start3A_524] : memref<2048x2x16x8x128xf32, #tpu.memory_space<hbm>> -> memref<1x1x1x8x128xf32, #tpu.memory_space<hbm>>
      %dma_start3A_526 = tpu.memref_squeeze %dma_start3A_525 : memref<1x1x1x8x128xf32, #tpu.memory_space<hbm>> -> memref<8x128xf32, #tpu.memory_space<hbm>>
      %dma_start3A_527 = arith.constant 0 : i32
      %dma_start3A_528 = arith.constant 0 : i32
      %dma_start3A_529 = tpu.memref_slice %arg3[%add3A_55, %dma_start3A_518, %dma_start3A_519, %dma_start3A_527, %dma_start3A_528] : memref<2048x2x16x8x128xf32, #tpu.memory_space<hbm>> -> memref<1x1x1x8x128xf32, #tpu.memory_space<hbm>>
      %dma_start3A_530 = tpu.memref_squeeze %dma_start3A_529 : memref<1x1x1x8x128xf32, #tpu.memory_space<hbm>> -> memref<8x128xf32, #tpu.memory_space<hbm>>
      %dma_start3A_531 = arith.constant 0 : i32
      %dma_start3A_532 = tpu.memref_slice %arg5[%dma_start3A_517, %dma_start3A_531, %multiple_of3A_516] : memref<2x8x2560xf32, #tpu.memory_space<vmem>> -> memref<1x8x128xf32, #tpu.memory_space<vmem>>
      %dma_start3A_533 = tpu.memref_squeeze %dma_start3A_532 : memref<1x8x128xf32, #tpu.memory_space<vmem>> -> memref<8x128xf32, #tpu.memory_space<vmem>>
      tpu.enqueue_dma source(%dma_start3A_533 : memref<8x128xf32, #tpu.memory_space<vmem>>) target(%dma_start3A_530 : memref<8x128xf32, #tpu.memory_space<hbm>>) target_semaphore(%arg6 : memref<!tpu.dma_semaphore, #tpu.memory_space<semaphore_mem>>)
      %add3A_534 = arith.constant 1024 : i32
      %add3A_535 = arith.addi %sub3A_52, %add3A_534 : i32
      %multiple_of3A_536 = tpu.assume_multiple %add3A_535, 8 : i32
      %dma_start3A_537 = arith.constant 1 : i32
      %dma_start3A_538 = arith.constant 1 : i32
      %dma_start3A_539 = arith.constant 8 : i32
      %dma_start3A_540 = arith.constant 0 : i32
      %dma_start3A_541 = tpu.memref_slice %arg5[%dma_start3A_537, %dma_start3A_540, %multiple_of3A_536] : memref<2x8x2560xf32, #tpu.memory_space<vmem>> -> memref<1x8x128xf32, #tpu.memory_space<vmem>>
      %dma_start3A_542 = tpu.memref_squeeze %dma_start3A_541 : memref<1x8x128xf32, #tpu.memory_space<vmem>> -> memref<8x128xf32, #tpu.memory_space<vmem>>
      %dma_start3A_543 = arith.constant 0 : i32
      %dma_start3A_544 = arith.constant 0 : i32
      %dma_start3A_545 = tpu.memref_slice %arg3[%add3A_55, %dma_start3A_538, %dma_start3A_539, %dma_start3A_543, %dma_start3A_544] : memref<2048x2x16x8x128xf32, #tpu.memory_space<hbm>> -> memref<1x1x1x8x128xf32, #tpu.memory_space<hbm>>
      %dma_start3A_546 = tpu.memref_squeeze %dma_start3A_545 : memref<1x1x1x8x128xf32, #tpu.memory_space<hbm>> -> memref<8x128xf32, #tpu.memory_space<hbm>>
      %dma_start3A_547 = arith.constant 0 : i32
      %dma_start3A_548 = arith.constant 0 : i32
      %dma_start3A_549 = tpu.memref_slice %arg3[%add3A_55, %dma_start3A_538, %dma_start3A_539, %dma_start3A_547, %dma_start3A_548] : memref<2048x2x16x8x128xf32, #tpu.memory_space<hbm>> -> memref<1x1x1x8x128xf32, #tpu.memory_space<hbm>>
      %dma_start3A_550 = tpu.memref_squeeze %dma_start3A_549 : memref<1x1x1x8x128xf32, #tpu.memory_space<hbm>> -> memref<8x128xf32, #tpu.memory_space<hbm>>
      %dma_start3A_551 = arith.constant 0 : i32
      %dma_start3A_552 = tpu.memref_slice %arg5[%dma_start3A_537, %dma_start3A_551, %multiple_of3A_536] : memref<2x8x2560xf32, #tpu.memory_space<vmem>> -> memref<1x8x128xf32, #tpu.memory_space<vmem>>
      %dma_start3A_553 = tpu.memref_squeeze %dma_start3A_552 : memref<1x8x128xf32, #tpu.memory_space<vmem>> -> memref<8x128xf32, #tpu.memory_space<vmem>>
      tpu.enqueue_dma source(%dma_start3A_553 : memref<8x128xf32, #tpu.memory_space<vmem>>) target(%dma_start3A_550 : memref<8x128xf32, #tpu.memory_space<hbm>>) target_semaphore(%arg6 : memref<!tpu.dma_semaphore, #tpu.memory_space<semaphore_mem>>)
      %add3A_554 = arith.constant 1152 : i32
      %add3A_555 = arith.addi %sub3A_52, %add3A_554 : i32
      %multiple_of3A_556 = tpu.assume_multiple %add3A_555, 8 : i32
      %dma_start3A_557 = arith.constant 1 : i32
      %dma_start3A_558 = arith.constant 1 : i32
      %dma_start3A_559 = arith.constant 9 : i32
      %dma_start3A_560 = arith.constant 0 : i32
      %dma_start3A_561 = tpu.memref_slice %arg5[%dma_start3A_557, %dma_start3A_560, %multiple_of3A_556] : memref<2x8x2560xf32, #tpu.memory_space<vmem>> -> memref<1x8x128xf32, #tpu.memory_space<vmem>>
      %dma_start3A_562 = tpu.memref_squeeze %dma_start3A_561 : memref<1x8x128xf32, #tpu.memory_space<vmem>> -> memref<8x128xf32, #tpu.memory_space<vmem>>
      %dma_start3A_563 = arith.constant 0 : i32
      %dma_start3A_564 = arith.constant 0 : i32
      %dma_start3A_565 = tpu.memref_slice %arg3[%add3A_55, %dma_start3A_558, %dma_start3A_559, %dma_start3A_563, %dma_start3A_564] : memref<2048x2x16x8x128xf32, #tpu.memory_space<hbm>> -> memref<1x1x1x8x128xf32, #tpu.memory_space<hbm>>
      %dma_start3A_566 = tpu.memref_squeeze %dma_start3A_565 : memref<1x1x1x8x128xf32, #tpu.memory_space<hbm>> -> memref<8x128xf32, #tpu.memory_space<hbm>>
      %dma_start3A_567 = arith.constant 0 : i32
      %dma_start3A_568 = arith.constant 0 : i32
      %dma_start3A_569 = tpu.memref_slice %arg3[%add3A_55, %dma_start3A_558, %dma_start3A_559, %dma_start3A_567, %dma_start3A_568] : memref<2048x2x16x8x128xf32, #tpu.memory_space<hbm>> -> memref<1x1x1x8x128xf32, #tpu.memory_space<hbm>>
      %dma_start3A_570 = tpu.memref_squeeze %dma_start3A_569 : memref<1x1x1x8x128xf32, #tpu.memory_space<hbm>> -> memref<8x128xf32, #tpu.memory_space<hbm>>
      %dma_start3A_571 = arith.constant 0 : i32
      %dma_start3A_572 = tpu.memref_slice %arg5[%dma_start3A_557, %dma_start3A_571, %multiple_of3A_556] : memref<2x8x2560xf32, #tpu.memory_space<vmem>> -> memref<1x8x128xf32, #tpu.memory_space<vmem>>
      %dma_start3A_573 = tpu.memref_squeeze %dma_start3A_572 : memref<1x8x128xf32, #tpu.memory_space<vmem>> -> memref<8x128xf32, #tpu.memory_space<vmem>>
      tpu.enqueue_dma source(%dma_start3A_573 : memref<8x128xf32, #tpu.memory_space<vmem>>) target(%dma_start3A_570 : memref<8x128xf32, #tpu.memory_space<hbm>>) target_semaphore(%arg6 : memref<!tpu.dma_semaphore, #tpu.memory_space<semaphore_mem>>)
      %add3A_574 = arith.constant 1280 : i32
      %add3A_575 = arith.addi %sub3A_52, %add3A_574 : i32
      %multiple_of3A_576 = tpu.assume_multiple %add3A_575, 8 : i32
      %dma_start3A_577 = arith.constant 1 : i32
      %dma_start3A_578 = arith.constant 1 : i32
      %dma_start3A_579 = arith.constant 10 : i32
      %dma_start3A_580 = arith.constant 0 : i32
      %dma_start3A_581 = tpu.memref_slice %arg5[%dma_start3A_577, %dma_start3A_580, %multiple_of3A_576] : memref<2x8x2560xf32, #tpu.memory_space<vmem>> -> memref<1x8x128xf32, #tpu.memory_space<vmem>>
      %dma_start3A_582 = tpu.memref_squeeze %dma_start3A_581 : memref<1x8x128xf32, #tpu.memory_space<vmem>> -> memref<8x128xf32, #tpu.memory_space<vmem>>
      %dma_start3A_583 = arith.constant 0 : i32
      %dma_start3A_584 = arith.constant 0 : i32
      %dma_start3A_585 = tpu.memref_slice %arg3[%add3A_55, %dma_start3A_578, %dma_start3A_579, %dma_start3A_583, %dma_start3A_584] : memref<2048x2x16x8x128xf32, #tpu.memory_space<hbm>> -> memref<1x1x1x8x128xf32, #tpu.memory_space<hbm>>
      %dma_start3A_586 = tpu.memref_squeeze %dma_start3A_585 : memref<1x1x1x8x128xf32, #tpu.memory_space<hbm>> -> memref<8x128xf32, #tpu.memory_space<hbm>>
      %dma_start3A_587 = arith.constant 0 : i32
      %dma_start3A_588 = arith.constant 0 : i32
      %dma_start3A_589 = tpu.memref_slice %arg3[%add3A_55, %dma_start3A_578, %dma_start3A_579, %dma_start3A_587, %dma_start3A_588] : memref<2048x2x16x8x128xf32, #tpu.memory_space<hbm>> -> memref<1x1x1x8x128xf32, #tpu.memory_space<hbm>>
      %dma_start3A_590 = tpu.memref_squeeze %dma_start3A_589 : memref<1x1x1x8x128xf32, #tpu.memory_space<hbm>> -> memref<8x128xf32, #tpu.memory_space<hbm>>
      %dma_start3A_591 = arith.constant 0 : i32
      %dma_start3A_592 = tpu.memref_slice %arg5[%dma_start3A_577, %dma_start3A_591, %multiple_of3A_576] : memref<2x8x2560xf32, #tpu.memory_space<vmem>> -> memref<1x8x128xf32, #tpu.memory_space<vmem>>
      %dma_start3A_593 = tpu.memref_squeeze %dma_start3A_592 : memref<1x8x128xf32, #tpu.memory_space<vmem>> -> memref<8x128xf32, #tpu.memory_space<vmem>>
      tpu.enqueue_dma source(%dma_start3A_593 : memref<8x128xf32, #tpu.memory_space<vmem>>) target(%dma_start3A_590 : memref<8x128xf32, #tpu.memory_space<hbm>>) target_semaphore(%arg6 : memref<!tpu.dma_semaphore, #tpu.memory_space<semaphore_mem>>)
      %add3A_594 = arith.constant 1408 : i32
      %add3A_595 = arith.addi %sub3A_52, %add3A_594 : i32
      %multiple_of3A_596 = tpu.assume_multiple %add3A_595, 8 : i32
      %dma_start3A_597 = arith.constant 1 : i32
      %dma_start3A_598 = arith.constant 1 : i32
      %dma_start3A_599 = arith.constant 11 : i32
      %dma_start3A_600 = arith.constant 0 : i32
      %dma_start3A_601 = tpu.memref_slice %arg5[%dma_start3A_597, %dma_start3A_600, %multiple_of3A_596] : memref<2x8x2560xf32, #tpu.memory_space<vmem>> -> memref<1x8x128xf32, #tpu.memory_space<vmem>>
      %dma_start3A_602 = tpu.memref_squeeze %dma_start3A_601 : memref<1x8x128xf32, #tpu.memory_space<vmem>> -> memref<8x128xf32, #tpu.memory_space<vmem>>
      %dma_start3A_603 = arith.constant 0 : i32
      %dma_start3A_604 = arith.constant 0 : i32
      %dma_start3A_605 = tpu.memref_slice %arg3[%add3A_55, %dma_start3A_598, %dma_start3A_599, %dma_start3A_603, %dma_start3A_604] : memref<2048x2x16x8x128xf32, #tpu.memory_space<hbm>> -> memref<1x1x1x8x128xf32, #tpu.memory_space<hbm>>
      %dma_start3A_606 = tpu.memref_squeeze %dma_start3A_605 : memref<1x1x1x8x128xf32, #tpu.memory_space<hbm>> -> memref<8x128xf32, #tpu.memory_space<hbm>>
      %dma_start3A_607 = arith.constant 0 : i32
      %dma_start3A_608 = arith.constant 0 : i32
      %dma_start3A_609 = tpu.memref_slice %arg3[%add3A_55, %dma_start3A_598, %dma_start3A_599, %dma_start3A_607, %dma_start3A_608] : memref<2048x2x16x8x128xf32, #tpu.memory_space<hbm>> -> memref<1x1x1x8x128xf32, #tpu.memory_space<hbm>>
      %dma_start3A_610 = tpu.memref_squeeze %dma_start3A_609 : memref<1x1x1x8x128xf32, #tpu.memory_space<hbm>> -> memref<8x128xf32, #tpu.memory_space<hbm>>
      %dma_start3A_611 = arith.constant 0 : i32
      %dma_start3A_612 = tpu.memref_slice %arg5[%dma_start3A_597, %dma_start3A_611, %multiple_of3A_596] : memref<2x8x2560xf32, #tpu.memory_space<vmem>> -> memref<1x8x128xf32, #tpu.memory_space<vmem>>
      %dma_start3A_613 = tpu.memref_squeeze %dma_start3A_612 : memref<1x8x128xf32, #tpu.memory_space<vmem>> -> memref<8x128xf32, #tpu.memory_space<vmem>>
      tpu.enqueue_dma source(%dma_start3A_613 : memref<8x128xf32, #tpu.memory_space<vmem>>) target(%dma_start3A_610 : memref<8x128xf32, #tpu.memory_space<hbm>>) target_semaphore(%arg6 : memref<!tpu.dma_semaphore, #tpu.memory_space<semaphore_mem>>)
      %add3A_614 = arith.constant 1536 : i32
      %add3A_615 = arith.addi %sub3A_52, %add3A_614 : i32
      %multiple_of3A_616 = tpu.assume_multiple %add3A_615, 8 : i32
      %dma_start3A_617 = arith.constant 1 : i32
      %dma_start3A_618 = arith.constant 1 : i32
      %dma_start3A_619 = arith.constant 12 : i32
      %dma_start3A_620 = arith.constant 0 : i32
      %dma_start3A_621 = tpu.memref_slice %arg5[%dma_start3A_617, %dma_start3A_620, %multiple_of3A_616] : memref<2x8x2560xf32, #tpu.memory_space<vmem>> -> memref<1x8x128xf32, #tpu.memory_space<vmem>>
      %dma_start3A_622 = tpu.memref_squeeze %dma_start3A_621 : memref<1x8x128xf32, #tpu.memory_space<vmem>> -> memref<8x128xf32, #tpu.memory_space<vmem>>
      %dma_start3A_623 = arith.constant 0 : i32
      %dma_start3A_624 = arith.constant 0 : i32
      %dma_start3A_625 = tpu.memref_slice %arg3[%add3A_55, %dma_start3A_618, %dma_start3A_619, %dma_start3A_623, %dma_start3A_624] : memref<2048x2x16x8x128xf32, #tpu.memory_space<hbm>> -> memref<1x1x1x8x128xf32, #tpu.memory_space<hbm>>
      %dma_start3A_626 = tpu.memref_squeeze %dma_start3A_625 : memref<1x1x1x8x128xf32, #tpu.memory_space<hbm>> -> memref<8x128xf32, #tpu.memory_space<hbm>>
      %dma_start3A_627 = arith.constant 0 : i32
      %dma_start3A_628 = arith.constant 0 : i32
      %dma_start3A_629 = tpu.memref_slice %arg3[%add3A_55, %dma_start3A_618, %dma_start3A_619, %dma_start3A_627, %dma_start3A_628] : memref<2048x2x16x8x128xf32, #tpu.memory_space<hbm>> -> memref<1x1x1x8x128xf32, #tpu.memory_space<hbm>>
      %dma_start3A_630 = tpu.memref_squeeze %dma_start3A_629 : memref<1x1x1x8x128xf32, #tpu.memory_space<hbm>> -> memref<8x128xf32, #tpu.memory_space<hbm>>
      %dma_start3A_631 = arith.constant 0 : i32
      %dma_start3A_632 = tpu.memref_slice %arg5[%dma_start3A_617, %dma_start3A_631, %multiple_of3A_616] : memref<2x8x2560xf32, #tpu.memory_space<vmem>> -> memref<1x8x128xf32, #tpu.memory_space<vmem>>
      %dma_start3A_633 = tpu.memref_squeeze %dma_start3A_632 : memref<1x8x128xf32, #tpu.memory_space<vmem>> -> memref<8x128xf32, #tpu.memory_space<vmem>>
      tpu.enqueue_dma source(%dma_start3A_633 : memref<8x128xf32, #tpu.memory_space<vmem>>) target(%dma_start3A_630 : memref<8x128xf32, #tpu.memory_space<hbm>>) target_semaphore(%arg6 : memref<!tpu.dma_semaphore, #tpu.memory_space<semaphore_mem>>)
      %add3A_634 = arith.constant 1664 : i32
      %add3A_635 = arith.addi %sub3A_52, %add3A_634 : i32
      %multiple_of3A_636 = tpu.assume_multiple %add3A_635, 8 : i32
      %dma_start3A_637 = arith.constant 1 : i32
      %dma_start3A_638 = arith.constant 1 : i32
      %dma_start3A_639 = arith.constant 13 : i32
      %dma_start3A_640 = arith.constant 0 : i32
      %dma_start3A_641 = tpu.memref_slice %arg5[%dma_start3A_637, %dma_start3A_640, %multiple_of3A_636] : memref<2x8x2560xf32, #tpu.memory_space<vmem>> -> memref<1x8x128xf32, #tpu.memory_space<vmem>>
      %dma_start3A_642 = tpu.memref_squeeze %dma_start3A_641 : memref<1x8x128xf32, #tpu.memory_space<vmem>> -> memref<8x128xf32, #tpu.memory_space<vmem>>
      %dma_start3A_643 = arith.constant 0 : i32
      %dma_start3A_644 = arith.constant 0 : i32
      %dma_start3A_645 = tpu.memref_slice %arg3[%add3A_55, %dma_start3A_638, %dma_start3A_639, %dma_start3A_643, %dma_start3A_644] : memref<2048x2x16x8x128xf32, #tpu.memory_space<hbm>> -> memref<1x1x1x8x128xf32, #tpu.memory_space<hbm>>
      %dma_start3A_646 = tpu.memref_squeeze %dma_start3A_645 : memref<1x1x1x8x128xf32, #tpu.memory_space<hbm>> -> memref<8x128xf32, #tpu.memory_space<hbm>>
      %dma_start3A_647 = arith.constant 0 : i32
      %dma_start3A_648 = arith.constant 0 : i32
      %dma_start3A_649 = tpu.memref_slice %arg3[%add3A_55, %dma_start3A_638, %dma_start3A_639, %dma_start3A_647, %dma_start3A_648] : memref<2048x2x16x8x128xf32, #tpu.memory_space<hbm>> -> memref<1x1x1x8x128xf32, #tpu.memory_space<hbm>>
      %dma_start3A_650 = tpu.memref_squeeze %dma_start3A_649 : memref<1x1x1x8x128xf32, #tpu.memory_space<hbm>> -> memref<8x128xf32, #tpu.memory_space<hbm>>
      %dma_start3A_651 = arith.constant 0 : i32
      %dma_start3A_652 = tpu.memref_slice %arg5[%dma_start3A_637, %dma_start3A_651, %multiple_of3A_636] : memref<2x8x2560xf32, #tpu.memory_space<vmem>> -> memref<1x8x128xf32, #tpu.memory_space<vmem>>
      %dma_start3A_653 = tpu.memref_squeeze %dma_start3A_652 : memref<1x8x128xf32, #tpu.memory_space<vmem>> -> memref<8x128xf32, #tpu.memory_space<vmem>>
      tpu.enqueue_dma source(%dma_start3A_653 : memref<8x128xf32, #tpu.memory_space<vmem>>) target(%dma_start3A_650 : memref<8x128xf32, #tpu.memory_space<hbm>>) target_semaphore(%arg6 : memref<!tpu.dma_semaphore, #tpu.memory_space<semaphore_mem>>)
      %add3A_654 = arith.constant 1792 : i32
      %add3A_655 = arith.addi %sub3A_52, %add3A_654 : i32
      %multiple_of3A_656 = tpu.assume_multiple %add3A_655, 8 : i32
      %dma_start3A_657 = arith.constant 1 : i32
      %dma_start3A_658 = arith.constant 1 : i32
      %dma_start3A_659 = arith.constant 14 : i32
      %dma_start3A_660 = arith.constant 0 : i32
      %dma_start3A_661 = tpu.memref_slice %arg5[%dma_start3A_657, %dma_start3A_660, %multiple_of3A_656] : memref<2x8x2560xf32, #tpu.memory_space<vmem>> -> memref<1x8x128xf32, #tpu.memory_space<vmem>>
      %dma_start3A_662 = tpu.memref_squeeze %dma_start3A_661 : memref<1x8x128xf32, #tpu.memory_space<vmem>> -> memref<8x128xf32, #tpu.memory_space<vmem>>
      %dma_start3A_663 = arith.constant 0 : i32
      %dma_start3A_664 = arith.constant 0 : i32
      %dma_start3A_665 = tpu.memref_slice %arg3[%add3A_55, %dma_start3A_658, %dma_start3A_659, %dma_start3A_663, %dma_start3A_664] : memref<2048x2x16x8x128xf32, #tpu.memory_space<hbm>> -> memref<1x1x1x8x128xf32, #tpu.memory_space<hbm>>
      %dma_start3A_666 = tpu.memref_squeeze %dma_start3A_665 : memref<1x1x1x8x128xf32, #tpu.memory_space<hbm>> -> memref<8x128xf32, #tpu.memory_space<hbm>>
      %dma_start3A_667 = arith.constant 0 : i32
      %dma_start3A_668 = arith.constant 0 : i32
      %dma_start3A_669 = tpu.memref_slice %arg3[%add3A_55, %dma_start3A_658, %dma_start3A_659, %dma_start3A_667, %dma_start3A_668] : memref<2048x2x16x8x128xf32, #tpu.memory_space<hbm>> -> memref<1x1x1x8x128xf32, #tpu.memory_space<hbm>>
      %dma_start3A_670 = tpu.memref_squeeze %dma_start3A_669 : memref<1x1x1x8x128xf32, #tpu.memory_space<hbm>> -> memref<8x128xf32, #tpu.memory_space<hbm>>
      %dma_start3A_671 = arith.constant 0 : i32
      %dma_start3A_672 = tpu.memref_slice %arg5[%dma_start3A_657, %dma_start3A_671, %multiple_of3A_656] : memref<2x8x2560xf32, #tpu.memory_space<vmem>> -> memref<1x8x128xf32, #tpu.memory_space<vmem>>
      %dma_start3A_673 = tpu.memref_squeeze %dma_start3A_672 : memref<1x8x128xf32, #tpu.memory_space<vmem>> -> memref<8x128xf32, #tpu.memory_space<vmem>>
      tpu.enqueue_dma source(%dma_start3A_673 : memref<8x128xf32, #tpu.memory_space<vmem>>) target(%dma_start3A_670 : memref<8x128xf32, #tpu.memory_space<hbm>>) target_semaphore(%arg6 : memref<!tpu.dma_semaphore, #tpu.memory_space<semaphore_mem>>)
      %add3A_674 = arith.constant 1920 : i32
      %add3A_675 = arith.addi %sub3A_52, %add3A_674 : i32
      %multiple_of3A_676 = tpu.assume_multiple %add3A_675, 8 : i32
      %dma_start3A_677 = arith.constant 1 : i32
      %dma_start3A_678 = arith.constant 1 : i32
      %dma_start3A_679 = arith.constant 15 : i32
      %dma_start3A_680 = arith.constant 0 : i32
      %dma_start3A_681 = tpu.memref_slice %arg5[%dma_start3A_677, %dma_start3A_680, %multiple_of3A_676] : memref<2x8x2560xf32, #tpu.memory_space<vmem>> -> memref<1x8x128xf32, #tpu.memory_space<vmem>>
      %dma_start3A_682 = tpu.memref_squeeze %dma_start3A_681 : memref<1x8x128xf32, #tpu.memory_space<vmem>> -> memref<8x128xf32, #tpu.memory_space<vmem>>
      %dma_start3A_683 = arith.constant 0 : i32
      %dma_start3A_684 = arith.constant 0 : i32
      %dma_start3A_685 = tpu.memref_slice %arg3[%add3A_55, %dma_start3A_678, %dma_start3A_679, %dma_start3A_683, %dma_start3A_684] : memref<2048x2x16x8x128xf32, #tpu.memory_space<hbm>> -> memref<1x1x1x8x128xf32, #tpu.memory_space<hbm>>
      %dma_start3A_686 = tpu.memref_squeeze %dma_start3A_685 : memref<1x1x1x8x128xf32, #tpu.memory_space<hbm>> -> memref<8x128xf32, #tpu.memory_space<hbm>>
      %dma_start3A_687 = arith.constant 0 : i32
      %dma_start3A_688 = arith.constant 0 : i32
      %dma_start3A_689 = tpu.memref_slice %arg3[%add3A_55, %dma_start3A_678, %dma_start3A_679, %dma_start3A_687, %dma_start3A_688] : memref<2048x2x16x8x128xf32, #tpu.memory_space<hbm>> -> memref<1x1x1x8x128xf32, #tpu.memory_space<hbm>>
      %dma_start3A_690 = tpu.memref_squeeze %dma_start3A_689 : memref<1x1x1x8x128xf32, #tpu.memory_space<hbm>> -> memref<8x128xf32, #tpu.memory_space<hbm>>
      %dma_start3A_691 = arith.constant 0 : i32
      %dma_start3A_692 = tpu.memref_slice %arg5[%dma_start3A_677, %dma_start3A_691, %multiple_of3A_676] : memref<2x8x2560xf32, #tpu.memory_space<vmem>> -> memref<1x8x128xf32, #tpu.memory_space<vmem>>
      %dma_start3A_693 = tpu.memref_squeeze %dma_start3A_692 : memref<1x8x128xf32, #tpu.memory_space<vmem>> -> memref<8x128xf32, #tpu.memory_space<vmem>>
      tpu.enqueue_dma source(%dma_start3A_693 : memref<8x128xf32, #tpu.memory_space<vmem>>) target(%dma_start3A_690 : memref<8x128xf32, #tpu.memory_space<hbm>>) target_semaphore(%arg6 : memref<!tpu.dma_semaphore, #tpu.memory_space<semaphore_mem>>)
      %dma_wait3A = arith.constant 0 : i32
      %dma_wait3A_694 = arith.constant 0 : i32
      %dma_wait3A_695 = arith.constant 0 : i32
      %dma_wait3A_696 = arith.constant 0 : i32
      %dma_wait3A_697 = tpu.memref_slice %arg5[%dma_wait3A, %dma_wait3A_696, %multiple_of3A] : memref<2x8x2560xf32, #tpu.memory_space<vmem>> -> memref<1x8x128xf32, #tpu.memory_space<vmem>>
      %dma_wait3A_698 = tpu.memref_squeeze %dma_wait3A_697 : memref<1x8x128xf32, #tpu.memory_space<vmem>> -> memref<8x128xf32, #tpu.memory_space<vmem>>
      %dma_wait3A_699 = arith.constant 0 : i32
      %dma_wait3A_700 = arith.constant 0 : i32
      %dma_wait3A_701 = tpu.memref_slice %arg3[%add3A_55, %dma_wait3A_694, %dma_wait3A_695, %dma_wait3A_699, %dma_wait3A_700] : memref<2048x2x16x8x128xf32, #tpu.memory_space<hbm>> -> memref<1x1x1x8x128xf32, #tpu.memory_space<hbm>>
      %dma_wait3A_702 = tpu.memref_squeeze %dma_wait3A_701 : memref<1x1x1x8x128xf32, #tpu.memory_space<hbm>> -> memref<8x128xf32, #tpu.memory_space<hbm>>
      %dma_wait3A_703 = arith.constant 0 : i32
      %dma_wait3A_704 = arith.constant 0 : i32
      %dma_wait3A_705 = tpu.memref_slice %arg3[%add3A_55, %dma_wait3A_694, %dma_wait3A_695, %dma_wait3A_703, %dma_wait3A_704] : memref<2048x2x16x8x128xf32, #tpu.memory_space<hbm>> -> memref<1x1x1x8x128xf32, #tpu.memory_space<hbm>>
      %dma_wait3A_706 = tpu.memref_squeeze %dma_wait3A_705 : memref<1x1x1x8x128xf32, #tpu.memory_space<hbm>> -> memref<8x128xf32, #tpu.memory_space<hbm>>
      %dma_wait3A_707 = arith.constant 0 : i32
      %dma_wait3A_708 = tpu.memref_slice %arg5[%dma_wait3A, %dma_wait3A_707, %multiple_of3A] : memref<2x8x2560xf32, #tpu.memory_space<vmem>> -> memref<1x8x128xf32, #tpu.memory_space<vmem>>
      %dma_wait3A_709 = tpu.memref_squeeze %dma_wait3A_708 : memref<1x8x128xf32, #tpu.memory_space<vmem>> -> memref<8x128xf32, #tpu.memory_space<vmem>>
      tpu.wait_dma2 semaphore(%arg6 : memref<!tpu.dma_semaphore, #tpu.memory_space<semaphore_mem>>) src(%dma_wait3A_709 : memref<8x128xf32, #tpu.memory_space<vmem>>) dst(%dma_wait3A_706 : memref<8x128xf32, #tpu.memory_space<hbm>>)
      %dma_wait3A_710 = arith.constant 0 : i32
      %dma_wait3A_711 = arith.constant 0 : i32
      %dma_wait3A_712 = arith.constant 1 : i32
      %dma_wait3A_713 = arith.constant 0 : i32
      %dma_wait3A_714 = tpu.memref_slice %arg5[%dma_wait3A_710, %dma_wait3A_713, %multiple_of3A_76] : memref<2x8x2560xf32, #tpu.memory_space<vmem>> -> memref<1x8x128xf32, #tpu.memory_space<vmem>>
      %dma_wait3A_715 = tpu.memref_squeeze %dma_wait3A_714 : memref<1x8x128xf32, #tpu.memory_space<vmem>> -> memref<8x128xf32, #tpu.memory_space<vmem>>
      %dma_wait3A_716 = arith.constant 0 : i32
      %dma_wait3A_717 = arith.constant 0 : i32
      %dma_wait3A_718 = tpu.memref_slice %arg3[%add3A_55, %dma_wait3A_711, %dma_wait3A_712, %dma_wait3A_716, %dma_wait3A_717] : memref<2048x2x16x8x128xf32, #tpu.memory_space<hbm>> -> memref<1x1x1x8x128xf32, #tpu.memory_space<hbm>>
      %dma_wait3A_719 = tpu.memref_squeeze %dma_wait3A_718 : memref<1x1x1x8x128xf32, #tpu.memory_space<hbm>> -> memref<8x128xf32, #tpu.memory_space<hbm>>
      %dma_wait3A_720 = arith.constant 0 : i32
      %dma_wait3A_721 = arith.constant 0 : i32
      %dma_wait3A_722 = tpu.memref_slice %arg3[%add3A_55, %dma_wait3A_711, %dma_wait3A_712, %dma_wait3A_720, %dma_wait3A_721] : memref<2048x2x16x8x128xf32, #tpu.memory_space<hbm>> -> memref<1x1x1x8x128xf32, #tpu.memory_space<hbm>>
      %dma_wait3A_723 = tpu.memref_squeeze %dma_wait3A_722 : memref<1x1x1x8x128xf32, #tpu.memory_space<hbm>> -> memref<8x128xf32, #tpu.memory_space<hbm>>
      %dma_wait3A_724 = arith.constant 0 : i32
      %dma_wait3A_725 = tpu.memref_slice %arg5[%dma_wait3A_710, %dma_wait3A_724, %multiple_of3A_76] : memref<2x8x2560xf32, #tpu.memory_space<vmem>> -> memref<1x8x128xf32, #tpu.memory_space<vmem>>
      %dma_wait3A_726 = tpu.memref_squeeze %dma_wait3A_725 : memref<1x8x128xf32, #tpu.memory_space<vmem>> -> memref<8x128xf32, #tpu.memory_space<vmem>>
      tpu.wait_dma2 semaphore(%arg6 : memref<!tpu.dma_semaphore, #tpu.memory_space<semaphore_mem>>) src(%dma_wait3A_726 : memref<8x128xf32, #tpu.memory_space<vmem>>) dst(%dma_wait3A_723 : memref<8x128xf32, #tpu.memory_space<hbm>>)
      %dma_wait3A_727 = arith.constant 0 : i32
      %dma_wait3A_728 = arith.constant 0 : i32
      %dma_wait3A_729 = arith.constant 2 : i32
      %dma_wait3A_730 = arith.constant 0 : i32
      %dma_wait3A_731 = tpu.memref_slice %arg5[%dma_wait3A_727, %dma_wait3A_730, %multiple_of3A_96] : memref<2x8x2560xf32, #tpu.memory_space<vmem>> -> memref<1x8x128xf32, #tpu.memory_space<vmem>>
      %dma_wait3A_732 = tpu.memref_squeeze %dma_wait3A_731 : memref<1x8x128xf32, #tpu.memory_space<vmem>> -> memref<8x128xf32, #tpu.memory_space<vmem>>
      %dma_wait3A_733 = arith.constant 0 : i32
      %dma_wait3A_734 = arith.constant 0 : i32
      %dma_wait3A_735 = tpu.memref_slice %arg3[%add3A_55, %dma_wait3A_728, %dma_wait3A_729, %dma_wait3A_733, %dma_wait3A_734] : memref<2048x2x16x8x128xf32, #tpu.memory_space<hbm>> -> memref<1x1x1x8x128xf32, #tpu.memory_space<hbm>>
      %dma_wait3A_736 = tpu.memref_squeeze %dma_wait3A_735 : memref<1x1x1x8x128xf32, #tpu.memory_space<hbm>> -> memref<8x128xf32, #tpu.memory_space<hbm>>
      %dma_wait3A_737 = arith.constant 0 : i32
      %dma_wait3A_738 = arith.constant 0 : i32
      %dma_wait3A_739 = tpu.memref_slice %arg3[%add3A_55, %dma_wait3A_728, %dma_wait3A_729, %dma_wait3A_737, %dma_wait3A_738] : memref<2048x2x16x8x128xf32, #tpu.memory_space<hbm>> -> memref<1x1x1x8x128xf32, #tpu.memory_space<hbm>>
      %dma_wait3A_740 = tpu.memref_squeeze %dma_wait3A_739 : memref<1x1x1x8x128xf32, #tpu.memory_space<hbm>> -> memref<8x128xf32, #tpu.memory_space<hbm>>
      %dma_wait3A_741 = arith.constant 0 : i32
      %dma_wait3A_742 = tpu.memref_slice %arg5[%dma_wait3A_727, %dma_wait3A_741, %multiple_of3A_96] : memref<2x8x2560xf32, #tpu.memory_space<vmem>> -> memref<1x8x128xf32, #tpu.memory_space<vmem>>
      %dma_wait3A_743 = tpu.memref_squeeze %dma_wait3A_742 : memref<1x8x128xf32, #tpu.memory_space<vmem>> -> memref<8x128xf32, #tpu.memory_space<vmem>>
      tpu.wait_dma2 semaphore(%arg6 : memref<!tpu.dma_semaphore, #tpu.memory_space<semaphore_mem>>) src(%dma_wait3A_743 : memref<8x128xf32, #tpu.memory_space<vmem>>) dst(%dma_wait3A_740 : memref<8x128xf32, #tpu.memory_space<hbm>>)
      %dma_wait3A_744 = arith.constant 0 : i32
      %dma_wait3A_745 = arith.constant 0 : i32
      %dma_wait3A_746 = arith.constant 3 : i32
      %dma_wait3A_747 = arith.constant 0 : i32
      %dma_wait3A_748 = tpu.memref_slice %arg5[%dma_wait3A_744, %dma_wait3A_747, %multiple_of3A_116] : memref<2x8x2560xf32, #tpu.memory_space<vmem>> -> memref<1x8x128xf32, #tpu.memory_space<vmem>>
      %dma_wait3A_749 = tpu.memref_squeeze %dma_wait3A_748 : memref<1x8x128xf32, #tpu.memory_space<vmem>> -> memref<8x128xf32, #tpu.memory_space<vmem>>
      %dma_wait3A_750 = arith.constant 0 : i32
      %dma_wait3A_751 = arith.constant 0 : i32
      %dma_wait3A_752 = tpu.memref_slice %arg3[%add3A_55, %dma_wait3A_745, %dma_wait3A_746, %dma_wait3A_750, %dma_wait3A_751] : memref<2048x2x16x8x128xf32, #tpu.memory_space<hbm>> -> memref<1x1x1x8x128xf32, #tpu.memory_space<hbm>>
      %dma_wait3A_753 = tpu.memref_squeeze %dma_wait3A_752 : memref<1x1x1x8x128xf32, #tpu.memory_space<hbm>> -> memref<8x128xf32, #tpu.memory_space<hbm>>
      %dma_wait3A_754 = arith.constant 0 : i32
      %dma_wait3A_755 = arith.constant 0 : i32
      %dma_wait3A_756 = tpu.memref_slice %arg3[%add3A_55, %dma_wait3A_745, %dma_wait3A_746, %dma_wait3A_754, %dma_wait3A_755] : memref<2048x2x16x8x128xf32, #tpu.memory_space<hbm>> -> memref<1x1x1x8x128xf32, #tpu.memory_space<hbm>>
      %dma_wait3A_757 = tpu.memref_squeeze %dma_wait3A_756 : memref<1x1x1x8x128xf32, #tpu.memory_space<hbm>> -> memref<8x128xf32, #tpu.memory_space<hbm>>
      %dma_wait3A_758 = arith.constant 0 : i32
      %dma_wait3A_759 = tpu.memref_slice %arg5[%dma_wait3A_744, %dma_wait3A_758, %multiple_of3A_116] : memref<2x8x2560xf32, #tpu.memory_space<vmem>> -> memref<1x8x128xf32, #tpu.memory_space<vmem>>
      %dma_wait3A_760 = tpu.memref_squeeze %dma_wait3A_759 : memref<1x8x128xf32, #tpu.memory_space<vmem>> -> memref<8x128xf32, #tpu.memory_space<vmem>>
      tpu.wait_dma2 semaphore(%arg6 : memref<!tpu.dma_semaphore, #tpu.memory_space<semaphore_mem>>) src(%dma_wait3A_760 : memref<8x128xf32, #tpu.memory_space<vmem>>) dst(%dma_wait3A_757 : memref<8x128xf32, #tpu.memory_space<hbm>>)
      %dma_wait3A_761 = arith.constant 0 : i32
      %dma_wait3A_762 = arith.constant 0 : i32
      %dma_wait3A_763 = arith.constant 4 : i32
      %dma_wait3A_764 = arith.constant 0 : i32
      %dma_wait3A_765 = tpu.memref_slice %arg5[%dma_wait3A_761, %dma_wait3A_764, %multiple_of3A_136] : memref<2x8x2560xf32, #tpu.memory_space<vmem>> -> memref<1x8x128xf32, #tpu.memory_space<vmem>>
      %dma_wait3A_766 = tpu.memref_squeeze %dma_wait3A_765 : memref<1x8x128xf32, #tpu.memory_space<vmem>> -> memref<8x128xf32, #tpu.memory_space<vmem>>
      %dma_wait3A_767 = arith.constant 0 : i32
      %dma_wait3A_768 = arith.constant 0 : i32
      %dma_wait3A_769 = tpu.memref_slice %arg3[%add3A_55, %dma_wait3A_762, %dma_wait3A_763, %dma_wait3A_767, %dma_wait3A_768] : memref<2048x2x16x8x128xf32, #tpu.memory_space<hbm>> -> memref<1x1x1x8x128xf32, #tpu.memory_space<hbm>>
      %dma_wait3A_770 = tpu.memref_squeeze %dma_wait3A_769 : memref<1x1x1x8x128xf32, #tpu.memory_space<hbm>> -> memref<8x128xf32, #tpu.memory_space<hbm>>
      %dma_wait3A_771 = arith.constant 0 : i32
      %dma_wait3A_772 = arith.constant 0 : i32
      %dma_wait3A_773 = tpu.memref_slice %arg3[%add3A_55, %dma_wait3A_762, %dma_wait3A_763, %dma_wait3A_771, %dma_wait3A_772] : memref<2048x2x16x8x128xf32, #tpu.memory_space<hbm>> -> memref<1x1x1x8x128xf32, #tpu.memory_space<hbm>>
      %dma_wait3A_774 = tpu.memref_squeeze %dma_wait3A_773 : memref<1x1x1x8x128xf32, #tpu.memory_space<hbm>> -> memref<8x128xf32, #tpu.memory_space<hbm>>
      %dma_wait3A_775 = arith.constant 0 : i32
      %dma_wait3A_776 = tpu.memref_slice %arg5[%dma_wait3A_761, %dma_wait3A_775, %multiple_of3A_136] : memref<2x8x2560xf32, #tpu.memory_space<vmem>> -> memref<1x8x128xf32, #tpu.memory_space<vmem>>
      %dma_wait3A_777 = tpu.memref_squeeze %dma_wait3A_776 : memref<1x8x128xf32, #tpu.memory_space<vmem>> -> memref<8x128xf32, #tpu.memory_space<vmem>>
      tpu.wait_dma2 semaphore(%arg6 : memref<!tpu.dma_semaphore, #tpu.memory_space<semaphore_mem>>) src(%dma_wait3A_777 : memref<8x128xf32, #tpu.memory_space<vmem>>) dst(%dma_wait3A_774 : memref<8x128xf32, #tpu.memory_space<hbm>>)
      %dma_wait3A_778 = arith.constant 0 : i32
      %dma_wait3A_779 = arith.constant 0 : i32
      %dma_wait3A_780 = arith.constant 5 : i32
      %dma_wait3A_781 = arith.constant 0 : i32
      %dma_wait3A_782 = tpu.memref_slice %arg5[%dma_wait3A_778, %dma_wait3A_781, %multiple_of3A_156] : memref<2x8x2560xf32, #tpu.memory_space<vmem>> -> memref<1x8x128xf32, #tpu.memory_space<vmem>>
      %dma_wait3A_783 = tpu.memref_squeeze %dma_wait3A_782 : memref<1x8x128xf32, #tpu.memory_space<vmem>> -> memref<8x128xf32, #tpu.memory_space<vmem>>
      %dma_wait3A_784 = arith.constant 0 : i32
      %dma_wait3A_785 = arith.constant 0 : i32
      %dma_wait3A_786 = tpu.memref_slice %arg3[%add3A_55, %dma_wait3A_779, %dma_wait3A_780, %dma_wait3A_784, %dma_wait3A_785] : memref<2048x2x16x8x128xf32, #tpu.memory_space<hbm>> -> memref<1x1x1x8x128xf32, #tpu.memory_space<hbm>>
      %dma_wait3A_787 = tpu.memref_squeeze %dma_wait3A_786 : memref<1x1x1x8x128xf32, #tpu.memory_space<hbm>> -> memref<8x128xf32, #tpu.memory_space<hbm>>
      %dma_wait3A_788 = arith.constant 0 : i32
      %dma_wait3A_789 = arith.constant 0 : i32
      %dma_wait3A_790 = tpu.memref_slice %arg3[%add3A_55, %dma_wait3A_779, %dma_wait3A_780, %dma_wait3A_788, %dma_wait3A_789] : memref<2048x2x16x8x128xf32, #tpu.memory_space<hbm>> -> memref<1x1x1x8x128xf32, #tpu.memory_space<hbm>>
      %dma_wait3A_791 = tpu.memref_squeeze %dma_wait3A_790 : memref<1x1x1x8x128xf32, #tpu.memory_space<hbm>> -> memref<8x128xf32, #tpu.memory_space<hbm>>
      %dma_wait3A_792 = arith.constant 0 : i32
      %dma_wait3A_793 = tpu.memref_slice %arg5[%dma_wait3A_778, %dma_wait3A_792, %multiple_of3A_156] : memref<2x8x2560xf32, #tpu.memory_space<vmem>> -> memref<1x8x128xf32, #tpu.memory_space<vmem>>
      %dma_wait3A_794 = tpu.memref_squeeze %dma_wait3A_793 : memref<1x8x128xf32, #tpu.memory_space<vmem>> -> memref<8x128xf32, #tpu.memory_space<vmem>>
      tpu.wait_dma2 semaphore(%arg6 : memref<!tpu.dma_semaphore, #tpu.memory_space<semaphore_mem>>) src(%dma_wait3A_794 : memref<8x128xf32, #tpu.memory_space<vmem>>) dst(%dma_wait3A_791 : memref<8x128xf32, #tpu.memory_space<hbm>>)
      %dma_wait3A_795 = arith.constant 0 : i32
      %dma_wait3A_796 = arith.constant 0 : i32
      %dma_wait3A_797 = arith.constant 6 : i32
      %dma_wait3A_798 = arith.constant 0 : i32
      %dma_wait3A_799 = tpu.memref_slice %arg5[%dma_wait3A_795, %dma_wait3A_798, %multiple_of3A_176] : memref<2x8x2560xf32, #tpu.memory_space<vmem>> -> memref<1x8x128xf32, #tpu.memory_space<vmem>>
      %dma_wait3A_800 = tpu.memref_squeeze %dma_wait3A_799 : memref<1x8x128xf32, #tpu.memory_space<vmem>> -> memref<8x128xf32, #tpu.memory_space<vmem>>
      %dma_wait3A_801 = arith.constant 0 : i32
      %dma_wait3A_802 = arith.constant 0 : i32
      %dma_wait3A_803 = tpu.memref_slice %arg3[%add3A_55, %dma_wait3A_796, %dma_wait3A_797, %dma_wait3A_801, %dma_wait3A_802] : memref<2048x2x16x8x128xf32, #tpu.memory_space<hbm>> -> memref<1x1x1x8x128xf32, #tpu.memory_space<hbm>>
      %dma_wait3A_804 = tpu.memref_squeeze %dma_wait3A_803 : memref<1x1x1x8x128xf32, #tpu.memory_space<hbm>> -> memref<8x128xf32, #tpu.memory_space<hbm>>
      %dma_wait3A_805 = arith.constant 0 : i32
      %dma_wait3A_806 = arith.constant 0 : i32
      %dma_wait3A_807 = tpu.memref_slice %arg3[%add3A_55, %dma_wait3A_796, %dma_wait3A_797, %dma_wait3A_805, %dma_wait3A_806] : memref<2048x2x16x8x128xf32, #tpu.memory_space<hbm>> -> memref<1x1x1x8x128xf32, #tpu.memory_space<hbm>>
      %dma_wait3A_808 = tpu.memref_squeeze %dma_wait3A_807 : memref<1x1x1x8x128xf32, #tpu.memory_space<hbm>> -> memref<8x128xf32, #tpu.memory_space<hbm>>
      %dma_wait3A_809 = arith.constant 0 : i32
      %dma_wait3A_810 = tpu.memref_slice %arg5[%dma_wait3A_795, %dma_wait3A_809, %multiple_of3A_176] : memref<2x8x2560xf32, #tpu.memory_space<vmem>> -> memref<1x8x128xf32, #tpu.memory_space<vmem>>
      %dma_wait3A_811 = tpu.memref_squeeze %dma_wait3A_810 : memref<1x8x128xf32, #tpu.memory_space<vmem>> -> memref<8x128xf32, #tpu.memory_space<vmem>>
      tpu.wait_dma2 semaphore(%arg6 : memref<!tpu.dma_semaphore, #tpu.memory_space<semaphore_mem>>) src(%dma_wait3A_811 : memref<8x128xf32, #tpu.memory_space<vmem>>) dst(%dma_wait3A_808 : memref<8x128xf32, #tpu.memory_space<hbm>>)
      %dma_wait3A_812 = arith.constant 0 : i32
      %dma_wait3A_813 = arith.constant 0 : i32
      %dma_wait3A_814 = arith.constant 7 : i32
      %dma_wait3A_815 = arith.constant 0 : i32
      %dma_wait3A_816 = tpu.memref_slice %arg5[%dma_wait3A_812, %dma_wait3A_815, %multiple_of3A_196] : memref<2x8x2560xf32, #tpu.memory_space<vmem>> -> memref<1x8x128xf32, #tpu.memory_space<vmem>>
      %dma_wait3A_817 = tpu.memref_squeeze %dma_wait3A_816 : memref<1x8x128xf32, #tpu.memory_space<vmem>> -> memref<8x128xf32, #tpu.memory_space<vmem>>
      %dma_wait3A_818 = arith.constant 0 : i32
      %dma_wait3A_819 = arith.constant 0 : i32
      %dma_wait3A_820 = tpu.memref_slice %arg3[%add3A_55, %dma_wait3A_813, %dma_wait3A_814, %dma_wait3A_818, %dma_wait3A_819] : memref<2048x2x16x8x128xf32, #tpu.memory_space<hbm>> -> memref<1x1x1x8x128xf32, #tpu.memory_space<hbm>>
      %dma_wait3A_821 = tpu.memref_squeeze %dma_wait3A_820 : memref<1x1x1x8x128xf32, #tpu.memory_space<hbm>> -> memref<8x128xf32, #tpu.memory_space<hbm>>
      %dma_wait3A_822 = arith.constant 0 : i32
      %dma_wait3A_823 = arith.constant 0 : i32
      %dma_wait3A_824 = tpu.memref_slice %arg3[%add3A_55, %dma_wait3A_813, %dma_wait3A_814, %dma_wait3A_822, %dma_wait3A_823] : memref<2048x2x16x8x128xf32, #tpu.memory_space<hbm>> -> memref<1x1x1x8x128xf32, #tpu.memory_space<hbm>>
      %dma_wait3A_825 = tpu.memref_squeeze %dma_wait3A_824 : memref<1x1x1x8x128xf32, #tpu.memory_space<hbm>> -> memref<8x128xf32, #tpu.memory_space<hbm>>
      %dma_wait3A_826 = arith.constant 0 : i32
      %dma_wait3A_827 = tpu.memref_slice %arg5[%dma_wait3A_812, %dma_wait3A_826, %multiple_of3A_196] : memref<2x8x2560xf32, #tpu.memory_space<vmem>> -> memref<1x8x128xf32, #tpu.memory_space<vmem>>
      %dma_wait3A_828 = tpu.memref_squeeze %dma_wait3A_827 : memref<1x8x128xf32, #tpu.memory_space<vmem>> -> memref<8x128xf32, #tpu.memory_space<vmem>>
      tpu.wait_dma2 semaphore(%arg6 : memref<!tpu.dma_semaphore, #tpu.memory_space<semaphore_mem>>) src(%dma_wait3A_828 : memref<8x128xf32, #tpu.memory_space<vmem>>) dst(%dma_wait3A_825 : memref<8x128xf32, #tpu.memory_space<hbm>>)
      %dma_wait3A_829 = arith.constant 0 : i32
      %dma_wait3A_830 = arith.constant 0 : i32
      %dma_wait3A_831 = arith.constant 8 : i32
      %dma_wait3A_832 = arith.constant 0 : i32
      %dma_wait3A_833 = tpu.memref_slice %arg5[%dma_wait3A_829, %dma_wait3A_832, %multiple_of3A_216] : memref<2x8x2560xf32, #tpu.memory_space<vmem>> -> memref<1x8x128xf32, #tpu.memory_space<vmem>>
      %dma_wait3A_834 = tpu.memref_squeeze %dma_wait3A_833 : memref<1x8x128xf32, #tpu.memory_space<vmem>> -> memref<8x128xf32, #tpu.memory_space<vmem>>
      %dma_wait3A_835 = arith.constant 0 : i32
      %dma_wait3A_836 = arith.constant 0 : i32
      %dma_wait3A_837 = tpu.memref_slice %arg3[%add3A_55, %dma_wait3A_830, %dma_wait3A_831, %dma_wait3A_835, %dma_wait3A_836] : memref<2048x2x16x8x128xf32, #tpu.memory_space<hbm>> -> memref<1x1x1x8x128xf32, #tpu.memory_space<hbm>>
      %dma_wait3A_838 = tpu.memref_squeeze %dma_wait3A_837 : memref<1x1x1x8x128xf32, #tpu.memory_space<hbm>> -> memref<8x128xf32, #tpu.memory_space<hbm>>
      %dma_wait3A_839 = arith.constant 0 : i32
      %dma_wait3A_840 = arith.constant 0 : i32
      %dma_wait3A_841 = tpu.memref_slice %arg3[%add3A_55, %dma_wait3A_830, %dma_wait3A_831, %dma_wait3A_839, %dma_wait3A_840] : memref<2048x2x16x8x128xf32, #tpu.memory_space<hbm>> -> memref<1x1x1x8x128xf32, #tpu.memory_space<hbm>>
      %dma_wait3A_842 = tpu.memref_squeeze %dma_wait3A_841 : memref<1x1x1x8x128xf32, #tpu.memory_space<hbm>> -> memref<8x128xf32, #tpu.memory_space<hbm>>
      %dma_wait3A_843 = arith.constant 0 : i32
      %dma_wait3A_844 = tpu.memref_slice %arg5[%dma_wait3A_829, %dma_wait3A_843, %multiple_of3A_216] : memref<2x8x2560xf32, #tpu.memory_space<vmem>> -> memref<1x8x128xf32, #tpu.memory_space<vmem>>
      %dma_wait3A_845 = tpu.memref_squeeze %dma_wait3A_844 : memref<1x8x128xf32, #tpu.memory_space<vmem>> -> memref<8x128xf32, #tpu.memory_space<vmem>>
      tpu.wait_dma2 semaphore(%arg6 : memref<!tpu.dma_semaphore, #tpu.memory_space<semaphore_mem>>) src(%dma_wait3A_845 : memref<8x128xf32, #tpu.memory_space<vmem>>) dst(%dma_wait3A_842 : memref<8x128xf32, #tpu.memory_space<hbm>>)
      %dma_wait3A_846 = arith.constant 0 : i32
      %dma_wait3A_847 = arith.constant 0 : i32
      %dma_wait3A_848 = arith.constant 9 : i32
      %dma_wait3A_849 = arith.constant 0 : i32
      %dma_wait3A_850 = tpu.memref_slice %arg5[%dma_wait3A_846, %dma_wait3A_849, %multiple_of3A_236] : memref<2x8x2560xf32, #tpu.memory_space<vmem>> -> memref<1x8x128xf32, #tpu.memory_space<vmem>>
      %dma_wait3A_851 = tpu.memref_squeeze %dma_wait3A_850 : memref<1x8x128xf32, #tpu.memory_space<vmem>> -> memref<8x128xf32, #tpu.memory_space<vmem>>
      %dma_wait3A_852 = arith.constant 0 : i32
      %dma_wait3A_853 = arith.constant 0 : i32
      %dma_wait3A_854 = tpu.memref_slice %arg3[%add3A_55, %dma_wait3A_847, %dma_wait3A_848, %dma_wait3A_852, %dma_wait3A_853] : memref<2048x2x16x8x128xf32, #tpu.memory_space<hbm>> -> memref<1x1x1x8x128xf32, #tpu.memory_space<hbm>>
      %dma_wait3A_855 = tpu.memref_squeeze %dma_wait3A_854 : memref<1x1x1x8x128xf32, #tpu.memory_space<hbm>> -> memref<8x128xf32, #tpu.memory_space<hbm>>
      %dma_wait3A_856 = arith.constant 0 : i32
      %dma_wait3A_857 = arith.constant 0 : i32
      %dma_wait3A_858 = tpu.memref_slice %arg3[%add3A_55, %dma_wait3A_847, %dma_wait3A_848, %dma_wait3A_856, %dma_wait3A_857] : memref<2048x2x16x8x128xf32, #tpu.memory_space<hbm>> -> memref<1x1x1x8x128xf32, #tpu.memory_space<hbm>>
      %dma_wait3A_859 = tpu.memref_squeeze %dma_wait3A_858 : memref<1x1x1x8x128xf32, #tpu.memory_space<hbm>> -> memref<8x128xf32, #tpu.memory_space<hbm>>
      %dma_wait3A_860 = arith.constant 0 : i32
      %dma_wait3A_861 = tpu.memref_slice %arg5[%dma_wait3A_846, %dma_wait3A_860, %multiple_of3A_236] : memref<2x8x2560xf32, #tpu.memory_space<vmem>> -> memref<1x8x128xf32, #tpu.memory_space<vmem>>
      %dma_wait3A_862 = tpu.memref_squeeze %dma_wait3A_861 : memref<1x8x128xf32, #tpu.memory_space<vmem>> -> memref<8x128xf32, #tpu.memory_space<vmem>>
      tpu.wait_dma2 semaphore(%arg6 : memref<!tpu.dma_semaphore, #tpu.memory_space<semaphore_mem>>) src(%dma_wait3A_862 : memref<8x128xf32, #tpu.memory_space<vmem>>) dst(%dma_wait3A_859 : memref<8x128xf32, #tpu.memory_space<hbm>>)
      %dma_wait3A_863 = arith.constant 0 : i32
      %dma_wait3A_864 = arith.constant 0 : i32
      %dma_wait3A_865 = arith.constant 10 : i32
      %dma_wait3A_866 = arith.constant 0 : i32
      %dma_wait3A_867 = tpu.memref_slice %arg5[%dma_wait3A_863, %dma_wait3A_866, %multiple_of3A_256] : memref<2x8x2560xf32, #tpu.memory_space<vmem>> -> memref<1x8x128xf32, #tpu.memory_space<vmem>>
      %dma_wait3A_868 = tpu.memref_squeeze %dma_wait3A_867 : memref<1x8x128xf32, #tpu.memory_space<vmem>> -> memref<8x128xf32, #tpu.memory_space<vmem>>
      %dma_wait3A_869 = arith.constant 0 : i32
      %dma_wait3A_870 = arith.constant 0 : i32
      %dma_wait3A_871 = tpu.memref_slice %arg3[%add3A_55, %dma_wait3A_864, %dma_wait3A_865, %dma_wait3A_869, %dma_wait3A_870] : memref<2048x2x16x8x128xf32, #tpu.memory_space<hbm>> -> memref<1x1x1x8x128xf32, #tpu.memory_space<hbm>>
      %dma_wait3A_872 = tpu.memref_squeeze %dma_wait3A_871 : memref<1x1x1x8x128xf32, #tpu.memory_space<hbm>> -> memref<8x128xf32, #tpu.memory_space<hbm>>
      %dma_wait3A_873 = arith.constant 0 : i32
      %dma_wait3A_874 = arith.constant 0 : i32
      %dma_wait3A_875 = tpu.memref_slice %arg3[%add3A_55, %dma_wait3A_864, %dma_wait3A_865, %dma_wait3A_873, %dma_wait3A_874] : memref<2048x2x16x8x128xf32, #tpu.memory_space<hbm>> -> memref<1x1x1x8x128xf32, #tpu.memory_space<hbm>>
      %dma_wait3A_876 = tpu.memref_squeeze %dma_wait3A_875 : memref<1x1x1x8x128xf32, #tpu.memory_space<hbm>> -> memref<8x128xf32, #tpu.memory_space<hbm>>
      %dma_wait3A_877 = arith.constant 0 : i32
      %dma_wait3A_878 = tpu.memref_slice %arg5[%dma_wait3A_863, %dma_wait3A_877, %multiple_of3A_256] : memref<2x8x2560xf32, #tpu.memory_space<vmem>> -> memref<1x8x128xf32, #tpu.memory_space<vmem>>
      %dma_wait3A_879 = tpu.memref_squeeze %dma_wait3A_878 : memref<1x8x128xf32, #tpu.memory_space<vmem>> -> memref<8x128xf32, #tpu.memory_space<vmem>>
      tpu.wait_dma2 semaphore(%arg6 : memref<!tpu.dma_semaphore, #tpu.memory_space<semaphore_mem>>) src(%dma_wait3A_879 : memref<8x128xf32, #tpu.memory_space<vmem>>) dst(%dma_wait3A_876 : memref<8x128xf32, #tpu.memory_space<hbm>>)
      %dma_wait3A_880 = arith.constant 0 : i32
      %dma_wait3A_881 = arith.constant 0 : i32
      %dma_wait3A_882 = arith.constant 11 : i32
      %dma_wait3A_883 = arith.constant 0 : i32
      %dma_wait3A_884 = tpu.memref_slice %arg5[%dma_wait3A_880, %dma_wait3A_883, %multiple_of3A_276] : memref<2x8x2560xf32, #tpu.memory_space<vmem>> -> memref<1x8x128xf32, #tpu.memory_space<vmem>>
      %dma_wait3A_885 = tpu.memref_squeeze %dma_wait3A_884 : memref<1x8x128xf32, #tpu.memory_space<vmem>> -> memref<8x128xf32, #tpu.memory_space<vmem>>
      %dma_wait3A_886 = arith.constant 0 : i32
      %dma_wait3A_887 = arith.constant 0 : i32
      %dma_wait3A_888 = tpu.memref_slice %arg3[%add3A_55, %dma_wait3A_881, %dma_wait3A_882, %dma_wait3A_886, %dma_wait3A_887] : memref<2048x2x16x8x128xf32, #tpu.memory_space<hbm>> -> memref<1x1x1x8x128xf32, #tpu.memory_space<hbm>>
      %dma_wait3A_889 = tpu.memref_squeeze %dma_wait3A_888 : memref<1x1x1x8x128xf32, #tpu.memory_space<hbm>> -> memref<8x128xf32, #tpu.memory_space<hbm>>
      %dma_wait3A_890 = arith.constant 0 : i32
      %dma_wait3A_891 = arith.constant 0 : i32
      %dma_wait3A_892 = tpu.memref_slice %arg3[%add3A_55, %dma_wait3A_881, %dma_wait3A_882, %dma_wait3A_890, %dma_wait3A_891] : memref<2048x2x16x8x128xf32, #tpu.memory_space<hbm>> -> memref<1x1x1x8x128xf32, #tpu.memory_space<hbm>>
      %dma_wait3A_893 = tpu.memref_squeeze %dma_wait3A_892 : memref<1x1x1x8x128xf32, #tpu.memory_space<hbm>> -> memref<8x128xf32, #tpu.memory_space<hbm>>
      %dma_wait3A_894 = arith.constant 0 : i32
      %dma_wait3A_895 = tpu.memref_slice %arg5[%dma_wait3A_880, %dma_wait3A_894, %multiple_of3A_276] : memref<2x8x2560xf32, #tpu.memory_space<vmem>> -> memref<1x8x128xf32, #tpu.memory_space<vmem>>
      %dma_wait3A_896 = tpu.memref_squeeze %dma_wait3A_895 : memref<1x8x128xf32, #tpu.memory_space<vmem>> -> memref<8x128xf32, #tpu.memory_space<vmem>>
      tpu.wait_dma2 semaphore(%arg6 : memref<!tpu.dma_semaphore, #tpu.memory_space<semaphore_mem>>) src(%dma_wait3A_896 : memref<8x128xf32, #tpu.memory_space<vmem>>) dst(%dma_wait3A_893 : memref<8x128xf32, #tpu.memory_space<hbm>>)
      %dma_wait3A_897 = arith.constant 0 : i32
      %dma_wait3A_898 = arith.constant 0 : i32
      %dma_wait3A_899 = arith.constant 12 : i32
      %dma_wait3A_900 = arith.constant 0 : i32
      %dma_wait3A_901 = tpu.memref_slice %arg5[%dma_wait3A_897, %dma_wait3A_900, %multiple_of3A_296] : memref<2x8x2560xf32, #tpu.memory_space<vmem>> -> memref<1x8x128xf32, #tpu.memory_space<vmem>>
      %dma_wait3A_902 = tpu.memref_squeeze %dma_wait3A_901 : memref<1x8x128xf32, #tpu.memory_space<vmem>> -> memref<8x128xf32, #tpu.memory_space<vmem>>
      %dma_wait3A_903 = arith.constant 0 : i32
      %dma_wait3A_904 = arith.constant 0 : i32
      %dma_wait3A_905 = tpu.memref_slice %arg3[%add3A_55, %dma_wait3A_898, %dma_wait3A_899, %dma_wait3A_903, %dma_wait3A_904] : memref<2048x2x16x8x128xf32, #tpu.memory_space<hbm>> -> memref<1x1x1x8x128xf32, #tpu.memory_space<hbm>>
      %dma_wait3A_906 = tpu.memref_squeeze %dma_wait3A_905 : memref<1x1x1x8x128xf32, #tpu.memory_space<hbm>> -> memref<8x128xf32, #tpu.memory_space<hbm>>
      %dma_wait3A_907 = arith.constant 0 : i32
      %dma_wait3A_908 = arith.constant 0 : i32
      %dma_wait3A_909 = tpu.memref_slice %arg3[%add3A_55, %dma_wait3A_898, %dma_wait3A_899, %dma_wait3A_907, %dma_wait3A_908] : memref<2048x2x16x8x128xf32, #tpu.memory_space<hbm>> -> memref<1x1x1x8x128xf32, #tpu.memory_space<hbm>>
      %dma_wait3A_910 = tpu.memref_squeeze %dma_wait3A_909 : memref<1x1x1x8x128xf32, #tpu.memory_space<hbm>> -> memref<8x128xf32, #tpu.memory_space<hbm>>
      %dma_wait3A_911 = arith.constant 0 : i32
      %dma_wait3A_912 = tpu.memref_slice %arg5[%dma_wait3A_897, %dma_wait3A_911, %multiple_of3A_296] : memref<2x8x2560xf32, #tpu.memory_space<vmem>> -> memref<1x8x128xf32, #tpu.memory_space<vmem>>
      %dma_wait3A_913 = tpu.memref_squeeze %dma_wait3A_912 : memref<1x8x128xf32, #tpu.memory_space<vmem>> -> memref<8x128xf32, #tpu.memory_space<vmem>>
      tpu.wait_dma2 semaphore(%arg6 : memref<!tpu.dma_semaphore, #tpu.memory_space<semaphore_mem>>) src(%dma_wait3A_913 : memref<8x128xf32, #tpu.memory_space<vmem>>) dst(%dma_wait3A_910 : memref<8x128xf32, #tpu.memory_space<hbm>>)
      %dma_wait3A_914 = arith.constant 0 : i32
      %dma_wait3A_915 = arith.constant 0 : i32
      %dma_wait3A_916 = arith.constant 13 : i32
      %dma_wait3A_917 = arith.constant 0 : i32
      %dma_wait3A_918 = tpu.memref_slice %arg5[%dma_wait3A_914, %dma_wait3A_917, %multiple_of3A_316] : memref<2x8x2560xf32, #tpu.memory_space<vmem>> -> memref<1x8x128xf32, #tpu.memory_space<vmem>>
      %dma_wait3A_919 = tpu.memref_squeeze %dma_wait3A_918 : memref<1x8x128xf32, #tpu.memory_space<vmem>> -> memref<8x128xf32, #tpu.memory_space<vmem>>
      %dma_wait3A_920 = arith.constant 0 : i32
      %dma_wait3A_921 = arith.constant 0 : i32
      %dma_wait3A_922 = tpu.memref_slice %arg3[%add3A_55, %dma_wait3A_915, %dma_wait3A_916, %dma_wait3A_920, %dma_wait3A_921] : memref<2048x2x16x8x128xf32, #tpu.memory_space<hbm>> -> memref<1x1x1x8x128xf32, #tpu.memory_space<hbm>>
      %dma_wait3A_923 = tpu.memref_squeeze %dma_wait3A_922 : memref<1x1x1x8x128xf32, #tpu.memory_space<hbm>> -> memref<8x128xf32, #tpu.memory_space<hbm>>
      %dma_wait3A_924 = arith.constant 0 : i32
      %dma_wait3A_925 = arith.constant 0 : i32
      %dma_wait3A_926 = tpu.memref_slice %arg3[%add3A_55, %dma_wait3A_915, %dma_wait3A_916, %dma_wait3A_924, %dma_wait3A_925] : memref<2048x2x16x8x128xf32, #tpu.memory_space<hbm>> -> memref<1x1x1x8x128xf32, #tpu.memory_space<hbm>>
      %dma_wait3A_927 = tpu.memref_squeeze %dma_wait3A_926 : memref<1x1x1x8x128xf32, #tpu.memory_space<hbm>> -> memref<8x128xf32, #tpu.memory_space<hbm>>
      %dma_wait3A_928 = arith.constant 0 : i32
      %dma_wait3A_929 = tpu.memref_slice %arg5[%dma_wait3A_914, %dma_wait3A_928, %multiple_of3A_316] : memref<2x8x2560xf32, #tpu.memory_space<vmem>> -> memref<1x8x128xf32, #tpu.memory_space<vmem>>
      %dma_wait3A_930 = tpu.memref_squeeze %dma_wait3A_929 : memref<1x8x128xf32, #tpu.memory_space<vmem>> -> memref<8x128xf32, #tpu.memory_space<vmem>>
      tpu.wait_dma2 semaphore(%arg6 : memref<!tpu.dma_semaphore, #tpu.memory_space<semaphore_mem>>) src(%dma_wait3A_930 : memref<8x128xf32, #tpu.memory_space<vmem>>) dst(%dma_wait3A_927 : memref<8x128xf32, #tpu.memory_space<hbm>>)
      %dma_wait3A_931 = arith.constant 0 : i32
      %dma_wait3A_932 = arith.constant 0 : i32
      %dma_wait3A_933 = arith.constant 14 : i32
      %dma_wait3A_934 = arith.constant 0 : i32
      %dma_wait3A_935 = tpu.memref_slice %arg5[%dma_wait3A_931, %dma_wait3A_934, %multiple_of3A_336] : memref<2x8x2560xf32, #tpu.memory_space<vmem>> -> memref<1x8x128xf32, #tpu.memory_space<vmem>>
      %dma_wait3A_936 = tpu.memref_squeeze %dma_wait3A_935 : memref<1x8x128xf32, #tpu.memory_space<vmem>> -> memref<8x128xf32, #tpu.memory_space<vmem>>
      %dma_wait3A_937 = arith.constant 0 : i32
      %dma_wait3A_938 = arith.constant 0 : i32
      %dma_wait3A_939 = tpu.memref_slice %arg3[%add3A_55, %dma_wait3A_932, %dma_wait3A_933, %dma_wait3A_937, %dma_wait3A_938] : memref<2048x2x16x8x128xf32, #tpu.memory_space<hbm>> -> memref<1x1x1x8x128xf32, #tpu.memory_space<hbm>>
      %dma_wait3A_940 = tpu.memref_squeeze %dma_wait3A_939 : memref<1x1x1x8x128xf32, #tpu.memory_space<hbm>> -> memref<8x128xf32, #tpu.memory_space<hbm>>
      %dma_wait3A_941 = arith.constant 0 : i32
      %dma_wait3A_942 = arith.constant 0 : i32
      %dma_wait3A_943 = tpu.memref_slice %arg3[%add3A_55, %dma_wait3A_932, %dma_wait3A_933, %dma_wait3A_941, %dma_wait3A_942] : memref<2048x2x16x8x128xf32, #tpu.memory_space<hbm>> -> memref<1x1x1x8x128xf32, #tpu.memory_space<hbm>>
      %dma_wait3A_944 = tpu.memref_squeeze %dma_wait3A_943 : memref<1x1x1x8x128xf32, #tpu.memory_space<hbm>> -> memref<8x128xf32, #tpu.memory_space<hbm>>
      %dma_wait3A_945 = arith.constant 0 : i32
      %dma_wait3A_946 = tpu.memref_slice %arg5[%dma_wait3A_931, %dma_wait3A_945, %multiple_of3A_336] : memref<2x8x2560xf32, #tpu.memory_space<vmem>> -> memref<1x8x128xf32, #tpu.memory_space<vmem>>
      %dma_wait3A_947 = tpu.memref_squeeze %dma_wait3A_946 : memref<1x8x128xf32, #tpu.memory_space<vmem>> -> memref<8x128xf32, #tpu.memory_space<vmem>>
      tpu.wait_dma2 semaphore(%arg6 : memref<!tpu.dma_semaphore, #tpu.memory_space<semaphore_mem>>) src(%dma_wait3A_947 : memref<8x128xf32, #tpu.memory_space<vmem>>) dst(%dma_wait3A_944 : memref<8x128xf32, #tpu.memory_space<hbm>>)
      %dma_wait3A_948 = arith.constant 0 : i32
      %dma_wait3A_949 = arith.constant 0 : i32
      %dma_wait3A_950 = arith.constant 15 : i32
      %dma_wait3A_951 = arith.constant 0 : i32
      %dma_wait3A_952 = tpu.memref_slice %arg5[%dma_wait3A_948, %dma_wait3A_951, %multiple_of3A_356] : memref<2x8x2560xf32, #tpu.memory_space<vmem>> -> memref<1x8x128xf32, #tpu.memory_space<vmem>>
      %dma_wait3A_953 = tpu.memref_squeeze %dma_wait3A_952 : memref<1x8x128xf32, #tpu.memory_space<vmem>> -> memref<8x128xf32, #tpu.memory_space<vmem>>
      %dma_wait3A_954 = arith.constant 0 : i32
      %dma_wait3A_955 = arith.constant 0 : i32
      %dma_wait3A_956 = tpu.memref_slice %arg3[%add3A_55, %dma_wait3A_949, %dma_wait3A_950, %dma_wait3A_954, %dma_wait3A_955] : memref<2048x2x16x8x128xf32, #tpu.memory_space<hbm>> -> memref<1x1x1x8x128xf32, #tpu.memory_space<hbm>>
      %dma_wait3A_957 = tpu.memref_squeeze %dma_wait3A_956 : memref<1x1x1x8x128xf32, #tpu.memory_space<hbm>> -> memref<8x128xf32, #tpu.memory_space<hbm>>
      %dma_wait3A_958 = arith.constant 0 : i32
      %dma_wait3A_959 = arith.constant 0 : i32
      %dma_wait3A_960 = tpu.memref_slice %arg3[%add3A_55, %dma_wait3A_949, %dma_wait3A_950, %dma_wait3A_958, %dma_wait3A_959] : memref<2048x2x16x8x128xf32, #tpu.memory_space<hbm>> -> memref<1x1x1x8x128xf32, #tpu.memory_space<hbm>>
      %dma_wait3A_961 = tpu.memref_squeeze %dma_wait3A_960 : memref<1x1x1x8x128xf32, #tpu.memory_space<hbm>> -> memref<8x128xf32, #tpu.memory_space<hbm>>
      %dma_wait3A_962 = arith.constant 0 : i32
      %dma_wait3A_963 = tpu.memref_slice %arg5[%dma_wait3A_948, %dma_wait3A_962, %multiple_of3A_356] : memref<2x8x2560xf32, #tpu.memory_space<vmem>> -> memref<1x8x128xf32, #tpu.memory_space<vmem>>
      %dma_wait3A_964 = tpu.memref_squeeze %dma_wait3A_963 : memref<1x8x128xf32, #tpu.memory_space<vmem>> -> memref<8x128xf32, #tpu.memory_space<vmem>>
      tpu.wait_dma2 semaphore(%arg6 : memref<!tpu.dma_semaphore, #tpu.memory_space<semaphore_mem>>) src(%dma_wait3A_964 : memref<8x128xf32, #tpu.memory_space<vmem>>) dst(%dma_wait3A_961 : memref<8x128xf32, #tpu.memory_space<hbm>>)
      %dma_wait3A_965 = arith.constant 1 : i32
      %dma_wait3A_966 = arith.constant 1 : i32
      %dma_wait3A_967 = arith.constant 0 : i32
      %dma_wait3A_968 = arith.constant 0 : i32
      %dma_wait3A_969 = tpu.memref_slice %arg5[%dma_wait3A_965, %dma_wait3A_968, %multiple_of3A_376] : memref<2x8x2560xf32, #tpu.memory_space<vmem>> -> memref<1x8x128xf32, #tpu.memory_space<vmem>>
      %dma_wait3A_970 = tpu.memref_squeeze %dma_wait3A_969 : memref<1x8x128xf32, #tpu.memory_space<vmem>> -> memref<8x128xf32, #tpu.memory_space<vmem>>
      %dma_wait3A_971 = arith.constant 0 : i32
      %dma_wait3A_972 = arith.constant 0 : i32
      %dma_wait3A_973 = tpu.memref_slice %arg3[%add3A_55, %dma_wait3A_966, %dma_wait3A_967, %dma_wait3A_971, %dma_wait3A_972] : memref<2048x2x16x8x128xf32, #tpu.memory_space<hbm>> -> memref<1x1x1x8x128xf32, #tpu.memory_space<hbm>>
      %dma_wait3A_974 = tpu.memref_squeeze %dma_wait3A_973 : memref<1x1x1x8x128xf32, #tpu.memory_space<hbm>> -> memref<8x128xf32, #tpu.memory_space<hbm>>
      %dma_wait3A_975 = arith.constant 0 : i32
      %dma_wait3A_976 = arith.constant 0 : i32
      %dma_wait3A_977 = tpu.memref_slice %arg3[%add3A_55, %dma_wait3A_966, %dma_wait3A_967, %dma_wait3A_975, %dma_wait3A_976] : memref<2048x2x16x8x128xf32, #tpu.memory_space<hbm>> -> memref<1x1x1x8x128xf32, #tpu.memory_space<hbm>>
      %dma_wait3A_978 = tpu.memref_squeeze %dma_wait3A_977 : memref<1x1x1x8x128xf32, #tpu.memory_space<hbm>> -> memref<8x128xf32, #tpu.memory_space<hbm>>
      %dma_wait3A_979 = arith.constant 0 : i32
      %dma_wait3A_980 = tpu.memref_slice %arg5[%dma_wait3A_965, %dma_wait3A_979, %multiple_of3A_376] : memref<2x8x2560xf32, #tpu.memory_space<vmem>> -> memref<1x8x128xf32, #tpu.memory_space<vmem>>
      %dma_wait3A_981 = tpu.memref_squeeze %dma_wait3A_980 : memref<1x8x128xf32, #tpu.memory_space<vmem>> -> memref<8x128xf32, #tpu.memory_space<vmem>>
      tpu.wait_dma2 semaphore(%arg6 : memref<!tpu.dma_semaphore, #tpu.memory_space<semaphore_mem>>) src(%dma_wait3A_981 : memref<8x128xf32, #tpu.memory_space<vmem>>) dst(%dma_wait3A_978 : memref<8x128xf32, #tpu.memory_space<hbm>>)
      %dma_wait3A_982 = arith.constant 1 : i32
      %dma_wait3A_983 = arith.constant 1 : i32
      %dma_wait3A_984 = arith.constant 1 : i32
      %dma_wait3A_985 = arith.constant 0 : i32
      %dma_wait3A_986 = tpu.memref_slice %arg5[%dma_wait3A_982, %dma_wait3A_985, %multiple_of3A_396] : memref<2x8x2560xf32, #tpu.memory_space<vmem>> -> memref<1x8x128xf32, #tpu.memory_space<vmem>>
      %dma_wait3A_987 = tpu.memref_squeeze %dma_wait3A_986 : memref<1x8x128xf32, #tpu.memory_space<vmem>> -> memref<8x128xf32, #tpu.memory_space<vmem>>
      %dma_wait3A_988 = arith.constant 0 : i32
      %dma_wait3A_989 = arith.constant 0 : i32
      %dma_wait3A_990 = tpu.memref_slice %arg3[%add3A_55, %dma_wait3A_983, %dma_wait3A_984, %dma_wait3A_988, %dma_wait3A_989] : memref<2048x2x16x8x128xf32, #tpu.memory_space<hbm>> -> memref<1x1x1x8x128xf32, #tpu.memory_space<hbm>>
      %dma_wait3A_991 = tpu.memref_squeeze %dma_wait3A_990 : memref<1x1x1x8x128xf32, #tpu.memory_space<hbm>> -> memref<8x128xf32, #tpu.memory_space<hbm>>
      %dma_wait3A_992 = arith.constant 0 : i32
      %dma_wait3A_993 = arith.constant 0 : i32
      %dma_wait3A_994 = tpu.memref_slice %arg3[%add3A_55, %dma_wait3A_983, %dma_wait3A_984, %dma_wait3A_992, %dma_wait3A_993] : memref<2048x2x16x8x128xf32, #tpu.memory_space<hbm>> -> memref<1x1x1x8x128xf32, #tpu.memory_space<hbm>>
      %dma_wait3A_995 = tpu.memref_squeeze %dma_wait3A_994 : memref<1x1x1x8x128xf32, #tpu.memory_space<hbm>> -> memref<8x128xf32, #tpu.memory_space<hbm>>
      %dma_wait3A_996 = arith.constant 0 : i32
      %dma_wait3A_997 = tpu.memref_slice %arg5[%dma_wait3A_982, %dma_wait3A_996, %multiple_of3A_396] : memref<2x8x2560xf32, #tpu.memory_space<vmem>> -> memref<1x8x128xf32, #tpu.memory_space<vmem>>
      %dma_wait3A_998 = tpu.memref_squeeze %dma_wait3A_997 : memref<1x8x128xf32, #tpu.memory_space<vmem>> -> memref<8x128xf32, #tpu.memory_space<vmem>>
      tpu.wait_dma2 semaphore(%arg6 : memref<!tpu.dma_semaphore, #tpu.memory_space<semaphore_mem>>) src(%dma_wait3A_998 : memref<8x128xf32, #tpu.memory_space<vmem>>) dst(%dma_wait3A_995 : memref<8x128xf32, #tpu.memory_space<hbm>>)
      %dma_wait3A_999 = arith.constant 1 : i32
      %dma_wait3A_1000 = arith.constant 1 : i32
      %dma_wait3A_1001 = arith.constant 2 : i32
      %dma_wait3A_1002 = arith.constant 0 : i32
      %dma_wait3A_1003 = tpu.memref_slice %arg5[%dma_wait3A_999, %dma_wait3A_1002, %multiple_of3A_416] : memref<2x8x2560xf32, #tpu.memory_space<vmem>> -> memref<1x8x128xf32, #tpu.memory_space<vmem>>
      %dma_wait3A_1004 = tpu.memref_squeeze %dma_wait3A_1003 : memref<1x8x128xf32, #tpu.memory_space<vmem>> -> memref<8x128xf32, #tpu.memory_space<vmem>>
      %dma_wait3A_1005 = arith.constant 0 : i32
      %dma_wait3A_1006 = arith.constant 0 : i32
      %dma_wait3A_1007 = tpu.memref_slice %arg3[%add3A_55, %dma_wait3A_1000, %dma_wait3A_1001, %dma_wait3A_1005, %dma_wait3A_1006] : memref<2048x2x16x8x128xf32, #tpu.memory_space<hbm>> -> memref<1x1x1x8x128xf32, #tpu.memory_space<hbm>>
      %dma_wait3A_1008 = tpu.memref_squeeze %dma_wait3A_1007 : memref<1x1x1x8x128xf32, #tpu.memory_space<hbm>> -> memref<8x128xf32, #tpu.memory_space<hbm>>
      %dma_wait3A_1009 = arith.constant 0 : i32
      %dma_wait3A_1010 = arith.constant 0 : i32
      %dma_wait3A_1011 = tpu.memref_slice %arg3[%add3A_55, %dma_wait3A_1000, %dma_wait3A_1001, %dma_wait3A_1009, %dma_wait3A_1010] : memref<2048x2x16x8x128xf32, #tpu.memory_space<hbm>> -> memref<1x1x1x8x128xf32, #tpu.memory_space<hbm>>
      %dma_wait3A_1012 = tpu.memref_squeeze %dma_wait3A_1011 : memref<1x1x1x8x128xf32, #tpu.memory_space<hbm>> -> memref<8x128xf32, #tpu.memory_space<hbm>>
      %dma_wait3A_1013 = arith.constant 0 : i32
      %dma_wait3A_1014 = tpu.memref_slice %arg5[%dma_wait3A_999, %dma_wait3A_1013, %multiple_of3A_416] : memref<2x8x2560xf32, #tpu.memory_space<vmem>> -> memref<1x8x128xf32, #tpu.memory_space<vmem>>
      %dma_wait3A_1015 = tpu.memref_squeeze %dma_wait3A_1014 : memref<1x8x128xf32, #tpu.memory_space<vmem>> -> memref<8x128xf32, #tpu.memory_space<vmem>>
      tpu.wait_dma2 semaphore(%arg6 : memref<!tpu.dma_semaphore, #tpu.memory_space<semaphore_mem>>) src(%dma_wait3A_1015 : memref<8x128xf32, #tpu.memory_space<vmem>>) dst(%dma_wait3A_1012 : memref<8x128xf32, #tpu.memory_space<hbm>>)
      %dma_wait3A_1016 = arith.constant 1 : i32
      %dma_wait3A_1017 = arith.constant 1 : i32
      %dma_wait3A_1018 = arith.constant 3 : i32
      %dma_wait3A_1019 = arith.constant 0 : i32
      %dma_wait3A_1020 = tpu.memref_slice %arg5[%dma_wait3A_1016, %dma_wait3A_1019, %multiple_of3A_436] : memref<2x8x2560xf32, #tpu.memory_space<vmem>> -> memref<1x8x128xf32, #tpu.memory_space<vmem>>
      %dma_wait3A_1021 = tpu.memref_squeeze %dma_wait3A_1020 : memref<1x8x128xf32, #tpu.memory_space<vmem>> -> memref<8x128xf32, #tpu.memory_space<vmem>>
      %dma_wait3A_1022 = arith.constant 0 : i32
      %dma_wait3A_1023 = arith.constant 0 : i32
      %dma_wait3A_1024 = tpu.memref_slice %arg3[%add3A_55, %dma_wait3A_1017, %dma_wait3A_1018, %dma_wait3A_1022, %dma_wait3A_1023] : memref<2048x2x16x8x128xf32, #tpu.memory_space<hbm>> -> memref<1x1x1x8x128xf32, #tpu.memory_space<hbm>>
      %dma_wait3A_1025 = tpu.memref_squeeze %dma_wait3A_1024 : memref<1x1x1x8x128xf32, #tpu.memory_space<hbm>> -> memref<8x128xf32, #tpu.memory_space<hbm>>
      %dma_wait3A_1026 = arith.constant 0 : i32
      %dma_wait3A_1027 = arith.constant 0 : i32
      %dma_wait3A_1028 = tpu.memref_slice %arg3[%add3A_55, %dma_wait3A_1017, %dma_wait3A_1018, %dma_wait3A_1026, %dma_wait3A_1027] : memref<2048x2x16x8x128xf32, #tpu.memory_space<hbm>> -> memref<1x1x1x8x128xf32, #tpu.memory_space<hbm>>
      %dma_wait3A_1029 = tpu.memref_squeeze %dma_wait3A_1028 : memref<1x1x1x8x128xf32, #tpu.memory_space<hbm>> -> memref<8x128xf32, #tpu.memory_space<hbm>>
      %dma_wait3A_1030 = arith.constant 0 : i32
      %dma_wait3A_1031 = tpu.memref_slice %arg5[%dma_wait3A_1016, %dma_wait3A_1030, %multiple_of3A_436] : memref<2x8x2560xf32, #tpu.memory_space<vmem>> -> memref<1x8x128xf32, #tpu.memory_space<vmem>>
      %dma_wait3A_1032 = tpu.memref_squeeze %dma_wait3A_1031 : memref<1x8x128xf32, #tpu.memory_space<vmem>> -> memref<8x128xf32, #tpu.memory_space<vmem>>
      tpu.wait_dma2 semaphore(%arg6 : memref<!tpu.dma_semaphore, #tpu.memory_space<semaphore_mem>>) src(%dma_wait3A_1032 : memref<8x128xf32, #tpu.memory_space<vmem>>) dst(%dma_wait3A_1029 : memref<8x128xf32, #tpu.memory_space<hbm>>)
      %dma_wait3A_1033 = arith.constant 1 : i32
      %dma_wait3A_1034 = arith.constant 1 : i32
      %dma_wait3A_1035 = arith.constant 4 : i32
      %dma_wait3A_1036 = arith.constant 0 : i32
      %dma_wait3A_1037 = tpu.memref_slice %arg5[%dma_wait3A_1033, %dma_wait3A_1036, %multiple_of3A_456] : memref<2x8x2560xf32, #tpu.memory_space<vmem>> -> memref<1x8x128xf32, #tpu.memory_space<vmem>>
      %dma_wait3A_1038 = tpu.memref_squeeze %dma_wait3A_1037 : memref<1x8x128xf32, #tpu.memory_space<vmem>> -> memref<8x128xf32, #tpu.memory_space<vmem>>
      %dma_wait3A_1039 = arith.constant 0 : i32
      %dma_wait3A_1040 = arith.constant 0 : i32
      %dma_wait3A_1041 = tpu.memref_slice %arg3[%add3A_55, %dma_wait3A_1034, %dma_wait3A_1035, %dma_wait3A_1039, %dma_wait3A_1040] : memref<2048x2x16x8x128xf32, #tpu.memory_space<hbm>> -> memref<1x1x1x8x128xf32, #tpu.memory_space<hbm>>
      %dma_wait3A_1042 = tpu.memref_squeeze %dma_wait3A_1041 : memref<1x1x1x8x128xf32, #tpu.memory_space<hbm>> -> memref<8x128xf32, #tpu.memory_space<hbm>>
      %dma_wait3A_1043 = arith.constant 0 : i32
      %dma_wait3A_1044 = arith.constant 0 : i32
      %dma_wait3A_1045 = tpu.memref_slice %arg3[%add3A_55, %dma_wait3A_1034, %dma_wait3A_1035, %dma_wait3A_1043, %dma_wait3A_1044] : memref<2048x2x16x8x128xf32, #tpu.memory_space<hbm>> -> memref<1x1x1x8x128xf32, #tpu.memory_space<hbm>>
      %dma_wait3A_1046 = tpu.memref_squeeze %dma_wait3A_1045 : memref<1x1x1x8x128xf32, #tpu.memory_space<hbm>> -> memref<8x128xf32, #tpu.memory_space<hbm>>
      %dma_wait3A_1047 = arith.constant 0 : i32
      %dma_wait3A_1048 = tpu.memref_slice %arg5[%dma_wait3A_1033, %dma_wait3A_1047, %multiple_of3A_456] : memref<2x8x2560xf32, #tpu.memory_space<vmem>> -> memref<1x8x128xf32, #tpu.memory_space<vmem>>
      %dma_wait3A_1049 = tpu.memref_squeeze %dma_wait3A_1048 : memref<1x8x128xf32, #tpu.memory_space<vmem>> -> memref<8x128xf32, #tpu.memory_space<vmem>>
      tpu.wait_dma2 semaphore(%arg6 : memref<!tpu.dma_semaphore, #tpu.memory_space<semaphore_mem>>) src(%dma_wait3A_1049 : memref<8x128xf32, #tpu.memory_space<vmem>>) dst(%dma_wait3A_1046 : memref<8x128xf32, #tpu.memory_space<hbm>>)
      %dma_wait3A_1050 = arith.constant 1 : i32
      %dma_wait3A_1051 = arith.constant 1 : i32
      %dma_wait3A_1052 = arith.constant 5 : i32
      %dma_wait3A_1053 = arith.constant 0 : i32
      %dma_wait3A_1054 = tpu.memref_slice %arg5[%dma_wait3A_1050, %dma_wait3A_1053, %multiple_of3A_476] : memref<2x8x2560xf32, #tpu.memory_space<vmem>> -> memref<1x8x128xf32, #tpu.memory_space<vmem>>
      %dma_wait3A_1055 = tpu.memref_squeeze %dma_wait3A_1054 : memref<1x8x128xf32, #tpu.memory_space<vmem>> -> memref<8x128xf32, #tpu.memory_space<vmem>>
      %dma_wait3A_1056 = arith.constant 0 : i32
      %dma_wait3A_1057 = arith.constant 0 : i32
      %dma_wait3A_1058 = tpu.memref_slice %arg3[%add3A_55, %dma_wait3A_1051, %dma_wait3A_1052, %dma_wait3A_1056, %dma_wait3A_1057] : memref<2048x2x16x8x128xf32, #tpu.memory_space<hbm>> -> memref<1x1x1x8x128xf32, #tpu.memory_space<hbm>>
      %dma_wait3A_1059 = tpu.memref_squeeze %dma_wait3A_1058 : memref<1x1x1x8x128xf32, #tpu.memory_space<hbm>> -> memref<8x128xf32, #tpu.memory_space<hbm>>
      %dma_wait3A_1060 = arith.constant 0 : i32
      %dma_wait3A_1061 = arith.constant 0 : i32
      %dma_wait3A_1062 = tpu.memref_slice %arg3[%add3A_55, %dma_wait3A_1051, %dma_wait3A_1052, %dma_wait3A_1060, %dma_wait3A_1061] : memref<2048x2x16x8x128xf32, #tpu.memory_space<hbm>> -> memref<1x1x1x8x128xf32, #tpu.memory_space<hbm>>
      %dma_wait3A_1063 = tpu.memref_squeeze %dma_wait3A_1062 : memref<1x1x1x8x128xf32, #tpu.memory_space<hbm>> -> memref<8x128xf32, #tpu.memory_space<hbm>>
      %dma_wait3A_1064 = arith.constant 0 : i32
      %dma_wait3A_1065 = tpu.memref_slice %arg5[%dma_wait3A_1050, %dma_wait3A_1064, %multiple_of3A_476] : memref<2x8x2560xf32, #tpu.memory_space<vmem>> -> memref<1x8x128xf32, #tpu.memory_space<vmem>>
      %dma_wait3A_1066 = tpu.memref_squeeze %dma_wait3A_1065 : memref<1x8x128xf32, #tpu.memory_space<vmem>> -> memref<8x128xf32, #tpu.memory_space<vmem>>
      tpu.wait_dma2 semaphore(%arg6 : memref<!tpu.dma_semaphore, #tpu.memory_space<semaphore_mem>>) src(%dma_wait3A_1066 : memref<8x128xf32, #tpu.memory_space<vmem>>) dst(%dma_wait3A_1063 : memref<8x128xf32, #tpu.memory_space<hbm>>)
      %dma_wait3A_1067 = arith.constant 1 : i32
      %dma_wait3A_1068 = arith.constant 1 : i32
      %dma_wait3A_1069 = arith.constant 6 : i32
      %dma_wait3A_1070 = arith.constant 0 : i32
      %dma_wait3A_1071 = tpu.memref_slice %arg5[%dma_wait3A_1067, %dma_wait3A_1070, %multiple_of3A_496] : memref<2x8x2560xf32, #tpu.memory_space<vmem>> -> memref<1x8x128xf32, #tpu.memory_space<vmem>>
      %dma_wait3A_1072 = tpu.memref_squeeze %dma_wait3A_1071 : memref<1x8x128xf32, #tpu.memory_space<vmem>> -> memref<8x128xf32, #tpu.memory_space<vmem>>
      %dma_wait3A_1073 = arith.constant 0 : i32
      %dma_wait3A_1074 = arith.constant 0 : i32
      %dma_wait3A_1075 = tpu.memref_slice %arg3[%add3A_55, %dma_wait3A_1068, %dma_wait3A_1069, %dma_wait3A_1073, %dma_wait3A_1074] : memref<2048x2x16x8x128xf32, #tpu.memory_space<hbm>> -> memref<1x1x1x8x128xf32, #tpu.memory_space<hbm>>
      %dma_wait3A_1076 = tpu.memref_squeeze %dma_wait3A_1075 : memref<1x1x1x8x128xf32, #tpu.memory_space<hbm>> -> memref<8x128xf32, #tpu.memory_space<hbm>>
      %dma_wait3A_1077 = arith.constant 0 : i32
      %dma_wait3A_1078 = arith.constant 0 : i32
      %dma_wait3A_1079 = tpu.memref_slice %arg3[%add3A_55, %dma_wait3A_1068, %dma_wait3A_1069, %dma_wait3A_1077, %dma_wait3A_1078] : memref<2048x2x16x8x128xf32, #tpu.memory_space<hbm>> -> memref<1x1x1x8x128xf32, #tpu.memory_space<hbm>>
      %dma_wait3A_1080 = tpu.memref_squeeze %dma_wait3A_1079 : memref<1x1x1x8x128xf32, #tpu.memory_space<hbm>> -> memref<8x128xf32, #tpu.memory_space<hbm>>
      %dma_wait3A_1081 = arith.constant 0 : i32
      %dma_wait3A_1082 = tpu.memref_slice %arg5[%dma_wait3A_1067, %dma_wait3A_1081, %multiple_of3A_496] : memref<2x8x2560xf32, #tpu.memory_space<vmem>> -> memref<1x8x128xf32, #tpu.memory_space<vmem>>
      %dma_wait3A_1083 = tpu.memref_squeeze %dma_wait3A_1082 : memref<1x8x128xf32, #tpu.memory_space<vmem>> -> memref<8x128xf32, #tpu.memory_space<vmem>>
      tpu.wait_dma2 semaphore(%arg6 : memref<!tpu.dma_semaphore, #tpu.memory_space<semaphore_mem>>) src(%dma_wait3A_1083 : memref<8x128xf32, #tpu.memory_space<vmem>>) dst(%dma_wait3A_1080 : memref<8x128xf32, #tpu.memory_space<hbm>>)
      %dma_wait3A_1084 = arith.constant 1 : i32
      %dma_wait3A_1085 = arith.constant 1 : i32
      %dma_wait3A_1086 = arith.constant 7 : i32
      %dma_wait3A_1087 = arith.constant 0 : i32
      %dma_wait3A_1088 = tpu.memref_slice %arg5[%dma_wait3A_1084, %dma_wait3A_1087, %multiple_of3A_516] : memref<2x8x2560xf32, #tpu.memory_space<vmem>> -> memref<1x8x128xf32, #tpu.memory_space<vmem>>
      %dma_wait3A_1089 = tpu.memref_squeeze %dma_wait3A_1088 : memref<1x8x128xf32, #tpu.memory_space<vmem>> -> memref<8x128xf32, #tpu.memory_space<vmem>>
      %dma_wait3A_1090 = arith.constant 0 : i32
      %dma_wait3A_1091 = arith.constant 0 : i32
      %dma_wait3A_1092 = tpu.memref_slice %arg3[%add3A_55, %dma_wait3A_1085, %dma_wait3A_1086, %dma_wait3A_1090, %dma_wait3A_1091] : memref<2048x2x16x8x128xf32, #tpu.memory_space<hbm>> -> memref<1x1x1x8x128xf32, #tpu.memory_space<hbm>>
      %dma_wait3A_1093 = tpu.memref_squeeze %dma_wait3A_1092 : memref<1x1x1x8x128xf32, #tpu.memory_space<hbm>> -> memref<8x128xf32, #tpu.memory_space<hbm>>
      %dma_wait3A_1094 = arith.constant 0 : i32
      %dma_wait3A_1095 = arith.constant 0 : i32
      %dma_wait3A_1096 = tpu.memref_slice %arg3[%add3A_55, %dma_wait3A_1085, %dma_wait3A_1086, %dma_wait3A_1094, %dma_wait3A_1095] : memref<2048x2x16x8x128xf32, #tpu.memory_space<hbm>> -> memref<1x1x1x8x128xf32, #tpu.memory_space<hbm>>
      %dma_wait3A_1097 = tpu.memref_squeeze %dma_wait3A_1096 : memref<1x1x1x8x128xf32, #tpu.memory_space<hbm>> -> memref<8x128xf32, #tpu.memory_space<hbm>>
      %dma_wait3A_1098 = arith.constant 0 : i32
      %dma_wait3A_1099 = tpu.memref_slice %arg5[%dma_wait3A_1084, %dma_wait3A_1098, %multiple_of3A_516] : memref<2x8x2560xf32, #tpu.memory_space<vmem>> -> memref<1x8x128xf32, #tpu.memory_space<vmem>>
      %dma_wait3A_1100 = tpu.memref_squeeze %dma_wait3A_1099 : memref<1x8x128xf32, #tpu.memory_space<vmem>> -> memref<8x128xf32, #tpu.memory_space<vmem>>
      tpu.wait_dma2 semaphore(%arg6 : memref<!tpu.dma_semaphore, #tpu.memory_space<semaphore_mem>>) src(%dma_wait3A_1100 : memref<8x128xf32, #tpu.memory_space<vmem>>) dst(%dma_wait3A_1097 : memref<8x128xf32, #tpu.memory_space<hbm>>)
      %dma_wait3A_1101 = arith.constant 1 : i32
      %dma_wait3A_1102 = arith.constant 1 : i32
      %dma_wait3A_1103 = arith.constant 8 : i32
      %dma_wait3A_1104 = arith.constant 0 : i32
      %dma_wait3A_1105 = tpu.memref_slice %arg5[%dma_wait3A_1101, %dma_wait3A_1104, %multiple_of3A_536] : memref<2x8x2560xf32, #tpu.memory_space<vmem>> -> memref<1x8x128xf32, #tpu.memory_space<vmem>>
      %dma_wait3A_1106 = tpu.memref_squeeze %dma_wait3A_1105 : memref<1x8x128xf32, #tpu.memory_space<vmem>> -> memref<8x128xf32, #tpu.memory_space<vmem>>
      %dma_wait3A_1107 = arith.constant 0 : i32
      %dma_wait3A_1108 = arith.constant 0 : i32
      %dma_wait3A_1109 = tpu.memref_slice %arg3[%add3A_55, %dma_wait3A_1102, %dma_wait3A_1103, %dma_wait3A_1107, %dma_wait3A_1108] : memref<2048x2x16x8x128xf32, #tpu.memory_space<hbm>> -> memref<1x1x1x8x128xf32, #tpu.memory_space<hbm>>
      %dma_wait3A_1110 = tpu.memref_squeeze %dma_wait3A_1109 : memref<1x1x1x8x128xf32, #tpu.memory_space<hbm>> -> memref<8x128xf32, #tpu.memory_space<hbm>>
      %dma_wait3A_1111 = arith.constant 0 : i32
      %dma_wait3A_1112 = arith.constant 0 : i32
      %dma_wait3A_1113 = tpu.memref_slice %arg3[%add3A_55, %dma_wait3A_1102, %dma_wait3A_1103, %dma_wait3A_1111, %dma_wait3A_1112] : memref<2048x2x16x8x128xf32, #tpu.memory_space<hbm>> -> memref<1x1x1x8x128xf32, #tpu.memory_space<hbm>>
      %dma_wait3A_1114 = tpu.memref_squeeze %dma_wait3A_1113 : memref<1x1x1x8x128xf32, #tpu.memory_space<hbm>> -> memref<8x128xf32, #tpu.memory_space<hbm>>
      %dma_wait3A_1115 = arith.constant 0 : i32
      %dma_wait3A_1116 = tpu.memref_slice %arg5[%dma_wait3A_1101, %dma_wait3A_1115, %multiple_of3A_536] : memref<2x8x2560xf32, #tpu.memory_space<vmem>> -> memref<1x8x128xf32, #tpu.memory_space<vmem>>
      %dma_wait3A_1117 = tpu.memref_squeeze %dma_wait3A_1116 : memref<1x8x128xf32, #tpu.memory_space<vmem>> -> memref<8x128xf32, #tpu.memory_space<vmem>>
      tpu.wait_dma2 semaphore(%arg6 : memref<!tpu.dma_semaphore, #tpu.memory_space<semaphore_mem>>) src(%dma_wait3A_1117 : memref<8x128xf32, #tpu.memory_space<vmem>>) dst(%dma_wait3A_1114 : memref<8x128xf32, #tpu.memory_space<hbm>>)
      %dma_wait3A_1118 = arith.constant 1 : i32
      %dma_wait3A_1119 = arith.constant 1 : i32
      %dma_wait3A_1120 = arith.constant 9 : i32
      %dma_wait3A_1121 = arith.constant 0 : i32
      %dma_wait3A_1122 = tpu.memref_slice %arg5[%dma_wait3A_1118, %dma_wait3A_1121, %multiple_of3A_556] : memref<2x8x2560xf32, #tpu.memory_space<vmem>> -> memref<1x8x128xf32, #tpu.memory_space<vmem>>
      %dma_wait3A_1123 = tpu.memref_squeeze %dma_wait3A_1122 : memref<1x8x128xf32, #tpu.memory_space<vmem>> -> memref<8x128xf32, #tpu.memory_space<vmem>>
      %dma_wait3A_1124 = arith.constant 0 : i32
      %dma_wait3A_1125 = arith.constant 0 : i32
      %dma_wait3A_1126 = tpu.memref_slice %arg3[%add3A_55, %dma_wait3A_1119, %dma_wait3A_1120, %dma_wait3A_1124, %dma_wait3A_1125] : memref<2048x2x16x8x128xf32, #tpu.memory_space<hbm>> -> memref<1x1x1x8x128xf32, #tpu.memory_space<hbm>>
      %dma_wait3A_1127 = tpu.memref_squeeze %dma_wait3A_1126 : memref<1x1x1x8x128xf32, #tpu.memory_space<hbm>> -> memref<8x128xf32, #tpu.memory_space<hbm>>
      %dma_wait3A_1128 = arith.constant 0 : i32
      %dma_wait3A_1129 = arith.constant 0 : i32
      %dma_wait3A_1130 = tpu.memref_slice %arg3[%add3A_55, %dma_wait3A_1119, %dma_wait3A_1120, %dma_wait3A_1128, %dma_wait3A_1129] : memref<2048x2x16x8x128xf32, #tpu.memory_space<hbm>> -> memref<1x1x1x8x128xf32, #tpu.memory_space<hbm>>
      %dma_wait3A_1131 = tpu.memref_squeeze %dma_wait3A_1130 : memref<1x1x1x8x128xf32, #tpu.memory_space<hbm>> -> memref<8x128xf32, #tpu.memory_space<hbm>>
      %dma_wait3A_1132 = arith.constant 0 : i32
      %dma_wait3A_1133 = tpu.memref_slice %arg5[%dma_wait3A_1118, %dma_wait3A_1132, %multiple_of3A_556] : memref<2x8x2560xf32, #tpu.memory_space<vmem>> -> memref<1x8x128xf32, #tpu.memory_space<vmem>>
      %dma_wait3A_1134 = tpu.memref_squeeze %dma_wait3A_1133 : memref<1x8x128xf32, #tpu.memory_space<vmem>> -> memref<8x128xf32, #tpu.memory_space<vmem>>
      tpu.wait_dma2 semaphore(%arg6 : memref<!tpu.dma_semaphore, #tpu.memory_space<semaphore_mem>>) src(%dma_wait3A_1134 : memref<8x128xf32, #tpu.memory_space<vmem>>) dst(%dma_wait3A_1131 : memref<8x128xf32, #tpu.memory_space<hbm>>)
      %dma_wait3A_1135 = arith.constant 1 : i32
      %dma_wait3A_1136 = arith.constant 1 : i32
      %dma_wait3A_1137 = arith.constant 10 : i32
      %dma_wait3A_1138 = arith.constant 0 : i32
      %dma_wait3A_1139 = tpu.memref_slice %arg5[%dma_wait3A_1135, %dma_wait3A_1138, %multiple_of3A_576] : memref<2x8x2560xf32, #tpu.memory_space<vmem>> -> memref<1x8x128xf32, #tpu.memory_space<vmem>>
      %dma_wait3A_1140 = tpu.memref_squeeze %dma_wait3A_1139 : memref<1x8x128xf32, #tpu.memory_space<vmem>> -> memref<8x128xf32, #tpu.memory_space<vmem>>
      %dma_wait3A_1141 = arith.constant 0 : i32
      %dma_wait3A_1142 = arith.constant 0 : i32
      %dma_wait3A_1143 = tpu.memref_slice %arg3[%add3A_55, %dma_wait3A_1136, %dma_wait3A_1137, %dma_wait3A_1141, %dma_wait3A_1142] : memref<2048x2x16x8x128xf32, #tpu.memory_space<hbm>> -> memref<1x1x1x8x128xf32, #tpu.memory_space<hbm>>
      %dma_wait3A_1144 = tpu.memref_squeeze %dma_wait3A_1143 : memref<1x1x1x8x128xf32, #tpu.memory_space<hbm>> -> memref<8x128xf32, #tpu.memory_space<hbm>>
      %dma_wait3A_1145 = arith.constant 0 : i32
      %dma_wait3A_1146 = arith.constant 0 : i32
      %dma_wait3A_1147 = tpu.memref_slice %arg3[%add3A_55, %dma_wait3A_1136, %dma_wait3A_1137, %dma_wait3A_1145, %dma_wait3A_1146] : memref<2048x2x16x8x128xf32, #tpu.memory_space<hbm>> -> memref<1x1x1x8x128xf32, #tpu.memory_space<hbm>>
      %dma_wait3A_1148 = tpu.memref_squeeze %dma_wait3A_1147 : memref<1x1x1x8x128xf32, #tpu.memory_space<hbm>> -> memref<8x128xf32, #tpu.memory_space<hbm>>
      %dma_wait3A_1149 = arith.constant 0 : i32
      %dma_wait3A_1150 = tpu.memref_slice %arg5[%dma_wait3A_1135, %dma_wait3A_1149, %multiple_of3A_576] : memref<2x8x2560xf32, #tpu.memory_space<vmem>> -> memref<1x8x128xf32, #tpu.memory_space<vmem>>
      %dma_wait3A_1151 = tpu.memref_squeeze %dma_wait3A_1150 : memref<1x8x128xf32, #tpu.memory_space<vmem>> -> memref<8x128xf32, #tpu.memory_space<vmem>>
      tpu.wait_dma2 semaphore(%arg6 : memref<!tpu.dma_semaphore, #tpu.memory_space<semaphore_mem>>) src(%dma_wait3A_1151 : memref<8x128xf32, #tpu.memory_space<vmem>>) dst(%dma_wait3A_1148 : memref<8x128xf32, #tpu.memory_space<hbm>>)
      %dma_wait3A_1152 = arith.constant 1 : i32
      %dma_wait3A_1153 = arith.constant 1 : i32
      %dma_wait3A_1154 = arith.constant 11 : i32
      %dma_wait3A_1155 = arith.constant 0 : i32
      %dma_wait3A_1156 = tpu.memref_slice %arg5[%dma_wait3A_1152, %dma_wait3A_1155, %multiple_of3A_596] : memref<2x8x2560xf32, #tpu.memory_space<vmem>> -> memref<1x8x128xf32, #tpu.memory_space<vmem>>
      %dma_wait3A_1157 = tpu.memref_squeeze %dma_wait3A_1156 : memref<1x8x128xf32, #tpu.memory_space<vmem>> -> memref<8x128xf32, #tpu.memory_space<vmem>>
      %dma_wait3A_1158 = arith.constant 0 : i32
      %dma_wait3A_1159 = arith.constant 0 : i32
      %dma_wait3A_1160 = tpu.memref_slice %arg3[%add3A_55, %dma_wait3A_1153, %dma_wait3A_1154, %dma_wait3A_1158, %dma_wait3A_1159] : memref<2048x2x16x8x128xf32, #tpu.memory_space<hbm>> -> memref<1x1x1x8x128xf32, #tpu.memory_space<hbm>>
      %dma_wait3A_1161 = tpu.memref_squeeze %dma_wait3A_1160 : memref<1x1x1x8x128xf32, #tpu.memory_space<hbm>> -> memref<8x128xf32, #tpu.memory_space<hbm>>
      %dma_wait3A_1162 = arith.constant 0 : i32
      %dma_wait3A_1163 = arith.constant 0 : i32
      %dma_wait3A_1164 = tpu.memref_slice %arg3[%add3A_55, %dma_wait3A_1153, %dma_wait3A_1154, %dma_wait3A_1162, %dma_wait3A_1163] : memref<2048x2x16x8x128xf32, #tpu.memory_space<hbm>> -> memref<1x1x1x8x128xf32, #tpu.memory_space<hbm>>
      %dma_wait3A_1165 = tpu.memref_squeeze %dma_wait3A_1164 : memref<1x1x1x8x128xf32, #tpu.memory_space<hbm>> -> memref<8x128xf32, #tpu.memory_space<hbm>>
      %dma_wait3A_1166 = arith.constant 0 : i32
      %dma_wait3A_1167 = tpu.memref_slice %arg5[%dma_wait3A_1152, %dma_wait3A_1166, %multiple_of3A_596] : memref<2x8x2560xf32, #tpu.memory_space<vmem>> -> memref<1x8x128xf32, #tpu.memory_space<vmem>>
      %dma_wait3A_1168 = tpu.memref_squeeze %dma_wait3A_1167 : memref<1x8x128xf32, #tpu.memory_space<vmem>> -> memref<8x128xf32, #tpu.memory_space<vmem>>
      tpu.wait_dma2 semaphore(%arg6 : memref<!tpu.dma_semaphore, #tpu.memory_space<semaphore_mem>>) src(%dma_wait3A_1168 : memref<8x128xf32, #tpu.memory_space<vmem>>) dst(%dma_wait3A_1165 : memref<8x128xf32, #tpu.memory_space<hbm>>)
      %dma_wait3A_1169 = arith.constant 1 : i32
      %dma_wait3A_1170 = arith.constant 1 : i32
      %dma_wait3A_1171 = arith.constant 12 : i32
      %dma_wait3A_1172 = arith.constant 0 : i32
      %dma_wait3A_1173 = tpu.memref_slice %arg5[%dma_wait3A_1169, %dma_wait3A_1172, %multiple_of3A_616] : memref<2x8x2560xf32, #tpu.memory_space<vmem>> -> memref<1x8x128xf32, #tpu.memory_space<vmem>>
      %dma_wait3A_1174 = tpu.memref_squeeze %dma_wait3A_1173 : memref<1x8x128xf32, #tpu.memory_space<vmem>> -> memref<8x128xf32, #tpu.memory_space<vmem>>
      %dma_wait3A_1175 = arith.constant 0 : i32
      %dma_wait3A_1176 = arith.constant 0 : i32
      %dma_wait3A_1177 = tpu.memref_slice %arg3[%add3A_55, %dma_wait3A_1170, %dma_wait3A_1171, %dma_wait3A_1175, %dma_wait3A_1176] : memref<2048x2x16x8x128xf32, #tpu.memory_space<hbm>> -> memref<1x1x1x8x128xf32, #tpu.memory_space<hbm>>
      %dma_wait3A_1178 = tpu.memref_squeeze %dma_wait3A_1177 : memref<1x1x1x8x128xf32, #tpu.memory_space<hbm>> -> memref<8x128xf32, #tpu.memory_space<hbm>>
      %dma_wait3A_1179 = arith.constant 0 : i32
      %dma_wait3A_1180 = arith.constant 0 : i32
      %dma_wait3A_1181 = tpu.memref_slice %arg3[%add3A_55, %dma_wait3A_1170, %dma_wait3A_1171, %dma_wait3A_1179, %dma_wait3A_1180] : memref<2048x2x16x8x128xf32, #tpu.memory_space<hbm>> -> memref<1x1x1x8x128xf32, #tpu.memory_space<hbm>>
      %dma_wait3A_1182 = tpu.memref_squeeze %dma_wait3A_1181 : memref<1x1x1x8x128xf32, #tpu.memory_space<hbm>> -> memref<8x128xf32, #tpu.memory_space<hbm>>
      %dma_wait3A_1183 = arith.constant 0 : i32
      %dma_wait3A_1184 = tpu.memref_slice %arg5[%dma_wait3A_1169, %dma_wait3A_1183, %multiple_of3A_616] : memref<2x8x2560xf32, #tpu.memory_space<vmem>> -> memref<1x8x128xf32, #tpu.memory_space<vmem>>
      %dma_wait3A_1185 = tpu.memref_squeeze %dma_wait3A_1184 : memref<1x8x128xf32, #tpu.memory_space<vmem>> -> memref<8x128xf32, #tpu.memory_space<vmem>>
      tpu.wait_dma2 semaphore(%arg6 : memref<!tpu.dma_semaphore, #tpu.memory_space<semaphore_mem>>) src(%dma_wait3A_1185 : memref<8x128xf32, #tpu.memory_space<vmem>>) dst(%dma_wait3A_1182 : memref<8x128xf32, #tpu.memory_space<hbm>>)
      %dma_wait3A_1186 = arith.constant 1 : i32
      %dma_wait3A_1187 = arith.constant 1 : i32
      %dma_wait3A_1188 = arith.constant 13 : i32
      %dma_wait3A_1189 = arith.constant 0 : i32
      %dma_wait3A_1190 = tpu.memref_slice %arg5[%dma_wait3A_1186, %dma_wait3A_1189, %multiple_of3A_636] : memref<2x8x2560xf32, #tpu.memory_space<vmem>> -> memref<1x8x128xf32, #tpu.memory_space<vmem>>
      %dma_wait3A_1191 = tpu.memref_squeeze %dma_wait3A_1190 : memref<1x8x128xf32, #tpu.memory_space<vmem>> -> memref<8x128xf32, #tpu.memory_space<vmem>>
      %dma_wait3A_1192 = arith.constant 0 : i32
      %dma_wait3A_1193 = arith.constant 0 : i32
      %dma_wait3A_1194 = tpu.memref_slice %arg3[%add3A_55, %dma_wait3A_1187, %dma_wait3A_1188, %dma_wait3A_1192, %dma_wait3A_1193] : memref<2048x2x16x8x128xf32, #tpu.memory_space<hbm>> -> memref<1x1x1x8x128xf32, #tpu.memory_space<hbm>>
      %dma_wait3A_1195 = tpu.memref_squeeze %dma_wait3A_1194 : memref<1x1x1x8x128xf32, #tpu.memory_space<hbm>> -> memref<8x128xf32, #tpu.memory_space<hbm>>
      %dma_wait3A_1196 = arith.constant 0 : i32
      %dma_wait3A_1197 = arith.constant 0 : i32
      %dma_wait3A_1198 = tpu.memref_slice %arg3[%add3A_55, %dma_wait3A_1187, %dma_wait3A_1188, %dma_wait3A_1196, %dma_wait3A_1197] : memref<2048x2x16x8x128xf32, #tpu.memory_space<hbm>> -> memref<1x1x1x8x128xf32, #tpu.memory_space<hbm>>
      %dma_wait3A_1199 = tpu.memref_squeeze %dma_wait3A_1198 : memref<1x1x1x8x128xf32, #tpu.memory_space<hbm>> -> memref<8x128xf32, #tpu.memory_space<hbm>>
      %dma_wait3A_1200 = arith.constant 0 : i32
      %dma_wait3A_1201 = tpu.memref_slice %arg5[%dma_wait3A_1186, %dma_wait3A_1200, %multiple_of3A_636] : memref<2x8x2560xf32, #tpu.memory_space<vmem>> -> memref<1x8x128xf32, #tpu.memory_space<vmem>>
      %dma_wait3A_1202 = tpu.memref_squeeze %dma_wait3A_1201 : memref<1x8x128xf32, #tpu.memory_space<vmem>> -> memref<8x128xf32, #tpu.memory_space<vmem>>
      tpu.wait_dma2 semaphore(%arg6 : memref<!tpu.dma_semaphore, #tpu.memory_space<semaphore_mem>>) src(%dma_wait3A_1202 : memref<8x128xf32, #tpu.memory_space<vmem>>) dst(%dma_wait3A_1199 : memref<8x128xf32, #tpu.memory_space<hbm>>)
      %dma_wait3A_1203 = arith.constant 1 : i32
      %dma_wait3A_1204 = arith.constant 1 : i32
      %dma_wait3A_1205 = arith.constant 14 : i32
      %dma_wait3A_1206 = arith.constant 0 : i32
      %dma_wait3A_1207 = tpu.memref_slice %arg5[%dma_wait3A_1203, %dma_wait3A_1206, %multiple_of3A_656] : memref<2x8x2560xf32, #tpu.memory_space<vmem>> -> memref<1x8x128xf32, #tpu.memory_space<vmem>>
      %dma_wait3A_1208 = tpu.memref_squeeze %dma_wait3A_1207 : memref<1x8x128xf32, #tpu.memory_space<vmem>> -> memref<8x128xf32, #tpu.memory_space<vmem>>
      %dma_wait3A_1209 = arith.constant 0 : i32
      %dma_wait3A_1210 = arith.constant 0 : i32
      %dma_wait3A_1211 = tpu.memref_slice %arg3[%add3A_55, %dma_wait3A_1204, %dma_wait3A_1205, %dma_wait3A_1209, %dma_wait3A_1210] : memref<2048x2x16x8x128xf32, #tpu.memory_space<hbm>> -> memref<1x1x1x8x128xf32, #tpu.memory_space<hbm>>
      %dma_wait3A_1212 = tpu.memref_squeeze %dma_wait3A_1211 : memref<1x1x1x8x128xf32, #tpu.memory_space<hbm>> -> memref<8x128xf32, #tpu.memory_space<hbm>>
      %dma_wait3A_1213 = arith.constant 0 : i32
      %dma_wait3A_1214 = arith.constant 0 : i32
      %dma_wait3A_1215 = tpu.memref_slice %arg3[%add3A_55, %dma_wait3A_1204, %dma_wait3A_1205, %dma_wait3A_1213, %dma_wait3A_1214] : memref<2048x2x16x8x128xf32, #tpu.memory_space<hbm>> -> memref<1x1x1x8x128xf32, #tpu.memory_space<hbm>>
      %dma_wait3A_1216 = tpu.memref_squeeze %dma_wait3A_1215 : memref<1x1x1x8x128xf32, #tpu.memory_space<hbm>> -> memref<8x128xf32, #tpu.memory_space<hbm>>
      %dma_wait3A_1217 = arith.constant 0 : i32
      %dma_wait3A_1218 = tpu.memref_slice %arg5[%dma_wait3A_1203, %dma_wait3A_1217, %multiple_of3A_656] : memref<2x8x2560xf32, #tpu.memory_space<vmem>> -> memref<1x8x128xf32, #tpu.memory_space<vmem>>
      %dma_wait3A_1219 = tpu.memref_squeeze %dma_wait3A_1218 : memref<1x8x128xf32, #tpu.memory_space<vmem>> -> memref<8x128xf32, #tpu.memory_space<vmem>>
      tpu.wait_dma2 semaphore(%arg6 : memref<!tpu.dma_semaphore, #tpu.memory_space<semaphore_mem>>) src(%dma_wait3A_1219 : memref<8x128xf32, #tpu.memory_space<vmem>>) dst(%dma_wait3A_1216 : memref<8x128xf32, #tpu.memory_space<hbm>>)
      %dma_wait3A_1220 = arith.constant 1 : i32
      %dma_wait3A_1221 = arith.constant 1 : i32
      %dma_wait3A_1222 = arith.constant 15 : i32
      %dma_wait3A_1223 = arith.constant 0 : i32
      %dma_wait3A_1224 = tpu.memref_slice %arg5[%dma_wait3A_1220, %dma_wait3A_1223, %multiple_of3A_676] : memref<2x8x2560xf32, #tpu.memory_space<vmem>> -> memref<1x8x128xf32, #tpu.memory_space<vmem>>
      %dma_wait3A_1225 = tpu.memref_squeeze %dma_wait3A_1224 : memref<1x8x128xf32, #tpu.memory_space<vmem>> -> memref<8x128xf32, #tpu.memory_space<vmem>>
      %dma_wait3A_1226 = arith.constant 0 : i32
      %dma_wait3A_1227 = arith.constant 0 : i32
      %dma_wait3A_1228 = tpu.memref_slice %arg3[%add3A_55, %dma_wait3A_1221, %dma_wait3A_1222, %dma_wait3A_1226, %dma_wait3A_1227] : memref<2048x2x16x8x128xf32, #tpu.memory_space<hbm>> -> memref<1x1x1x8x128xf32, #tpu.memory_space<hbm>>
      %dma_wait3A_1229 = tpu.memref_squeeze %dma_wait3A_1228 : memref<1x1x1x8x128xf32, #tpu.memory_space<hbm>> -> memref<8x128xf32, #tpu.memory_space<hbm>>
      %dma_wait3A_1230 = arith.constant 0 : i32
      %dma_wait3A_1231 = arith.constant 0 : i32
      %dma_wait3A_1232 = tpu.memref_slice %arg3[%add3A_55, %dma_wait3A_1221, %dma_wait3A_1222, %dma_wait3A_1230, %dma_wait3A_1231] : memref<2048x2x16x8x128xf32, #tpu.memory_space<hbm>> -> memref<1x1x1x8x128xf32, #tpu.memory_space<hbm>>
      %dma_wait3A_1233 = tpu.memref_squeeze %dma_wait3A_1232 : memref<1x1x1x8x128xf32, #tpu.memory_space<hbm>> -> memref<8x128xf32, #tpu.memory_space<hbm>>
      %dma_wait3A_1234 = arith.constant 0 : i32
      %dma_wait3A_1235 = tpu.memref_slice %arg5[%dma_wait3A_1220, %dma_wait3A_1234, %multiple_of3A_676] : memref<2x8x2560xf32, #tpu.memory_space<vmem>> -> memref<1x8x128xf32, #tpu.memory_space<vmem>>
      %dma_wait3A_1236 = tpu.memref_squeeze %dma_wait3A_1235 : memref<1x8x128xf32, #tpu.memory_space<vmem>> -> memref<8x128xf32, #tpu.memory_space<vmem>>
      tpu.wait_dma2 semaphore(%arg6 : memref<!tpu.dma_semaphore, #tpu.memory_space<semaphore_mem>>) src(%dma_wait3A_1236 : memref<8x128xf32, #tpu.memory_space<vmem>>) dst(%dma_wait3A_1233 : memref<8x128xf32, #tpu.memory_space<hbm>>)
      %scan3A_1237 = arith.constant 0 : i32
      scf.yield %scan3A_1237 : i32
    }
    %scan3A_46 = arith.constant 64 : i32
    return
  }
}

</mosaic_0001>

<sc_bundles>
// kernel: kernel.3.cloned.1.call-start
scs
__scs_entry_jumppad:
0x0: {  	(pc) =	sbr.rel $0x88, $3  }
0x1: {  	(tag) =	ssettag $0x0;
	lr =	simm.s32 $0x1  }
0x2: {  	[smem:$0x3FA0] =	sst lr;
	_ =	strace $0xD0000000  }
0x3: {  	_ = 	snop  }
0x4: {  	_ = 	snop  }
0x5: {  	_ = 	snop  }
0x6: {  	_ = 	snop  }
0x7: {  	_ = 	snop  }
__scs_overlays_trampoline_lowered:
0x8: {  	[smem:$0x3FAF] =	sst s0  }
0x9: {  	[smem:$0x3FB0] =	sst s1  }
0xa: {  	[smem:$0x3FB1] =	sst s2  }
0xb: {  	[smem:$0x3FB2] =	sst s3  }
0xc: {  	[smem:$0x3FB3] =	sst s4  }
0xd: {  	[smem:$0x3FB4] =	sst s5  }
0xe: {  	[smem:$0x3FB5] =	sst s6  }
0xf: {  	[smem:$0x3FB6] =	sst s7  }
0x10: {  	[smem:$0x3FB7] =	sst s8  }
0x11: {  	[smem:$0x3FB8] =	sst s9;
	s0 =	simm.s32 @!p0 $0x0  }
0x12: {  	s1 =	sld [smem:$0x3F9E];
	s0 =	simm.s32 @p0 $0x1  }
0x13: {  	[smem:$0x3FB9] =	sst s0;
	s0 =	simm.s32 @!p1 $0x0  }
0x14: {  	s2 =	sld [smem:$0x3F9D];
	s0 =	simm.s32 @p1 $0x1  }
0x15: {  	[smem:$0x3FBA] =	sst s0;
	s0 =	simm.s32 @!p2 $0x0  }
0x16: {  	s3 =	sld [smem:$0x3FDB];
	s0 =	simm.s32 @p2 $0x1  }
0x17: {  	s4 =	simm.s32 $0x1BF5;
	[smem:$0x3FBC] =	sst s0  }
0x18: {  	s0 =	sld [smem:$0x3F9F];
	_ =	swait.ge [sflag:s4], $0x0  }
0x19: {  	s7 =	sld [smem:$0x3FA0]  }
0x1a: {  	s8 =	sadd.s32 $0xFFFFE003, lr  }
0x1b: {  	s9 =	sadd.s32 $0xFFFFFEF7, lr;
	s5 =	simm.s32 $0xFFFFFFFF;
	p2 =	slt.u32 s8, $0xFFFFF086  }
0x1c: {  	p1 =	slt.u32 s9, $0xF7A;
	s5 =	simm.s32 @!p2 $0x0  }
0x1d: {  	s5 =	simm.s32 @p1 $0x1;
	p0 =	seq.s32 s7, s2  }
0x1e: {  	s7 =	smul.u32 @!p0 $0xF7A, s2;
	p2 =	seq.s32 @!p0 s5, $0x0  }
0x1f: {  	s9 =	smul.u32 $0xF7A, s1;
	s8 =	simm.s32 @!p0 $0x1BF5;
	p2 =	por !p2, p0  }
0x20: {  	[sflag:s8] =	ssyncset.s32 @!p0 $0xFFFFF086;
	s6 =	sadd.s32 @!p0 s3, s7;
	s7 =	simm.s32 @!p0 $0x108  }
0x21: {  	s3 =	sadd.s32 s3, s9;
	s6 =	sadd.s32 @!p0 $0x88, s6;
	s7 =	simm.s32 @p2 $0x1082  }
0x22: {  	[simem:s7], [sflag:s8] =	dma.local @!p0 [hbm:s6], $0xF7A  }
0x23: {  	s9 =	sor.u32 $0xD0000000, s2;
	s6 =	simm.s32 $0x108;
	_ =	swait.ge @!p0 [sflag:s8], $0x0  }
0x24: {  	s3 =	sadd.s32 $0x88, s3;
	s6 =	simm.s32 @!p1 $0x1082;
	[sflag:s4] =	ssyncset.s32 $0xFFFFF086  }
0x25: {  	[simem:s6], [sflag:s4] =	dma.local [hbm:s3], $0xF7A  }
0x26: {  	[smem:$0x3FA0] =	sst s1;
	(tag) =	ssettag s2;
	_ =	strace s9  }
0x27: {  	s1 =	sld [smem:$0x3FB0]  }
0x28: {  	s2 =	sld [smem:$0x3FB1]  }
0x29: {  	s4 =	sld [smem:$0x3FB3]  }
0x2a: {  	p0 =	seq.s32 s5, $0x0;
	s5 =	sld [smem:$0x3FB4]  }
0x2b: {  	s6 =	sld [smem:$0x3FB5]  }
0x2c: {  	s7 =	sld [smem:$0x3FB6]  }
0x2d: {  	s3 =	simm.s32 $0x108;
	s8 =	sld [smem:$0x3FB7]  }
0x2e: {  	s3 =	simm.s32 @!p0 $0x1082;
	s9 =	sld [smem:$0x3FB8]  }
0x2f: {  	lr =	sadd.s32 s0, s3;
	s0 =	sld [smem:$0x3FAF]  }
0x30: {  	s3 =	sld [smem:$0x3FB2]  }
0x31: {  	[smem:$0x3FBB] =	sst s10  }
0x32: {  	s10 =	sld [smem:$0x3FB9];
	_ =	sdelay $0x3  }
0x33: {  	p0 =	seq.s32 s10, $0x1;
	s10 =	sld [smem:$0x3FBB];
	_ =	sdelay $0x3  }
0x34: {  	[smem:$0x3FBB] =	sst s10  }
0x35: {  	s10 =	sld [smem:$0x3FBA];
	_ =	sdelay $0x3  }
0x36: {  	p1 =	seq.s32 s10, $0x1;
	s10 =	sld [smem:$0x3FBB];
	_ =	sdelay $0x3  }
0x37: {  	[smem:$0x3FBB] =	sst s10  }
0x38: {  	s10 =	sld [smem:$0x3FBC]  }
0x39: {  	_ = 	snop;
	(pc) =	sbr.ind lr, $3  }
0x3a: {  	_ = 	snop  }
0x3b: {  	_ = 	snop  }
0x3c: {  	p2 =	seq.s32 s10, $0x1;
	s10 =	sld [smem:$0x3FBB]  }
0x3d: {  	_ =	shalt  }
0x3e: {  	_ =	shalt  }
0x3f: {  	_ =	shalt  }
0x40: {  	_ =	shalt  }
0x41: {  	_ =	shalt  }
0x42: {  	_ =	shalt  }
0x43: {  	_ =	shalt  }
0x44: {  	_ =	shalt  }
0x45: {  	_ =	shalt  }
0x46: {  	_ =	shalt  }
0x47: {  	_ =	shalt  }
0x48: {  	_ =	shalt  }
0x49: {  	_ =	shalt  }
0x4a: {  	_ =	shalt  }
0x4b: {  	_ =	shalt  }
0x4c: {  	_ =	shalt  }
0x4d: {  	_ =	shalt  }
0x4e: {  	_ =	shalt  }
0x4f: {  	_ =	shalt  }
0x50: {  	_ =	shalt  }
0x51: {  	_ =	shalt  }
0x52: {  	_ =	shalt  }
0x53: {  	_ =	shalt  }
0x54: {  	_ =	shalt  }
0x55: {  	_ =	shalt  }
0x56: {  	_ =	shalt  }
0x57: {  	_ =	shalt  }
0x58: {  	_ =	shalt  }
0x59: {  	_ =	shalt  }
0x5a: {  	_ =	shalt  }
0x5b: {  	_ =	shalt  }
0x5c: {  	_ =	shalt  }
0x5d: {  	_ =	shalt  }
0x5e: {  	_ =	shalt  }
0x5f: {  	_ =	shalt  }
0x60: {  	_ =	shalt  }
0x61: {  	_ =	shalt  }
0x62: {  	_ =	shalt  }
0x63: {  	_ =	shalt  }
0x64: {  	_ =	shalt  }
0x65: {  	_ =	shalt  }
0x66: {  	_ =	shalt  }
0x67: {  	_ =	shalt  }
0x68: {  	_ =	shalt  }
0x69: {  	_ =	shalt  }
0x6a: {  	_ =	shalt  }
0x6b: {  	_ =	shalt  }
0x6c: {  	_ =	shalt  }
0x6d: {  	_ =	shalt  }
0x6e: {  	_ =	shalt  }
0x6f: {  	_ =	shalt  }
0x70: {  	_ =	shalt  }
0x71: {  	_ =	shalt  }
0x72: {  	_ =	shalt  }
0x73: {  	_ =	shalt  }
0x74: {  	_ =	shalt  }
0x75: {  	_ =	shalt  }
0x76: {  	_ =	shalt  }
0x77: {  	_ =	shalt  }
0x78: {  	_ =	shalt  }
0x79: {  	_ =	shalt  }
0x7a: {  	_ =	shalt  }
0x7b: {  	_ =	shalt  }
0x7c: {  	_ =	shalt  }
0x7d: {  	_ =	shalt  }
0x7e: {  	_ =	shalt  }
0x7f: {  	_ =	shalt  }
0x80: {  	_ =	shalt  }
0x81: {  	_ =	shalt  }
0x82: {  	_ =	shalt  }
0x83: {  	_ =	shalt  }
0x84: {  	_ =	shalt  }
0x85: {  	_ =	shalt  }
0x86: {  	_ =	shalt  }
0x87: {  	_ =	shalt  }
.Lfunc_end0:
.L_simem_size_0:
called_computation_lowered:
.L_overlay_start_0:
0x88: {  	s2 =	sld [smem:$0x3FD9]  }
0x89: {  	s3 =	sld [smem:$0x3FFE];
	_ =	sdelay $0x1  }
0x8a: {  	s1 =	srdreg.scid  }
0x8b: {  	s0 =	sand.u32 $0x1, s1  }
0x8c: {  	s17 =	sshll.u32 s0, $0xA;
	s2 =	sadd.s32 s3, s2  }
0x8d: {  	s2 =	sadd.s32 s2, s17  }
0x8e: {  	[smem:$0x3FC7] =	sst s2  }
0x8f: {  	_ = 	snop  }
0x90: {  	s2 =	sld [smem:$0x3FD0];
	(tm) =	ssettm $0x1  }
0x91: {  	s18 =	sld [smem:$0x3FFB];
	_ =	sdelay $0x3  }
0x92: {  	_ =	strace s18  }
0x93: {  	s3 =	sld [smem:$0x3FFC];
	_ =	sdelay $0x3  }
0x94: {  	_ =	strace s3  }
0x95: {  	s3 =	sld [smem:$0x3FFD];
	_ =	sdelay $0x3  }
0x96: {  	_ =	strace s3  }
0x97: {  	_ =	strace $0x8FFFFFFF  }
0x98: {  	s19 =	sld [smem:$0x3FDB];
	_ =	sdelay $0x1  }
0x99: {  	s4 =	simm.s32 $_scs_section_size  }
0x9a: {  	s5 =	simm.s32 $_size__tile_overlayer_lowered;
	s6 =	simm.s32 $_tile_overlayer_lowered  }
0x9b: {  	s22 =	simm.s32 $0x1BFF;
	s21 =	sshll.u32 s6, $0x1;
	s3 =	sadd.s32 s4, s19  }
0x9c: {  	s7 =	simm.s32 $0x0;
	s20 =	sshll.u32 s5, $0x1;
	s5 =	sadd.s32 s21, s3  }
0x9d: {  	[timem:s7], [sflag:s22] =	dma.local [hbm:s5], s20  }
0x9e: {  	_ =	swait.ge [sflag:s22], s20  }
0x9f: {  	s4 =	ssub.s32 $0x0, s20;
	[sflag:s22] =	ssyncset.done $0x0  }
0xa0: {  	[sflag:s22] =	ssyncadd.s32 s4;
	_ =	sdelay $0x1  }
0xa1: {  	s23 =	simm.s32 $0x1B8B  }
0xa2: {  	_ =	swait.ge [sflag:s23], $0x1  }
0xa3: {  	[sflag:s23] =	ssyncset.done $0x0  }
0xa4: {  	s25 =	simm.s32 $0x1B8E;
	s24 =	sld [smem:$0x3FFE];
	[sflag:s23] =	ssyncadd.s32 $0xFFFFFFFF  }
0xa5: {  	s26 =	simm.s32 $execute0_lowered;
	[smem:$0x3FD2] =	sst s25  }
0xa6: {  	s5 =	sshll.u32 s26, $0x1;
	_ =	strace $0x80000046;
	[dreg:$0x1] =	wrdreg $0xFFFFFFFF  }
0xa7: {  	s28 =	simm.s32 $_size_execute0_lowered;
	s3 =	sadd.s32 s3, s5;
	[dreg:$0x0] =	wrdreg $0x0  }
0xa8: {  	s5 =	sshll.u32 s28, $0x1;
	[dreg:$0x2] =	wrdreg s3  }
0xa9: {  	[dreg:$0x3] =	wrdreg s5  }
0xaa: {  	[dreg:$0x4] =	wrdreg $0xC0  }
0xab: {  	_ =	task [dreg:s7], $0x5FFFF  }
0xac: {  	[dreg:$0x1] =	wrdreg $0xFFFFFFFF  }
0xad: {  	[dreg:$0x0] =	wrdreg $0x60  }
0xae: {  	[dreg:$0x2] =	wrdreg s24  }
0xaf: {  	[dreg:$0x3] =	wrdreg s2  }
0xb0: {  	[dreg:$0x4] =	wrdreg $0x9  }
0xb1: {  	_ =	task.clear_ibuf [dreg:s7], $0x5FFFF;
	_ =	strace $0x90000046  }
0xb2: {  	s29 =	simm.s32 $0x9;
	_ =	strace $0x80000048  }
0xb3: {  	_ =	swait.ge [sflag:s29], $0x1  }
0xb4: {  	[sflag:s29] =	ssyncadd.s32 $0xFFFFFFFF  }
0xb5: {  	_ =	strace $0x90000048  }
0xb6: {  	_ =	sfence  }
0xb7: {  	s30 =	sld [smem:$0x0];
	_ =	sdelay $0x2  }
0xb8: {  	s31 =	sshll.u32 s1, $0xD;
	s1 =	sshrl.u32 s1, $0x2  }
0xb9: {  	s3 =	sand.u32 $0x4000, s31;
	s1 =	sadd.s32 s1, s30  }
0xba: {  	s0 =	sor.u32 s3, s0;
	s1 =	sshll.u32 s1, $0x11  }
0xbb: {  	s0 =	sor.u32 s1, s0  }
0xbc: {  	s0 =	sadd.s32 $0x8F2B, s0  }
0xbd: {  	[sflag:s0] =	ssyncadd.remote.s32 $0x1  }
0xbe: {  	_ =	sfence.sel $0xFFFF  }
0xbf: {  	[dreg:$0x0] =	wrdreg $0xFFFFFFFF;
	(pc) =	sbr.abs _section_cstart, $3  }
0xc0: {  	[dreg:$0x1] =	wrdreg $0xFFFFFFFF  }
0xc1: {  	_ =	task.clear_ibuf [dreg:s7], $0x2FFFF;
	_ =	strace $0x9FFFFFFF  }
0xc2: {  	(tm) =	ssettm $0x7FFFFFFF  }
0xc3: {  	_ =	shalt  }
tec
execute0_lowered:
.L_overlay_start_1:
0x0: {  	(tag) =	ssettag $0x1  }
0x1: {  	s5 =	rddreg [dreg:$0x0]  }
0x2: {  	s1 =	rddreg [dreg:$0x1]  }
0x3: {  	s0 =	rddreg [dreg:$0x2];
	s2 =	simm.s32 $0x0  }
0x4: {  	[smem:$0x7FF] =	sst s2;
	s3 =	sadd.s32 $0x80, s1  }
0x5: {  	s25 =	sadd.s32 $0x100, s1;
	_ =	strace $0x80000047;
	[dreg:$0x3] =	wrdreg s3  }
0x6: {  	s26 =	sadd.s32 $0x180, s1;
	[dreg:$0x4] =	wrdreg s25  }
0x7: {  	s28 =	sadd.s32 $0x200, s1;
	[dreg:$0x5] =	wrdreg s26  }
0x8: {  	s29 =	sadd.s32 $0x280, s1;
	[dreg:$0x6] =	wrdreg s28  }
0x9: {  	s30 =	sadd.s32 $0x300, s1;
	[dreg:$0x7] =	wrdreg s29  }
0xa: {  	s31 =	sadd.s32 $0x380, s1;
	[dreg:$0x8] =	wrdreg s30  }
0xb: {  	s4 =	sadd.s32 $0x400, s1;
	[dreg:$0x9] =	wrdreg s31  }
0xc: {  	s6 =	sadd.s32 $0x480, s1;
	[dreg:$0xa] =	wrdreg s4  }
0xd: {  	s7 =	sadd.s32 $0x500, s1;
	[dreg:$0xb] =	wrdreg s6  }
0xe: {  	s8 =	sadd.s32 $0x580, s1;
	[dreg:$0xc] =	wrdreg s7  }
0xf: {  	s9 =	sadd.s32 $0x600, s1;
	[dreg:$0xd] =	wrdreg s8  }
0x10: {  	s10 =	sadd.s32 $0x680, s1;
	[dreg:$0xe] =	wrdreg s9  }
0x11: {  	s11 =	sadd.s32 $0x700, s1;
	[dreg:$0xf] =	wrdreg s10  }
0x12: {  	s12 =	sadd.s32 $0x780, s1;
	[dreg:$0x10] =	wrdreg s11  }
0x13: {  	s13 =	sadd.s32 $0x800, s1;
	[dreg:$0x11] =	wrdreg s12  }
0x14: {  	s14 =	sadd.s32 $0x880, s1;
	[dreg:$0x12] =	wrdreg s13  }
0x15: {  	s15 =	sadd.s32 $0x900, s1;
	[dreg:$0x13] =	wrdreg s14  }
0x16: {  	s16 =	sadd.s32 $0xA00, s1;
	[dreg:$0x14] =	wrdreg s15  }
0x17: {  	s17 =	sadd.s32 $0xA80, s1;
	[dreg:$0x16] =	wrdreg s16  }
0x18: {  	s19 =	sadd.s32 $0xB00, s1;
	[dreg:$0x17] =	wrdreg s17  }
0x19: {  	s20 =	sadd.s32 $0xB80, s1;
	[dreg:$0x18] =	wrdreg s19  }
0x1a: {  	s21 =	sadd.s32 $0xC00, s1;
	[dreg:$0x19] =	wrdreg s20  }
0x1b: {  	s22 =	sadd.s32 $0xC80, s1;
	[dreg:$0x1a] =	wrdreg s21  }
0x1c: {  	s23 =	sadd.s32 $0xD00, s1;
	s4 =	srdreg.scid;
	[dreg:$0x1b] =	wrdreg s22  }
0x1d: {  	s6 =	sadd.s32 $0x980, s1;
	s3 =	stileid.u32;
	[dreg:$0x1c] =	wrdreg s23  }
0x1e: {  	s25 =	sadd.s32 $0xD80, s1;
	s26 =	sadd.s32 $0xE00, s1;
	s28 =	sadd.s32 $0xE80, s1  }
0x1f: {  	s30 =	sadd.s32 $0xF00, s1;
	s31 =	sadd.s32 $0xF80, s1;
	[dreg:$0x15] =	wrdreg s6  }
0x20: {  	s18 =	sshll.u32 s3, $0x1;
	s8 =	sshll.u32 s3, $0x7;
	[dreg:$0x1d] =	wrdreg s25  }
0x21: {  	s9 =	simm.s32 $0x0;
	[dreg:$0x1e] =	wrdreg s26;
	s6 =	sor.u32 s18, s8  }
0x22: {  	s7 =	sand.u32 $0x1, s4;
	[dreg:$0x1f] =	wrdreg s28;
	s6 =	sand.u32 $0x606, s6  }
0x23: {  	[smem:$0x7FC] =	sst s30;
	s4 =	sor.u32 s7, s6;
	s7 =	ssub.s32 $0x2, s7  }
0x24: {  	v0 =	vlaneseq.u32;
	[smem:$0x7FD] =	sst s31;
	s24 =	sshll.u32 s4, $0x1;
	s29 =	sshrl.u32 s7, $0x1  }
0x25: {  	v0 =	vmul.u32 $0xFFFFFFF0, v0;
	s8 =	simm.s32 $0x1;
	s5 =	sadd.s32 s24, s5;
	s7 =	ssub.s32 s7, s29  }
0x26: {  	s5 =	sadd.s32 $0x400, s5;
	s6 =	smax.u32 s7, $0x1;
	s7 =	simm.s32 $0x2  }
.LBB2_1:
0x27: {  	s10 =	simm.s32 $0x9F70  }
0x28: {  	v1 =	vadd.s32 s10, v0  }
0x29: {  	vm0 =	vgt.s32 v1, $0x0  }
0x2a: {  	v5 =	vnsel vm0, $0x0, v1  }
0x2b: {  	[tilespmem:s2], [sflag:$0x2] =	stream.linear.gather [hbm4b:s5+s2], $0x9F80, $0x38;
	[tilespmem:$0x13F80] =	vst v63  }
0x2c: {  	s29 =	simm.s32 $0x9E70;
	_ =	swait.ge [sflag:s7], $0x9F80  }
0x2d: {  	[sflag:s7] =	ssyncset.done $0x0;
	v1 =	vadd.s32 s29, v0  }
0x2e: {  	[sflag:s7] =	ssyncadd.s32 $0xFFFF6080;
	vm10 =	vgt.s32 v1, $0x0  }
0x2f: {  	v4 =	vnsel vm10, $0x0, v1;
	v1 =	vld.idx.msk [tilespmem:v5+s2+$0x0], $0xffff  }
0x30: {  	v2 =	vor.u32 $0x1, v5;
	_ =	sdelay $0x2  }
0x31: {  	s10 =	simm.s32 $0x9F80  }
0x32: {  	v3 =	vld.idx.msk [tilespmem:v4+s2+$0x0], $0xffff;
	[tilespmem:s10+$0x0] =	vst v1  }
0x33: {  	v1 =	vor.u32 $0x1, v4;
	v2 =	vld.idx.msk [tilespmem:v2+s2+$0x0], $0xffff  }
0x34: {  	v6 =	vor.u32 $0x2, v5;
	_ =	sdelay $0x2  }
0x35: {  	[tilespmem:s10+$0x10] =	vst v3  }
0x36: {  	v1 =	vld.idx.msk [tilespmem:v1+s2+$0x0], $0xffff;
	[tilespmem:s10+$0xA00] =	vst v2  }
0x37: {  	v2 =	vor.u32 $0x2, v4;
	v3 =	vld.idx.msk [tilespmem:v6+s2+$0x0], $0xffff  }
0x38: {  	v6 =	vor.u32 $0x3, v5;
	_ =	sdelay $0x2  }
0x39: {  	[tilespmem:s10+$0xA10] =	vst v1  }
0x3a: {  	v1 =	vld.idx.msk [tilespmem:v2+s2+$0x0], $0xffff;
	[tilespmem:s10+$0x1400] =	vst v3  }
0x3b: {  	v2 =	vor.u32 $0x3, v4;
	v3 =	vld.idx.msk [tilespmem:v6+s2+$0x0], $0xffff  }
0x3c: {  	s11 =	simm.s32 $0x9D70;
	v6 =	vor.u32 $0x4, v5  }
0x3d: {  	s12 =	simm.s32 $0x9C70;
	v7 =	vadd.s32 s11, v0  }
0x3e: {  	v8 =	vadd.s32 s12, v0;
	vm11 =	vgt.s32 v7, $0x0  }
0x3f: {  	vm1 =	vgt.s32 v8, $0x0;
	[tilespmem:s10+$0x1410] =	vst v1;
	v1 =	vnsel vm11, $0x0, v7  }
0x40: {  	v7 =	vnsel vm1, $0x0, v8;
	v2 =	vld.idx.msk [tilespmem:v2+s2+$0x0], $0xffff;
	[tilespmem:s10+$0x1E00] =	vst v3  }
0x41: {  	v3 =	vor.u32 $0x4, v4;
	v6 =	vld.idx.msk [tilespmem:v6+s2+$0x0], $0xffff  }
0x42: {  	v8 =	vor.u32 $0x5, v5;
	_ =	sdelay $0x1  }
0x43: {  	v9 =	vld.idx.msk [tilespmem:v1+s2+$0x0], $0xffff  }
0x44: {  	v10 =	vor.u32 $0x1, v1;
	[tilespmem:s10+$0x1E10] =	vst v2;
	v2 =	vld.idx.msk [tilespmem:v7+s2+$0x0], $0xffff  }
0x45: {  	v11 =	vor.u32 $0x1, v7;
	v3 =	vld.idx.msk [tilespmem:v3+s2+$0x0], $0xffff;
	[tilespmem:s10+$0x2800] =	vst v6  }
0x46: {  	v6 =	vor.u32 $0x5, v4;
	v8 =	vld.idx.msk [tilespmem:v8+s2+$0x0], $0xffff  }
0x47: {  	s11 =	simm.s32 $0x9FA0;
	v12 =	vor.u32 $0x6, v5  }
0x48: {  	[tilespmem:s11+$0x0] =	vst v9  }
0x49: {  	v9 =	vld.idx.msk [tilespmem:v10+s2+$0x0], $0xffff;
	[tilespmem:s11+$0x10] =	vst v2  }
0x4a: {  	[tilespmem:s10+$0x2810] =	vst v3;
	v2 =	vld.idx.msk [tilespmem:v11+s2+$0x0], $0xffff;
	v3 =	vor.u32 $0x2, v1  }
0x4b: {  	v10 =	vor.u32 $0x2, v7;
	v6 =	vld.idx.msk [tilespmem:v6+s2+$0x0], $0xffff;
	[tilespmem:s10+$0x3200] =	vst v8  }
0x4c: {  	v8 =	vor.u32 $0x6, v4;
	v11 =	vld.idx.msk [tilespmem:v12+s2+$0x0], $0xffff  }
0x4d: {  	v12 =	vor.u32 $0x7, v5  }
0x4e: {  	[tilespmem:s11+$0xA00] =	vst v9  }
0x4f: {  	v3 =	vld.idx.msk [tilespmem:v3+s2+$0x0], $0xffff;
	[tilespmem:s11+$0xA10] =	vst v2  }
0x50: {  	[tilespmem:s10+$0x3210] =	vst v6;
	v2 =	vld.idx.msk [tilespmem:v10+s2+$0x0], $0xffff;
	v6 =	vor.u32 $0x3, v1  }
0x51: {  	v9 =	vor.u32 $0x3, v7;
	v8 =	vld.idx.msk [tilespmem:v8+s2+$0x0], $0xffff;
	[tilespmem:s10+$0x3C00] =	vst v11  }
0x52: {  	v10 =	vor.u32 $0x7, v4;
	v11 =	vld.idx.msk [tilespmem:v12+s2+$0x0], $0xffff  }
0x53: {  	v12 =	vor.u32 $0x8, v5  }
0x54: {  	[tilespmem:s11+$0x1400] =	vst v3  }
0x55: {  	v3 =	vld.idx.msk [tilespmem:v6+s2+$0x0], $0xffff;
	[tilespmem:s11+$0x1410] =	vst v2  }
0x56: {  	[tilespmem:s10+$0x3C10] =	vst v8;
	v6 =	vld.idx.msk [tilespmem:v9+s2+$0x0], $0xffff;
	v8 =	vor.u32 $0x4, v1  }
0x57: {  	s30 =	simm.s32 $0x9B70;
	v9 =	vor.u32 $0x4, v7;
	v13 =	vld.idx.msk [tilespmem:v10+s2+$0x0], $0xffff;
	[tilespmem:s10+$0x4600] =	vst v11  }
0x58: {  	s13 =	simm.s32 $0x9A70;
	v2 =	vadd.s32 s30, v0;
	v11 =	vor.u32 $0x8, v4;
	v12 =	vld.idx.msk [tilespmem:v12+s2+$0x0], $0xffff  }
0x59: {  	v14 =	vor.u32 $0x9, v5;
	vm12 =	vgt.s32 v2, $0x0;
	v10 =	vadd.s32 s13, v0  }
0x5a: {  	v2 =	vnsel vm12, $0x0, v2;
	vm13 =	vgt.s32 v10, $0x0;
	[tilespmem:s11+$0x1E00] =	vst v3  }
0x5b: {  	v10 =	vnsel vm13, $0x0, v10;
	v3 =	vld.idx.msk [tilespmem:v8+s2+$0x0], $0xffff;
	[tilespmem:s11+$0x1E10] =	vst v6  }
0x5c: {  	v8 =	vor.u32 $0x5, v1;
	[tilespmem:s10+$0x4610] =	vst v13;
	v6 =	vld.idx.msk [tilespmem:v9+s2+$0x0], $0xffff  }
0x5d: {  	v9 =	vor.u32 $0x5, v7;
	v11 =	vld.idx.msk [tilespmem:v11+s2+$0x0], $0xffff;
	[tilespmem:s10+$0x5000] =	vst v12  }
0x5e: {  	v12 =	vor.u32 $0x9, v4;
	v13 =	vld.idx.msk [tilespmem:v14+s2+$0x0], $0xffff  }
0x5f: {  	v15 =	vor.u32 $0xA, v5;
	v14 =	vld.idx.msk [tilespmem:v2+s2+$0x0], $0xffff  }
0x60: {  	v17 =	vor.u32 $0x1, v2;
	v16 =	vld.idx.msk [tilespmem:v10+s2+$0x0], $0xffff;
	[tilespmem:s11+$0x2800] =	vst v3  }
0x61: {  	v3 =	vor.u32 $0x1, v10;
	v8 =	vld.idx.msk [tilespmem:v8+s2+$0x0], $0xffff;
	[tilespmem:s11+$0x2810] =	vst v6  }
0x62: {  	[tilespmem:s10+$0x5010] =	vst v11;
	v6 =	vld.idx.msk [tilespmem:v9+s2+$0x0], $0xffff;
	v9 =	vor.u32 $0x6, v1  }
0x63: {  	s12 =	simm.s32 $0x9FC0;
	v11 =	vor.u32 $0x6, v7;
	v12 =	vld.idx.msk [tilespmem:v12+s2+$0x0], $0xffff;
	[tilespmem:s10+$0x5A00] =	vst v13  }
0x64: {  	v13 =	vor.u32 $0xA, v4;
	[tilespmem:s12+$0x0] =	vst v14;
	v14 =	vld.idx.msk [tilespmem:v15+s2+$0x0], $0xffff  }
0x65: {  	[tilespmem:s12+$0x10] =	vst v16;
	v16 =	vor.u32 $0xB, v5;
	v15 =	vld.idx.msk [tilespmem:v17+s2+$0x0], $0xffff  }
0x66: {  	v3 =	vld.idx.msk [tilespmem:v3+s2+$0x0], $0xffff;
	v17 =	vor.u32 $0x2, v2;
	[tilespmem:s11+$0x3200] =	vst v8  }
0x67: {  	v8 =	vor.u32 $0x2, v10;
	v9 =	vld.idx.msk [tilespmem:v9+s2+$0x0], $0xffff;
	[tilespmem:s11+$0x3210] =	vst v6  }
0x68: {  	v6 =	vld.idx.msk [tilespmem:v11+s2+$0x0], $0xffff;
	[tilespmem:s10+$0x5A10] =	vst v12;
	v11 =	vor.u32 $0x7, v1  }
0x69: {  	v12 =	vor.u32 $0x7, v7;
	v13 =	vld.idx.msk [tilespmem:v13+s2+$0x0], $0xffff;
	[tilespmem:s10+$0x6400] =	vst v14  }
0x6a: {  	v14 =	vor.u32 $0xB, v4;
	[tilespmem:s12+$0xA00] =	vst v15;
	v15 =	vld.idx.msk [tilespmem:v16+s2+$0x0], $0xffff  }
0x6b: {  	s14 =	simm.s32 $0x9870;
	[tilespmem:s12+$0xA10] =	vst v3;
	v3 =	vor.u32 $0xC, v5;
	v16 =	vld.idx.msk [tilespmem:v17+s2+$0x0], $0xffff  }
0x6c: {  	v18 =	vadd.s32 s14, v0;
	v8 =	vld.idx.msk [tilespmem:v8+s2+$0x0], $0xffff;
	v17 =	vor.u32 $0x3, v2;
	[tilespmem:s11+$0x3C00] =	vst v9  }
0x6d: {  	vm15 =	vgt.s32 v18, $0x0;
	v9 =	vor.u32 $0x3, v10;
	v11 =	vld.idx.msk [tilespmem:v11+s2+$0x0], $0xffff;
	[tilespmem:s11+$0x3C10] =	vst v6  }
0x6e: {  	v29 =	vnsel vm15, $0x0, v18;
	v6 =	vld.idx.msk [tilespmem:v12+s2+$0x0], $0xffff;
	[tilespmem:s10+$0x6410] =	vst v13  }
0x6f: {  	v12 =	vor.u32 $0x8, v1;
	v14 =	vld.idx.msk [tilespmem:v14+s2+$0x0], $0xffff;
	[tilespmem:s10+$0x6E00] =	vst v15  }
0x70: {  	v13 =	vor.u32 $0x8, v7;
	[tilespmem:s12+$0x1400] =	vst v16;
	v3 =	vld.idx.msk [tilespmem:v3+s2+$0x0], $0xffff  }
0x71: {  	[tilespmem:s12+$0x1410] =	vst v8;
	v8 =	vor.u32 $0xD, v5;
	v16 =	vld.idx.msk [tilespmem:v17+s2+$0x0], $0xffff  }
0x72: {  	v9 =	vld.idx.msk [tilespmem:v9+s2+$0x0], $0xffff;
	v17 =	vor.u32 $0x4, v2;
	[tilespmem:s11+$0x4600] =	vst v11  }
0x73: {  	s31 =	simm.s32 $0x9970;
	v18 =	vld.idx.msk [tilespmem:v29+s2+$0x0], $0xffff;
	v11 =	vor.u32 $0x4, v10;
	[tilespmem:s11+$0x4610] =	vst v6  }
0x74: {  	v15 =	vor.u32 $0xC, v4;
	v12 =	vld.idx.msk [tilespmem:v12+s2+$0x0], $0xffff;
	v6 =	vadd.s32 s31, v0;
	[tilespmem:s10+$0x6E10] =	vst v14  }
0x75: {  	v13 =	vld.idx.msk [tilespmem:v13+s2+$0x0], $0xffff;
	vm14 =	vgt.s32 v6, $0x0;
	v14 =	vor.u32 $0x9, v1;
	[tilespmem:s10+$0x7800] =	vst v3  }
0x76: {  	v3 =	vnsel vm14, $0x0, v6;
	[tilespmem:s12+$0x1E00] =	vst v16;
	v6 =	vld.idx.msk [tilespmem:v8+s2+$0x0], $0xffff  }
0x77: {  	[tilespmem:s12+$0x1E10] =	vst v9;
	v9 =	vor.u32 $0xE, v5;
	v8 =	vld.idx.msk [tilespmem:v17+s2+$0x0], $0xffff  }
0x78: {  	v16 =	vor.u32 $0x5, v2;
	v11 =	vld.idx.msk [tilespmem:v11+s2+$0x0], $0xffff  }
0x79: {  	v15 =	vld.idx.msk [tilespmem:v15+s2+$0x0], $0xffff;
	[tilespmem:s11+$0x5000] =	vst v12;
	v12 =	vor.u32 $0x5, v10  }
0x7a: {  	v17 =	vor.u32 $0x9, v7;
	v14 =	vld.idx.msk [tilespmem:v14+s2+$0x0], $0xffff;
	[tilespmem:s11+$0x5010] =	vst v13  }
0x7b: {  	v19 =	vor.u32 $0xA, v1;
	v13 =	vld.idx.msk [tilespmem:v3+s2+$0x0], $0xffff;
	[tilespmem:s10+$0x8200] =	vst v6  }
0x7c: {  	v6 =	vor.u32 $0x1, v3;
	[tilespmem:s12+$0x2800] =	vst v8;
	v8 =	vld.idx.msk [tilespmem:v9+s2+$0x0], $0xffff  }
0x7d: {  	[tilespmem:s12+$0x2810] =	vst v11;
	v9 =	vor.u32 $0x1, v29;
	v16 =	vld.idx.msk [tilespmem:v16+s2+$0x0], $0xffff  }
0x7e: {  	v5 =	vor.u32 $0xF, v5;
	[tilespmem:s10+$0x7810] =	vst v15;
	v11 =	vld.idx.msk [tilespmem:v12+s2+$0x0], $0xffff  }
0x7f: {  	s13 =	simm.s32 $0x9FE0;
	v12 =	vor.u32 $0x6, v2;
	[tilespmem:s11+$0x5A00] =	vst v14;
	v14 =	vld.idx.msk [tilespmem:v17+s2+$0x0], $0xffff  }
0x80: {  	v15 =	vor.u32 $0x6, v10;
	[tilespmem:s13+$0x0] =	vst v13;
	v13 =	vld.idx.msk [tilespmem:v19+s2+$0x0], $0xffff  }
0x81: {  	[tilespmem:s13+$0x10] =	vst v18;
	v17 =	vor.u32 $0xA, v7;
	v19 =	vld.idx.msk [tilespmem:v6+s2+$0x0], $0xffff  }
0x82: {  	v18 =	vor.u32 $0xB, v1;
	v9 =	vld.idx.msk [tilespmem:v9+s2+$0x0], $0xffff;
	[tilespmem:s10+$0x8C00] =	vst v8  }
0x83: {  	v20 =	vor.u32 $0x2, v3;
	[tilespmem:s12+$0x3200] =	vst v16;
	v16 =	vld.idx.msk [tilespmem:v5+s2+$0x0], $0xffff  }
0x84: {  	[tilespmem:s12+$0x3210] =	vst v11;
	v11 =	vor.u32 $0xD, v4;
	v12 =	vld.idx.msk [tilespmem:v12+s2+$0x0], $0xffff  }
0x85: {  	v21 =	vor.u32 $0x2, v29;
	v15 =	vld.idx.msk [tilespmem:v15+s2+$0x0], $0xffff;
	[tilespmem:s11+$0x5A10] =	vst v14  }
0x86: {  	v37 =	vor.u32 $0x3, v29;
	v23 =	vld.idx.msk [tilespmem:v17+s2+$0x0], $0xffff;
	[tilespmem:s11+$0x6400] =	vst v13  }
0x87: {  	v27 =	vor.u32 $0x4, v29;
	v26 =	vor.u32 $0x5, v29;
	v22 =	vor.u32 $0x7, v2;
	[tilespmem:s13+$0xA00] =	vst v19;
	v18 =	vld.idx.msk [tilespmem:v18+s2+$0x0], $0xffff  }
0x88: {  	v28 =	vor.u32 $0x8, v29;
	v32 =	vor.u32 $0xE, v4;
	v25 =	vor.u32 $0x7, v10;
	v30 =	vld.idx.msk [tilespmem:v20+s2+$0x0], $0xffff;
	[tilespmem:s13+$0xA10] =	vst v9  }
0x89: {  	v24 =	vor.u32 $0xB, v7;
	v34 =	vor.u32 $0x3, v3;
	v6 =	vor.u32 $0xF, v4;
	v36 =	vld.idx.msk [tilespmem:v11+s2+$0x0], $0xffff;
	[tilespmem:s10+$0x9600] =	vst v16  }
0x8a: {  	v8 =	vor.u32 $0xD, v7;
	v4 =	vor.u32 $0xF, v7;
	v35 =	vld.idx.msk [tilespmem:v21+s2+$0x0], $0xffff;
	v21 =	vor.u32 $0xC, v1;
	[tilespmem:s12+$0x3C00] =	vst v12  }
0x8b: {  	v5 =	vor.u32 $0xE, v7;
	v14 =	vor.u32 $0xC, v10;
	v17 =	vor.u32 $0xA, v10;
	[tilespmem:s12+$0x3C10] =	vst v15  }
0x8c: {  	v13 =	vor.u32 $0xC, v7;
	v7 =	vor.u32 $0xF, v10;
	v19 =	vor.u32 $0x9, v10;
	v38 =	vld.idx.msk [tilespmem:v22+s2+$0x0], $0xffff;
	[tilespmem:s11+$0x6410] =	vst v23  }
0x8d: {  	v20 =	vor.u32 $0x8, v10;
	v11 =	vor.u32 $0xD, v10;
	v9 =	vor.u32 $0xE, v10;
	v33 =	vld.idx.msk [tilespmem:v25+s2+$0x0], $0xffff;
	[tilespmem:s11+$0x6E00] =	vst v18  }
0x8e: {  	v16 =	vor.u32 $0xB, v10;
	v15 =	vor.u32 $0xD, v29;
	v31 =	vld.idx.msk [tilespmem:v24+s2+$0x0], $0xffff;
	[tilespmem:s10+$0x8210] =	vst v36;
	v36 =	vor.u32 $0x8, v2  }
0x8f: {  	v12 =	vor.u32 $0xE, v29;
	v10 =	vor.u32 $0xF, v29;
	v25 =	vor.u32 $0x6, v29;
	[tilespmem:s13+$0x1400] =	vst v30;
	v30 =	vld.idx.msk [tilespmem:v21+s2+$0x0], $0xffff  }
0x90: {  	v22 =	vor.u32 $0x9, v29;
	v23 =	vor.u32 $0xC, v29;
	v24 =	vor.u32 $0x7, v29;
	v34 =	vld.idx.msk [tilespmem:v34+s2+$0x0], $0xffff  }
0x91: {  	s18 =	simm.s32 $0x6;
	s19 =	simm.s32 $0x9670;
	s16 =	simm.s32 $0x0;
	v18 =	vor.u32 $0xB, v29;
	v21 =	vor.u32 $0xA, v29;
	[tilespmem:s13+$0x1410] =	vst v35;
	v29 =	vor.u32 $0xD, v1;
	v32 =	vld.idx.msk [tilespmem:v32+s2+$0x0], $0xffff  }
0x92: {  	s15 =	simm.s32 $0x0;
	s17 =	simm.s32 $0x0;
	s14 =	simm.s32 $0x0;
	v35 =	vld.idx.msk [tilespmem:v37+s2+$0x0], $0xffff;
	v37 =	vor.u32 $0x4, v3;
	[tilespmem:s12+$0x4600] =	vst v38  }
.LBB2_2:
0x93: {  	s20 =	sadd.s32 $0x100, s19;
	v38 =	vadd.s32 s19, v0;
	s18 =	sadd.s32 $0x2, s18;
	v36 =	vld.idx.msk [tilespmem:v36+s14+$0x0], $0xffff;
	[tilespmem:s12+$0x4610] =	vst v33  }
0x94: {  	v33 =	vadd.s32 s20, v0;
	vm0 =	vgt.s32 v38, $0x0;
	p0 =	slt.u32 s18, $0x9E;
	v39 =	vld.idx.msk [tilespmem:v20+s14+$0x0], $0xffff;
	[tilespmem:s11+$0x6E10] =	vst v31;
	v20 =	vmov v28  }
0x95: {  	vm1 =	vgt.s32 v33, $0x0;
	v31 =	vnsel vm0, $0x0, v38;
	v38 =	vor.u32 $0x9, v2;
	[tilespmem:s11+$0x7800] =	vst v30;
	v30 =	vld.idx.msk [tilespmem:v13+s16+$0x0], $0xffff;
	v13 =	vmovc v14;
	v14 =	vmovc v23  }
0x96: {  	v33 =	vnsel vm1, $0x0, v33;
	v40 =	vor.u32 $0x1, v31;
	v41 =	vor.u32 $0x2, v31;
	[tilespmem:s13+$0x1E00] =	vst v34;
	v34 =	vld.idx.msk [tilespmem:v29+s16+$0x0], $0xffff  }
0x97: {  	v29 =	vor.u32 $0x3, v31;
	v23 =	vor.u32 $0x4, v31;
	v42 =	vor.u32 $0x5, v31;
	v37 =	vld.idx.msk [tilespmem:v37+s15+$0x0], $0xffff;
	[tilespmem:s13+$0x1E10] =	vst v35  }
0x98: {  	v45 =	vor.u32 $0xE, v1;
	v43 =	vor.u32 $0x7, v31;
	v35 =	vor.u32 $0x6, v31;
	v44 =	vld.idx.msk [tilespmem:v27+s15+$0x0], $0xffff;
	[tilespmem:s10+$0x8C10] =	vst v32;
	v27 =	vmovc v23  }
0x99: {  	v46 =	vor.u32 $0x5, v3;
	v28 =	vor.u32 $0x8, v31;
	v32 =	vor.u32 $0x9, v31;
	[tilespmem:s12+$0x5000] =	vst v36;
	v36 =	vld.idx.msk [tilespmem:v6+s17+$0x0], $0xffff;
	v6 =	vmovc v4;
	v4 =	vmovc v7;
	s17 =	smov.u32 s16;
	s16 =	smov.u32 s14;
	s14 =	smov.u32 s15  }
0x9a: {  	v47 =	vor.u32 $0xA, v31;
	v48 =	vor.u32 $0xB, v31;
	v23 =	vor.u32 $0xC, v31;
	s15 =	simm.s32 $0x0;
	v7 =	vmovc v10;
	v38 =	vld.idx.msk [tilespmem:v38+s16+$0x0], $0xffff;
	[tilespmem:s12+$0x5010] =	vst v39  }
0x9b: {  	v49 =	vor.u32 $0xD, v31;
	v50 =	vor.u32 $0xE, v31;
	v10 =	vor.u32 $0xF, v31;
	v39 =	vld.idx.msk [tilespmem:v33+s15+$0x0], $0xffff;
	[tilespmem:s11+$0x7810] =	vst v30  }
0x9c: {  	v30 =	vld.idx.msk [tilespmem:v31+s15+$0x0], $0xffff;
	v31 =	vor.u32 $0xA, v2;
	[tilespmem:s11+$0x8200] =	vst v34  }
0x9d: {  	v34 =	vor.u32 $0x1, v33;
	[tilespmem:s13+$0x2800] =	vst v37;
	v37 =	vld.idx.msk [tilespmem:v45+s17+$0x0], $0xffff  }
0x9e: {  	v45 =	vld.idx.msk [tilespmem:v46+s14+$0x0], $0xffff;
	[tilespmem:s13+$0x2810] =	vst v44  }
0x9f: {  	v46 =	vor.u32 $0xF, v1;
	v1 =	vmovc v2;
	v2 =	vmovc v3;
	v3 =	vmov v33;
	v44 =	vld.idx.msk [tilespmem:v26+s14+$0x0], $0xffff;
	[tilespmem:s10+$0x9610] =	vst v36;
	v26 =	vmov v42;
	s10 =	smov.u32 s11;
	s11 =	smov.u32 s12;
	s12 =	smov.u32 s13  }
0xa0: {  	v33 =	vor.u32 $0x6, v2;
	s13 =	sadd.s32 $0x20, s13;
	[tilespmem:s11+$0x5A00] =	vst v38;
	v36 =	vld.idx.msk [tilespmem:v19+s16+$0x0], $0xffff;
	v19 =	vmov v22;
	v22 =	vmov v32  }
0xa1: {  	[tilespmem:s13+$0x0] =	vst v39;
	v31 =	vld.idx.msk [tilespmem:v31+s16+$0x0], $0xffff  }
0xa2: {  	v32 =	vld.idx.msk [tilespmem:v34+s15+$0x0], $0xffff;
	[tilespmem:s13+$0x10] =	vst v30  }
0xa3: {  	v34 =	vor.u32 $0xB, v1;
	v30 =	vld.idx.msk [tilespmem:v40+s15+$0x0], $0xffff;
	[tilespmem:s10+$0x8C00] =	vst v37  }
0xa4: {  	v37 =	vor.u32 $0x2, v3;
	[tilespmem:s12+$0x3200] =	vst v45;
	v38 =	vld.idx.msk [tilespmem:v46+s17+$0x0], $0xffff  }
0xa5: {  	v33 =	vld.idx.msk [tilespmem:v33+s14+$0x0], $0xffff;
	[tilespmem:s12+$0x3210] =	vst v44  }
0xa6: {  	v39 =	vld.idx.msk [tilespmem:v25+s14+$0x0], $0xffff;
	[tilespmem:s11+$0x5A10] =	vst v36;
	v25 =	vmov v35  }
0xa7: {  	v35 =	vor.u32 $0x7, v2;
	[tilespmem:s11+$0x6400] =	vst v31;
	v31 =	vld.idx.msk [tilespmem:v17+s16+$0x0], $0xffff;
	v17 =	vmov v21;
	v21 =	vmov v47  }
0xa8: {  	[tilespmem:s13+$0xA00] =	vst v32;
	v32 =	vld.idx.msk [tilespmem:v34+s16+$0x0], $0xffff  }
0xa9: {  	v34 =	vld.idx.msk [tilespmem:v37+s15+$0x0], $0xffff;
	[tilespmem:s13+$0xA10] =	vst v30  }
0xaa: {  	v30 =	vor.u32 $0xC, v1;
	v37 =	vld.idx.msk [tilespmem:v41+s15+$0x0], $0xffff;
	[tilespmem:s10+$0x9600] =	vst v38  }
0xab: {  	v38 =	vor.u32 $0x3, v3;
	[tilespmem:s12+$0x3C00] =	vst v33;
	v40 =	vld.idx.msk [tilespmem:v8+s17+$0x0], $0xffff;
	v8 =	vmovc v11;
	v11 =	vmov v15;
	v15 =	vmov v49  }
0xac: {  	v41 =	vld.idx.msk [tilespmem:v35+s14+$0x0], $0xffff;
	[tilespmem:s12+$0x3C10] =	vst v39  }
0xad: {  	v33 =	vld.idx.msk [tilespmem:v24+s14+$0x0], $0xffff;
	[tilespmem:s11+$0x6410] =	vst v31;
	v24 =	vmov v43  }
.Ltmp0:
0xae: {  	v36 =	vor.u32 $0x8, v2;
	[tilespmem:s11+$0x6E00] =	vst v32;
	v31 =	vld.idx.msk [tilespmem:v16+s16+$0x0], $0xffff;
	v16 =	vmov v18;
	v18 =	vmov v48;
	(pc) =	sbr.rel @p0 .LBB2_2-.Ltmp0, $4  }
0xaf: {  	[tilespmem:s13+$0x1400] =	vst v34;
	v30 =	vld.idx.msk [tilespmem:v30+s16+$0x0], $0xffff  }
0xb0: {  	v34 =	vld.idx.msk [tilespmem:v38+s15+$0x0], $0xffff;
	[tilespmem:s13+$0x1410] =	vst v37  }
0xb1: {  	v35 =	vld.idx.msk [tilespmem:v29+s15+$0x0], $0xffff;
	v29 =	vor.u32 $0xD, v1;
	[tilespmem:s10+$0x8210] =	vst v40  }
0xb2: {  	s19 =	sadd.s32 $0xFFFFFE00, s19;
	v37 =	vor.u32 $0x4, v3;
	[tilespmem:s12+$0x4600] =	vst v41;
	v32 =	vld.idx.msk [tilespmem:v5+s17+$0x0], $0xffff;
	v5 =	vmovc v9;
	v9 =	vmov v12;
	v12 =	vmov v50  }
0xb3: {  	_ =	sdelay $0x2  }
0xb4: {  	[tilespmem:s13+$0x1E00] =	vst v34  }
0xb5: {  	v34 =	vld.idx.msk [tilespmem:v37+s15+$0x0], $0xffff;
	[tilespmem:s13+$0x1E10] =	vst v35  }
0xb6: {  	v39 =	vor.u32 $0x5, v3;
	v27 =	vld.idx.msk [tilespmem:v27+s15+$0x0], $0xffff;
	_ =	sdelay $0x3  }
0xb7: {  	[tilespmem:s13+$0x2800] =	vst v34  }
0xb8: {  	v34 =	vld.idx.msk [tilespmem:v39+s15+$0x0], $0xffff;
	[tilespmem:s13+$0x2810] =	vst v27  }
0xb9: {  	v40 =	vor.u32 $0x6, v3;
	v26 =	vld.idx.msk [tilespmem:v26+s15+$0x0], $0xffff;
	_ =	sdelay $0x3  }
0xba: {  	[tilespmem:s13+$0x3200] =	vst v34  }
0xbb: {  	v27 =	vld.idx.msk [tilespmem:v40+s15+$0x0], $0xffff;
	[tilespmem:s13+$0x3210] =	vst v26  }
0xbc: {  	v41 =	vor.u32 $0x7, v3;
	v25 =	vld.idx.msk [tilespmem:v25+s15+$0x0], $0xffff;
	_ =	sdelay $0x3  }
0xbd: {  	[tilespmem:s13+$0x3C00] =	vst v27  }
0xbe: {  	v26 =	vld.idx.msk [tilespmem:v41+s15+$0x0], $0xffff;
	[tilespmem:s13+$0x3C10] =	vst v25  }
0xbf: {  	v42 =	vor.u32 $0x8, v3;
	v24 =	vld.idx.msk [tilespmem:v24+s15+$0x0], $0xffff;
	_ =	sdelay $0x1  }
0xc0: {  	[tilespmem:s12+$0x4610] =	vst v33  }
0xc1: {  	v20 =	vld.idx.msk [tilespmem:v20+s14+$0x0], $0xffff  }
0xc2: {  	v43 =	vld.idx.msk [tilespmem:v36+s14+$0x0], $0xffff;
	[tilespmem:s13+$0x4600] =	vst v26  }
0xc3: {  	v44 =	vor.u32 $0x9, v2;
	v25 =	vld.idx.msk [tilespmem:v42+s15+$0x0], $0xffff;
	[tilespmem:s13+$0x4610] =	vst v24  }
0xc4: {  	v45 =	vor.u32 $0x9, v3;
	v24 =	vld.idx.msk [tilespmem:v28+s15+$0x0], $0xffff;
	_ =	sdelay $0x1  }
0xc5: {  	[tilespmem:s12+$0x5010] =	vst v20  }
0xc6: {  	[tilespmem:s12+$0x5000] =	vst v43;
	v19 =	vld.idx.msk [tilespmem:v19+s14+$0x0], $0xffff  }
0xc7: {  	v27 =	vld.idx.msk [tilespmem:v44+s14+$0x0], $0xffff;
	[tilespmem:s13+$0x5000] =	vst v25  }
0xc8: {  	v46 =	vor.u32 $0xA, v2;
	v25 =	vld.idx.msk [tilespmem:v45+s15+$0x0], $0xffff;
	[tilespmem:s13+$0x5010] =	vst v24  }
0xc9: {  	v47 =	vor.u32 $0xA, v3;
	v22 =	vld.idx.msk [tilespmem:v22+s15+$0x0], $0xffff;
	_ =	sdelay $0x1  }
0xca: {  	[tilespmem:s12+$0x5A10] =	vst v19  }
0xcb: {  	v17 =	vld.idx.msk [tilespmem:v17+s14+$0x0], $0xffff;
	[tilespmem:s12+$0x5A00] =	vst v27  }
0xcc: {  	v20 =	vld.idx.msk [tilespmem:v46+s14+$0x0], $0xffff;
	[tilespmem:s13+$0x5A00] =	vst v25  }
0xcd: {  	v48 =	vor.u32 $0xB, v2;
	v24 =	vld.idx.msk [tilespmem:v47+s15+$0x0], $0xffff;
	[tilespmem:s13+$0x5A10] =	vst v22  }
0xce: {  	v49 =	vor.u32 $0xB, v3;
	v21 =	vld.idx.msk [tilespmem:v21+s15+$0x0], $0xffff  }
0xcf: {  	[tilespmem:s11+$0x6E10] =	vst v31  }
0xd0: {  	[tilespmem:s12+$0x6410] =	vst v17  }
0xd1: {  	v16 =	vld.idx.msk [tilespmem:v16+s14+$0x0], $0xffff;
	[tilespmem:s12+$0x6400] =	vst v20  }
0xd2: {  	v19 =	vld.idx.msk [tilespmem:v48+s14+$0x0], $0xffff;
	[tilespmem:s13+$0x6400] =	vst v24  }
0xd3: {  	v50 =	vor.u32 $0xC, v2;
	v51 =	vld.idx.msk [tilespmem:v49+s15+$0x0], $0xffff;
	[tilespmem:s13+$0x6410] =	vst v21  }
0xd4: {  	v52 =	vor.u32 $0xC, v3;
	[tilespmem:s11+$0x7800] =	vst v30;
	v18 =	vld.idx.msk [tilespmem:v18+s15+$0x0], $0xffff  }
0xd5: {  	v13 =	vld.idx.msk [tilespmem:v13+s16+$0x0], $0xffff;
	[tilespmem:s10+$0x8C10] =	vst v32  }
0xd6: {  	v53 =	vld.idx.msk [tilespmem:v29+s16+$0x0], $0xffff;
	[tilespmem:s12+$0x6E10] =	vst v16  }
0xd7: {  	v14 =	vld.idx.msk [tilespmem:v14+s14+$0x0], $0xffff;
	[tilespmem:s12+$0x6E00] =	vst v19  }
0xd8: {  	v17 =	vld.idx.msk [tilespmem:v50+s14+$0x0], $0xffff;
	[tilespmem:s13+$0x6E00] =	vst v51  }
0xd9: {  	v54 =	vor.u32 $0xD, v2;
	v55 =	vld.idx.msk [tilespmem:v52+s15+$0x0], $0xffff;
	[tilespmem:s13+$0x6E10] =	vst v18  }
0xda: {  	v56 =	vor.u32 $0xD, v3;
	[tilespmem:s11+$0x7810] =	vst v13;
	v18 =	vld.idx.msk [tilespmem:v23+s15+$0x0], $0xffff  }
0xdb: {  	v6 =	vld.idx.msk [tilespmem:v6+s17+$0x0], $0xffff;
	[tilespmem:s11+$0x8200] =	vst v53  }
0xdc: {  	v57 =	vor.u32 $0xE, v1;
	v8 =	vld.idx.msk [tilespmem:v8+s16+$0x0], $0xffff;
	[tilespmem:s12+$0x7810] =	vst v14  }
0xdd: {  	v11 =	vld.idx.msk [tilespmem:v11+s14+$0x0], $0xffff;
	[tilespmem:s12+$0x7800] =	vst v17  }
0xde: {  	v16 =	vld.idx.msk [tilespmem:v54+s14+$0x0], $0xffff;
	[tilespmem:s13+$0x7800] =	vst v55  }
0xdf: {  	v58 =	vor.u32 $0xE, v2;
	v13 =	vld.idx.msk [tilespmem:v56+s15+$0x0], $0xffff;
	[tilespmem:s13+$0x7810] =	vst v18  }
0xe0: {  	v59 =	vor.u32 $0xE, v3;
	[tilespmem:s10+$0x9610] =	vst v6;
	v15 =	vld.idx.msk [tilespmem:v15+s15+$0x0], $0xffff  }
0xe1: {  	v60 =	vld.idx.msk [tilespmem:v57+s16+$0x0], $0xffff;
	[tilespmem:s11+$0x8210] =	vst v8  }
0xe2: {  	v1 =	vor.u32 $0xF, v1;
	v5 =	vld.idx.msk [tilespmem:v5+s16+$0x0], $0xffff;
	[tilespmem:s12+$0x8210] =	vst v11  }
0xe3: {  	v9 =	vld.idx.msk [tilespmem:v9+s14+$0x0], $0xffff;
	[tilespmem:s12+$0x8200] =	vst v16  }
0xe4: {  	v61 =	vld.idx.msk [tilespmem:v58+s14+$0x0], $0xffff;
	[tilespmem:s13+$0x8200] =	vst v13  }
0xe5: {  	v2 =	vor.u32 $0xF, v2;
	v6 =	vld.idx.msk [tilespmem:v59+s15+$0x0], $0xffff;
	[tilespmem:s13+$0x8210] =	vst v15  }
0xe6: {  	v3 =	vor.u32 $0xF, v3;
	[tilespmem:s11+$0x8C00] =	vst v60;
	v62 =	vld.idx.msk [tilespmem:v12+s15+$0x0], $0xffff  }
0xe7: {  	v1 =	vld.idx.msk [tilespmem:v1+s16+$0x0], $0xffff;
	[tilespmem:s11+$0x8C10] =	vst v5  }
0xe8: {  	v4 =	vld.idx.msk [tilespmem:v4+s16+$0x0], $0xffff;
	[tilespmem:s12+$0x8C10] =	vst v9  }
0xe9: {  	v63 =	vld.idx.msk [tilespmem:v7+s14+$0x0], $0xffff;
	[tilespmem:s12+$0x8C00] =	vst v61  }
0xea: {  	v2 =	vld.idx.msk [tilespmem:v2+s14+$0x0], $0xffff;
	[tilespmem:s13+$0x8C00] =	vst v6  }
0xeb: {  	v3 =	vld.idx.msk [tilespmem:v3+s15+$0x0], $0xffff;
	[tilespmem:s13+$0x8C10] =	vst v62  }
0xec: {  	p1 =	por $0x1, $0x1;
	[tilespmem:s11+$0x9600] =	vst v1;
	v1 =	vld.idx.msk [tilespmem:v10+s15+$0x0], $0xffff  }
.Ltmp1:
0xed: {  	[tilespmem:s11+$0x9610] =	vst v4;
	(pc) =	sbr.rel @!p1 .LBB2_6-.Ltmp1, $4  }
0xee: {  	[tilespmem:s12+$0x9610] =	vst v63  }
0xef: {  	s11 =	simm.s32 $0x0;
	[tilespmem:s12+$0x9600] =	vst v2  }
0xf0: {  	s31 =	sor.u32 s4, s11;
	[tilespmem:s13+$0x9600] =	vst v3  }
0xf1: {  	p0 =	por $0x0, $0x0;
	s10 =	sshll.u32 s31, $0xC;
	s14 =	simm.s32 $0xA178;
	[tilespmem:s13+$0x9610] =	vst v1  }
0xf2: {  	s11 =	sadd.s32 s1, s10  }
0xf3: {  	[hbm4b:s11+s2] =	stream.linear.scatter [tilespmem:s14], [sflag:$0x1], $0x80, $0x38;
	[tilespmem:$0x13F80] =	vst v63  }
0xf4: {  	s12 =	simm.s32 $0xAB78;
	s13 =	sadd.s32 $0x10, s11  }
0xf5: {  	[hbm4b:s13+s2] =	stream.linear.scatter [tilespmem:s12], [sflag:$0x1], $0x80, $0x38;
	[tilespmem:$0x13F80] =	vst v63  }
0xf6: {  	s20 =	simm.s32 $0xB578;
	s21 =	sadd.s32 $0x20, s11  }
0xf7: {  	[hbm4b:s21+s2] =	stream.linear.scatter [tilespmem:s20], [sflag:$0x1], $0x80, $0x38;
	[tilespmem:$0x13F80] =	vst v63  }
0xf8: {  	s22 =	simm.s32 $0xBF78;
	s23 =	sadd.s32 $0x30, s11  }
0xf9: {  	[hbm4b:s23+s2] =	stream.linear.scatter [tilespmem:s22], [sflag:$0x1], $0x80, $0x38;
	[tilespmem:$0x13F80] =	vst v63  }
0xfa: {  	s24 =	simm.s32 $0xC978;
	s25 =	sadd.s32 $0x40, s11  }
0xfb: {  	[hbm4b:s25+s2] =	stream.linear.scatter [tilespmem:s24], [sflag:$0x1], $0x80, $0x38;
	[tilespmem:$0x13F80] =	vst v63  }
0xfc: {  	s26 =	simm.s32 $0xD378;
	s28 =	sadd.s32 $0x50, s11  }
0xfd: {  	[hbm4b:s28+s2] =	stream.linear.scatter [tilespmem:s26], [sflag:$0x1], $0x80, $0x38;
	[tilespmem:$0x13F80] =	vst v63  }
0xfe: {  	s29 =	simm.s32 $0xDD78;
	s30 =	sadd.s32 $0x60, s11  }
0xff: {  	[hbm4b:s30+s2] =	stream.linear.scatter [tilespmem:s29], [sflag:$0x1], $0x80, $0x38;
	[tilespmem:$0x13F80] =	vst v63  }
0x100: {  	s31 =	rddreg [dreg:$0x3];
	s15 =	simm.s32 $0xE778;
	s11 =	sadd.s32 $0x70, s11  }
0x101: {  	[hbm4b:s11+s2] =	stream.linear.scatter [tilespmem:s15], [sflag:$0x1], $0x80, $0x38;
	[tilespmem:$0x13F80] =	vst v63  }
0x102: {  	s17 =	simm.s32 $0xA1F8;
	s16 =	sadd.s32 s10, s31  }
0x103: {  	[hbm4b:s16+s2] =	stream.linear.scatter [tilespmem:s17], [sflag:$0x1], $0x80, $0x38;
	[tilespmem:$0x13F80] =	vst v63  }
0x104: {  	s18 =	simm.s32 $0xABF8;
	s19 =	sadd.s32 $0x10, s16  }
0x105: {  	[hbm4b:s19+s2] =	stream.linear.scatter [tilespmem:s18], [sflag:$0x1], $0x80, $0x38;
	[tilespmem:$0x13F80] =	vst v63  }
0x106: {  	s20 =	simm.s32 $0xB5F8;
	s21 =	sadd.s32 $0x20, s16  }
0x107: {  	[hbm4b:s21+s2] =	stream.linear.scatter [tilespmem:s20], [sflag:$0x1], $0x80, $0x38;
	[tilespmem:$0x13F80] =	vst v63  }
0x108: {  	s22 =	simm.s32 $0xBFF8;
	s23 =	sadd.s32 $0x30, s16  }
0x109: {  	[hbm4b:s23+s2] =	stream.linear.scatter [tilespmem:s22], [sflag:$0x1], $0x80, $0x38;
	[tilespmem:$0x13F80] =	vst v63  }
0x10a: {  	s24 =	simm.s32 $0xC9F8;
	s25 =	sadd.s32 $0x40, s16  }
0x10b: {  	[hbm4b:s25+s2] =	stream.linear.scatter [tilespmem:s24], [sflag:$0x1], $0x80, $0x38;
	[tilespmem:$0x13F80] =	vst v63  }
0x10c: {  	s26 =	simm.s32 $0xD3F8;
	s28 =	sadd.s32 $0x50, s16  }
0x10d: {  	[hbm4b:s28+s2] =	stream.linear.scatter [tilespmem:s26], [sflag:$0x1], $0x80, $0x38;
	[tilespmem:$0x13F80] =	vst v63  }
0x10e: {  	s29 =	simm.s32 $0xDDF8;
	s30 =	sadd.s32 $0x60, s16  }
0x10f: {  	[hbm4b:s30+s2] =	stream.linear.scatter [tilespmem:s29], [sflag:$0x1], $0x80, $0x38;
	[tilespmem:$0x13F80] =	vst v63  }
0x110: {  	s31 =	rddreg [dreg:$0x4];
	s15 =	simm.s32 $0xE7F8;
	s11 =	sadd.s32 $0x70, s16  }
0x111: {  	[hbm4b:s11+s2] =	stream.linear.scatter [tilespmem:s15], [sflag:$0x1], $0x80, $0x38;
	[tilespmem:$0x13F80] =	vst v63  }
0x112: {  	s16 =	sadd.s32 s10, s31;
	s17 =	simm.s32 $0xA278  }
0x113: {  	[hbm4b:s16+s2] =	stream.linear.scatter [tilespmem:s17], [sflag:$0x1], $0x80, $0x38;
	[tilespmem:$0x13F80] =	vst v63  }
0x114: {  	s18 =	simm.s32 $0xAC78;
	s19 =	sadd.s32 $0x10, s16  }
0x115: {  	[hbm4b:s19+s2] =	stream.linear.scatter [tilespmem:s18], [sflag:$0x1], $0x80, $0x38;
	[tilespmem:$0x13F80] =	vst v63  }
0x116: {  	s20 =	simm.s32 $0xB678;
	s21 =	sadd.s32 $0x20, s16  }
0x117: {  	[hbm4b:s21+s2] =	stream.linear.scatter [tilespmem:s20], [sflag:$0x1], $0x80, $0x38;
	[tilespmem:$0x13F80] =	vst v63  }
0x118: {  	s22 =	simm.s32 $0xC078;
	s23 =	sadd.s32 $0x30, s16  }
0x119: {  	[hbm4b:s23+s2] =	stream.linear.scatter [tilespmem:s22], [sflag:$0x1], $0x80, $0x38;
	[tilespmem:$0x13F80] =	vst v63  }
0x11a: {  	s24 =	simm.s32 $0xCA78;
	s25 =	sadd.s32 $0x40, s16  }
0x11b: {  	[hbm4b:s25+s2] =	stream.linear.scatter [tilespmem:s24], [sflag:$0x1], $0x80, $0x38;
	[tilespmem:$0x13F80] =	vst v63  }
0x11c: {  	s26 =	simm.s32 $0xD478;
	s28 =	sadd.s32 $0x50, s16  }
0x11d: {  	[hbm4b:s28+s2] =	stream.linear.scatter [tilespmem:s26], [sflag:$0x1], $0x80, $0x38;
	[tilespmem:$0x13F80] =	vst v63  }
0x11e: {  	s29 =	simm.s32 $0xDE78;
	s30 =	sadd.s32 $0x60, s16  }
0x11f: {  	[hbm4b:s30+s2] =	stream.linear.scatter [tilespmem:s29], [sflag:$0x1], $0x80, $0x38;
	[tilespmem:$0x13F80] =	vst v63  }
0x120: {  	s31 =	rddreg [dreg:$0x5];
	s15 =	simm.s32 $0xE878;
	s11 =	sadd.s32 $0x70, s16  }
0x121: {  	[hbm4b:s11+s2] =	stream.linear.scatter [tilespmem:s15], [sflag:$0x1], $0x80, $0x38;
	[tilespmem:$0x13F80] =	vst v63  }
0x122: {  	s16 =	sadd.s32 s10, s31;
	s17 =	simm.s32 $0xA2F8  }
0x123: {  	[hbm4b:s16+s2] =	stream.linear.scatter [tilespmem:s17], [sflag:$0x1], $0x80, $0x38;
	[tilespmem:$0x13F80] =	vst v63  }
0x124: {  	s18 =	simm.s32 $0xACF8;
	s19 =	sadd.s32 $0x10, s16  }
0x125: {  	[hbm4b:s19+s2] =	stream.linear.scatter [tilespmem:s18], [sflag:$0x1], $0x80, $0x38;
	[tilespmem:$0x13F80] =	vst v63  }
0x126: {  	s20 =	simm.s32 $0xB6F8;
	s21 =	sadd.s32 $0x20, s16  }
0x127: {  	[hbm4b:s21+s2] =	stream.linear.scatter [tilespmem:s20], [sflag:$0x1], $0x80, $0x38;
	[tilespmem:$0x13F80] =	vst v63  }
0x128: {  	s22 =	simm.s32 $0xC0F8;
	s23 =	sadd.s32 $0x30, s16  }
0x129: {  	[hbm4b:s23+s2] =	stream.linear.scatter [tilespmem:s22], [sflag:$0x1], $0x80, $0x38;
	[tilespmem:$0x13F80] =	vst v63  }
0x12a: {  	s24 =	simm.s32 $0xCAF8;
	s25 =	sadd.s32 $0x40, s16  }
0x12b: {  	[hbm4b:s25+s2] =	stream.linear.scatter [tilespmem:s24], [sflag:$0x1], $0x80, $0x38;
	[tilespmem:$0x13F80] =	vst v63  }
0x12c: {  	s26 =	simm.s32 $0xD4F8;
	s28 =	sadd.s32 $0x50, s16  }
0x12d: {  	[hbm4b:s28+s2] =	stream.linear.scatter [tilespmem:s26], [sflag:$0x1], $0x80, $0x38;
	[tilespmem:$0x13F80] =	vst v63  }
0x12e: {  	s29 =	simm.s32 $0xDEF8;
	s30 =	sadd.s32 $0x60, s16  }
0x12f: {  	[hbm4b:s30+s2] =	stream.linear.scatter [tilespmem:s29], [sflag:$0x1], $0x80, $0x38;
	[tilespmem:$0x13F80] =	vst v63  }
0x130: {  	s31 =	rddreg [dreg:$0x6];
	s15 =	simm.s32 $0xE8F8;
	s11 =	sadd.s32 $0x70, s16  }
0x131: {  	[hbm4b:s11+s2] =	stream.linear.scatter [tilespmem:s15], [sflag:$0x1], $0x80, $0x38;
	[tilespmem:$0x13F80] =	vst v63  }
0x132: {  	s16 =	sadd.s32 s10, s31;
	s17 =	simm.s32 $0xA378  }
0x133: {  	[hbm4b:s16+s2] =	stream.linear.scatter [tilespmem:s17], [sflag:$0x1], $0x80, $0x38;
	[tilespmem:$0x13F80] =	vst v63  }
0x134: {  	s18 =	simm.s32 $0xAD78;
	s19 =	sadd.s32 $0x10, s16  }
0x135: {  	[hbm4b:s19+s2] =	stream.linear.scatter [tilespmem:s18], [sflag:$0x1], $0x80, $0x38;
	[tilespmem:$0x13F80] =	vst v63  }
0x136: {  	s20 =	simm.s32 $0xB778;
	s21 =	sadd.s32 $0x20, s16  }
0x137: {  	[hbm4b:s21+s2] =	stream.linear.scatter [tilespmem:s20], [sflag:$0x1], $0x80, $0x38;
	[tilespmem:$0x13F80] =	vst v63  }
0x138: {  	s22 =	simm.s32 $0xC178;
	s23 =	sadd.s32 $0x30, s16  }
0x139: {  	[hbm4b:s23+s2] =	stream.linear.scatter [tilespmem:s22], [sflag:$0x1], $0x80, $0x38;
	[tilespmem:$0x13F80] =	vst v63  }
0x13a: {  	s24 =	simm.s32 $0xCB78;
	s25 =	sadd.s32 $0x40, s16  }
0x13b: {  	[hbm4b:s25+s2] =	stream.linear.scatter [tilespmem:s24], [sflag:$0x1], $0x80, $0x38;
	[tilespmem:$0x13F80] =	vst v63  }
0x13c: {  	s26 =	simm.s32 $0xD578;
	s28 =	sadd.s32 $0x50, s16  }
0x13d: {  	[hbm4b:s28+s2] =	stream.linear.scatter [tilespmem:s26], [sflag:$0x1], $0x80, $0x38;
	[tilespmem:$0x13F80] =	vst v63  }
0x13e: {  	s29 =	simm.s32 $0xDF78;
	s30 =	sadd.s32 $0x60, s16  }
0x13f: {  	[hbm4b:s30+s2] =	stream.linear.scatter [tilespmem:s29], [sflag:$0x1], $0x80, $0x38;
	[tilespmem:$0x13F80] =	vst v63  }
0x140: {  	s31 =	rddreg [dreg:$0x7];
	s15 =	simm.s32 $0xE978;
	s11 =	sadd.s32 $0x70, s16  }
0x141: {  	[hbm4b:s11+s2] =	stream.linear.scatter [tilespmem:s15], [sflag:$0x1], $0x80, $0x38;
	[tilespmem:$0x13F80] =	vst v63  }
0x142: {  	s16 =	sadd.s32 s10, s31;
	s17 =	simm.s32 $0xA3F8  }
0x143: {  	[hbm4b:s16+s2] =	stream.linear.scatter [tilespmem:s17], [sflag:$0x1], $0x80, $0x38;
	[tilespmem:$0x13F80] =	vst v63  }
0x144: {  	s18 =	simm.s32 $0xADF8;
	s19 =	sadd.s32 $0x10, s16  }
0x145: {  	[hbm4b:s19+s2] =	stream.linear.scatter [tilespmem:s18], [sflag:$0x1], $0x80, $0x38;
	[tilespmem:$0x13F80] =	vst v63  }
0x146: {  	s20 =	simm.s32 $0xB7F8;
	s21 =	sadd.s32 $0x20, s16  }
0x147: {  	[hbm4b:s21+s2] =	stream.linear.scatter [tilespmem:s20], [sflag:$0x1], $0x80, $0x38;
	[tilespmem:$0x13F80] =	vst v63  }
0x148: {  	s22 =	simm.s32 $0xC1F8;
	s23 =	sadd.s32 $0x30, s16  }
0x149: {  	[hbm4b:s23+s2] =	stream.linear.scatter [tilespmem:s22], [sflag:$0x1], $0x80, $0x38;
	[tilespmem:$0x13F80] =	vst v63  }
0x14a: {  	s24 =	simm.s32 $0xCBF8;
	s25 =	sadd.s32 $0x40, s16  }
0x14b: {  	[hbm4b:s25+s2] =	stream.linear.scatter [tilespmem:s24], [sflag:$0x1], $0x80, $0x38;
	[tilespmem:$0x13F80] =	vst v63  }
0x14c: {  	s26 =	simm.s32 $0xD5F8;
	s28 =	sadd.s32 $0x50, s16  }
0x14d: {  	[hbm4b:s28+s2] =	stream.linear.scatter [tilespmem:s26], [sflag:$0x1], $0x80, $0x38;
	[tilespmem:$0x13F80] =	vst v63  }
0x14e: {  	s29 =	simm.s32 $0xDFF8;
	s30 =	sadd.s32 $0x60, s16  }
0x14f: {  	[hbm4b:s30+s2] =	stream.linear.scatter [tilespmem:s29], [sflag:$0x1], $0x80, $0x38;
	[tilespmem:$0x13F80] =	vst v63  }
0x150: {  	s31 =	rddreg [dreg:$0x8];
	s15 =	simm.s32 $0xE9F8;
	s11 =	sadd.s32 $0x70, s16  }
0x151: {  	[hbm4b:s11+s2] =	stream.linear.scatter [tilespmem:s15], [sflag:$0x1], $0x80, $0x38;
	[tilespmem:$0x13F80] =	vst v63  }
0x152: {  	s16 =	sadd.s32 s10, s31;
	s17 =	simm.s32 $0xA478  }
0x153: {  	[hbm4b:s16+s2] =	stream.linear.scatter [tilespmem:s17], [sflag:$0x1], $0x80, $0x38;
	[tilespmem:$0x13F80] =	vst v63  }
0x154: {  	s18 =	simm.s32 $0xAE78;
	s19 =	sadd.s32 $0x10, s16  }
0x155: {  	[hbm4b:s19+s2] =	stream.linear.scatter [tilespmem:s18], [sflag:$0x1], $0x80, $0x38;
	[tilespmem:$0x13F80] =	vst v63  }
0x156: {  	s20 =	simm.s32 $0xB878;
	s21 =	sadd.s32 $0x20, s16  }
0x157: {  	[hbm4b:s21+s2] =	stream.linear.scatter [tilespmem:s20], [sflag:$0x1], $0x80, $0x38;
	[tilespmem:$0x13F80] =	vst v63  }
0x158: {  	s22 =	simm.s32 $0xC278;
	s23 =	sadd.s32 $0x30, s16  }
0x159: {  	[hbm4b:s23+s2] =	stream.linear.scatter [tilespmem:s22], [sflag:$0x1], $0x80, $0x38;
	[tilespmem:$0x13F80] =	vst v63  }
0x15a: {  	s24 =	simm.s32 $0xCC78;
	s25 =	sadd.s32 $0x40, s16  }
0x15b: {  	[hbm4b:s25+s2] =	stream.linear.scatter [tilespmem:s24], [sflag:$0x1], $0x80, $0x38;
	[tilespmem:$0x13F80] =	vst v63  }
0x15c: {  	s26 =	simm.s32 $0xD678;
	s28 =	sadd.s32 $0x50, s16  }
0x15d: {  	[hbm4b:s28+s2] =	stream.linear.scatter [tilespmem:s26], [sflag:$0x1], $0x80, $0x38;
	[tilespmem:$0x13F80] =	vst v63  }
0x15e: {  	s29 =	simm.s32 $0xE078;
	s30 =	sadd.s32 $0x60, s16  }
0x15f: {  	[hbm4b:s30+s2] =	stream.linear.scatter [tilespmem:s29], [sflag:$0x1], $0x80, $0x38;
	[tilespmem:$0x13F80] =	vst v63  }
0x160: {  	s31 =	rddreg [dreg:$0x9];
	s15 =	simm.s32 $0xEA78;
	s11 =	sadd.s32 $0x70, s16  }
0x161: {  	[hbm4b:s11+s2] =	stream.linear.scatter [tilespmem:s15], [sflag:$0x1], $0x80, $0x38;
	[tilespmem:$0x13F80] =	vst v63  }
0x162: {  	s16 =	sadd.s32 s10, s31;
	s17 =	simm.s32 $0xA4F8  }
0x163: {  	[hbm4b:s16+s2] =	stream.linear.scatter [tilespmem:s17], [sflag:$0x1], $0x80, $0x38;
	[tilespmem:$0x13F80] =	vst v63  }
0x164: {  	s18 =	simm.s32 $0xAEF8;
	s19 =	sadd.s32 $0x10, s16  }
0x165: {  	[hbm4b:s19+s2] =	stream.linear.scatter [tilespmem:s18], [sflag:$0x1], $0x80, $0x38;
	[tilespmem:$0x13F80] =	vst v63  }
0x166: {  	s20 =	simm.s32 $0xB8F8;
	s21 =	sadd.s32 $0x20, s16  }
0x167: {  	[hbm4b:s21+s2] =	stream.linear.scatter [tilespmem:s20], [sflag:$0x1], $0x80, $0x38;
	[tilespmem:$0x13F80] =	vst v63  }
0x168: {  	s22 =	simm.s32 $0xC2F8;
	s23 =	sadd.s32 $0x30, s16  }
0x169: {  	[hbm4b:s23+s2] =	stream.linear.scatter [tilespmem:s22], [sflag:$0x1], $0x80, $0x38;
	[tilespmem:$0x13F80] =	vst v63  }
0x16a: {  	s24 =	simm.s32 $0xCCF8;
	s25 =	sadd.s32 $0x40, s16  }
0x16b: {  	[hbm4b:s25+s2] =	stream.linear.scatter [tilespmem:s24], [sflag:$0x1], $0x80, $0x38;
	[tilespmem:$0x13F80] =	vst v63  }
0x16c: {  	s26 =	simm.s32 $0xD6F8;
	s28 =	sadd.s32 $0x50, s16  }
0x16d: {  	[hbm4b:s28+s2] =	stream.linear.scatter [tilespmem:s26], [sflag:$0x1], $0x80, $0x38;
	[tilespmem:$0x13F80] =	vst v63  }
0x16e: {  	s29 =	simm.s32 $0xE0F8;
	s30 =	sadd.s32 $0x60, s16  }
0x16f: {  	[hbm4b:s30+s2] =	stream.linear.scatter [tilespmem:s29], [sflag:$0x1], $0x80, $0x38;
	[tilespmem:$0x13F80] =	vst v63  }
0x170: {  	s31 =	rddreg [dreg:$0xa];
	s15 =	simm.s32 $0xEAF8;
	s11 =	sadd.s32 $0x70, s16  }
0x171: {  	[hbm4b:s11+s2] =	stream.linear.scatter [tilespmem:s15], [sflag:$0x1], $0x80, $0x38;
	[tilespmem:$0x13F80] =	vst v63  }
0x172: {  	s16 =	sadd.s32 s10, s31;
	s17 =	simm.s32 $0xA578  }
0x173: {  	[hbm4b:s16+s2] =	stream.linear.scatter [tilespmem:s17], [sflag:$0x1], $0x80, $0x38;
	[tilespmem:$0x13F80] =	vst v63  }
0x174: {  	s18 =	simm.s32 $0xAF78;
	s19 =	sadd.s32 $0x10, s16  }
0x175: {  	[hbm4b:s19+s2] =	stream.linear.scatter [tilespmem:s18], [sflag:$0x1], $0x80, $0x38;
	[tilespmem:$0x13F80] =	vst v63  }
0x176: {  	s20 =	simm.s32 $0xB978;
	s21 =	sadd.s32 $0x20, s16  }
0x177: {  	[hbm4b:s21+s2] =	stream.linear.scatter [tilespmem:s20], [sflag:$0x1], $0x80, $0x38;
	[tilespmem:$0x13F80] =	vst v63  }
0x178: {  	s22 =	simm.s32 $0xC378;
	s23 =	sadd.s32 $0x30, s16  }
0x179: {  	[hbm4b:s23+s2] =	stream.linear.scatter [tilespmem:s22], [sflag:$0x1], $0x80, $0x38;
	[tilespmem:$0x13F80] =	vst v63  }
0x17a: {  	s24 =	simm.s32 $0xCD78;
	s25 =	sadd.s32 $0x40, s16  }
0x17b: {  	[hbm4b:s25+s2] =	stream.linear.scatter [tilespmem:s24], [sflag:$0x1], $0x80, $0x38;
	[tilespmem:$0x13F80] =	vst v63  }
0x17c: {  	s26 =	simm.s32 $0xD778;
	s28 =	sadd.s32 $0x50, s16  }
0x17d: {  	[hbm4b:s28+s2] =	stream.linear.scatter [tilespmem:s26], [sflag:$0x1], $0x80, $0x38;
	[tilespmem:$0x13F80] =	vst v63  }
0x17e: {  	s29 =	simm.s32 $0xE178;
	s30 =	sadd.s32 $0x60, s16  }
0x17f: {  	[hbm4b:s30+s2] =	stream.linear.scatter [tilespmem:s29], [sflag:$0x1], $0x80, $0x38;
	[tilespmem:$0x13F80] =	vst v63  }
0x180: {  	s31 =	rddreg [dreg:$0xb];
	s15 =	simm.s32 $0xEB78;
	s11 =	sadd.s32 $0x70, s16  }
0x181: {  	[hbm4b:s11+s2] =	stream.linear.scatter [tilespmem:s15], [sflag:$0x1], $0x80, $0x38;
	[tilespmem:$0x13F80] =	vst v63  }
0x182: {  	s16 =	sadd.s32 s10, s31;
	s17 =	simm.s32 $0xA5F8  }
0x183: {  	[hbm4b:s16+s2] =	stream.linear.scatter [tilespmem:s17], [sflag:$0x1], $0x80, $0x38;
	[tilespmem:$0x13F80] =	vst v63  }
0x184: {  	s18 =	simm.s32 $0xAFF8;
	s19 =	sadd.s32 $0x10, s16  }
0x185: {  	[hbm4b:s19+s2] =	stream.linear.scatter [tilespmem:s18], [sflag:$0x1], $0x80, $0x38;
	[tilespmem:$0x13F80] =	vst v63  }
0x186: {  	s20 =	simm.s32 $0xB9F8;
	s21 =	sadd.s32 $0x20, s16  }
0x187: {  	[hbm4b:s21+s2] =	stream.linear.scatter [tilespmem:s20], [sflag:$0x1], $0x80, $0x38;
	[tilespmem:$0x13F80] =	vst v63  }
0x188: {  	s22 =	simm.s32 $0xC3F8;
	s23 =	sadd.s32 $0x30, s16  }
0x189: {  	[hbm4b:s23+s2] =	stream.linear.scatter [tilespmem:s22], [sflag:$0x1], $0x80, $0x38;
	[tilespmem:$0x13F80] =	vst v63  }
0x18a: {  	s24 =	simm.s32 $0xCDF8;
	s25 =	sadd.s32 $0x40, s16  }
0x18b: {  	[hbm4b:s25+s2] =	stream.linear.scatter [tilespmem:s24], [sflag:$0x1], $0x80, $0x38;
	[tilespmem:$0x13F80] =	vst v63  }
0x18c: {  	s26 =	simm.s32 $0xD7F8;
	s28 =	sadd.s32 $0x50, s16  }
0x18d: {  	[hbm4b:s28+s2] =	stream.linear.scatter [tilespmem:s26], [sflag:$0x1], $0x80, $0x38;
	[tilespmem:$0x13F80] =	vst v63  }
0x18e: {  	s29 =	simm.s32 $0xE1F8;
	s30 =	sadd.s32 $0x60, s16  }
0x18f: {  	[hbm4b:s30+s2] =	stream.linear.scatter [tilespmem:s29], [sflag:$0x1], $0x80, $0x38;
	[tilespmem:$0x13F80] =	vst v63  }
0x190: {  	s31 =	rddreg [dreg:$0xc];
	s15 =	simm.s32 $0xEBF8;
	s11 =	sadd.s32 $0x70, s16  }
0x191: {  	[hbm4b:s11+s2] =	stream.linear.scatter [tilespmem:s15], [sflag:$0x1], $0x80, $0x38;
	[tilespmem:$0x13F80] =	vst v63  }
0x192: {  	s16 =	sadd.s32 s10, s31;
	s17 =	simm.s32 $0xA678  }
0x193: {  	[hbm4b:s16+s2] =	stream.linear.scatter [tilespmem:s17], [sflag:$0x1], $0x80, $0x38;
	[tilespmem:$0x13F80] =	vst v63  }
0x194: {  	s18 =	simm.s32 $0xB078;
	s19 =	sadd.s32 $0x10, s16  }
0x195: {  	[hbm4b:s19+s2] =	stream.linear.scatter [tilespmem:s18], [sflag:$0x1], $0x80, $0x38;
	[tilespmem:$0x13F80] =	vst v63  }
0x196: {  	s20 =	simm.s32 $0xBA78;
	s21 =	sadd.s32 $0x20, s16  }
0x197: {  	[hbm4b:s21+s2] =	stream.linear.scatter [tilespmem:s20], [sflag:$0x1], $0x80, $0x38;
	[tilespmem:$0x13F80] =	vst v63  }
0x198: {  	s22 =	simm.s32 $0xC478;
	s23 =	sadd.s32 $0x30, s16  }
0x199: {  	[hbm4b:s23+s2] =	stream.linear.scatter [tilespmem:s22], [sflag:$0x1], $0x80, $0x38;
	[tilespmem:$0x13F80] =	vst v63  }
0x19a: {  	s24 =	simm.s32 $0xCE78;
	s25 =	sadd.s32 $0x40, s16  }
0x19b: {  	[hbm4b:s25+s2] =	stream.linear.scatter [tilespmem:s24], [sflag:$0x1], $0x80, $0x38;
	[tilespmem:$0x13F80] =	vst v63  }
0x19c: {  	s26 =	simm.s32 $0xD878;
	s28 =	sadd.s32 $0x50, s16  }
0x19d: {  	[hbm4b:s28+s2] =	stream.linear.scatter [tilespmem:s26], [sflag:$0x1], $0x80, $0x38;
	[tilespmem:$0x13F80] =	vst v63  }
0x19e: {  	s29 =	simm.s32 $0xE278;
	s30 =	sadd.s32 $0x60, s16  }
0x19f: {  	[hbm4b:s30+s2] =	stream.linear.scatter [tilespmem:s29], [sflag:$0x1], $0x80, $0x38;
	[tilespmem:$0x13F80] =	vst v63  }
0x1a0: {  	s31 =	rddreg [dreg:$0xd];
	s15 =	simm.s32 $0xEC78;
	s11 =	sadd.s32 $0x70, s16  }
0x1a1: {  	[hbm4b:s11+s2] =	stream.linear.scatter [tilespmem:s15], [sflag:$0x1], $0x80, $0x38;
	[tilespmem:$0x13F80] =	vst v63  }
0x1a2: {  	s16 =	sadd.s32 s10, s31;
	s17 =	simm.s32 $0xA6F8  }
0x1a3: {  	[hbm4b:s16+s2] =	stream.linear.scatter [tilespmem:s17], [sflag:$0x1], $0x80, $0x38;
	[tilespmem:$0x13F80] =	vst v63  }
0x1a4: {  	s18 =	simm.s32 $0xB0F8;
	s19 =	sadd.s32 $0x10, s16  }
0x1a5: {  	[hbm4b:s19+s2] =	stream.linear.scatter [tilespmem:s18], [sflag:$0x1], $0x80, $0x38;
	[tilespmem:$0x13F80] =	vst v63  }
0x1a6: {  	s20 =	simm.s32 $0xBAF8;
	s21 =	sadd.s32 $0x20, s16  }
0x1a7: {  	[hbm4b:s21+s2] =	stream.linear.scatter [tilespmem:s20], [sflag:$0x1], $0x80, $0x38;
	[tilespmem:$0x13F80] =	vst v63  }
0x1a8: {  	s22 =	simm.s32 $0xC4F8;
	s23 =	sadd.s32 $0x30, s16  }
0x1a9: {  	[hbm4b:s23+s2] =	stream.linear.scatter [tilespmem:s22], [sflag:$0x1], $0x80, $0x38;
	[tilespmem:$0x13F80] =	vst v63  }
0x1aa: {  	s24 =	simm.s32 $0xCEF8;
	s25 =	sadd.s32 $0x40, s16  }
0x1ab: {  	[hbm4b:s25+s2] =	stream.linear.scatter [tilespmem:s24], [sflag:$0x1], $0x80, $0x38;
	[tilespmem:$0x13F80] =	vst v63  }
0x1ac: {  	s26 =	simm.s32 $0xD8F8;
	s28 =	sadd.s32 $0x50, s16  }
0x1ad: {  	[hbm4b:s28+s2] =	stream.linear.scatter [tilespmem:s26], [sflag:$0x1], $0x80, $0x38;
	[tilespmem:$0x13F80] =	vst v63  }
0x1ae: {  	s29 =	simm.s32 $0xE2F8;
	s30 =	sadd.s32 $0x60, s16  }
0x1af: {  	[hbm4b:s30+s2] =	stream.linear.scatter [tilespmem:s29], [sflag:$0x1], $0x80, $0x38;
	[tilespmem:$0x13F80] =	vst v63  }
0x1b0: {  	s31 =	rddreg [dreg:$0xe];
	s15 =	simm.s32 $0xECF8;
	s11 =	sadd.s32 $0x70, s16  }
0x1b1: {  	[hbm4b:s11+s2] =	stream.linear.scatter [tilespmem:s15], [sflag:$0x1], $0x80, $0x38;
	[tilespmem:$0x13F80] =	vst v63  }
0x1b2: {  	s16 =	sadd.s32 s10, s31;
	s17 =	simm.s32 $0xA778  }
0x1b3: {  	[hbm4b:s16+s2] =	stream.linear.scatter [tilespmem:s17], [sflag:$0x1], $0x80, $0x38;
	[tilespmem:$0x13F80] =	vst v63  }
0x1b4: {  	s18 =	simm.s32 $0xB178;
	s19 =	sadd.s32 $0x10, s16  }
0x1b5: {  	[hbm4b:s19+s2] =	stream.linear.scatter [tilespmem:s18], [sflag:$0x1], $0x80, $0x38;
	[tilespmem:$0x13F80] =	vst v63  }
0x1b6: {  	s20 =	simm.s32 $0xBB78;
	s21 =	sadd.s32 $0x20, s16  }
0x1b7: {  	[hbm4b:s21+s2] =	stream.linear.scatter [tilespmem:s20], [sflag:$0x1], $0x80, $0x38;
	[tilespmem:$0x13F80] =	vst v63  }
0x1b8: {  	s22 =	simm.s32 $0xC578;
	s23 =	sadd.s32 $0x30, s16  }
0x1b9: {  	[hbm4b:s23+s2] =	stream.linear.scatter [tilespmem:s22], [sflag:$0x1], $0x80, $0x38;
	[tilespmem:$0x13F80] =	vst v63  }
0x1ba: {  	s24 =	simm.s32 $0xCF78;
	s25 =	sadd.s32 $0x40, s16  }
0x1bb: {  	[hbm4b:s25+s2] =	stream.linear.scatter [tilespmem:s24], [sflag:$0x1], $0x80, $0x38;
	[tilespmem:$0x13F80] =	vst v63  }
0x1bc: {  	s26 =	simm.s32 $0xD978;
	s28 =	sadd.s32 $0x50, s16  }
0x1bd: {  	[hbm4b:s28+s2] =	stream.linear.scatter [tilespmem:s26], [sflag:$0x1], $0x80, $0x38;
	[tilespmem:$0x13F80] =	vst v63  }
0x1be: {  	s29 =	simm.s32 $0xE378;
	s30 =	sadd.s32 $0x60, s16  }
0x1bf: {  	[hbm4b:s30+s2] =	stream.linear.scatter [tilespmem:s29], [sflag:$0x1], $0x80, $0x38;
	[tilespmem:$0x13F80] =	vst v63  }
0x1c0: {  	s31 =	rddreg [dreg:$0xf];
	s15 =	simm.s32 $0xED78;
	s11 =	sadd.s32 $0x70, s16  }
0x1c1: {  	[hbm4b:s11+s2] =	stream.linear.scatter [tilespmem:s15], [sflag:$0x1], $0x80, $0x38;
	[tilespmem:$0x13F80] =	vst v63  }
0x1c2: {  	s16 =	sadd.s32 s10, s31;
	s17 =	simm.s32 $0xA7F8  }
0x1c3: {  	[hbm4b:s16+s2] =	stream.linear.scatter [tilespmem:s17], [sflag:$0x1], $0x80, $0x38;
	[tilespmem:$0x13F80] =	vst v63  }
0x1c4: {  	s18 =	simm.s32 $0xB1F8;
	s19 =	sadd.s32 $0x10, s16  }
0x1c5: {  	[hbm4b:s19+s2] =	stream.linear.scatter [tilespmem:s18], [sflag:$0x1], $0x80, $0x38;
	[tilespmem:$0x13F80] =	vst v63  }
0x1c6: {  	s20 =	simm.s32 $0xBBF8;
	s21 =	sadd.s32 $0x20, s16  }
0x1c7: {  	[hbm4b:s21+s2] =	stream.linear.scatter [tilespmem:s20], [sflag:$0x1], $0x80, $0x38;
	[tilespmem:$0x13F80] =	vst v63  }
0x1c8: {  	s22 =	simm.s32 $0xC5F8;
	s23 =	sadd.s32 $0x30, s16  }
0x1c9: {  	[hbm4b:s23+s2] =	stream.linear.scatter [tilespmem:s22], [sflag:$0x1], $0x80, $0x38;
	[tilespmem:$0x13F80] =	vst v63  }
0x1ca: {  	s24 =	simm.s32 $0xCFF8;
	s25 =	sadd.s32 $0x40, s16  }
0x1cb: {  	[hbm4b:s25+s2] =	stream.linear.scatter [tilespmem:s24], [sflag:$0x1], $0x80, $0x38;
	[tilespmem:$0x13F80] =	vst v63  }
0x1cc: {  	s26 =	simm.s32 $0xD9F8;
	s28 =	sadd.s32 $0x50, s16  }
0x1cd: {  	[hbm4b:s28+s2] =	stream.linear.scatter [tilespmem:s26], [sflag:$0x1], $0x80, $0x38;
	[tilespmem:$0x13F80] =	vst v63  }
0x1ce: {  	s29 =	simm.s32 $0xE3F8;
	s30 =	sadd.s32 $0x60, s16  }
0x1cf: {  	[hbm4b:s30+s2] =	stream.linear.scatter [tilespmem:s29], [sflag:$0x1], $0x80, $0x38;
	[tilespmem:$0x13F80] =	vst v63  }
0x1d0: {  	s31 =	rddreg [dreg:$0x10];
	s15 =	simm.s32 $0xEDF8;
	s11 =	sadd.s32 $0x70, s16  }
0x1d1: {  	[hbm4b:s11+s2] =	stream.linear.scatter [tilespmem:s15], [sflag:$0x1], $0x80, $0x38;
	[tilespmem:$0x13F80] =	vst v63  }
0x1d2: {  	s16 =	sadd.s32 s10, s31;
	s17 =	simm.s32 $0xA878  }
0x1d3: {  	[hbm4b:s16+s2] =	stream.linear.scatter [tilespmem:s17], [sflag:$0x1], $0x80, $0x38;
	[tilespmem:$0x13F80] =	vst v63  }
0x1d4: {  	s18 =	simm.s32 $0xB278;
	s19 =	sadd.s32 $0x10, s16  }
0x1d5: {  	[hbm4b:s19+s2] =	stream.linear.scatter [tilespmem:s18], [sflag:$0x1], $0x80, $0x38;
	[tilespmem:$0x13F80] =	vst v63  }
0x1d6: {  	s20 =	simm.s32 $0xBC78;
	s21 =	sadd.s32 $0x20, s16  }
0x1d7: {  	[hbm4b:s21+s2] =	stream.linear.scatter [tilespmem:s20], [sflag:$0x1], $0x80, $0x38;
	[tilespmem:$0x13F80] =	vst v63  }
0x1d8: {  	s22 =	simm.s32 $0xC678;
	s23 =	sadd.s32 $0x30, s16  }
0x1d9: {  	[hbm4b:s23+s2] =	stream.linear.scatter [tilespmem:s22], [sflag:$0x1], $0x80, $0x38;
	[tilespmem:$0x13F80] =	vst v63  }
0x1da: {  	s24 =	simm.s32 $0xD078;
	s25 =	sadd.s32 $0x40, s16  }
0x1db: {  	[hbm4b:s25+s2] =	stream.linear.scatter [tilespmem:s24], [sflag:$0x1], $0x80, $0x38;
	[tilespmem:$0x13F80] =	vst v63  }
0x1dc: {  	s26 =	simm.s32 $0xDA78;
	s28 =	sadd.s32 $0x50, s16  }
0x1dd: {  	[hbm4b:s28+s2] =	stream.linear.scatter [tilespmem:s26], [sflag:$0x1], $0x80, $0x38;
	[tilespmem:$0x13F80] =	vst v63  }
0x1de: {  	s29 =	simm.s32 $0xE478;
	s30 =	sadd.s32 $0x60, s16  }
0x1df: {  	[hbm4b:s30+s2] =	stream.linear.scatter [tilespmem:s29], [sflag:$0x1], $0x80, $0x38;
	[tilespmem:$0x13F80] =	vst v63  }
0x1e0: {  	s31 =	rddreg [dreg:$0x11];
	s15 =	simm.s32 $0xEE78;
	s11 =	sadd.s32 $0x70, s16  }
0x1e1: {  	[hbm4b:s11+s2] =	stream.linear.scatter [tilespmem:s15], [sflag:$0x1], $0x80, $0x38;
	[tilespmem:$0x13F80] =	vst v63  }
0x1e2: {  	s16 =	sadd.s32 s10, s31;
	s17 =	simm.s32 $0xA8F8  }
0x1e3: {  	[hbm4b:s16+s2] =	stream.linear.scatter [tilespmem:s17], [sflag:$0x1], $0x80, $0x38;
	[tilespmem:$0x13F80] =	vst v63  }
0x1e4: {  	s18 =	simm.s32 $0xB2F8;
	s19 =	sadd.s32 $0x10, s16  }
0x1e5: {  	[hbm4b:s19+s2] =	stream.linear.scatter [tilespmem:s18], [sflag:$0x1], $0x80, $0x38;
	[tilespmem:$0x13F80] =	vst v63  }
0x1e6: {  	s20 =	simm.s32 $0xBCF8;
	s21 =	sadd.s32 $0x20, s16  }
0x1e7: {  	[hbm4b:s21+s2] =	stream.linear.scatter [tilespmem:s20], [sflag:$0x1], $0x80, $0x38;
	[tilespmem:$0x13F80] =	vst v63  }
0x1e8: {  	s22 =	simm.s32 $0xC6F8;
	s23 =	sadd.s32 $0x30, s16  }
0x1e9: {  	[hbm4b:s23+s2] =	stream.linear.scatter [tilespmem:s22], [sflag:$0x1], $0x80, $0x38;
	[tilespmem:$0x13F80] =	vst v63  }
0x1ea: {  	s24 =	simm.s32 $0xD0F8;
	s25 =	sadd.s32 $0x40, s16  }
0x1eb: {  	[hbm4b:s25+s2] =	stream.linear.scatter [tilespmem:s24], [sflag:$0x1], $0x80, $0x38;
	[tilespmem:$0x13F80] =	vst v63  }
0x1ec: {  	s26 =	simm.s32 $0xDAF8;
	s28 =	sadd.s32 $0x50, s16  }
0x1ed: {  	[hbm4b:s28+s2] =	stream.linear.scatter [tilespmem:s26], [sflag:$0x1], $0x80, $0x38;
	[tilespmem:$0x13F80] =	vst v63  }
0x1ee: {  	s29 =	simm.s32 $0xE4F8;
	s30 =	sadd.s32 $0x60, s16  }
0x1ef: {  	[hbm4b:s30+s2] =	stream.linear.scatter [tilespmem:s29], [sflag:$0x1], $0x80, $0x38;
	[tilespmem:$0x13F80] =	vst v63  }
0x1f0: {  	s31 =	rddreg [dreg:$0x12];
	s15 =	simm.s32 $0xEEF8;
	s11 =	sadd.s32 $0x70, s16  }
0x1f1: {  	[hbm4b:s11+s2] =	stream.linear.scatter [tilespmem:s15], [sflag:$0x1], $0x80, $0x38;
	[tilespmem:$0x13F80] =	vst v63  }
0x1f2: {  	s16 =	sadd.s32 s10, s31;
	s17 =	simm.s32 $0xF178  }
0x1f3: {  	[hbm4b:s16+s2] =	stream.linear.scatter [tilespmem:s17], [sflag:$0x1], $0x80, $0x38;
	[tilespmem:$0x13F80] =	vst v63  }
0x1f4: {  	s18 =	simm.s32 $0xFB78;
	s19 =	sadd.s32 $0x10, s16  }
0x1f5: {  	[hbm4b:s19+s2] =	stream.linear.scatter [tilespmem:s18], [sflag:$0x1], $0x80, $0x38;
	[tilespmem:$0x13F80] =	vst v63  }
0x1f6: {  	s20 =	simm.s32 $0x10578;
	s21 =	sadd.s32 $0x20, s16  }
0x1f7: {  	[hbm4b:s21+s2] =	stream.linear.scatter [tilespmem:s20], [sflag:$0x1], $0x80, $0x38;
	[tilespmem:$0x13F80] =	vst v63  }
0x1f8: {  	s22 =	simm.s32 $0x10F78;
	s23 =	sadd.s32 $0x30, s16  }
0x1f9: {  	[hbm4b:s23+s2] =	stream.linear.scatter [tilespmem:s22], [sflag:$0x1], $0x80, $0x38;
	[tilespmem:$0x13F80] =	vst v63  }
0x1fa: {  	s24 =	simm.s32 $0x11978;
	s25 =	sadd.s32 $0x40, s16  }
0x1fb: {  	[hbm4b:s25+s2] =	stream.linear.scatter [tilespmem:s24], [sflag:$0x1], $0x80, $0x38;
	[tilespmem:$0x13F80] =	vst v63  }
0x1fc: {  	s26 =	simm.s32 $0x12378;
	s28 =	sadd.s32 $0x50, s16  }
0x1fd: {  	[hbm4b:s28+s2] =	stream.linear.scatter [tilespmem:s26], [sflag:$0x1], $0x80, $0x38;
	[tilespmem:$0x13F80] =	vst v63  }
0x1fe: {  	s29 =	simm.s32 $0x12D78;
	s30 =	sadd.s32 $0x60, s16  }
0x1ff: {  	[hbm4b:s30+s2] =	stream.linear.scatter [tilespmem:s29], [sflag:$0x1], $0x80, $0x38;
	[tilespmem:$0x13F80] =	vst v63  }
0x200: {  	s31 =	rddreg [dreg:$0x13];
	s15 =	simm.s32 $0x13778;
	s11 =	sadd.s32 $0x70, s16  }
0x201: {  	[hbm4b:s11+s2] =	stream.linear.scatter [tilespmem:s15], [sflag:$0x1], $0x80, $0x38;
	[tilespmem:$0x13F80] =	vst v63  }
0x202: {  	s16 =	sadd.s32 s10, s31;
	s17 =	simm.s32 $0xF1F8  }
0x203: {  	[hbm4b:s16+s2] =	stream.linear.scatter [tilespmem:s17], [sflag:$0x1], $0x80, $0x38;
	[tilespmem:$0x13F80] =	vst v63  }
0x204: {  	s18 =	simm.s32 $0xFBF8;
	s19 =	sadd.s32 $0x10, s16  }
0x205: {  	[hbm4b:s19+s2] =	stream.linear.scatter [tilespmem:s18], [sflag:$0x1], $0x80, $0x38;
	[tilespmem:$0x13F80] =	vst v63  }
0x206: {  	s20 =	simm.s32 $0x105F8;
	s21 =	sadd.s32 $0x20, s16  }
0x207: {  	[hbm4b:s21+s2] =	stream.linear.scatter [tilespmem:s20], [sflag:$0x1], $0x80, $0x38;
	[tilespmem:$0x13F80] =	vst v63  }
0x208: {  	s22 =	simm.s32 $0x10FF8;
	s23 =	sadd.s32 $0x30, s16  }
0x209: {  	[hbm4b:s23+s2] =	stream.linear.scatter [tilespmem:s22], [sflag:$0x1], $0x80, $0x38;
	[tilespmem:$0x13F80] =	vst v63  }
0x20a: {  	s24 =	simm.s32 $0x119F8;
	s25 =	sadd.s32 $0x40, s16  }
0x20b: {  	[hbm4b:s25+s2] =	stream.linear.scatter [tilespmem:s24], [sflag:$0x1], $0x80, $0x38;
	[tilespmem:$0x13F80] =	vst v63  }
0x20c: {  	s26 =	simm.s32 $0x123F8;
	s28 =	sadd.s32 $0x50, s16  }
0x20d: {  	[hbm4b:s28+s2] =	stream.linear.scatter [tilespmem:s26], [sflag:$0x1], $0x80, $0x38;
	[tilespmem:$0x13F80] =	vst v63  }
0x20e: {  	s29 =	simm.s32 $0x12DF8;
	s30 =	sadd.s32 $0x60, s16  }
0x20f: {  	[hbm4b:s30+s2] =	stream.linear.scatter [tilespmem:s29], [sflag:$0x1], $0x80, $0x38;
	[tilespmem:$0x13F80] =	vst v63  }
0x210: {  	s31 =	rddreg [dreg:$0x14];
	s15 =	simm.s32 $0x137F8;
	s11 =	sadd.s32 $0x70, s16  }
0x211: {  	[hbm4b:s11+s2] =	stream.linear.scatter [tilespmem:s15], [sflag:$0x1], $0x80, $0x38;
	[tilespmem:$0x13F80] =	vst v63  }
0x212: {  	s16 =	sadd.s32 s10, s31;
	s17 =	simm.s32 $0xF278  }
0x213: {  	[hbm4b:s16+s2] =	stream.linear.scatter [tilespmem:s17], [sflag:$0x1], $0x80, $0x38;
	[tilespmem:$0x13F80] =	vst v63  }
0x214: {  	s18 =	simm.s32 $0xFC78;
	s19 =	sadd.s32 $0x10, s16  }
0x215: {  	[hbm4b:s19+s2] =	stream.linear.scatter [tilespmem:s18], [sflag:$0x1], $0x80, $0x38;
	[tilespmem:$0x13F80] =	vst v63  }
0x216: {  	s20 =	simm.s32 $0x10678;
	s21 =	sadd.s32 $0x20, s16  }
0x217: {  	[hbm4b:s21+s2] =	stream.linear.scatter [tilespmem:s20], [sflag:$0x1], $0x80, $0x38;
	[tilespmem:$0x13F80] =	vst v63  }
0x218: {  	s22 =	simm.s32 $0x11078;
	s23 =	sadd.s32 $0x30, s16  }
0x219: {  	[hbm4b:s23+s2] =	stream.linear.scatter [tilespmem:s22], [sflag:$0x1], $0x80, $0x38;
	[tilespmem:$0x13F80] =	vst v63  }
0x21a: {  	s24 =	simm.s32 $0x11A78;
	s25 =	sadd.s32 $0x40, s16  }
0x21b: {  	[hbm4b:s25+s2] =	stream.linear.scatter [tilespmem:s24], [sflag:$0x1], $0x80, $0x38;
	[tilespmem:$0x13F80] =	vst v63  }
0x21c: {  	s26 =	simm.s32 $0x12478;
	s28 =	sadd.s32 $0x50, s16  }
0x21d: {  	[hbm4b:s28+s2] =	stream.linear.scatter [tilespmem:s26], [sflag:$0x1], $0x80, $0x38;
	[tilespmem:$0x13F80] =	vst v63  }
0x21e: {  	s29 =	simm.s32 $0x12E78;
	s30 =	sadd.s32 $0x60, s16  }
0x21f: {  	[hbm4b:s30+s2] =	stream.linear.scatter [tilespmem:s29], [sflag:$0x1], $0x80, $0x38;
	[tilespmem:$0x13F80] =	vst v63  }
0x220: {  	s31 =	rddreg [dreg:$0x15];
	s15 =	simm.s32 $0x13878;
	s11 =	sadd.s32 $0x70, s16  }
0x221: {  	[hbm4b:s11+s2] =	stream.linear.scatter [tilespmem:s15], [sflag:$0x1], $0x80, $0x38;
	[tilespmem:$0x13F80] =	vst v63  }
0x222: {  	s16 =	sadd.s32 s10, s31;
	s17 =	simm.s32 $0xF2F8  }
0x223: {  	[hbm4b:s16+s2] =	stream.linear.scatter [tilespmem:s17], [sflag:$0x1], $0x80, $0x38;
	[tilespmem:$0x13F80] =	vst v63  }
0x224: {  	s18 =	simm.s32 $0xFCF8;
	s19 =	sadd.s32 $0x10, s16  }
0x225: {  	[hbm4b:s19+s2] =	stream.linear.scatter [tilespmem:s18], [sflag:$0x1], $0x80, $0x38;
	[tilespmem:$0x13F80] =	vst v63  }
0x226: {  	s20 =	simm.s32 $0x106F8;
	s21 =	sadd.s32 $0x20, s16  }
0x227: {  	[hbm4b:s21+s2] =	stream.linear.scatter [tilespmem:s20], [sflag:$0x1], $0x80, $0x38;
	[tilespmem:$0x13F80] =	vst v63  }
0x228: {  	s22 =	simm.s32 $0x110F8;
	s23 =	sadd.s32 $0x30, s16  }
0x229: {  	[hbm4b:s23+s2] =	stream.linear.scatter [tilespmem:s22], [sflag:$0x1], $0x80, $0x38;
	[tilespmem:$0x13F80] =	vst v63  }
0x22a: {  	s24 =	simm.s32 $0x11AF8;
	s25 =	sadd.s32 $0x40, s16  }
0x22b: {  	[hbm4b:s25+s2] =	stream.linear.scatter [tilespmem:s24], [sflag:$0x1], $0x80, $0x38;
	[tilespmem:$0x13F80] =	vst v63  }
0x22c: {  	s26 =	simm.s32 $0x124F8;
	s28 =	sadd.s32 $0x50, s16  }
0x22d: {  	[hbm4b:s28+s2] =	stream.linear.scatter [tilespmem:s26], [sflag:$0x1], $0x80, $0x38;
	[tilespmem:$0x13F80] =	vst v63  }
0x22e: {  	s29 =	simm.s32 $0x12EF8;
	s30 =	sadd.s32 $0x60, s16  }
0x22f: {  	[hbm4b:s30+s2] =	stream.linear.scatter [tilespmem:s29], [sflag:$0x1], $0x80, $0x38;
	[tilespmem:$0x13F80] =	vst v63  }
0x230: {  	s31 =	rddreg [dreg:$0x16];
	s15 =	simm.s32 $0x138F8;
	s11 =	sadd.s32 $0x70, s16  }
0x231: {  	[hbm4b:s11+s2] =	stream.linear.scatter [tilespmem:s15], [sflag:$0x1], $0x80, $0x38;
	[tilespmem:$0x13F80] =	vst v63  }
0x232: {  	s16 =	sadd.s32 s10, s31;
	s17 =	simm.s32 $0xF378  }
0x233: {  	[hbm4b:s16+s2] =	stream.linear.scatter [tilespmem:s17], [sflag:$0x1], $0x80, $0x38;
	[tilespmem:$0x13F80] =	vst v63  }
0x234: {  	s18 =	simm.s32 $0xFD78;
	s19 =	sadd.s32 $0x10, s16  }
0x235: {  	[hbm4b:s19+s2] =	stream.linear.scatter [tilespmem:s18], [sflag:$0x1], $0x80, $0x38;
	[tilespmem:$0x13F80] =	vst v63  }
0x236: {  	s20 =	simm.s32 $0x10778;
	s21 =	sadd.s32 $0x20, s16  }
0x237: {  	[hbm4b:s21+s2] =	stream.linear.scatter [tilespmem:s20], [sflag:$0x1], $0x80, $0x38;
	[tilespmem:$0x13F80] =	vst v63  }
0x238: {  	s22 =	simm.s32 $0x11178;
	s23 =	sadd.s32 $0x30, s16  }
0x239: {  	[hbm4b:s23+s2] =	stream.linear.scatter [tilespmem:s22], [sflag:$0x1], $0x80, $0x38;
	[tilespmem:$0x13F80] =	vst v63  }
0x23a: {  	s24 =	simm.s32 $0x11B78;
	s25 =	sadd.s32 $0x40, s16  }
0x23b: {  	[hbm4b:s25+s2] =	stream.linear.scatter [tilespmem:s24], [sflag:$0x1], $0x80, $0x38;
	[tilespmem:$0x13F80] =	vst v63  }
0x23c: {  	s26 =	simm.s32 $0x12578;
	s28 =	sadd.s32 $0x50, s16  }
0x23d: {  	[hbm4b:s28+s2] =	stream.linear.scatter [tilespmem:s26], [sflag:$0x1], $0x80, $0x38;
	[tilespmem:$0x13F80] =	vst v63  }
0x23e: {  	s29 =	simm.s32 $0x12F78;
	s30 =	sadd.s32 $0x60, s16  }
0x23f: {  	[hbm4b:s30+s2] =	stream.linear.scatter [tilespmem:s29], [sflag:$0x1], $0x80, $0x38;
	[tilespmem:$0x13F80] =	vst v63  }
0x240: {  	s31 =	rddreg [dreg:$0x17];
	s15 =	simm.s32 $0x13978;
	s11 =	sadd.s32 $0x70, s16  }
0x241: {  	[hbm4b:s11+s2] =	stream.linear.scatter [tilespmem:s15], [sflag:$0x1], $0x80, $0x38;
	[tilespmem:$0x13F80] =	vst v63  }
0x242: {  	s16 =	sadd.s32 s10, s31;
	s17 =	simm.s32 $0xF3F8  }
0x243: {  	[hbm4b:s16+s2] =	stream.linear.scatter [tilespmem:s17], [sflag:$0x1], $0x80, $0x38;
	[tilespmem:$0x13F80] =	vst v63  }
0x244: {  	s18 =	simm.s32 $0xFDF8;
	s19 =	sadd.s32 $0x10, s16  }
0x245: {  	[hbm4b:s19+s2] =	stream.linear.scatter [tilespmem:s18], [sflag:$0x1], $0x80, $0x38;
	[tilespmem:$0x13F80] =	vst v63  }
0x246: {  	s20 =	simm.s32 $0x107F8;
	s21 =	sadd.s32 $0x20, s16  }
0x247: {  	[hbm4b:s21+s2] =	stream.linear.scatter [tilespmem:s20], [sflag:$0x1], $0x80, $0x38;
	[tilespmem:$0x13F80] =	vst v63  }
0x248: {  	s22 =	simm.s32 $0x111F8;
	s23 =	sadd.s32 $0x30, s16  }
0x249: {  	[hbm4b:s23+s2] =	stream.linear.scatter [tilespmem:s22], [sflag:$0x1], $0x80, $0x38;
	[tilespmem:$0x13F80] =	vst v63  }
0x24a: {  	s24 =	simm.s32 $0x11BF8;
	s25 =	sadd.s32 $0x40, s16  }
0x24b: {  	[hbm4b:s25+s2] =	stream.linear.scatter [tilespmem:s24], [sflag:$0x1], $0x80, $0x38;
	[tilespmem:$0x13F80] =	vst v63  }
0x24c: {  	s26 =	simm.s32 $0x125F8;
	s28 =	sadd.s32 $0x50, s16  }
0x24d: {  	[hbm4b:s28+s2] =	stream.linear.scatter [tilespmem:s26], [sflag:$0x1], $0x80, $0x38;
	[tilespmem:$0x13F80] =	vst v63  }
0x24e: {  	s29 =	simm.s32 $0x12FF8;
	s30 =	sadd.s32 $0x60, s16  }
0x24f: {  	[hbm4b:s30+s2] =	stream.linear.scatter [tilespmem:s29], [sflag:$0x1], $0x80, $0x38;
	[tilespmem:$0x13F80] =	vst v63  }
0x250: {  	s31 =	rddreg [dreg:$0x18];
	s15 =	simm.s32 $0x139F8;
	s11 =	sadd.s32 $0x70, s16  }
0x251: {  	[hbm4b:s11+s2] =	stream.linear.scatter [tilespmem:s15], [sflag:$0x1], $0x80, $0x38;
	[tilespmem:$0x13F80] =	vst v63  }
0x252: {  	s16 =	sadd.s32 s10, s31;
	s17 =	simm.s32 $0xF478  }
0x253: {  	[hbm4b:s16+s2] =	stream.linear.scatter [tilespmem:s17], [sflag:$0x1], $0x80, $0x38;
	[tilespmem:$0x13F80] =	vst v63  }
0x254: {  	s18 =	simm.s32 $0xFE78;
	s19 =	sadd.s32 $0x10, s16  }
0x255: {  	[hbm4b:s19+s2] =	stream.linear.scatter [tilespmem:s18], [sflag:$0x1], $0x80, $0x38;
	[tilespmem:$0x13F80] =	vst v63  }
0x256: {  	s20 =	simm.s32 $0x10878;
	s21 =	sadd.s32 $0x20, s16  }
0x257: {  	[hbm4b:s21+s2] =	stream.linear.scatter [tilespmem:s20], [sflag:$0x1], $0x80, $0x38;
	[tilespmem:$0x13F80] =	vst v63  }
0x258: {  	s22 =	simm.s32 $0x11278;
	s23 =	sadd.s32 $0x30, s16  }
0x259: {  	[hbm4b:s23+s2] =	stream.linear.scatter [tilespmem:s22], [sflag:$0x1], $0x80, $0x38;
	[tilespmem:$0x13F80] =	vst v63  }
0x25a: {  	s24 =	simm.s32 $0x11C78;
	s25 =	sadd.s32 $0x40, s16  }
0x25b: {  	[hbm4b:s25+s2] =	stream.linear.scatter [tilespmem:s24], [sflag:$0x1], $0x80, $0x38;
	[tilespmem:$0x13F80] =	vst v63  }
0x25c: {  	s26 =	simm.s32 $0x12678;
	s28 =	sadd.s32 $0x50, s16  }
0x25d: {  	[hbm4b:s28+s2] =	stream.linear.scatter [tilespmem:s26], [sflag:$0x1], $0x80, $0x38;
	[tilespmem:$0x13F80] =	vst v63  }
0x25e: {  	s29 =	simm.s32 $0x13078;
	s30 =	sadd.s32 $0x60, s16  }
0x25f: {  	[hbm4b:s30+s2] =	stream.linear.scatter [tilespmem:s29], [sflag:$0x1], $0x80, $0x38;
	[tilespmem:$0x13F80] =	vst v63  }
0x260: {  	s31 =	rddreg [dreg:$0x19];
	s15 =	simm.s32 $0x13A78;
	s11 =	sadd.s32 $0x70, s16  }
0x261: {  	[hbm4b:s11+s2] =	stream.linear.scatter [tilespmem:s15], [sflag:$0x1], $0x80, $0x38;
	[tilespmem:$0x13F80] =	vst v63  }
0x262: {  	s16 =	sadd.s32 s10, s31;
	s17 =	simm.s32 $0xF4F8  }
0x263: {  	[hbm4b:s16+s2] =	stream.linear.scatter [tilespmem:s17], [sflag:$0x1], $0x80, $0x38;
	[tilespmem:$0x13F80] =	vst v63  }
0x264: {  	s18 =	simm.s32 $0xFEF8;
	s19 =	sadd.s32 $0x10, s16  }
0x265: {  	[hbm4b:s19+s2] =	stream.linear.scatter [tilespmem:s18], [sflag:$0x1], $0x80, $0x38;
	[tilespmem:$0x13F80] =	vst v63  }
0x266: {  	s20 =	simm.s32 $0x108F8;
	s21 =	sadd.s32 $0x20, s16  }
0x267: {  	[hbm4b:s21+s2] =	stream.linear.scatter [tilespmem:s20], [sflag:$0x1], $0x80, $0x38;
	[tilespmem:$0x13F80] =	vst v63  }
0x268: {  	s22 =	simm.s32 $0x112F8;
	s23 =	sadd.s32 $0x30, s16  }
0x269: {  	[hbm4b:s23+s2] =	stream.linear.scatter [tilespmem:s22], [sflag:$0x1], $0x80, $0x38;
	[tilespmem:$0x13F80] =	vst v63  }
0x26a: {  	s24 =	simm.s32 $0x11CF8;
	s25 =	sadd.s32 $0x40, s16  }
0x26b: {  	[hbm4b:s25+s2] =	stream.linear.scatter [tilespmem:s24], [sflag:$0x1], $0x80, $0x38;
	[tilespmem:$0x13F80] =	vst v63  }
0x26c: {  	s26 =	simm.s32 $0x126F8;
	s28 =	sadd.s32 $0x50, s16  }
0x26d: {  	[hbm4b:s28+s2] =	stream.linear.scatter [tilespmem:s26], [sflag:$0x1], $0x80, $0x38;
	[tilespmem:$0x13F80] =	vst v63  }
0x26e: {  	s29 =	simm.s32 $0x130F8;
	s30 =	sadd.s32 $0x60, s16  }
0x26f: {  	[hbm4b:s30+s2] =	stream.linear.scatter [tilespmem:s29], [sflag:$0x1], $0x80, $0x38;
	[tilespmem:$0x13F80] =	vst v63  }
0x270: {  	s31 =	rddreg [dreg:$0x1a];
	s15 =	simm.s32 $0x13AF8;
	s11 =	sadd.s32 $0x70, s16  }
0x271: {  	[hbm4b:s11+s2] =	stream.linear.scatter [tilespmem:s15], [sflag:$0x1], $0x80, $0x38;
	[tilespmem:$0x13F80] =	vst v63  }
0x272: {  	s16 =	sadd.s32 s10, s31;
	s17 =	simm.s32 $0xF578  }
0x273: {  	[hbm4b:s16+s2] =	stream.linear.scatter [tilespmem:s17], [sflag:$0x1], $0x80, $0x38;
	[tilespmem:$0x13F80] =	vst v63  }
0x274: {  	s18 =	simm.s32 $0xFF78;
	s19 =	sadd.s32 $0x10, s16  }
0x275: {  	[hbm4b:s19+s2] =	stream.linear.scatter [tilespmem:s18], [sflag:$0x1], $0x80, $0x38;
	[tilespmem:$0x13F80] =	vst v63  }
0x276: {  	s20 =	simm.s32 $0x10978;
	s21 =	sadd.s32 $0x20, s16  }
0x277: {  	[hbm4b:s21+s2] =	stream.linear.scatter [tilespmem:s20], [sflag:$0x1], $0x80, $0x38;
	[tilespmem:$0x13F80] =	vst v63  }
0x278: {  	s22 =	simm.s32 $0x11378;
	s23 =	sadd.s32 $0x30, s16  }
0x279: {  	[hbm4b:s23+s2] =	stream.linear.scatter [tilespmem:s22], [sflag:$0x1], $0x80, $0x38;
	[tilespmem:$0x13F80] =	vst v63  }
0x27a: {  	s24 =	simm.s32 $0x11D78;
	s25 =	sadd.s32 $0x40, s16  }
0x27b: {  	[hbm4b:s25+s2] =	stream.linear.scatter [tilespmem:s24], [sflag:$0x1], $0x80, $0x38;
	[tilespmem:$0x13F80] =	vst v63  }
0x27c: {  	s26 =	simm.s32 $0x12778;
	s28 =	sadd.s32 $0x50, s16  }
0x27d: {  	[hbm4b:s28+s2] =	stream.linear.scatter [tilespmem:s26], [sflag:$0x1], $0x80, $0x38;
	[tilespmem:$0x13F80] =	vst v63  }
0x27e: {  	s29 =	simm.s32 $0x13178;
	s30 =	sadd.s32 $0x60, s16  }
0x27f: {  	[hbm4b:s30+s2] =	stream.linear.scatter [tilespmem:s29], [sflag:$0x1], $0x80, $0x38;
	[tilespmem:$0x13F80] =	vst v63  }
0x280: {  	s31 =	rddreg [dreg:$0x1b];
	s15 =	simm.s32 $0x13B78;
	s11 =	sadd.s32 $0x70, s16  }
0x281: {  	[hbm4b:s11+s2] =	stream.linear.scatter [tilespmem:s15], [sflag:$0x1], $0x80, $0x38;
	[tilespmem:$0x13F80] =	vst v63  }
0x282: {  	s16 =	sadd.s32 s10, s31;
	s17 =	simm.s32 $0xF5F8  }
0x283: {  	[hbm4b:s16+s2] =	stream.linear.scatter [tilespmem:s17], [sflag:$0x1], $0x80, $0x38;
	[tilespmem:$0x13F80] =	vst v63  }
0x284: {  	s18 =	simm.s32 $0xFFF8;
	s19 =	sadd.s32 $0x10, s16  }
0x285: {  	[hbm4b:s19+s2] =	stream.linear.scatter [tilespmem:s18], [sflag:$0x1], $0x80, $0x38;
	[tilespmem:$0x13F80] =	vst v63  }
0x286: {  	s20 =	simm.s32 $0x109F8;
	s21 =	sadd.s32 $0x20, s16  }
0x287: {  	[hbm4b:s21+s2] =	stream.linear.scatter [tilespmem:s20], [sflag:$0x1], $0x80, $0x38;
	[tilespmem:$0x13F80] =	vst v63  }
0x288: {  	s22 =	simm.s32 $0x113F8;
	s23 =	sadd.s32 $0x30, s16  }
0x289: {  	[hbm4b:s23+s2] =	stream.linear.scatter [tilespmem:s22], [sflag:$0x1], $0x80, $0x38;
	[tilespmem:$0x13F80] =	vst v63  }
0x28a: {  	s24 =	simm.s32 $0x11DF8;
	s25 =	sadd.s32 $0x40, s16  }
0x28b: {  	[hbm4b:s25+s2] =	stream.linear.scatter [tilespmem:s24], [sflag:$0x1], $0x80, $0x38;
	[tilespmem:$0x13F80] =	vst v63  }
0x28c: {  	s26 =	simm.s32 $0x127F8;
	s28 =	sadd.s32 $0x50, s16  }
0x28d: {  	[hbm4b:s28+s2] =	stream.linear.scatter [tilespmem:s26], [sflag:$0x1], $0x80, $0x38;
	[tilespmem:$0x13F80] =	vst v63  }
0x28e: {  	s29 =	simm.s32 $0x131F8;
	s30 =	sadd.s32 $0x60, s16  }
0x28f: {  	[hbm4b:s30+s2] =	stream.linear.scatter [tilespmem:s29], [sflag:$0x1], $0x80, $0x38;
	[tilespmem:$0x13F80] =	vst v63  }
0x290: {  	s31 =	rddreg [dreg:$0x1c];
	s15 =	simm.s32 $0x13BF8;
	s11 =	sadd.s32 $0x70, s16  }
0x291: {  	[hbm4b:s11+s2] =	stream.linear.scatter [tilespmem:s15], [sflag:$0x1], $0x80, $0x38;
	[tilespmem:$0x13F80] =	vst v63  }
0x292: {  	s16 =	sadd.s32 s10, s31;
	s17 =	simm.s32 $0xF678  }
0x293: {  	[hbm4b:s16+s2] =	stream.linear.scatter [tilespmem:s17], [sflag:$0x1], $0x80, $0x38;
	[tilespmem:$0x13F80] =	vst v63  }
0x294: {  	s18 =	simm.s32 $0x10078;
	s19 =	sadd.s32 $0x10, s16  }
0x295: {  	[hbm4b:s19+s2] =	stream.linear.scatter [tilespmem:s18], [sflag:$0x1], $0x80, $0x38;
	[tilespmem:$0x13F80] =	vst v63  }
0x296: {  	s20 =	simm.s32 $0x10A78;
	s21 =	sadd.s32 $0x20, s16  }
0x297: {  	[hbm4b:s21+s2] =	stream.linear.scatter [tilespmem:s20], [sflag:$0x1], $0x80, $0x38;
	[tilespmem:$0x13F80] =	vst v63  }
0x298: {  	s22 =	simm.s32 $0x11478;
	s23 =	sadd.s32 $0x30, s16  }
0x299: {  	[hbm4b:s23+s2] =	stream.linear.scatter [tilespmem:s22], [sflag:$0x1], $0x80, $0x38;
	[tilespmem:$0x13F80] =	vst v63  }
0x29a: {  	s24 =	simm.s32 $0x11E78;
	s25 =	sadd.s32 $0x40, s16  }
0x29b: {  	[hbm4b:s25+s2] =	stream.linear.scatter [tilespmem:s24], [sflag:$0x1], $0x80, $0x38;
	[tilespmem:$0x13F80] =	vst v63  }
0x29c: {  	s26 =	simm.s32 $0x12878;
	s28 =	sadd.s32 $0x50, s16  }
0x29d: {  	[hbm4b:s28+s2] =	stream.linear.scatter [tilespmem:s26], [sflag:$0x1], $0x80, $0x38;
	[tilespmem:$0x13F80] =	vst v63  }
0x29e: {  	s29 =	simm.s32 $0x13278;
	s30 =	sadd.s32 $0x60, s16  }
0x29f: {  	[hbm4b:s30+s2] =	stream.linear.scatter [tilespmem:s29], [sflag:$0x1], $0x80, $0x38;
	[tilespmem:$0x13F80] =	vst v63  }
0x2a0: {  	s31 =	rddreg [dreg:$0x1d];
	s15 =	simm.s32 $0x13C78;
	s11 =	sadd.s32 $0x70, s16  }
0x2a1: {  	[hbm4b:s11+s2] =	stream.linear.scatter [tilespmem:s15], [sflag:$0x1], $0x80, $0x38;
	[tilespmem:$0x13F80] =	vst v63  }
0x2a2: {  	s16 =	sadd.s32 s10, s31;
	s17 =	simm.s32 $0xF6F8  }
0x2a3: {  	[hbm4b:s16+s2] =	stream.linear.scatter [tilespmem:s17], [sflag:$0x1], $0x80, $0x38;
	[tilespmem:$0x13F80] =	vst v63  }
0x2a4: {  	s18 =	simm.s32 $0x100F8;
	s19 =	sadd.s32 $0x10, s16  }
0x2a5: {  	[hbm4b:s19+s2] =	stream.linear.scatter [tilespmem:s18], [sflag:$0x1], $0x80, $0x38;
	[tilespmem:$0x13F80] =	vst v63  }
0x2a6: {  	s20 =	simm.s32 $0x10AF8;
	s21 =	sadd.s32 $0x20, s16  }
0x2a7: {  	[hbm4b:s21+s2] =	stream.linear.scatter [tilespmem:s20], [sflag:$0x1], $0x80, $0x38;
	[tilespmem:$0x13F80] =	vst v63  }
0x2a8: {  	s22 =	simm.s32 $0x114F8;
	s23 =	sadd.s32 $0x30, s16  }
0x2a9: {  	[hbm4b:s23+s2] =	stream.linear.scatter [tilespmem:s22], [sflag:$0x1], $0x80, $0x38;
	[tilespmem:$0x13F80] =	vst v63  }
0x2aa: {  	s24 =	simm.s32 $0x11EF8;
	s25 =	sadd.s32 $0x40, s16  }
0x2ab: {  	[hbm4b:s25+s2] =	stream.linear.scatter [tilespmem:s24], [sflag:$0x1], $0x80, $0x38;
	[tilespmem:$0x13F80] =	vst v63  }
0x2ac: {  	s26 =	simm.s32 $0x128F8;
	s28 =	sadd.s32 $0x50, s16  }
0x2ad: {  	[hbm4b:s28+s2] =	stream.linear.scatter [tilespmem:s26], [sflag:$0x1], $0x80, $0x38;
	[tilespmem:$0x13F80] =	vst v63  }
0x2ae: {  	s29 =	simm.s32 $0x132F8;
	s30 =	sadd.s32 $0x60, s16  }
0x2af: {  	[hbm4b:s30+s2] =	stream.linear.scatter [tilespmem:s29], [sflag:$0x1], $0x80, $0x38;
	[tilespmem:$0x13F80] =	vst v63  }
0x2b0: {  	s31 =	rddreg [dreg:$0x1e];
	s15 =	simm.s32 $0x13CF8;
	s11 =	sadd.s32 $0x70, s16  }
0x2b1: {  	[hbm4b:s11+s2] =	stream.linear.scatter [tilespmem:s15], [sflag:$0x1], $0x80, $0x38;
	[tilespmem:$0x13F80] =	vst v63  }
0x2b2: {  	s16 =	sadd.s32 s10, s31;
	s17 =	simm.s32 $0xF778  }
0x2b3: {  	[hbm4b:s16+s2] =	stream.linear.scatter [tilespmem:s17], [sflag:$0x1], $0x80, $0x38;
	[tilespmem:$0x13F80] =	vst v63  }
0x2b4: {  	s18 =	simm.s32 $0x10178;
	s19 =	sadd.s32 $0x10, s16  }
0x2b5: {  	[hbm4b:s19+s2] =	stream.linear.scatter [tilespmem:s18], [sflag:$0x1], $0x80, $0x38;
	[tilespmem:$0x13F80] =	vst v63  }
0x2b6: {  	s20 =	simm.s32 $0x10B78;
	s21 =	sadd.s32 $0x20, s16  }
0x2b7: {  	[hbm4b:s21+s2] =	stream.linear.scatter [tilespmem:s20], [sflag:$0x1], $0x80, $0x38;
	[tilespmem:$0x13F80] =	vst v63  }
0x2b8: {  	s22 =	simm.s32 $0x11578;
	s23 =	sadd.s32 $0x30, s16  }
0x2b9: {  	[hbm4b:s23+s2] =	stream.linear.scatter [tilespmem:s22], [sflag:$0x1], $0x80, $0x38;
	[tilespmem:$0x13F80] =	vst v63  }
0x2ba: {  	s24 =	simm.s32 $0x11F78;
	s25 =	sadd.s32 $0x40, s16  }
0x2bb: {  	[hbm4b:s25+s2] =	stream.linear.scatter [tilespmem:s24], [sflag:$0x1], $0x80, $0x38;
	[tilespmem:$0x13F80] =	vst v63  }
0x2bc: {  	s26 =	simm.s32 $0x12978;
	s28 =	sadd.s32 $0x50, s16  }
0x2bd: {  	[hbm4b:s28+s2] =	stream.linear.scatter [tilespmem:s26], [sflag:$0x1], $0x80, $0x38;
	[tilespmem:$0x13F80] =	vst v63  }
0x2be: {  	s29 =	simm.s32 $0x13378;
	s30 =	sadd.s32 $0x60, s16  }
0x2bf: {  	[hbm4b:s30+s2] =	stream.linear.scatter [tilespmem:s29], [sflag:$0x1], $0x80, $0x38;
	[tilespmem:$0x13F80] =	vst v63  }
0x2c0: {  	s31 =	rddreg [dreg:$0x1f];
	s15 =	simm.s32 $0x13D78;
	s11 =	sadd.s32 $0x70, s16  }
0x2c1: {  	[hbm4b:s11+s2] =	stream.linear.scatter [tilespmem:s15], [sflag:$0x1], $0x80, $0x38;
	[tilespmem:$0x13F80] =	vst v63  }
0x2c2: {  	s16 =	sadd.s32 s10, s31;
	s17 =	simm.s32 $0xF7F8  }
0x2c3: {  	[hbm4b:s16+s2] =	stream.linear.scatter [tilespmem:s17], [sflag:$0x1], $0x80, $0x38;
	[tilespmem:$0x13F80] =	vst v63  }
0x2c4: {  	s18 =	simm.s32 $0x101F8;
	s19 =	sadd.s32 $0x10, s16  }
0x2c5: {  	[hbm4b:s19+s2] =	stream.linear.scatter [tilespmem:s18], [sflag:$0x1], $0x80, $0x38;
	[tilespmem:$0x13F80] =	vst v63  }
0x2c6: {  	s20 =	simm.s32 $0x10BF8;
	s21 =	sadd.s32 $0x20, s16  }
0x2c7: {  	[hbm4b:s21+s2] =	stream.linear.scatter [tilespmem:s20], [sflag:$0x1], $0x80, $0x38;
	[tilespmem:$0x13F80] =	vst v63  }
0x2c8: {  	s22 =	simm.s32 $0x115F8;
	s23 =	sadd.s32 $0x30, s16  }
0x2c9: {  	[hbm4b:s23+s2] =	stream.linear.scatter [tilespmem:s22], [sflag:$0x1], $0x80, $0x38;
	[tilespmem:$0x13F80] =	vst v63  }
0x2ca: {  	s24 =	simm.s32 $0x11FF8;
	s25 =	sadd.s32 $0x40, s16  }
0x2cb: {  	[hbm4b:s25+s2] =	stream.linear.scatter [tilespmem:s24], [sflag:$0x1], $0x80, $0x38;
	[tilespmem:$0x13F80] =	vst v63  }
0x2cc: {  	s26 =	simm.s32 $0x129F8;
	s28 =	sadd.s32 $0x50, s16  }
0x2cd: {  	[hbm4b:s28+s2] =	stream.linear.scatter [tilespmem:s26], [sflag:$0x1], $0x80, $0x38;
	[tilespmem:$0x13F80] =	vst v63  }
0x2ce: {  	s31 =	sld [smem:$0x7FC];
	s29 =	simm.s32 $0x133F8;
	s30 =	sadd.s32 $0x60, s16  }
0x2cf: {  	[hbm4b:s30+s2] =	stream.linear.scatter [tilespmem:s29], [sflag:$0x1], $0x80, $0x38;
	[tilespmem:$0x13F80] =	vst v63  }
0x2d0: {  	s15 =	simm.s32 $0x13DF8;
	s11 =	sadd.s32 $0x70, s16  }
0x2d1: {  	[hbm4b:s11+s2] =	stream.linear.scatter [tilespmem:s15], [sflag:$0x1], $0x80, $0x38;
	[tilespmem:$0x13F80] =	vst v63  }
0x2d2: {  	s16 =	sadd.s32 s10, s31;
	s17 =	simm.s32 $0xF878  }
0x2d3: {  	[hbm4b:s16+s2] =	stream.linear.scatter [tilespmem:s17], [sflag:$0x1], $0x80, $0x38;
	[tilespmem:$0x13F80] =	vst v63  }
0x2d4: {  	s18 =	simm.s32 $0x10278;
	s19 =	sadd.s32 $0x10, s16  }
0x2d5: {  	[hbm4b:s19+s2] =	stream.linear.scatter [tilespmem:s18], [sflag:$0x1], $0x80, $0x38;
	[tilespmem:$0x13F80] =	vst v63  }
0x2d6: {  	s20 =	simm.s32 $0x10C78;
	s21 =	sadd.s32 $0x20, s16  }
0x2d7: {  	[hbm4b:s21+s2] =	stream.linear.scatter [tilespmem:s20], [sflag:$0x1], $0x80, $0x38;
	[tilespmem:$0x13F80] =	vst v63  }
0x2d8: {  	s22 =	simm.s32 $0x11678;
	s23 =	sadd.s32 $0x30, s16  }
0x2d9: {  	[hbm4b:s23+s2] =	stream.linear.scatter [tilespmem:s22], [sflag:$0x1], $0x80, $0x38;
	[tilespmem:$0x13F80] =	vst v63  }
0x2da: {  	s24 =	simm.s32 $0x12078;
	s25 =	sadd.s32 $0x40, s16  }
0x2db: {  	[hbm4b:s25+s2] =	stream.linear.scatter [tilespmem:s24], [sflag:$0x1], $0x80, $0x38;
	[tilespmem:$0x13F80] =	vst v63  }
0x2dc: {  	s26 =	simm.s32 $0x12A78;
	s28 =	sadd.s32 $0x50, s16  }
0x2dd: {  	[hbm4b:s28+s2] =	stream.linear.scatter [tilespmem:s26], [sflag:$0x1], $0x80, $0x38;
	[tilespmem:$0x13F80] =	vst v63  }
0x2de: {  	s31 =	sld [smem:$0x7FD];
	s29 =	simm.s32 $0x13478;
	s30 =	sadd.s32 $0x60, s16  }
0x2df: {  	[hbm4b:s30+s2] =	stream.linear.scatter [tilespmem:s29], [sflag:$0x1], $0x80, $0x38;
	[tilespmem:$0x13F80] =	vst v63  }
0x2e0: {  	s13 =	simm.s32 $0x13E78;
	s11 =	sadd.s32 $0x70, s16  }
0x2e1: {  	[hbm4b:s11+s2] =	stream.linear.scatter [tilespmem:s13], [sflag:$0x1], $0x80, $0x38;
	[tilespmem:$0x13F80] =	vst v63  }
0x2e2: {  	s15 =	sadd.s32 s10, s31;
	s16 =	simm.s32 $0xF8F8  }
0x2e3: {  	[hbm4b:s15+s2] =	stream.linear.scatter [tilespmem:s16], [sflag:$0x1], $0x80, $0x38;
	[tilespmem:$0x13F80] =	vst v63  }
0x2e4: {  	s17 =	simm.s32 $0x102F8;
	s18 =	sadd.s32 $0x10, s15  }
0x2e5: {  	[hbm4b:s18+s2] =	stream.linear.scatter [tilespmem:s17], [sflag:$0x1], $0x80, $0x38;
	[tilespmem:$0x13F80] =	vst v63  }
0x2e6: {  	s19 =	simm.s32 $0x10CF8;
	s20 =	sadd.s32 $0x20, s15  }
0x2e7: {  	[hbm4b:s20+s2] =	stream.linear.scatter [tilespmem:s19], [sflag:$0x1], $0x80, $0x38;
	[tilespmem:$0x13F80] =	vst v63  }
0x2e8: {  	s21 =	simm.s32 $0x116F8;
	s22 =	sadd.s32 $0x30, s15  }
0x2e9: {  	[hbm4b:s22+s2] =	stream.linear.scatter [tilespmem:s21], [sflag:$0x1], $0x80, $0x38;
	[tilespmem:$0x13F80] =	vst v63  }
0x2ea: {  	s23 =	simm.s32 $0x120F8;
	s24 =	sadd.s32 $0x40, s15  }
0x2eb: {  	[hbm4b:s24+s2] =	stream.linear.scatter [tilespmem:s23], [sflag:$0x1], $0x80, $0x38;
	[tilespmem:$0x13F80] =	vst v63  }
0x2ec: {  	s25 =	simm.s32 $0x12AF8;
	s26 =	sadd.s32 $0x50, s15  }
0x2ed: {  	[hbm4b:s26+s2] =	stream.linear.scatter [tilespmem:s25], [sflag:$0x1], $0x80, $0x38;
	[tilespmem:$0x13F80] =	vst v63  }
0x2ee: {  	s28 =	simm.s32 $0x134F8;
	s29 =	sadd.s32 $0x60, s15  }
0x2ef: {  	[hbm4b:s29+s2] =	stream.linear.scatter [tilespmem:s28], [sflag:$0x1], $0x80, $0x38;
	[tilespmem:$0x13F80] =	vst v63  }
0x2f0: {  	s10 =	sadd.s32 $0x70, s15;
	s30 =	simm.s32 $0x13EF8  }
0x2f1: {  	[hbm4b:s10+s2] =	stream.linear.scatter [tilespmem:s30], [sflag:$0x1], $0x80, $0x38;
	[tilespmem:$0x13F80] =	vst v63  }
0x2f2: {  	_ =	swait.ge [sflag:s8], $0x400  }
0x2f3: {  	[sflag:s8] =	ssyncset.done $0x0  }
0x2f4: {  	[sflag:s8] =	ssyncadd.s32 $0xFFFFFC00  }
0x2f5: {  	_ =	swait.ge [sflag:s8], $0x400  }
0x2f6: {  	[sflag:s8] =	ssyncset.done $0x0  }
0x2f7: {  	[sflag:s8] =	ssyncadd.s32 $0xFFFFFC00  }
0x2f8: {  	_ =	swait.ge [sflag:s8], $0x400  }
0x2f9: {  	[sflag:s8] =	ssyncset.done $0x0  }
0x2fa: {  	[sflag:s8] =	ssyncadd.s32 $0xFFFFFC00  }
0x2fb: {  	_ =	swait.ge [sflag:s8], $0x400  }
0x2fc: {  	[sflag:s8] =	ssyncset.done $0x0  }
0x2fd: {  	[sflag:s8] =	ssyncadd.s32 $0xFFFFFC00  }
0x2fe: {  	_ =	swait.ge [sflag:s8], $0x400  }
0x2ff: {  	[sflag:s8] =	ssyncset.done $0x0  }
0x300: {  	[sflag:s8] =	ssyncadd.s32 $0xFFFFFC00  }
0x301: {  	_ =	swait.ge [sflag:s8], $0x400  }
0x302: {  	[sflag:s8] =	ssyncset.done $0x0  }
0x303: {  	[sflag:s8] =	ssyncadd.s32 $0xFFFFFC00  }
0x304: {  	_ =	swait.ge [sflag:s8], $0x400  }
0x305: {  	[sflag:s8] =	ssyncset.done $0x0  }
0x306: {  	[sflag:s8] =	ssyncadd.s32 $0xFFFFFC00  }
0x307: {  	_ =	swait.ge [sflag:s8], $0x400  }
0x308: {  	[sflag:s8] =	ssyncset.done $0x0  }
0x309: {  	[sflag:s8] =	ssyncadd.s32 $0xFFFFFC00  }
0x30a: {  	_ =	swait.ge [sflag:s8], $0x400  }
0x30b: {  	[sflag:s8] =	ssyncset.done $0x0  }
0x30c: {  	[sflag:s8] =	ssyncadd.s32 $0xFFFFFC00  }
0x30d: {  	_ =	swait.ge [sflag:s8], $0x400  }
0x30e: {  	[sflag:s8] =	ssyncset.done $0x0  }
0x30f: {  	[sflag:s8] =	ssyncadd.s32 $0xFFFFFC00  }
0x310: {  	_ =	swait.ge [sflag:s8], $0x400  }
0x311: {  	[sflag:s8] =	ssyncset.done $0x0  }
0x312: {  	[sflag:s8] =	ssyncadd.s32 $0xFFFFFC00  }
0x313: {  	_ =	swait.ge [sflag:s8], $0x400  }
0x314: {  	[sflag:s8] =	ssyncset.done $0x0  }
0x315: {  	[sflag:s8] =	ssyncadd.s32 $0xFFFFFC00  }
0x316: {  	_ =	swait.ge [sflag:s8], $0x400  }
0x317: {  	[sflag:s8] =	ssyncset.done $0x0  }
0x318: {  	[sflag:s8] =	ssyncadd.s32 $0xFFFFFC00  }
0x319: {  	_ =	swait.ge [sflag:s8], $0x400  }
0x31a: {  	[sflag:s8] =	ssyncset.done $0x0  }
0x31b: {  	[sflag:s8] =	ssyncadd.s32 $0xFFFFFC00  }
0x31c: {  	_ =	swait.ge [sflag:s8], $0x400  }
0x31d: {  	[sflag:s8] =	ssyncset.done $0x0  }
0x31e: {  	[sflag:s8] =	ssyncadd.s32 $0xFFFFFC00  }
0x31f: {  	_ =	swait.ge [sflag:s8], $0x400  }
0x320: {  	[sflag:s8] =	ssyncset.done $0x0  }
0x321: {  	[sflag:s8] =	ssyncadd.s32 $0xFFFFFC00  }
0x322: {  	_ =	swait.ge [sflag:s8], $0x400  }
0x323: {  	[sflag:s8] =	ssyncset.done $0x0  }
0x324: {  	[sflag:s8] =	ssyncadd.s32 $0xFFFFFC00  }
0x325: {  	_ =	swait.ge [sflag:s8], $0x400  }
0x326: {  	[sflag:s8] =	ssyncset.done $0x0  }
0x327: {  	[sflag:s8] =	ssyncadd.s32 $0xFFFFFC00  }
0x328: {  	_ =	swait.ge [sflag:s8], $0x400  }
0x329: {  	[sflag:s8] =	ssyncset.done $0x0  }
0x32a: {  	[sflag:s8] =	ssyncadd.s32 $0xFFFFFC00  }
0x32b: {  	_ =	swait.ge [sflag:s8], $0x400  }
0x32c: {  	[sflag:s8] =	ssyncset.done $0x0  }
0x32d: {  	[sflag:s8] =	ssyncadd.s32 $0xFFFFFC00  }
0x32e: {  	_ =	swait.ge [sflag:s8], $0x400  }
0x32f: {  	[sflag:s8] =	ssyncset.done $0x0  }
0x330: {  	[sflag:s8] =	ssyncadd.s32 $0xFFFFFC00  }
0x331: {  	_ =	swait.ge [sflag:s8], $0x400  }
0x332: {  	[sflag:s8] =	ssyncset.done $0x0  }
0x333: {  	[sflag:s8] =	ssyncadd.s32 $0xFFFFFC00  }
0x334: {  	_ =	swait.ge [sflag:s8], $0x400  }
0x335: {  	[sflag:s8] =	ssyncset.done $0x0  }
0x336: {  	[sflag:s8] =	ssyncadd.s32 $0xFFFFFC00  }
0x337: {  	_ =	swait.ge [sflag:s8], $0x400  }
0x338: {  	[sflag:s8] =	ssyncset.done $0x0  }
0x339: {  	[sflag:s8] =	ssyncadd.s32 $0xFFFFFC00  }
0x33a: {  	_ =	swait.ge [sflag:s8], $0x400  }
0x33b: {  	[sflag:s8] =	ssyncset.done $0x0  }
0x33c: {  	[sflag:s8] =	ssyncadd.s32 $0xFFFFFC00  }
0x33d: {  	_ =	swait.ge [sflag:s8], $0x400  }
0x33e: {  	[sflag:s8] =	ssyncset.done $0x0  }
0x33f: {  	[sflag:s8] =	ssyncadd.s32 $0xFFFFFC00  }
0x340: {  	_ =	swait.ge [sflag:s8], $0x400  }
0x341: {  	[sflag:s8] =	ssyncset.done $0x0  }
0x342: {  	[sflag:s8] =	ssyncadd.s32 $0xFFFFFC00  }
0x343: {  	_ =	swait.ge [sflag:s8], $0x400  }
0x344: {  	[sflag:s8] =	ssyncset.done $0x0  }
0x345: {  	[sflag:s8] =	ssyncadd.s32 $0xFFFFFC00  }
0x346: {  	_ =	swait.ge [sflag:s8], $0x400  }
0x347: {  	[sflag:s8] =	ssyncset.done $0x0  }
0x348: {  	[sflag:s8] =	ssyncadd.s32 $0xFFFFFC00  }
0x349: {  	_ =	swait.ge [sflag:s8], $0x400  }
0x34a: {  	[sflag:s8] =	ssyncset.done $0x0  }
0x34b: {  	p1 =	por $0x1, $0x1;
	[sflag:s8] =	ssyncadd.s32 $0xFFFFFC00  }
.Ltmp2:
0x34c: {  	_ =	swait.ge [sflag:s8], $0x400;
	(pc) =	sbr.rel @!p1 .LBB2_6-.Ltmp2, $4  }
0x34d: {  	[sflag:s8] =	ssyncset.done $0x0  }
0x34e: {  	p0 =	por $0x1, $0x1;
	s11 =	simm.s32 $0x8;
	[sflag:s8] =	ssyncadd.s32 $0xFFFFFC00  }
0x34f: {  	s14 =	simm.s32 $0xA170;
	s31 =	sor.u32 s4, s11;
	_ =	swait.ge [sflag:s8], $0x400  }
0x350: {  	s15 =	simm.s32 $0x2;
	s10 =	sshll.u32 s31, $0xC;
	[sflag:s8] =	ssyncset.done $0x0  }
.LBB2_5:
0x351: {  	s16 =	sadd.s32 s1, s10  }
0x352: {  	[sflag:s8] =	ssyncadd.s32 $0xFFFFFC00;
	s13 =	smov.u32 s15;
	s12 =	sadd.s32 $0x1, s15  }
0x353: {  	[hbm4b:s16+s2] =	stream.linear.scatter [tilespmem:s14], [sflag:$0x1], $0x80, $0x38;
	[tilespmem:$0x13F80] =	vst v63  }
0x354: {  	p1 =	sne.s32 s15, $0x3F;
	s15 =	ssub.s32 $0xAB78, s11;
	s17 =	sadd.s32 $0x10, s16  }
0x355: {  	[hbm4b:s17+s2] =	stream.linear.scatter [tilespmem:s15], [sflag:$0x1], $0x80, $0x38;
	[tilespmem:$0x13F80] =	vst v63  }
0x356: {  	s18 =	ssub.s32 $0xB578, s11;
	s19 =	sadd.s32 $0x20, s16  }
0x357: {  	[hbm4b:s19+s2] =	stream.linear.scatter [tilespmem:s18], [sflag:$0x1], $0x80, $0x38;
	[tilespmem:$0x13F80] =	vst v63  }
0x358: {  	s20 =	ssub.s32 $0xBF78, s11;
	s21 =	sadd.s32 $0x30, s16  }
0x359: {  	[hbm4b:s21+s2] =	stream.linear.scatter [tilespmem:s20], [sflag:$0x1], $0x80, $0x38;
	[tilespmem:$0x13F80] =	vst v63  }
0x35a: {  	s22 =	ssub.s32 $0xC978, s11;
	s23 =	sadd.s32 $0x40, s16  }
0x35b: {  	[hbm4b:s23+s2] =	stream.linear.scatter [tilespmem:s22], [sflag:$0x1], $0x80, $0x38;
	[tilespmem:$0x13F80] =	vst v63  }
0x35c: {  	s24 =	ssub.s32 $0xD378, s11;
	s25 =	sadd.s32 $0x50, s16  }
0x35d: {  	[hbm4b:s25+s2] =	stream.linear.scatter [tilespmem:s24], [sflag:$0x1], $0x80, $0x38;
	[tilespmem:$0x13F80] =	vst v63  }
0x35e: {  	s26 =	ssub.s32 $0xDD78, s11;
	s28 =	sadd.s32 $0x60, s16  }
0x35f: {  	[hbm4b:s28+s2] =	stream.linear.scatter [tilespmem:s26], [sflag:$0x1], $0x80, $0x38;
	[tilespmem:$0x13F80] =	vst v63  }
0x360: {  	s29 =	ssub.s32 $0xE778, s11;
	s30 =	sadd.s32 $0x70, s16;
	s17 =	rddreg [dreg:$0x3]  }
0x361: {  	[hbm4b:s30+s2] =	stream.linear.scatter [tilespmem:s29], [sflag:$0x1], $0x80, $0x38;
	[tilespmem:$0x13F80] =	vst v63  }
0x362: {  	s31 =	ssub.s32 $0xA1F8, s11;
	s14 =	sadd.s32 s10, s17  }
0x363: {  	[hbm4b:s14+s2] =	stream.linear.scatter [tilespmem:s31], [sflag:$0x1], $0x80, $0x38;
	[tilespmem:$0x13F80] =	vst v63  }
0x364: {  	s16 =	ssub.s32 $0xABF8, s11;
	s17 =	sadd.s32 $0x10, s14  }
0x365: {  	[hbm4b:s17+s2] =	stream.linear.scatter [tilespmem:s16], [sflag:$0x1], $0x80, $0x38;
	[tilespmem:$0x13F80] =	vst v63  }
0x366: {  	s18 =	ssub.s32 $0xB5F8, s11;
	s19 =	sadd.s32 $0x20, s14  }
0x367: {  	[hbm4b:s19+s2] =	stream.linear.scatter [tilespmem:s18], [sflag:$0x1], $0x80, $0x38;
	[tilespmem:$0x13F80] =	vst v63  }
0x368: {  	s20 =	ssub.s32 $0xBFF8, s11;
	s21 =	sadd.s32 $0x30, s14  }
0x369: {  	[hbm4b:s21+s2] =	stream.linear.scatter [tilespmem:s20], [sflag:$0x1], $0x80, $0x38;
	[tilespmem:$0x13F80] =	vst v63  }
0x36a: {  	s22 =	ssub.s32 $0xC9F8, s11;
	s23 =	sadd.s32 $0x40, s14  }
0x36b: {  	[hbm4b:s23+s2] =	stream.linear.scatter [tilespmem:s22], [sflag:$0x1], $0x80, $0x38;
	[tilespmem:$0x13F80] =	vst v63  }
0x36c: {  	s24 =	ssub.s32 $0xD3F8, s11;
	s25 =	sadd.s32 $0x50, s14  }
0x36d: {  	[hbm4b:s25+s2] =	stream.linear.scatter [tilespmem:s24], [sflag:$0x1], $0x80, $0x38;
	[tilespmem:$0x13F80] =	vst v63  }
0x36e: {  	s26 =	ssub.s32 $0xDDF8, s11;
	s28 =	sadd.s32 $0x60, s14  }
0x36f: {  	[hbm4b:s28+s2] =	stream.linear.scatter [tilespmem:s26], [sflag:$0x1], $0x80, $0x38;
	[tilespmem:$0x13F80] =	vst v63  }
0x370: {  	s29 =	rddreg [dreg:$0x4];
	s30 =	ssub.s32 $0xE7F8, s11;
	s14 =	sadd.s32 $0x70, s14  }
0x371: {  	[hbm4b:s14+s2] =	stream.linear.scatter [tilespmem:s30], [sflag:$0x1], $0x80, $0x38;
	[tilespmem:$0x13F80] =	vst v63  }
0x372: {  	s31 =	ssub.s32 $0xA278, s11;
	s14 =	sadd.s32 s10, s29  }
0x373: {  	[hbm4b:s14+s2] =	stream.linear.scatter [tilespmem:s31], [sflag:$0x1], $0x80, $0x38;
	[tilespmem:$0x13F80] =	vst v63  }
0x374: {  	s16 =	ssub.s32 $0xAC78, s11;
	s17 =	sadd.s32 $0x10, s14  }
0x375: {  	[hbm4b:s17+s2] =	stream.linear.scatter [tilespmem:s16], [sflag:$0x1], $0x80, $0x38;
	[tilespmem:$0x13F80] =	vst v63  }
0x376: {  	s18 =	ssub.s32 $0xB678, s11;
	s19 =	sadd.s32 $0x20, s14  }
0x377: {  	[hbm4b:s19+s2] =	stream.linear.scatter [tilespmem:s18], [sflag:$0x1], $0x80, $0x38;
	[tilespmem:$0x13F80] =	vst v63  }
0x378: {  	s20 =	ssub.s32 $0xC078, s11;
	s21 =	sadd.s32 $0x30, s14  }
0x379: {  	[hbm4b:s21+s2] =	stream.linear.scatter [tilespmem:s20], [sflag:$0x1], $0x80, $0x38;
	[tilespmem:$0x13F80] =	vst v63  }
0x37a: {  	s22 =	ssub.s32 $0xCA78, s11;
	s23 =	sadd.s32 $0x40, s14  }
0x37b: {  	[hbm4b:s23+s2] =	stream.linear.scatter [tilespmem:s22], [sflag:$0x1], $0x80, $0x38;
	[tilespmem:$0x13F80] =	vst v63  }
0x37c: {  	s24 =	ssub.s32 $0xD478, s11;
	s25 =	sadd.s32 $0x50, s14  }
0x37d: {  	[hbm4b:s25+s2] =	stream.linear.scatter [tilespmem:s24], [sflag:$0x1], $0x80, $0x38;
	[tilespmem:$0x13F80] =	vst v63  }
0x37e: {  	s26 =	ssub.s32 $0xDE78, s11;
	s28 =	sadd.s32 $0x60, s14  }
0x37f: {  	[hbm4b:s28+s2] =	stream.linear.scatter [tilespmem:s26], [sflag:$0x1], $0x80, $0x38;
	[tilespmem:$0x13F80] =	vst v63  }
0x380: {  	s29 =	rddreg [dreg:$0x5];
	s30 =	ssub.s32 $0xE878, s11;
	s14 =	sadd.s32 $0x70, s14  }
0x381: {  	[hbm4b:s14+s2] =	stream.linear.scatter [tilespmem:s30], [sflag:$0x1], $0x80, $0x38;
	[tilespmem:$0x13F80] =	vst v63  }
0x382: {  	s31 =	ssub.s32 $0xA2F8, s11;
	s14 =	sadd.s32 s10, s29  }
0x383: {  	[hbm4b:s14+s2] =	stream.linear.scatter [tilespmem:s31], [sflag:$0x1], $0x80, $0x38;
	[tilespmem:$0x13F80] =	vst v63  }
0x384: {  	s16 =	ssub.s32 $0xACF8, s11;
	s17 =	sadd.s32 $0x10, s14  }
0x385: {  	[hbm4b:s17+s2] =	stream.linear.scatter [tilespmem:s16], [sflag:$0x1], $0x80, $0x38;
	[tilespmem:$0x13F80] =	vst v63  }
0x386: {  	s18 =	ssub.s32 $0xB6F8, s11;
	s19 =	sadd.s32 $0x20, s14  }
0x387: {  	[hbm4b:s19+s2] =	stream.linear.scatter [tilespmem:s18], [sflag:$0x1], $0x80, $0x38;
	[tilespmem:$0x13F80] =	vst v63  }
0x388: {  	s20 =	ssub.s32 $0xC0F8, s11;
	s21 =	sadd.s32 $0x30, s14  }
0x389: {  	[hbm4b:s21+s2] =	stream.linear.scatter [tilespmem:s20], [sflag:$0x1], $0x80, $0x38;
	[tilespmem:$0x13F80] =	vst v63  }
0x38a: {  	s22 =	ssub.s32 $0xCAF8, s11;
	s23 =	sadd.s32 $0x40, s14  }
0x38b: {  	[hbm4b:s23+s2] =	stream.linear.scatter [tilespmem:s22], [sflag:$0x1], $0x80, $0x38;
	[tilespmem:$0x13F80] =	vst v63  }
0x38c: {  	s24 =	ssub.s32 $0xD4F8, s11;
	s25 =	sadd.s32 $0x50, s14  }
0x38d: {  	[hbm4b:s25+s2] =	stream.linear.scatter [tilespmem:s24], [sflag:$0x1], $0x80, $0x38;
	[tilespmem:$0x13F80] =	vst v63  }
0x38e: {  	s26 =	ssub.s32 $0xDEF8, s11;
	s28 =	sadd.s32 $0x60, s14  }
0x38f: {  	[hbm4b:s28+s2] =	stream.linear.scatter [tilespmem:s26], [sflag:$0x1], $0x80, $0x38;
	[tilespmem:$0x13F80] =	vst v63  }
0x390: {  	s29 =	rddreg [dreg:$0x6];
	s30 =	ssub.s32 $0xE8F8, s11;
	s14 =	sadd.s32 $0x70, s14  }
0x391: {  	[hbm4b:s14+s2] =	stream.linear.scatter [tilespmem:s30], [sflag:$0x1], $0x80, $0x38;
	[tilespmem:$0x13F80] =	vst v63  }
0x392: {  	s31 =	ssub.s32 $0xA378, s11;
	s14 =	sadd.s32 s10, s29  }
0x393: {  	[hbm4b:s14+s2] =	stream.linear.scatter [tilespmem:s31], [sflag:$0x1], $0x80, $0x38;
	[tilespmem:$0x13F80] =	vst v63  }
0x394: {  	s16 =	ssub.s32 $0xAD78, s11;
	s17 =	sadd.s32 $0x10, s14  }
0x395: {  	[hbm4b:s17+s2] =	stream.linear.scatter [tilespmem:s16], [sflag:$0x1], $0x80, $0x38;
	[tilespmem:$0x13F80] =	vst v63  }
0x396: {  	s18 =	ssub.s32 $0xB778, s11;
	s19 =	sadd.s32 $0x20, s14  }
0x397: {  	[hbm4b:s19+s2] =	stream.linear.scatter [tilespmem:s18], [sflag:$0x1], $0x80, $0x38;
	[tilespmem:$0x13F80] =	vst v63  }
0x398: {  	s20 =	ssub.s32 $0xC178, s11;
	s21 =	sadd.s32 $0x30, s14  }
0x399: {  	[hbm4b:s21+s2] =	stream.linear.scatter [tilespmem:s20], [sflag:$0x1], $0x80, $0x38;
	[tilespmem:$0x13F80] =	vst v63  }
0x39a: {  	s22 =	ssub.s32 $0xCB78, s11;
	s23 =	sadd.s32 $0x40, s14  }
0x39b: {  	[hbm4b:s23+s2] =	stream.linear.scatter [tilespmem:s22], [sflag:$0x1], $0x80, $0x38;
	[tilespmem:$0x13F80] =	vst v63  }
0x39c: {  	s24 =	ssub.s32 $0xD578, s11;
	s25 =	sadd.s32 $0x50, s14  }
0x39d: {  	[hbm4b:s25+s2] =	stream.linear.scatter [tilespmem:s24], [sflag:$0x1], $0x80, $0x38;
	[tilespmem:$0x13F80] =	vst v63  }
0x39e: {  	s26 =	ssub.s32 $0xDF78, s11;
	s28 =	sadd.s32 $0x60, s14  }
0x39f: {  	[hbm4b:s28+s2] =	stream.linear.scatter [tilespmem:s26], [sflag:$0x1], $0x80, $0x38;
	[tilespmem:$0x13F80] =	vst v63  }
0x3a0: {  	s29 =	rddreg [dreg:$0x7];
	s30 =	ssub.s32 $0xE978, s11;
	s14 =	sadd.s32 $0x70, s14  }
0x3a1: {  	[hbm4b:s14+s2] =	stream.linear.scatter [tilespmem:s30], [sflag:$0x1], $0x80, $0x38;
	[tilespmem:$0x13F80] =	vst v63  }
0x3a2: {  	s31 =	ssub.s32 $0xA3F8, s11;
	s14 =	sadd.s32 s10, s29  }
0x3a3: {  	[hbm4b:s14+s2] =	stream.linear.scatter [tilespmem:s31], [sflag:$0x1], $0x80, $0x38;
	[tilespmem:$0x13F80] =	vst v63  }
0x3a4: {  	s16 =	ssub.s32 $0xADF8, s11;
	s17 =	sadd.s32 $0x10, s14  }
0x3a5: {  	[hbm4b:s17+s2] =	stream.linear.scatter [tilespmem:s16], [sflag:$0x1], $0x80, $0x38;
	[tilespmem:$0x13F80] =	vst v63  }
0x3a6: {  	s18 =	ssub.s32 $0xB7F8, s11;
	s19 =	sadd.s32 $0x20, s14  }
0x3a7: {  	[hbm4b:s19+s2] =	stream.linear.scatter [tilespmem:s18], [sflag:$0x1], $0x80, $0x38;
	[tilespmem:$0x13F80] =	vst v63  }
0x3a8: {  	s20 =	ssub.s32 $0xC1F8, s11;
	s21 =	sadd.s32 $0x30, s14  }
0x3a9: {  	[hbm4b:s21+s2] =	stream.linear.scatter [tilespmem:s20], [sflag:$0x1], $0x80, $0x38;
	[tilespmem:$0x13F80] =	vst v63  }
0x3aa: {  	s22 =	ssub.s32 $0xCBF8, s11;
	s23 =	sadd.s32 $0x40, s14  }
0x3ab: {  	[hbm4b:s23+s2] =	stream.linear.scatter [tilespmem:s22], [sflag:$0x1], $0x80, $0x38;
	[tilespmem:$0x13F80] =	vst v63  }
0x3ac: {  	s24 =	ssub.s32 $0xD5F8, s11;
	s25 =	sadd.s32 $0x50, s14  }
0x3ad: {  	[hbm4b:s25+s2] =	stream.linear.scatter [tilespmem:s24], [sflag:$0x1], $0x80, $0x38;
	[tilespmem:$0x13F80] =	vst v63  }
0x3ae: {  	s26 =	ssub.s32 $0xDFF8, s11;
	s28 =	sadd.s32 $0x60, s14  }
0x3af: {  	[hbm4b:s28+s2] =	stream.linear.scatter [tilespmem:s26], [sflag:$0x1], $0x80, $0x38;
	[tilespmem:$0x13F80] =	vst v63  }
0x3b0: {  	s29 =	rddreg [dreg:$0x8];
	s30 =	ssub.s32 $0xE9F8, s11;
	s14 =	sadd.s32 $0x70, s14  }
0x3b1: {  	[hbm4b:s14+s2] =	stream.linear.scatter [tilespmem:s30], [sflag:$0x1], $0x80, $0x38;
	[tilespmem:$0x13F80] =	vst v63  }
0x3b2: {  	s31 =	ssub.s32 $0xA478, s11;
	s14 =	sadd.s32 s10, s29  }
0x3b3: {  	[hbm4b:s14+s2] =	stream.linear.scatter [tilespmem:s31], [sflag:$0x1], $0x80, $0x38;
	[tilespmem:$0x13F80] =	vst v63  }
0x3b4: {  	s16 =	ssub.s32 $0xAE78, s11;
	s17 =	sadd.s32 $0x10, s14  }
0x3b5: {  	[hbm4b:s17+s2] =	stream.linear.scatter [tilespmem:s16], [sflag:$0x1], $0x80, $0x38;
	[tilespmem:$0x13F80] =	vst v63  }
0x3b6: {  	s18 =	ssub.s32 $0xB878, s11;
	s19 =	sadd.s32 $0x20, s14  }
0x3b7: {  	[hbm4b:s19+s2] =	stream.linear.scatter [tilespmem:s18], [sflag:$0x1], $0x80, $0x38;
	[tilespmem:$0x13F80] =	vst v63  }
0x3b8: {  	s20 =	ssub.s32 $0xC278, s11;
	s21 =	sadd.s32 $0x30, s14  }
0x3b9: {  	[hbm4b:s21+s2] =	stream.linear.scatter [tilespmem:s20], [sflag:$0x1], $0x80, $0x38;
	[tilespmem:$0x13F80] =	vst v63  }
0x3ba: {  	s22 =	ssub.s32 $0xCC78, s11;
	s23 =	sadd.s32 $0x40, s14  }
0x3bb: {  	[hbm4b:s23+s2] =	stream.linear.scatter [tilespmem:s22], [sflag:$0x1], $0x80, $0x38;
	[tilespmem:$0x13F80] =	vst v63  }
0x3bc: {  	s24 =	ssub.s32 $0xD678, s11;
	s25 =	sadd.s32 $0x50, s14  }
0x3bd: {  	[hbm4b:s25+s2] =	stream.linear.scatter [tilespmem:s24], [sflag:$0x1], $0x80, $0x38;
	[tilespmem:$0x13F80] =	vst v63  }
0x3be: {  	s26 =	ssub.s32 $0xE078, s11;
	s28 =	sadd.s32 $0x60, s14  }
0x3bf: {  	[hbm4b:s28+s2] =	stream.linear.scatter [tilespmem:s26], [sflag:$0x1], $0x80, $0x38;
	[tilespmem:$0x13F80] =	vst v63  }
0x3c0: {  	s29 =	rddreg [dreg:$0x9];
	s30 =	ssub.s32 $0xEA78, s11;
	s14 =	sadd.s32 $0x70, s14  }
0x3c1: {  	[hbm4b:s14+s2] =	stream.linear.scatter [tilespmem:s30], [sflag:$0x1], $0x80, $0x38;
	[tilespmem:$0x13F80] =	vst v63  }
0x3c2: {  	s31 =	ssub.s32 $0xA4F8, s11;
	s14 =	sadd.s32 s10, s29  }
0x3c3: {  	[hbm4b:s14+s2] =	stream.linear.scatter [tilespmem:s31], [sflag:$0x1], $0x80, $0x38;
	[tilespmem:$0x13F80] =	vst v63  }
0x3c4: {  	s16 =	ssub.s32 $0xAEF8, s11;
	s17 =	sadd.s32 $0x10, s14  }
0x3c5: {  	[hbm4b:s17+s2] =	stream.linear.scatter [tilespmem:s16], [sflag:$0x1], $0x80, $0x38;
	[tilespmem:$0x13F80] =	vst v63  }
0x3c6: {  	s18 =	ssub.s32 $0xB8F8, s11;
	s19 =	sadd.s32 $0x20, s14  }
0x3c7: {  	[hbm4b:s19+s2] =	stream.linear.scatter [tilespmem:s18], [sflag:$0x1], $0x80, $0x38;
	[tilespmem:$0x13F80] =	vst v63  }
0x3c8: {  	s20 =	ssub.s32 $0xC2F8, s11;
	s21 =	sadd.s32 $0x30, s14  }
0x3c9: {  	[hbm4b:s21+s2] =	stream.linear.scatter [tilespmem:s20], [sflag:$0x1], $0x80, $0x38;
	[tilespmem:$0x13F80] =	vst v63  }
0x3ca: {  	s22 =	ssub.s32 $0xCCF8, s11;
	s23 =	sadd.s32 $0x40, s14  }
0x3cb: {  	[hbm4b:s23+s2] =	stream.linear.scatter [tilespmem:s22], [sflag:$0x1], $0x80, $0x38;
	[tilespmem:$0x13F80] =	vst v63  }
0x3cc: {  	s24 =	ssub.s32 $0xD6F8, s11;
	s25 =	sadd.s32 $0x50, s14  }
0x3cd: {  	[hbm4b:s25+s2] =	stream.linear.scatter [tilespmem:s24], [sflag:$0x1], $0x80, $0x38;
	[tilespmem:$0x13F80] =	vst v63  }
0x3ce: {  	s26 =	ssub.s32 $0xE0F8, s11;
	s28 =	sadd.s32 $0x60, s14  }
0x3cf: {  	[hbm4b:s28+s2] =	stream.linear.scatter [tilespmem:s26], [sflag:$0x1], $0x80, $0x38;
	[tilespmem:$0x13F80] =	vst v63  }
0x3d0: {  	s29 =	rddreg [dreg:$0xa];
	s30 =	ssub.s32 $0xEAF8, s11;
	s14 =	sadd.s32 $0x70, s14  }
0x3d1: {  	[hbm4b:s14+s2] =	stream.linear.scatter [tilespmem:s30], [sflag:$0x1], $0x80, $0x38;
	[tilespmem:$0x13F80] =	vst v63  }
0x3d2: {  	s31 =	ssub.s32 $0xA578, s11;
	s14 =	sadd.s32 s10, s29  }
0x3d3: {  	[hbm4b:s14+s2] =	stream.linear.scatter [tilespmem:s31], [sflag:$0x1], $0x80, $0x38;
	[tilespmem:$0x13F80] =	vst v63  }
0x3d4: {  	s16 =	ssub.s32 $0xAF78, s11;
	s17 =	sadd.s32 $0x10, s14  }
0x3d5: {  	[hbm4b:s17+s2] =	stream.linear.scatter [tilespmem:s16], [sflag:$0x1], $0x80, $0x38;
	[tilespmem:$0x13F80] =	vst v63  }
0x3d6: {  	s18 =	ssub.s32 $0xB978, s11;
	s19 =	sadd.s32 $0x20, s14  }
0x3d7: {  	[hbm4b:s19+s2] =	stream.linear.scatter [tilespmem:s18], [sflag:$0x1], $0x80, $0x38;
	[tilespmem:$0x13F80] =	vst v63  }
0x3d8: {  	s20 =	ssub.s32 $0xC378, s11;
	s21 =	sadd.s32 $0x30, s14  }
0x3d9: {  	[hbm4b:s21+s2] =	stream.linear.scatter [tilespmem:s20], [sflag:$0x1], $0x80, $0x38;
	[tilespmem:$0x13F80] =	vst v63  }
0x3da: {  	s22 =	ssub.s32 $0xCD78, s11;
	s23 =	sadd.s32 $0x40, s14  }
0x3db: {  	[hbm4b:s23+s2] =	stream.linear.scatter [tilespmem:s22], [sflag:$0x1], $0x80, $0x38;
	[tilespmem:$0x13F80] =	vst v63  }
0x3dc: {  	s24 =	ssub.s32 $0xD778, s11;
	s25 =	sadd.s32 $0x50, s14  }
0x3dd: {  	[hbm4b:s25+s2] =	stream.linear.scatter [tilespmem:s24], [sflag:$0x1], $0x80, $0x38;
	[tilespmem:$0x13F80] =	vst v63  }
0x3de: {  	s26 =	ssub.s32 $0xE178, s11;
	s28 =	sadd.s32 $0x60, s14  }
0x3df: {  	[hbm4b:s28+s2] =	stream.linear.scatter [tilespmem:s26], [sflag:$0x1], $0x80, $0x38;
	[tilespmem:$0x13F80] =	vst v63  }
0x3e0: {  	s29 =	rddreg [dreg:$0xb];
	s30 =	ssub.s32 $0xEB78, s11;
	s14 =	sadd.s32 $0x70, s14  }
0x3e1: {  	[hbm4b:s14+s2] =	stream.linear.scatter [tilespmem:s30], [sflag:$0x1], $0x80, $0x38;
	[tilespmem:$0x13F80] =	vst v63  }
0x3e2: {  	s31 =	ssub.s32 $0xA5F8, s11;
	s14 =	sadd.s32 s10, s29  }
0x3e3: {  	[hbm4b:s14+s2] =	stream.linear.scatter [tilespmem:s31], [sflag:$0x1], $0x80, $0x38;
	[tilespmem:$0x13F80] =	vst v63  }
0x3e4: {  	s16 =	ssub.s32 $0xAFF8, s11;
	s17 =	sadd.s32 $0x10, s14  }
0x3e5: {  	[hbm4b:s17+s2] =	stream.linear.scatter [tilespmem:s16], [sflag:$0x1], $0x80, $0x38;
	[tilespmem:$0x13F80] =	vst v63  }
0x3e6: {  	s18 =	ssub.s32 $0xB9F8, s11;
	s19 =	sadd.s32 $0x20, s14  }
0x3e7: {  	[hbm4b:s19+s2] =	stream.linear.scatter [tilespmem:s18], [sflag:$0x1], $0x80, $0x38;
	[tilespmem:$0x13F80] =	vst v63  }
0x3e8: {  	s20 =	ssub.s32 $0xC3F8, s11;
	s21 =	sadd.s32 $0x30, s14  }
0x3e9: {  	[hbm4b:s21+s2] =	stream.linear.scatter [tilespmem:s20], [sflag:$0x1], $0x80, $0x38;
	[tilespmem:$0x13F80] =	vst v63  }
0x3ea: {  	s22 =	ssub.s32 $0xCDF8, s11;
	s23 =	sadd.s32 $0x40, s14  }
0x3eb: {  	[hbm4b:s23+s2] =	stream.linear.scatter [tilespmem:s22], [sflag:$0x1], $0x80, $0x38;
	[tilespmem:$0x13F80] =	vst v63  }
0x3ec: {  	s24 =	ssub.s32 $0xD7F8, s11;
	s25 =	sadd.s32 $0x50, s14  }
0x3ed: {  	[hbm4b:s25+s2] =	stream.linear.scatter [tilespmem:s24], [sflag:$0x1], $0x80, $0x38;
	[tilespmem:$0x13F80] =	vst v63  }
0x3ee: {  	s26 =	ssub.s32 $0xE1F8, s11;
	s28 =	sadd.s32 $0x60, s14  }
0x3ef: {  	[hbm4b:s28+s2] =	stream.linear.scatter [tilespmem:s26], [sflag:$0x1], $0x80, $0x38;
	[tilespmem:$0x13F80] =	vst v63  }
0x3f0: {  	s29 =	rddreg [dreg:$0xc];
	s30 =	ssub.s32 $0xEBF8, s11;
	s14 =	sadd.s32 $0x70, s14  }
0x3f1: {  	[hbm4b:s14+s2] =	stream.linear.scatter [tilespmem:s30], [sflag:$0x1], $0x80, $0x38;
	[tilespmem:$0x13F80] =	vst v63  }
0x3f2: {  	s31 =	ssub.s32 $0xA678, s11;
	s14 =	sadd.s32 s10, s29  }
0x3f3: {  	[hbm4b:s14+s2] =	stream.linear.scatter [tilespmem:s31], [sflag:$0x1], $0x80, $0x38;
	[tilespmem:$0x13F80] =	vst v63  }
0x3f4: {  	s16 =	ssub.s32 $0xB078, s11;
	s17 =	sadd.s32 $0x10, s14  }
0x3f5: {  	[hbm4b:s17+s2] =	stream.linear.scatter [tilespmem:s16], [sflag:$0x1], $0x80, $0x38;
	[tilespmem:$0x13F80] =	vst v63  }
0x3f6: {  	s18 =	ssub.s32 $0xBA78, s11;
	s19 =	sadd.s32 $0x20, s14  }
0x3f7: {  	[hbm4b:s19+s2] =	stream.linear.scatter [tilespmem:s18], [sflag:$0x1], $0x80, $0x38;
	[tilespmem:$0x13F80] =	vst v63  }
0x3f8: {  	s20 =	ssub.s32 $0xC478, s11;
	s21 =	sadd.s32 $0x30, s14  }
0x3f9: {  	[hbm4b:s21+s2] =	stream.linear.scatter [tilespmem:s20], [sflag:$0x1], $0x80, $0x38;
	[tilespmem:$0x13F80] =	vst v63  }
0x3fa: {  	s22 =	ssub.s32 $0xCE78, s11;
	s23 =	sadd.s32 $0x40, s14  }
0x3fb: {  	[hbm4b:s23+s2] =	stream.linear.scatter [tilespmem:s22], [sflag:$0x1], $0x80, $0x38;
	[tilespmem:$0x13F80] =	vst v63  }
0x3fc: {  	s24 =	ssub.s32 $0xD878, s11;
	s25 =	sadd.s32 $0x50, s14  }
0x3fd: {  	[hbm4b:s25+s2] =	stream.linear.scatter [tilespmem:s24], [sflag:$0x1], $0x80, $0x38;
	[tilespmem:$0x13F80] =	vst v63  }
0x3fe: {  	s26 =	ssub.s32 $0xE278, s11;
	s28 =	sadd.s32 $0x60, s14  }
0x3ff: {  	[hbm4b:s28+s2] =	stream.linear.scatter [tilespmem:s26], [sflag:$0x1], $0x80, $0x38;
	[tilespmem:$0x13F80] =	vst v63  }
0x400: {  	s29 =	rddreg [dreg:$0xd];
	s30 =	ssub.s32 $0xEC78, s11;
	s14 =	sadd.s32 $0x70, s14  }
0x401: {  	[hbm4b:s14+s2] =	stream.linear.scatter [tilespmem:s30], [sflag:$0x1], $0x80, $0x38;
	[tilespmem:$0x13F80] =	vst v63  }
0x402: {  	s31 =	ssub.s32 $0xA6F8, s11;
	s14 =	sadd.s32 s10, s29  }
0x403: {  	[hbm4b:s14+s2] =	stream.linear.scatter [tilespmem:s31], [sflag:$0x1], $0x80, $0x38;
	[tilespmem:$0x13F80] =	vst v63  }
0x404: {  	s16 =	ssub.s32 $0xB0F8, s11;
	s17 =	sadd.s32 $0x10, s14  }
0x405: {  	[hbm4b:s17+s2] =	stream.linear.scatter [tilespmem:s16], [sflag:$0x1], $0x80, $0x38;
	[tilespmem:$0x13F80] =	vst v63  }
0x406: {  	s18 =	ssub.s32 $0xBAF8, s11;
	s19 =	sadd.s32 $0x20, s14  }
0x407: {  	[hbm4b:s19+s2] =	stream.linear.scatter [tilespmem:s18], [sflag:$0x1], $0x80, $0x38;
	[tilespmem:$0x13F80] =	vst v63  }
0x408: {  	s20 =	ssub.s32 $0xC4F8, s11;
	s21 =	sadd.s32 $0x30, s14  }
0x409: {  	[hbm4b:s21+s2] =	stream.linear.scatter [tilespmem:s20], [sflag:$0x1], $0x80, $0x38;
	[tilespmem:$0x13F80] =	vst v63  }
0x40a: {  	s22 =	ssub.s32 $0xCEF8, s11;
	s23 =	sadd.s32 $0x40, s14  }
0x40b: {  	[hbm4b:s23+s2] =	stream.linear.scatter [tilespmem:s22], [sflag:$0x1], $0x80, $0x38;
	[tilespmem:$0x13F80] =	vst v63  }
0x40c: {  	s24 =	ssub.s32 $0xD8F8, s11;
	s25 =	sadd.s32 $0x50, s14  }
0x40d: {  	[hbm4b:s25+s2] =	stream.linear.scatter [tilespmem:s24], [sflag:$0x1], $0x80, $0x38;
	[tilespmem:$0x13F80] =	vst v63  }
0x40e: {  	s26 =	ssub.s32 $0xE2F8, s11;
	s28 =	sadd.s32 $0x60, s14  }
0x40f: {  	[hbm4b:s28+s2] =	stream.linear.scatter [tilespmem:s26], [sflag:$0x1], $0x80, $0x38;
	[tilespmem:$0x13F80] =	vst v63  }
0x410: {  	s29 =	rddreg [dreg:$0xe];
	s30 =	ssub.s32 $0xECF8, s11;
	s14 =	sadd.s32 $0x70, s14  }
0x411: {  	[hbm4b:s14+s2] =	stream.linear.scatter [tilespmem:s30], [sflag:$0x1], $0x80, $0x38;
	[tilespmem:$0x13F80] =	vst v63  }
0x412: {  	s31 =	ssub.s32 $0xA778, s11;
	s14 =	sadd.s32 s10, s29  }
0x413: {  	[hbm4b:s14+s2] =	stream.linear.scatter [tilespmem:s31], [sflag:$0x1], $0x80, $0x38;
	[tilespmem:$0x13F80] =	vst v63  }
0x414: {  	s16 =	ssub.s32 $0xB178, s11;
	s17 =	sadd.s32 $0x10, s14  }
0x415: {  	[hbm4b:s17+s2] =	stream.linear.scatter [tilespmem:s16], [sflag:$0x1], $0x80, $0x38;
	[tilespmem:$0x13F80] =	vst v63  }
0x416: {  	s18 =	ssub.s32 $0xBB78, s11;
	s19 =	sadd.s32 $0x20, s14  }
0x417: {  	[hbm4b:s19+s2] =	stream.linear.scatter [tilespmem:s18], [sflag:$0x1], $0x80, $0x38;
	[tilespmem:$0x13F80] =	vst v63  }
0x418: {  	s20 =	ssub.s32 $0xC578, s11;
	s21 =	sadd.s32 $0x30, s14  }
0x419: {  	[hbm4b:s21+s2] =	stream.linear.scatter [tilespmem:s20], [sflag:$0x1], $0x80, $0x38;
	[tilespmem:$0x13F80] =	vst v63  }
0x41a: {  	s22 =	ssub.s32 $0xCF78, s11;
	s23 =	sadd.s32 $0x40, s14  }
0x41b: {  	[hbm4b:s23+s2] =	stream.linear.scatter [tilespmem:s22], [sflag:$0x1], $0x80, $0x38;
	[tilespmem:$0x13F80] =	vst v63  }
0x41c: {  	s24 =	ssub.s32 $0xD978, s11;
	s25 =	sadd.s32 $0x50, s14  }
0x41d: {  	[hbm4b:s25+s2] =	stream.linear.scatter [tilespmem:s24], [sflag:$0x1], $0x80, $0x38;
	[tilespmem:$0x13F80] =	vst v63  }
0x41e: {  	s26 =	ssub.s32 $0xE378, s11;
	s28 =	sadd.s32 $0x60, s14  }
0x41f: {  	[hbm4b:s28+s2] =	stream.linear.scatter [tilespmem:s26], [sflag:$0x1], $0x80, $0x38;
	[tilespmem:$0x13F80] =	vst v63  }
0x420: {  	s29 =	rddreg [dreg:$0xf];
	s30 =	ssub.s32 $0xED78, s11;
	s14 =	sadd.s32 $0x70, s14  }
0x421: {  	[hbm4b:s14+s2] =	stream.linear.scatter [tilespmem:s30], [sflag:$0x1], $0x80, $0x38;
	[tilespmem:$0x13F80] =	vst v63  }
0x422: {  	s31 =	ssub.s32 $0xA7F8, s11;
	s14 =	sadd.s32 s10, s29  }
0x423: {  	[hbm4b:s14+s2] =	stream.linear.scatter [tilespmem:s31], [sflag:$0x1], $0x80, $0x38;
	[tilespmem:$0x13F80] =	vst v63  }
0x424: {  	s16 =	ssub.s32 $0xB1F8, s11;
	s17 =	sadd.s32 $0x10, s14  }
0x425: {  	[hbm4b:s17+s2] =	stream.linear.scatter [tilespmem:s16], [sflag:$0x1], $0x80, $0x38;
	[tilespmem:$0x13F80] =	vst v63  }
0x426: {  	s18 =	ssub.s32 $0xBBF8, s11;
	s19 =	sadd.s32 $0x20, s14  }
0x427: {  	[hbm4b:s19+s2] =	stream.linear.scatter [tilespmem:s18], [sflag:$0x1], $0x80, $0x38;
	[tilespmem:$0x13F80] =	vst v63  }
0x428: {  	s20 =	ssub.s32 $0xC5F8, s11;
	s21 =	sadd.s32 $0x30, s14  }
0x429: {  	[hbm4b:s21+s2] =	stream.linear.scatter [tilespmem:s20], [sflag:$0x1], $0x80, $0x38;
	[tilespmem:$0x13F80] =	vst v63  }
0x42a: {  	s22 =	ssub.s32 $0xCFF8, s11;
	s23 =	sadd.s32 $0x40, s14  }
0x42b: {  	[hbm4b:s23+s2] =	stream.linear.scatter [tilespmem:s22], [sflag:$0x1], $0x80, $0x38;
	[tilespmem:$0x13F80] =	vst v63  }
0x42c: {  	s24 =	ssub.s32 $0xD9F8, s11;
	s25 =	sadd.s32 $0x50, s14  }
0x42d: {  	[hbm4b:s25+s2] =	stream.linear.scatter [tilespmem:s24], [sflag:$0x1], $0x80, $0x38;
	[tilespmem:$0x13F80] =	vst v63  }
0x42e: {  	s26 =	ssub.s32 $0xE3F8, s11;
	s28 =	sadd.s32 $0x60, s14  }
0x42f: {  	[hbm4b:s28+s2] =	stream.linear.scatter [tilespmem:s26], [sflag:$0x1], $0x80, $0x38;
	[tilespmem:$0x13F80] =	vst v63  }
0x430: {  	s29 =	rddreg [dreg:$0x10];
	s30 =	ssub.s32 $0xEDF8, s11;
	s14 =	sadd.s32 $0x70, s14  }
0x431: {  	[hbm4b:s14+s2] =	stream.linear.scatter [tilespmem:s30], [sflag:$0x1], $0x80, $0x38;
	[tilespmem:$0x13F80] =	vst v63  }
0x432: {  	s31 =	ssub.s32 $0xA878, s11;
	s14 =	sadd.s32 s10, s29  }
0x433: {  	[hbm4b:s14+s2] =	stream.linear.scatter [tilespmem:s31], [sflag:$0x1], $0x80, $0x38;
	[tilespmem:$0x13F80] =	vst v63  }
0x434: {  	s16 =	ssub.s32 $0xB278, s11;
	s17 =	sadd.s32 $0x10, s14  }
0x435: {  	[hbm4b:s17+s2] =	stream.linear.scatter [tilespmem:s16], [sflag:$0x1], $0x80, $0x38;
	[tilespmem:$0x13F80] =	vst v63  }
0x436: {  	s18 =	ssub.s32 $0xBC78, s11;
	s19 =	sadd.s32 $0x20, s14  }
0x437: {  	[hbm4b:s19+s2] =	stream.linear.scatter [tilespmem:s18], [sflag:$0x1], $0x80, $0x38;
	[tilespmem:$0x13F80] =	vst v63  }
0x438: {  	s20 =	ssub.s32 $0xC678, s11;
	s21 =	sadd.s32 $0x30, s14  }
0x439: {  	[hbm4b:s21+s2] =	stream.linear.scatter [tilespmem:s20], [sflag:$0x1], $0x80, $0x38;
	[tilespmem:$0x13F80] =	vst v63  }
0x43a: {  	s22 =	ssub.s32 $0xD078, s11;
	s23 =	sadd.s32 $0x40, s14  }
0x43b: {  	[hbm4b:s23+s2] =	stream.linear.scatter [tilespmem:s22], [sflag:$0x1], $0x80, $0x38;
	[tilespmem:$0x13F80] =	vst v63  }
0x43c: {  	s24 =	ssub.s32 $0xDA78, s11;
	s25 =	sadd.s32 $0x50, s14  }
0x43d: {  	[hbm4b:s25+s2] =	stream.linear.scatter [tilespmem:s24], [sflag:$0x1], $0x80, $0x38;
	[tilespmem:$0x13F80] =	vst v63  }
0x43e: {  	s26 =	ssub.s32 $0xE478, s11;
	s28 =	sadd.s32 $0x60, s14  }
0x43f: {  	[hbm4b:s28+s2] =	stream.linear.scatter [tilespmem:s26], [sflag:$0x1], $0x80, $0x38;
	[tilespmem:$0x13F80] =	vst v63  }
0x440: {  	s29 =	rddreg [dreg:$0x11];
	s30 =	ssub.s32 $0xEE78, s11;
	s14 =	sadd.s32 $0x70, s14  }
0x441: {  	[hbm4b:s14+s2] =	stream.linear.scatter [tilespmem:s30], [sflag:$0x1], $0x80, $0x38;
	[tilespmem:$0x13F80] =	vst v63  }
0x442: {  	s31 =	ssub.s32 $0xA8F8, s11;
	s14 =	sadd.s32 s10, s29  }
0x443: {  	[hbm4b:s14+s2] =	stream.linear.scatter [tilespmem:s31], [sflag:$0x1], $0x80, $0x38;
	[tilespmem:$0x13F80] =	vst v63  }
0x444: {  	s16 =	ssub.s32 $0xB2F8, s11;
	s17 =	sadd.s32 $0x10, s14  }
0x445: {  	[hbm4b:s17+s2] =	stream.linear.scatter [tilespmem:s16], [sflag:$0x1], $0x80, $0x38;
	[tilespmem:$0x13F80] =	vst v63  }
0x446: {  	s18 =	ssub.s32 $0xBCF8, s11;
	s19 =	sadd.s32 $0x20, s14  }
0x447: {  	[hbm4b:s19+s2] =	stream.linear.scatter [tilespmem:s18], [sflag:$0x1], $0x80, $0x38;
	[tilespmem:$0x13F80] =	vst v63  }
0x448: {  	s20 =	ssub.s32 $0xC6F8, s11;
	s21 =	sadd.s32 $0x30, s14  }
0x449: {  	[hbm4b:s21+s2] =	stream.linear.scatter [tilespmem:s20], [sflag:$0x1], $0x80, $0x38;
	[tilespmem:$0x13F80] =	vst v63  }
0x44a: {  	s22 =	ssub.s32 $0xD0F8, s11;
	s23 =	sadd.s32 $0x40, s14  }
0x44b: {  	[hbm4b:s23+s2] =	stream.linear.scatter [tilespmem:s22], [sflag:$0x1], $0x80, $0x38;
	[tilespmem:$0x13F80] =	vst v63  }
0x44c: {  	s24 =	ssub.s32 $0xDAF8, s11;
	s25 =	sadd.s32 $0x50, s14  }
0x44d: {  	[hbm4b:s25+s2] =	stream.linear.scatter [tilespmem:s24], [sflag:$0x1], $0x80, $0x38;
	[tilespmem:$0x13F80] =	vst v63  }
0x44e: {  	s26 =	ssub.s32 $0xE4F8, s11;
	s28 =	sadd.s32 $0x60, s14  }
0x44f: {  	[hbm4b:s28+s2] =	stream.linear.scatter [tilespmem:s26], [sflag:$0x1], $0x80, $0x38;
	[tilespmem:$0x13F80] =	vst v63  }
0x450: {  	s29 =	rddreg [dreg:$0x12];
	s30 =	ssub.s32 $0xEEF8, s11;
	s14 =	sadd.s32 $0x70, s14  }
0x451: {  	[hbm4b:s14+s2] =	stream.linear.scatter [tilespmem:s30], [sflag:$0x1], $0x80, $0x38;
	[tilespmem:$0x13F80] =	vst v63  }
0x452: {  	s31 =	ssub.s32 $0xF178, s11;
	s14 =	sadd.s32 s10, s29  }
0x453: {  	[hbm4b:s14+s2] =	stream.linear.scatter [tilespmem:s31], [sflag:$0x1], $0x80, $0x38;
	[tilespmem:$0x13F80] =	vst v63  }
0x454: {  	s16 =	ssub.s32 $0xFB78, s11;
	s17 =	sadd.s32 $0x10, s14  }
0x455: {  	[hbm4b:s17+s2] =	stream.linear.scatter [tilespmem:s16], [sflag:$0x1], $0x80, $0x38;
	[tilespmem:$0x13F80] =	vst v63  }
0x456: {  	s18 =	ssub.s32 $0x10578, s11;
	s19 =	sadd.s32 $0x20, s14  }
0x457: {  	[hbm4b:s19+s2] =	stream.linear.scatter [tilespmem:s18], [sflag:$0x1], $0x80, $0x38;
	[tilespmem:$0x13F80] =	vst v63  }
0x458: {  	s20 =	ssub.s32 $0x10F78, s11;
	s21 =	sadd.s32 $0x30, s14  }
0x459: {  	[hbm4b:s21+s2] =	stream.linear.scatter [tilespmem:s20], [sflag:$0x1], $0x80, $0x38;
	[tilespmem:$0x13F80] =	vst v63  }
0x45a: {  	s22 =	ssub.s32 $0x11978, s11;
	s23 =	sadd.s32 $0x40, s14  }
0x45b: {  	[hbm4b:s23+s2] =	stream.linear.scatter [tilespmem:s22], [sflag:$0x1], $0x80, $0x38;
	[tilespmem:$0x13F80] =	vst v63  }
0x45c: {  	s24 =	ssub.s32 $0x12378, s11;
	s25 =	sadd.s32 $0x50, s14  }
0x45d: {  	[hbm4b:s25+s2] =	stream.linear.scatter [tilespmem:s24], [sflag:$0x1], $0x80, $0x38;
	[tilespmem:$0x13F80] =	vst v63  }
0x45e: {  	s26 =	ssub.s32 $0x12D78, s11;
	s28 =	sadd.s32 $0x60, s14  }
0x45f: {  	[hbm4b:s28+s2] =	stream.linear.scatter [tilespmem:s26], [sflag:$0x1], $0x80, $0x38;
	[tilespmem:$0x13F80] =	vst v63  }
0x460: {  	s29 =	rddreg [dreg:$0x13];
	s30 =	ssub.s32 $0x13778, s11;
	s14 =	sadd.s32 $0x70, s14  }
0x461: {  	[hbm4b:s14+s2] =	stream.linear.scatter [tilespmem:s30], [sflag:$0x1], $0x80, $0x38;
	[tilespmem:$0x13F80] =	vst v63  }
0x462: {  	s31 =	ssub.s32 $0xF1F8, s11;
	s14 =	sadd.s32 s10, s29  }
0x463: {  	[hbm4b:s14+s2] =	stream.linear.scatter [tilespmem:s31], [sflag:$0x1], $0x80, $0x38;
	[tilespmem:$0x13F80] =	vst v63  }
0x464: {  	s16 =	ssub.s32 $0xFBF8, s11;
	s17 =	sadd.s32 $0x10, s14  }
0x465: {  	[hbm4b:s17+s2] =	stream.linear.scatter [tilespmem:s16], [sflag:$0x1], $0x80, $0x38;
	[tilespmem:$0x13F80] =	vst v63  }
0x466: {  	s18 =	ssub.s32 $0x105F8, s11;
	s19 =	sadd.s32 $0x20, s14  }
0x467: {  	[hbm4b:s19+s2] =	stream.linear.scatter [tilespmem:s18], [sflag:$0x1], $0x80, $0x38;
	[tilespmem:$0x13F80] =	vst v63  }
0x468: {  	s20 =	ssub.s32 $0x10FF8, s11;
	s21 =	sadd.s32 $0x30, s14  }
0x469: {  	[hbm4b:s21+s2] =	stream.linear.scatter [tilespmem:s20], [sflag:$0x1], $0x80, $0x38;
	[tilespmem:$0x13F80] =	vst v63  }
0x46a: {  	s22 =	ssub.s32 $0x119F8, s11;
	s23 =	sadd.s32 $0x40, s14  }
0x46b: {  	[hbm4b:s23+s2] =	stream.linear.scatter [tilespmem:s22], [sflag:$0x1], $0x80, $0x38;
	[tilespmem:$0x13F80] =	vst v63  }
0x46c: {  	s24 =	ssub.s32 $0x123F8, s11;
	s25 =	sadd.s32 $0x50, s14  }
0x46d: {  	[hbm4b:s25+s2] =	stream.linear.scatter [tilespmem:s24], [sflag:$0x1], $0x80, $0x38;
	[tilespmem:$0x13F80] =	vst v63  }
0x46e: {  	s26 =	ssub.s32 $0x12DF8, s11;
	s28 =	sadd.s32 $0x60, s14  }
0x46f: {  	[hbm4b:s28+s2] =	stream.linear.scatter [tilespmem:s26], [sflag:$0x1], $0x80, $0x38;
	[tilespmem:$0x13F80] =	vst v63  }
0x470: {  	s29 =	rddreg [dreg:$0x14];
	s30 =	ssub.s32 $0x137F8, s11;
	s14 =	sadd.s32 $0x70, s14  }
0x471: {  	[hbm4b:s14+s2] =	stream.linear.scatter [tilespmem:s30], [sflag:$0x1], $0x80, $0x38;
	[tilespmem:$0x13F80] =	vst v63  }
0x472: {  	s31 =	ssub.s32 $0xF278, s11;
	s14 =	sadd.s32 s10, s29  }
0x473: {  	[hbm4b:s14+s2] =	stream.linear.scatter [tilespmem:s31], [sflag:$0x1], $0x80, $0x38;
	[tilespmem:$0x13F80] =	vst v63  }
0x474: {  	s16 =	ssub.s32 $0xFC78, s11;
	s17 =	sadd.s32 $0x10, s14  }
0x475: {  	[hbm4b:s17+s2] =	stream.linear.scatter [tilespmem:s16], [sflag:$0x1], $0x80, $0x38;
	[tilespmem:$0x13F80] =	vst v63  }
0x476: {  	s18 =	ssub.s32 $0x10678, s11;
	s19 =	sadd.s32 $0x20, s14  }
0x477: {  	[hbm4b:s19+s2] =	stream.linear.scatter [tilespmem:s18], [sflag:$0x1], $0x80, $0x38;
	[tilespmem:$0x13F80] =	vst v63  }
0x478: {  	s20 =	ssub.s32 $0x11078, s11;
	s21 =	sadd.s32 $0x30, s14  }
0x479: {  	[hbm4b:s21+s2] =	stream.linear.scatter [tilespmem:s20], [sflag:$0x1], $0x80, $0x38;
	[tilespmem:$0x13F80] =	vst v63  }
0x47a: {  	s22 =	ssub.s32 $0x11A78, s11;
	s23 =	sadd.s32 $0x40, s14  }
0x47b: {  	[hbm4b:s23+s2] =	stream.linear.scatter [tilespmem:s22], [sflag:$0x1], $0x80, $0x38;
	[tilespmem:$0x13F80] =	vst v63  }
0x47c: {  	s24 =	ssub.s32 $0x12478, s11;
	s25 =	sadd.s32 $0x50, s14  }
0x47d: {  	[hbm4b:s25+s2] =	stream.linear.scatter [tilespmem:s24], [sflag:$0x1], $0x80, $0x38;
	[tilespmem:$0x13F80] =	vst v63  }
0x47e: {  	s26 =	ssub.s32 $0x12E78, s11;
	s28 =	sadd.s32 $0x60, s14  }
0x47f: {  	[hbm4b:s28+s2] =	stream.linear.scatter [tilespmem:s26], [sflag:$0x1], $0x80, $0x38;
	[tilespmem:$0x13F80] =	vst v63  }
0x480: {  	s29 =	rddreg [dreg:$0x15];
	s30 =	ssub.s32 $0x13878, s11;
	s14 =	sadd.s32 $0x70, s14  }
0x481: {  	[hbm4b:s14+s2] =	stream.linear.scatter [tilespmem:s30], [sflag:$0x1], $0x80, $0x38;
	[tilespmem:$0x13F80] =	vst v63  }
0x482: {  	s31 =	ssub.s32 $0xF2F8, s11;
	s14 =	sadd.s32 s10, s29  }
0x483: {  	[hbm4b:s14+s2] =	stream.linear.scatter [tilespmem:s31], [sflag:$0x1], $0x80, $0x38;
	[tilespmem:$0x13F80] =	vst v63  }
0x484: {  	s16 =	ssub.s32 $0xFCF8, s11;
	s17 =	sadd.s32 $0x10, s14  }
0x485: {  	[hbm4b:s17+s2] =	stream.linear.scatter [tilespmem:s16], [sflag:$0x1], $0x80, $0x38;
	[tilespmem:$0x13F80] =	vst v63  }
0x486: {  	s18 =	ssub.s32 $0x106F8, s11;
	s19 =	sadd.s32 $0x20, s14  }
0x487: {  	[hbm4b:s19+s2] =	stream.linear.scatter [tilespmem:s18], [sflag:$0x1], $0x80, $0x38;
	[tilespmem:$0x13F80] =	vst v63  }
0x488: {  	s20 =	ssub.s32 $0x110F8, s11;
	s21 =	sadd.s32 $0x30, s14  }
0x489: {  	[hbm4b:s21+s2] =	stream.linear.scatter [tilespmem:s20], [sflag:$0x1], $0x80, $0x38;
	[tilespmem:$0x13F80] =	vst v63  }
0x48a: {  	s22 =	ssub.s32 $0x11AF8, s11;
	s23 =	sadd.s32 $0x40, s14  }
0x48b: {  	[hbm4b:s23+s2] =	stream.linear.scatter [tilespmem:s22], [sflag:$0x1], $0x80, $0x38;
	[tilespmem:$0x13F80] =	vst v63  }
0x48c: {  	s24 =	ssub.s32 $0x124F8, s11;
	s25 =	sadd.s32 $0x50, s14  }
0x48d: {  	[hbm4b:s25+s2] =	stream.linear.scatter [tilespmem:s24], [sflag:$0x1], $0x80, $0x38;
	[tilespmem:$0x13F80] =	vst v63  }
0x48e: {  	s26 =	ssub.s32 $0x12EF8, s11;
	s28 =	sadd.s32 $0x60, s14  }
0x48f: {  	[hbm4b:s28+s2] =	stream.linear.scatter [tilespmem:s26], [sflag:$0x1], $0x80, $0x38;
	[tilespmem:$0x13F80] =	vst v63  }
0x490: {  	s29 =	rddreg [dreg:$0x16];
	s30 =	ssub.s32 $0x138F8, s11;
	s14 =	sadd.s32 $0x70, s14  }
0x491: {  	[hbm4b:s14+s2] =	stream.linear.scatter [tilespmem:s30], [sflag:$0x1], $0x80, $0x38;
	[tilespmem:$0x13F80] =	vst v63  }
0x492: {  	s31 =	ssub.s32 $0xF378, s11;
	s14 =	sadd.s32 s10, s29  }
0x493: {  	[hbm4b:s14+s2] =	stream.linear.scatter [tilespmem:s31], [sflag:$0x1], $0x80, $0x38;
	[tilespmem:$0x13F80] =	vst v63  }
0x494: {  	s16 =	ssub.s32 $0xFD78, s11;
	s17 =	sadd.s32 $0x10, s14  }
0x495: {  	[hbm4b:s17+s2] =	stream.linear.scatter [tilespmem:s16], [sflag:$0x1], $0x80, $0x38;
	[tilespmem:$0x13F80] =	vst v63  }
0x496: {  	s18 =	ssub.s32 $0x10778, s11;
	s19 =	sadd.s32 $0x20, s14  }
0x497: {  	[hbm4b:s19+s2] =	stream.linear.scatter [tilespmem:s18], [sflag:$0x1], $0x80, $0x38;
	[tilespmem:$0x13F80] =	vst v63  }
0x498: {  	s20 =	ssub.s32 $0x11178, s11;
	s21 =	sadd.s32 $0x30, s14  }
0x499: {  	[hbm4b:s21+s2] =	stream.linear.scatter [tilespmem:s20], [sflag:$0x1], $0x80, $0x38;
	[tilespmem:$0x13F80] =	vst v63  }
0x49a: {  	s22 =	ssub.s32 $0x11B78, s11;
	s23 =	sadd.s32 $0x40, s14  }
0x49b: {  	[hbm4b:s23+s2] =	stream.linear.scatter [tilespmem:s22], [sflag:$0x1], $0x80, $0x38;
	[tilespmem:$0x13F80] =	vst v63  }
0x49c: {  	s24 =	ssub.s32 $0x12578, s11;
	s25 =	sadd.s32 $0x50, s14  }
0x49d: {  	[hbm4b:s25+s2] =	stream.linear.scatter [tilespmem:s24], [sflag:$0x1], $0x80, $0x38;
	[tilespmem:$0x13F80] =	vst v63  }
0x49e: {  	s26 =	ssub.s32 $0x12F78, s11;
	s28 =	sadd.s32 $0x60, s14  }
0x49f: {  	[hbm4b:s28+s2] =	stream.linear.scatter [tilespmem:s26], [sflag:$0x1], $0x80, $0x38;
	[tilespmem:$0x13F80] =	vst v63  }
0x4a0: {  	s29 =	rddreg [dreg:$0x17];
	s30 =	ssub.s32 $0x13978, s11;
	s14 =	sadd.s32 $0x70, s14  }
0x4a1: {  	[hbm4b:s14+s2] =	stream.linear.scatter [tilespmem:s30], [sflag:$0x1], $0x80, $0x38;
	[tilespmem:$0x13F80] =	vst v63  }
0x4a2: {  	s31 =	ssub.s32 $0xF3F8, s11;
	s14 =	sadd.s32 s10, s29  }
0x4a3: {  	[hbm4b:s14+s2] =	stream.linear.scatter [tilespmem:s31], [sflag:$0x1], $0x80, $0x38;
	[tilespmem:$0x13F80] =	vst v63  }
0x4a4: {  	s16 =	ssub.s32 $0xFDF8, s11;
	s17 =	sadd.s32 $0x10, s14  }
0x4a5: {  	[hbm4b:s17+s2] =	stream.linear.scatter [tilespmem:s16], [sflag:$0x1], $0x80, $0x38;
	[tilespmem:$0x13F80] =	vst v63  }
0x4a6: {  	s18 =	ssub.s32 $0x107F8, s11;
	s19 =	sadd.s32 $0x20, s14  }
0x4a7: {  	[hbm4b:s19+s2] =	stream.linear.scatter [tilespmem:s18], [sflag:$0x1], $0x80, $0x38;
	[tilespmem:$0x13F80] =	vst v63  }
0x4a8: {  	s20 =	ssub.s32 $0x111F8, s11;
	s21 =	sadd.s32 $0x30, s14  }
0x4a9: {  	[hbm4b:s21+s2] =	stream.linear.scatter [tilespmem:s20], [sflag:$0x1], $0x80, $0x38;
	[tilespmem:$0x13F80] =	vst v63  }
0x4aa: {  	s22 =	ssub.s32 $0x11BF8, s11;
	s23 =	sadd.s32 $0x40, s14  }
0x4ab: {  	[hbm4b:s23+s2] =	stream.linear.scatter [tilespmem:s22], [sflag:$0x1], $0x80, $0x38;
	[tilespmem:$0x13F80] =	vst v63  }
0x4ac: {  	s24 =	ssub.s32 $0x125F8, s11;
	s25 =	sadd.s32 $0x50, s14  }
0x4ad: {  	[hbm4b:s25+s2] =	stream.linear.scatter [tilespmem:s24], [sflag:$0x1], $0x80, $0x38;
	[tilespmem:$0x13F80] =	vst v63  }
0x4ae: {  	s26 =	ssub.s32 $0x12FF8, s11;
	s28 =	sadd.s32 $0x60, s14  }
0x4af: {  	[hbm4b:s28+s2] =	stream.linear.scatter [tilespmem:s26], [sflag:$0x1], $0x80, $0x38;
	[tilespmem:$0x13F80] =	vst v63  }
0x4b0: {  	s29 =	rddreg [dreg:$0x18];
	s30 =	ssub.s32 $0x139F8, s11;
	s14 =	sadd.s32 $0x70, s14  }
0x4b1: {  	[hbm4b:s14+s2] =	stream.linear.scatter [tilespmem:s30], [sflag:$0x1], $0x80, $0x38;
	[tilespmem:$0x13F80] =	vst v63  }
0x4b2: {  	s31 =	ssub.s32 $0xF478, s11;
	s14 =	sadd.s32 s10, s29  }
0x4b3: {  	[hbm4b:s14+s2] =	stream.linear.scatter [tilespmem:s31], [sflag:$0x1], $0x80, $0x38;
	[tilespmem:$0x13F80] =	vst v63  }
0x4b4: {  	s16 =	ssub.s32 $0xFE78, s11;
	s17 =	sadd.s32 $0x10, s14  }
0x4b5: {  	[hbm4b:s17+s2] =	stream.linear.scatter [tilespmem:s16], [sflag:$0x1], $0x80, $0x38;
	[tilespmem:$0x13F80] =	vst v63  }
0x4b6: {  	s18 =	ssub.s32 $0x10878, s11;
	s19 =	sadd.s32 $0x20, s14  }
0x4b7: {  	[hbm4b:s19+s2] =	stream.linear.scatter [tilespmem:s18], [sflag:$0x1], $0x80, $0x38;
	[tilespmem:$0x13F80] =	vst v63  }
0x4b8: {  	s20 =	ssub.s32 $0x11278, s11;
	s21 =	sadd.s32 $0x30, s14  }
0x4b9: {  	[hbm4b:s21+s2] =	stream.linear.scatter [tilespmem:s20], [sflag:$0x1], $0x80, $0x38;
	[tilespmem:$0x13F80] =	vst v63  }
0x4ba: {  	s22 =	ssub.s32 $0x11C78, s11;
	s23 =	sadd.s32 $0x40, s14  }
0x4bb: {  	[hbm4b:s23+s2] =	stream.linear.scatter [tilespmem:s22], [sflag:$0x1], $0x80, $0x38;
	[tilespmem:$0x13F80] =	vst v63  }
0x4bc: {  	s24 =	ssub.s32 $0x12678, s11;
	s25 =	sadd.s32 $0x50, s14  }
0x4bd: {  	[hbm4b:s25+s2] =	stream.linear.scatter [tilespmem:s24], [sflag:$0x1], $0x80, $0x38;
	[tilespmem:$0x13F80] =	vst v63  }
0x4be: {  	s26 =	ssub.s32 $0x13078, s11;
	s28 =	sadd.s32 $0x60, s14  }
0x4bf: {  	[hbm4b:s28+s2] =	stream.linear.scatter [tilespmem:s26], [sflag:$0x1], $0x80, $0x38;
	[tilespmem:$0x13F80] =	vst v63  }
0x4c0: {  	s29 =	rddreg [dreg:$0x19];
	s30 =	ssub.s32 $0x13A78, s11;
	s14 =	sadd.s32 $0x70, s14  }
0x4c1: {  	[hbm4b:s14+s2] =	stream.linear.scatter [tilespmem:s30], [sflag:$0x1], $0x80, $0x38;
	[tilespmem:$0x13F80] =	vst v63  }
0x4c2: {  	s31 =	ssub.s32 $0xF4F8, s11;
	s14 =	sadd.s32 s10, s29  }
0x4c3: {  	[hbm4b:s14+s2] =	stream.linear.scatter [tilespmem:s31], [sflag:$0x1], $0x80, $0x38;
	[tilespmem:$0x13F80] =	vst v63  }
0x4c4: {  	s16 =	ssub.s32 $0xFEF8, s11;
	s17 =	sadd.s32 $0x10, s14  }
0x4c5: {  	[hbm4b:s17+s2] =	stream.linear.scatter [tilespmem:s16], [sflag:$0x1], $0x80, $0x38;
	[tilespmem:$0x13F80] =	vst v63  }
0x4c6: {  	s18 =	ssub.s32 $0x108F8, s11;
	s19 =	sadd.s32 $0x20, s14  }
0x4c7: {  	[hbm4b:s19+s2] =	stream.linear.scatter [tilespmem:s18], [sflag:$0x1], $0x80, $0x38;
	[tilespmem:$0x13F80] =	vst v63  }
0x4c8: {  	s20 =	ssub.s32 $0x112F8, s11;
	s21 =	sadd.s32 $0x30, s14  }
0x4c9: {  	[hbm4b:s21+s2] =	stream.linear.scatter [tilespmem:s20], [sflag:$0x1], $0x80, $0x38;
	[tilespmem:$0x13F80] =	vst v63  }
0x4ca: {  	s22 =	ssub.s32 $0x11CF8, s11;
	s23 =	sadd.s32 $0x40, s14  }
0x4cb: {  	[hbm4b:s23+s2] =	stream.linear.scatter [tilespmem:s22], [sflag:$0x1], $0x80, $0x38;
	[tilespmem:$0x13F80] =	vst v63  }
0x4cc: {  	s24 =	ssub.s32 $0x126F8, s11;
	s25 =	sadd.s32 $0x50, s14  }
0x4cd: {  	[hbm4b:s25+s2] =	stream.linear.scatter [tilespmem:s24], [sflag:$0x1], $0x80, $0x38;
	[tilespmem:$0x13F80] =	vst v63  }
0x4ce: {  	s26 =	ssub.s32 $0x130F8, s11;
	s28 =	sadd.s32 $0x60, s14  }
0x4cf: {  	[hbm4b:s28+s2] =	stream.linear.scatter [tilespmem:s26], [sflag:$0x1], $0x80, $0x38;
	[tilespmem:$0x13F80] =	vst v63  }
0x4d0: {  	s29 =	rddreg [dreg:$0x1a];
	s30 =	ssub.s32 $0x13AF8, s11;
	s14 =	sadd.s32 $0x70, s14  }
0x4d1: {  	[hbm4b:s14+s2] =	stream.linear.scatter [tilespmem:s30], [sflag:$0x1], $0x80, $0x38;
	[tilespmem:$0x13F80] =	vst v63  }
0x4d2: {  	s31 =	ssub.s32 $0xF578, s11;
	s14 =	sadd.s32 s10, s29  }
0x4d3: {  	[hbm4b:s14+s2] =	stream.linear.scatter [tilespmem:s31], [sflag:$0x1], $0x80, $0x38;
	[tilespmem:$0x13F80] =	vst v63  }
0x4d4: {  	s16 =	ssub.s32 $0xFF78, s11;
	s17 =	sadd.s32 $0x10, s14  }
0x4d5: {  	[hbm4b:s17+s2] =	stream.linear.scatter [tilespmem:s16], [sflag:$0x1], $0x80, $0x38;
	[tilespmem:$0x13F80] =	vst v63  }
0x4d6: {  	s18 =	ssub.s32 $0x10978, s11;
	s19 =	sadd.s32 $0x20, s14  }
0x4d7: {  	[hbm4b:s19+s2] =	stream.linear.scatter [tilespmem:s18], [sflag:$0x1], $0x80, $0x38;
	[tilespmem:$0x13F80] =	vst v63  }
0x4d8: {  	s20 =	ssub.s32 $0x11378, s11;
	s21 =	sadd.s32 $0x30, s14  }
0x4d9: {  	[hbm4b:s21+s2] =	stream.linear.scatter [tilespmem:s20], [sflag:$0x1], $0x80, $0x38;
	[tilespmem:$0x13F80] =	vst v63  }
0x4da: {  	s22 =	ssub.s32 $0x11D78, s11;
	s23 =	sadd.s32 $0x40, s14  }
0x4db: {  	[hbm4b:s23+s2] =	stream.linear.scatter [tilespmem:s22], [sflag:$0x1], $0x80, $0x38;
	[tilespmem:$0x13F80] =	vst v63  }
0x4dc: {  	s24 =	ssub.s32 $0x12778, s11;
	s25 =	sadd.s32 $0x50, s14  }
0x4dd: {  	[hbm4b:s25+s2] =	stream.linear.scatter [tilespmem:s24], [sflag:$0x1], $0x80, $0x38;
	[tilespmem:$0x13F80] =	vst v63  }
0x4de: {  	s26 =	ssub.s32 $0x13178, s11;
	s28 =	sadd.s32 $0x60, s14  }
0x4df: {  	[hbm4b:s28+s2] =	stream.linear.scatter [tilespmem:s26], [sflag:$0x1], $0x80, $0x38;
	[tilespmem:$0x13F80] =	vst v63  }
0x4e0: {  	s29 =	rddreg [dreg:$0x1b];
	s30 =	ssub.s32 $0x13B78, s11;
	s14 =	sadd.s32 $0x70, s14  }
0x4e1: {  	[hbm4b:s14+s2] =	stream.linear.scatter [tilespmem:s30], [sflag:$0x1], $0x80, $0x38;
	[tilespmem:$0x13F80] =	vst v63  }
0x4e2: {  	s31 =	ssub.s32 $0xF5F8, s11;
	s14 =	sadd.s32 s10, s29  }
0x4e3: {  	[hbm4b:s14+s2] =	stream.linear.scatter [tilespmem:s31], [sflag:$0x1], $0x80, $0x38;
	[tilespmem:$0x13F80] =	vst v63  }
0x4e4: {  	s16 =	ssub.s32 $0xFFF8, s11;
	s17 =	sadd.s32 $0x10, s14  }
0x4e5: {  	[hbm4b:s17+s2] =	stream.linear.scatter [tilespmem:s16], [sflag:$0x1], $0x80, $0x38;
	[tilespmem:$0x13F80] =	vst v63  }
0x4e6: {  	s18 =	ssub.s32 $0x109F8, s11;
	s19 =	sadd.s32 $0x20, s14  }
0x4e7: {  	[hbm4b:s19+s2] =	stream.linear.scatter [tilespmem:s18], [sflag:$0x1], $0x80, $0x38;
	[tilespmem:$0x13F80] =	vst v63  }
0x4e8: {  	s20 =	ssub.s32 $0x113F8, s11;
	s21 =	sadd.s32 $0x30, s14  }
0x4e9: {  	[hbm4b:s21+s2] =	stream.linear.scatter [tilespmem:s20], [sflag:$0x1], $0x80, $0x38;
	[tilespmem:$0x13F80] =	vst v63  }
0x4ea: {  	s22 =	ssub.s32 $0x11DF8, s11;
	s23 =	sadd.s32 $0x40, s14  }
0x4eb: {  	[hbm4b:s23+s2] =	stream.linear.scatter [tilespmem:s22], [sflag:$0x1], $0x80, $0x38;
	[tilespmem:$0x13F80] =	vst v63  }
0x4ec: {  	s24 =	ssub.s32 $0x127F8, s11;
	s25 =	sadd.s32 $0x50, s14  }
0x4ed: {  	[hbm4b:s25+s2] =	stream.linear.scatter [tilespmem:s24], [sflag:$0x1], $0x80, $0x38;
	[tilespmem:$0x13F80] =	vst v63  }
0x4ee: {  	s26 =	ssub.s32 $0x131F8, s11;
	s28 =	sadd.s32 $0x60, s14  }
0x4ef: {  	[hbm4b:s28+s2] =	stream.linear.scatter [tilespmem:s26], [sflag:$0x1], $0x80, $0x38;
	[tilespmem:$0x13F80] =	vst v63  }
0x4f0: {  	s29 =	rddreg [dreg:$0x1c];
	s30 =	ssub.s32 $0x13BF8, s11;
	s14 =	sadd.s32 $0x70, s14  }
0x4f1: {  	[hbm4b:s14+s2] =	stream.linear.scatter [tilespmem:s30], [sflag:$0x1], $0x80, $0x38;
	[tilespmem:$0x13F80] =	vst v63  }
0x4f2: {  	s31 =	ssub.s32 $0xF678, s11;
	s14 =	sadd.s32 s10, s29  }
0x4f3: {  	[hbm4b:s14+s2] =	stream.linear.scatter [tilespmem:s31], [sflag:$0x1], $0x80, $0x38;
	[tilespmem:$0x13F80] =	vst v63  }
0x4f4: {  	s16 =	ssub.s32 $0x10078, s11;
	s17 =	sadd.s32 $0x10, s14  }
0x4f5: {  	[hbm4b:s17+s2] =	stream.linear.scatter [tilespmem:s16], [sflag:$0x1], $0x80, $0x38;
	[tilespmem:$0x13F80] =	vst v63  }
0x4f6: {  	s18 =	ssub.s32 $0x10A78, s11;
	s19 =	sadd.s32 $0x20, s14  }
0x4f7: {  	[hbm4b:s19+s2] =	stream.linear.scatter [tilespmem:s18], [sflag:$0x1], $0x80, $0x38;
	[tilespmem:$0x13F80] =	vst v63  }
0x4f8: {  	s20 =	ssub.s32 $0x11478, s11;
	s21 =	sadd.s32 $0x30, s14  }
0x4f9: {  	[hbm4b:s21+s2] =	stream.linear.scatter [tilespmem:s20], [sflag:$0x1], $0x80, $0x38;
	[tilespmem:$0x13F80] =	vst v63  }
0x4fa: {  	s22 =	ssub.s32 $0x11E78, s11;
	s23 =	sadd.s32 $0x40, s14  }
0x4fb: {  	[hbm4b:s23+s2] =	stream.linear.scatter [tilespmem:s22], [sflag:$0x1], $0x80, $0x38;
	[tilespmem:$0x13F80] =	vst v63  }
0x4fc: {  	s24 =	ssub.s32 $0x12878, s11;
	s25 =	sadd.s32 $0x50, s14  }
0x4fd: {  	[hbm4b:s25+s2] =	stream.linear.scatter [tilespmem:s24], [sflag:$0x1], $0x80, $0x38;
	[tilespmem:$0x13F80] =	vst v63  }
0x4fe: {  	s26 =	ssub.s32 $0x13278, s11;
	s28 =	sadd.s32 $0x60, s14  }
0x4ff: {  	[hbm4b:s28+s2] =	stream.linear.scatter [tilespmem:s26], [sflag:$0x1], $0x80, $0x38;
	[tilespmem:$0x13F80] =	vst v63  }
0x500: {  	s29 =	rddreg [dreg:$0x1d];
	s30 =	ssub.s32 $0x13C78, s11;
	s14 =	sadd.s32 $0x70, s14  }
0x501: {  	[hbm4b:s14+s2] =	stream.linear.scatter [tilespmem:s30], [sflag:$0x1], $0x80, $0x38;
	[tilespmem:$0x13F80] =	vst v63  }
0x502: {  	s31 =	ssub.s32 $0xF6F8, s11;
	s14 =	sadd.s32 s10, s29  }
0x503: {  	[hbm4b:s14+s2] =	stream.linear.scatter [tilespmem:s31], [sflag:$0x1], $0x80, $0x38;
	[tilespmem:$0x13F80] =	vst v63  }
0x504: {  	s16 =	ssub.s32 $0x100F8, s11;
	s17 =	sadd.s32 $0x10, s14  }
0x505: {  	[hbm4b:s17+s2] =	stream.linear.scatter [tilespmem:s16], [sflag:$0x1], $0x80, $0x38;
	[tilespmem:$0x13F80] =	vst v63  }
0x506: {  	s18 =	ssub.s32 $0x10AF8, s11;
	s19 =	sadd.s32 $0x20, s14  }
0x507: {  	[hbm4b:s19+s2] =	stream.linear.scatter [tilespmem:s18], [sflag:$0x1], $0x80, $0x38;
	[tilespmem:$0x13F80] =	vst v63  }
0x508: {  	s20 =	ssub.s32 $0x114F8, s11;
	s21 =	sadd.s32 $0x30, s14  }
0x509: {  	[hbm4b:s21+s2] =	stream.linear.scatter [tilespmem:s20], [sflag:$0x1], $0x80, $0x38;
	[tilespmem:$0x13F80] =	vst v63  }
0x50a: {  	s22 =	ssub.s32 $0x11EF8, s11;
	s23 =	sadd.s32 $0x40, s14  }
0x50b: {  	[hbm4b:s23+s2] =	stream.linear.scatter [tilespmem:s22], [sflag:$0x1], $0x80, $0x38;
	[tilespmem:$0x13F80] =	vst v63  }
0x50c: {  	s24 =	ssub.s32 $0x128F8, s11;
	s25 =	sadd.s32 $0x50, s14  }
0x50d: {  	[hbm4b:s25+s2] =	stream.linear.scatter [tilespmem:s24], [sflag:$0x1], $0x80, $0x38;
	[tilespmem:$0x13F80] =	vst v63  }
0x50e: {  	s26 =	ssub.s32 $0x132F8, s11;
	s28 =	sadd.s32 $0x60, s14  }
0x50f: {  	[hbm4b:s28+s2] =	stream.linear.scatter [tilespmem:s26], [sflag:$0x1], $0x80, $0x38;
	[tilespmem:$0x13F80] =	vst v63  }
0x510: {  	s29 =	rddreg [dreg:$0x1e];
	s30 =	ssub.s32 $0x13CF8, s11;
	s14 =	sadd.s32 $0x70, s14  }
0x511: {  	[hbm4b:s14+s2] =	stream.linear.scatter [tilespmem:s30], [sflag:$0x1], $0x80, $0x38;
	[tilespmem:$0x13F80] =	vst v63  }
0x512: {  	s31 =	ssub.s32 $0xF778, s11;
	s14 =	sadd.s32 s10, s29  }
0x513: {  	[hbm4b:s14+s2] =	stream.linear.scatter [tilespmem:s31], [sflag:$0x1], $0x80, $0x38;
	[tilespmem:$0x13F80] =	vst v63  }
0x514: {  	s16 =	ssub.s32 $0x10178, s11;
	s17 =	sadd.s32 $0x10, s14  }
0x515: {  	[hbm4b:s17+s2] =	stream.linear.scatter [tilespmem:s16], [sflag:$0x1], $0x80, $0x38;
	[tilespmem:$0x13F80] =	vst v63  }
0x516: {  	s18 =	ssub.s32 $0x10B78, s11;
	s19 =	sadd.s32 $0x20, s14  }
0x517: {  	[hbm4b:s19+s2] =	stream.linear.scatter [tilespmem:s18], [sflag:$0x1], $0x80, $0x38;
	[tilespmem:$0x13F80] =	vst v63  }
0x518: {  	s20 =	ssub.s32 $0x11578, s11;
	s21 =	sadd.s32 $0x30, s14  }
0x519: {  	[hbm4b:s21+s2] =	stream.linear.scatter [tilespmem:s20], [sflag:$0x1], $0x80, $0x38;
	[tilespmem:$0x13F80] =	vst v63  }
0x51a: {  	s22 =	ssub.s32 $0x11F78, s11;
	s23 =	sadd.s32 $0x40, s14  }
0x51b: {  	[hbm4b:s23+s2] =	stream.linear.scatter [tilespmem:s22], [sflag:$0x1], $0x80, $0x38;
	[tilespmem:$0x13F80] =	vst v63  }
0x51c: {  	s24 =	ssub.s32 $0x12978, s11;
	s25 =	sadd.s32 $0x50, s14  }
0x51d: {  	[hbm4b:s25+s2] =	stream.linear.scatter [tilespmem:s24], [sflag:$0x1], $0x80, $0x38;
	[tilespmem:$0x13F80] =	vst v63  }
0x51e: {  	s26 =	ssub.s32 $0x13378, s11;
	s28 =	sadd.s32 $0x60, s14  }
0x51f: {  	[hbm4b:s28+s2] =	stream.linear.scatter [tilespmem:s26], [sflag:$0x1], $0x80, $0x38;
	[tilespmem:$0x13F80] =	vst v63  }
0x520: {  	s29 =	rddreg [dreg:$0x1f];
	s30 =	ssub.s32 $0x13D78, s11;
	s14 =	sadd.s32 $0x70, s14  }
0x521: {  	[hbm4b:s14+s2] =	stream.linear.scatter [tilespmem:s30], [sflag:$0x1], $0x80, $0x38;
	[tilespmem:$0x13F80] =	vst v63  }
0x522: {  	s31 =	ssub.s32 $0xF7F8, s11;
	s14 =	sadd.s32 s10, s29  }
0x523: {  	[hbm4b:s14+s2] =	stream.linear.scatter [tilespmem:s31], [sflag:$0x1], $0x80, $0x38;
	[tilespmem:$0x13F80] =	vst v63  }
0x524: {  	s16 =	ssub.s32 $0x101F8, s11;
	s17 =	sadd.s32 $0x10, s14  }
0x525: {  	[hbm4b:s17+s2] =	stream.linear.scatter [tilespmem:s16], [sflag:$0x1], $0x80, $0x38;
	[tilespmem:$0x13F80] =	vst v63  }
0x526: {  	s18 =	ssub.s32 $0x10BF8, s11;
	s19 =	sadd.s32 $0x20, s14  }
0x527: {  	[hbm4b:s19+s2] =	stream.linear.scatter [tilespmem:s18], [sflag:$0x1], $0x80, $0x38;
	[tilespmem:$0x13F80] =	vst v63  }
0x528: {  	s20 =	ssub.s32 $0x115F8, s11;
	s21 =	sadd.s32 $0x30, s14  }
0x529: {  	[hbm4b:s21+s2] =	stream.linear.scatter [tilespmem:s20], [sflag:$0x1], $0x80, $0x38;
	[tilespmem:$0x13F80] =	vst v63  }
0x52a: {  	s22 =	ssub.s32 $0x11FF8, s11;
	s23 =	sadd.s32 $0x40, s14  }
0x52b: {  	[hbm4b:s23+s2] =	stream.linear.scatter [tilespmem:s22], [sflag:$0x1], $0x80, $0x38;
	[tilespmem:$0x13F80] =	vst v63  }
0x52c: {  	s24 =	ssub.s32 $0x129F8, s11;
	s25 =	sadd.s32 $0x50, s14  }
0x52d: {  	[hbm4b:s25+s2] =	stream.linear.scatter [tilespmem:s24], [sflag:$0x1], $0x80, $0x38;
	[tilespmem:$0x13F80] =	vst v63  }
0x52e: {  	s26 =	ssub.s32 $0x133F8, s11;
	s29 =	sld [smem:$0x7FC];
	s28 =	sadd.s32 $0x60, s14  }
0x52f: {  	[hbm4b:s28+s2] =	stream.linear.scatter [tilespmem:s26], [sflag:$0x1], $0x80, $0x38;
	[tilespmem:$0x13F80] =	vst v63  }
0x530: {  	s30 =	ssub.s32 $0x13DF8, s11;
	s14 =	sadd.s32 $0x70, s14  }
0x531: {  	[hbm4b:s14+s2] =	stream.linear.scatter [tilespmem:s30], [sflag:$0x1], $0x80, $0x38;
	[tilespmem:$0x13F80] =	vst v63  }
0x532: {  	s31 =	ssub.s32 $0xF878, s11;
	s14 =	sadd.s32 s10, s29  }
0x533: {  	[hbm4b:s14+s2] =	stream.linear.scatter [tilespmem:s31], [sflag:$0x1], $0x80, $0x38;
	[tilespmem:$0x13F80] =	vst v63  }
0x534: {  	s16 =	ssub.s32 $0x10278, s11;
	s17 =	sadd.s32 $0x10, s14  }
0x535: {  	[hbm4b:s17+s2] =	stream.linear.scatter [tilespmem:s16], [sflag:$0x1], $0x80, $0x38;
	[tilespmem:$0x13F80] =	vst v63  }
0x536: {  	s18 =	ssub.s32 $0x10C78, s11;
	s19 =	sadd.s32 $0x20, s14  }
0x537: {  	[hbm4b:s19+s2] =	stream.linear.scatter [tilespmem:s18], [sflag:$0x1], $0x80, $0x38;
	[tilespmem:$0x13F80] =	vst v63  }
0x538: {  	s20 =	ssub.s32 $0x11678, s11;
	s21 =	sadd.s32 $0x30, s14  }
0x539: {  	[hbm4b:s21+s2] =	stream.linear.scatter [tilespmem:s20], [sflag:$0x1], $0x80, $0x38;
	[tilespmem:$0x13F80] =	vst v63  }
0x53a: {  	s22 =	ssub.s32 $0x12078, s11;
	s23 =	sadd.s32 $0x40, s14  }
0x53b: {  	[hbm4b:s23+s2] =	stream.linear.scatter [tilespmem:s22], [sflag:$0x1], $0x80, $0x38;
	[tilespmem:$0x13F80] =	vst v63  }
0x53c: {  	s24 =	ssub.s32 $0x12A78, s11;
	s25 =	sadd.s32 $0x50, s14  }
0x53d: {  	[hbm4b:s25+s2] =	stream.linear.scatter [tilespmem:s24], [sflag:$0x1], $0x80, $0x38;
	[tilespmem:$0x13F80] =	vst v63  }
0x53e: {  	s26 =	ssub.s32 $0x13478, s11;
	s29 =	sld [smem:$0x7FD];
	s28 =	sadd.s32 $0x60, s14  }
0x53f: {  	[hbm4b:s28+s2] =	stream.linear.scatter [tilespmem:s26], [sflag:$0x1], $0x80, $0x38;
	[tilespmem:$0x13F80] =	vst v63  }
0x540: {  	s30 =	ssub.s32 $0x13E78, s11;
	s14 =	sadd.s32 $0x70, s14  }
0x541: {  	[hbm4b:s14+s2] =	stream.linear.scatter [tilespmem:s30], [sflag:$0x1], $0x80, $0x38;
	[tilespmem:$0x13F80] =	vst v63  }
0x542: {  	s31 =	sadd.s32 s10, s29;
	s16 =	ssub.s32 $0xF8F8, s11  }
0x543: {  	[hbm4b:s31+s2] =	stream.linear.scatter [tilespmem:s16], [sflag:$0x1], $0x80, $0x38;
	[tilespmem:$0x13F80] =	vst v63  }
0x544: {  	s17 =	ssub.s32 $0x102F8, s11;
	s18 =	sadd.s32 $0x10, s31  }
0x545: {  	[hbm4b:s18+s2] =	stream.linear.scatter [tilespmem:s17], [sflag:$0x1], $0x80, $0x38;
	[tilespmem:$0x13F80] =	vst v63  }
0x546: {  	s19 =	ssub.s32 $0x10CF8, s11;
	s20 =	sadd.s32 $0x20, s31  }
0x547: {  	[hbm4b:s20+s2] =	stream.linear.scatter [tilespmem:s19], [sflag:$0x1], $0x80, $0x38;
	[tilespmem:$0x13F80] =	vst v63  }
0x548: {  	s21 =	ssub.s32 $0x116F8, s11;
	s22 =	sadd.s32 $0x30, s31  }
0x549: {  	[hbm4b:s22+s2] =	stream.linear.scatter [tilespmem:s21], [sflag:$0x1], $0x80, $0x38;
	[tilespmem:$0x13F80] =	vst v63  }
0x54a: {  	s23 =	ssub.s32 $0x120F8, s11;
	s24 =	sadd.s32 $0x40, s31  }
0x54b: {  	[hbm4b:s24+s2] =	stream.linear.scatter [tilespmem:s23], [sflag:$0x1], $0x80, $0x38;
	[tilespmem:$0x13F80] =	vst v63  }
0x54c: {  	s25 =	ssub.s32 $0x12AF8, s11;
	s26 =	sadd.s32 $0x50, s31  }
0x54d: {  	[hbm4b:s26+s2] =	stream.linear.scatter [tilespmem:s25], [sflag:$0x1], $0x80, $0x38;
	[tilespmem:$0x13F80] =	vst v63  }
0x54e: {  	s29 =	sadd.s32 $0x60, s31;
	s28 =	ssub.s32 $0x134F8, s11  }
0x54f: {  	[hbm4b:s29+s2] =	stream.linear.scatter [tilespmem:s28], [sflag:$0x1], $0x80, $0x38;
	[tilespmem:$0x13F80] =	vst v63  }
0x550: {  	s10 =	sadd.s32 $0x70, s31;
	s30 =	ssub.s32 $0x13EF8, s11  }
0x551: {  	[hbm4b:s10+s2] =	stream.linear.scatter [tilespmem:s30], [sflag:$0x1], $0x80, $0x38;
	[tilespmem:$0x13F80] =	vst v63  }
0x552: {  	_ =	swait.ge [sflag:s8], $0x400  }
0x553: {  	[sflag:s8] =	ssyncset.done $0x0  }
0x554: {  	[sflag:s8] =	ssyncadd.s32 $0xFFFFFC00  }
0x555: {  	_ =	swait.ge [sflag:s8], $0x400  }
0x556: {  	[sflag:s8] =	ssyncset.done $0x0  }
0x557: {  	[sflag:s8] =	ssyncadd.s32 $0xFFFFFC00  }
0x558: {  	_ =	swait.ge [sflag:s8], $0x400  }
0x559: {  	[sflag:s8] =	ssyncset.done $0x0  }
0x55a: {  	[sflag:s8] =	ssyncadd.s32 $0xFFFFFC00  }
0x55b: {  	_ =	swait.ge [sflag:s8], $0x400  }
0x55c: {  	[sflag:s8] =	ssyncset.done $0x0  }
0x55d: {  	[sflag:s8] =	ssyncadd.s32 $0xFFFFFC00  }
0x55e: {  	_ =	swait.ge [sflag:s8], $0x400  }
0x55f: {  	[sflag:s8] =	ssyncset.done $0x0  }
0x560: {  	[sflag:s8] =	ssyncadd.s32 $0xFFFFFC00  }
0x561: {  	_ =	swait.ge [sflag:s8], $0x400  }
0x562: {  	[sflag:s8] =	ssyncset.done $0x0  }
0x563: {  	[sflag:s8] =	ssyncadd.s32 $0xFFFFFC00  }
0x564: {  	_ =	swait.ge [sflag:s8], $0x400  }
0x565: {  	[sflag:s8] =	ssyncset.done $0x0  }
0x566: {  	[sflag:s8] =	ssyncadd.s32 $0xFFFFFC00  }
0x567: {  	_ =	swait.ge [sflag:s8], $0x400  }
0x568: {  	[sflag:s8] =	ssyncset.done $0x0  }
0x569: {  	[sflag:s8] =	ssyncadd.s32 $0xFFFFFC00  }
0x56a: {  	_ =	swait.ge [sflag:s8], $0x400  }
0x56b: {  	[sflag:s8] =	ssyncset.done $0x0  }
0x56c: {  	[sflag:s8] =	ssyncadd.s32 $0xFFFFFC00  }
0x56d: {  	_ =	swait.ge [sflag:s8], $0x400  }
0x56e: {  	[sflag:s8] =	ssyncset.done $0x0  }
0x56f: {  	[sflag:s8] =	ssyncadd.s32 $0xFFFFFC00  }
0x570: {  	_ =	swait.ge [sflag:s8], $0x400  }
0x571: {  	[sflag:s8] =	ssyncset.done $0x0  }
0x572: {  	[sflag:s8] =	ssyncadd.s32 $0xFFFFFC00  }
0x573: {  	_ =	swait.ge [sflag:s8], $0x400  }
0x574: {  	[sflag:s8] =	ssyncset.done $0x0  }
0x575: {  	[sflag:s8] =	ssyncadd.s32 $0xFFFFFC00  }
0x576: {  	_ =	swait.ge [sflag:s8], $0x400  }
0x577: {  	[sflag:s8] =	ssyncset.done $0x0  }
0x578: {  	[sflag:s8] =	ssyncadd.s32 $0xFFFFFC00  }
0x579: {  	_ =	swait.ge [sflag:s8], $0x400  }
0x57a: {  	[sflag:s8] =	ssyncset.done $0x0  }
0x57b: {  	[sflag:s8] =	ssyncadd.s32 $0xFFFFFC00  }
0x57c: {  	_ =	swait.ge [sflag:s8], $0x400  }
0x57d: {  	[sflag:s8] =	ssyncset.done $0x0  }
0x57e: {  	[sflag:s8] =	ssyncadd.s32 $0xFFFFFC00  }
0x57f: {  	_ =	swait.ge [sflag:s8], $0x400  }
0x580: {  	[sflag:s8] =	ssyncset.done $0x0  }
0x581: {  	[sflag:s8] =	ssyncadd.s32 $0xFFFFFC00  }
0x582: {  	_ =	swait.ge [sflag:s8], $0x400  }
0x583: {  	[sflag:s8] =	ssyncset.done $0x0  }
0x584: {  	[sflag:s8] =	ssyncadd.s32 $0xFFFFFC00  }
0x585: {  	_ =	swait.ge [sflag:s8], $0x400  }
0x586: {  	[sflag:s8] =	ssyncset.done $0x0  }
0x587: {  	[sflag:s8] =	ssyncadd.s32 $0xFFFFFC00  }
0x588: {  	_ =	swait.ge [sflag:s8], $0x400  }
0x589: {  	[sflag:s8] =	ssyncset.done $0x0  }
0x58a: {  	[sflag:s8] =	ssyncadd.s32 $0xFFFFFC00  }
0x58b: {  	_ =	swait.ge [sflag:s8], $0x400  }
0x58c: {  	[sflag:s8] =	ssyncset.done $0x0  }
0x58d: {  	[sflag:s8] =	ssyncadd.s32 $0xFFFFFC00  }
0x58e: {  	_ =	swait.ge [sflag:s8], $0x400  }
0x58f: {  	[sflag:s8] =	ssyncset.done $0x0  }
0x590: {  	[sflag:s8] =	ssyncadd.s32 $0xFFFFFC00  }
0x591: {  	_ =	swait.ge [sflag:s8], $0x400  }
0x592: {  	[sflag:s8] =	ssyncset.done $0x0  }
0x593: {  	[sflag:s8] =	ssyncadd.s32 $0xFFFFFC00  }
0x594: {  	_ =	swait.ge [sflag:s8], $0x400  }
0x595: {  	[sflag:s8] =	ssyncset.done $0x0  }
0x596: {  	[sflag:s8] =	ssyncadd.s32 $0xFFFFFC00  }
0x597: {  	_ =	swait.ge [sflag:s8], $0x400  }
0x598: {  	[sflag:s8] =	ssyncset.done $0x0  }
0x599: {  	[sflag:s8] =	ssyncadd.s32 $0xFFFFFC00  }
0x59a: {  	_ =	swait.ge [sflag:s8], $0x400  }
0x59b: {  	[sflag:s8] =	ssyncset.done $0x0  }
0x59c: {  	[sflag:s8] =	ssyncadd.s32 $0xFFFFFC00  }
0x59d: {  	_ =	swait.ge [sflag:s8], $0x400  }
0x59e: {  	[sflag:s8] =	ssyncset.done $0x0  }
0x59f: {  	[sflag:s8] =	ssyncadd.s32 $0xFFFFFC00  }
0x5a0: {  	_ =	swait.ge [sflag:s8], $0x400  }
0x5a1: {  	[sflag:s8] =	ssyncset.done $0x0  }
0x5a2: {  	[sflag:s8] =	ssyncadd.s32 $0xFFFFFC00  }
0x5a3: {  	_ =	swait.ge [sflag:s8], $0x400  }
0x5a4: {  	[sflag:s8] =	ssyncset.done $0x0  }
0x5a5: {  	[sflag:s8] =	ssyncadd.s32 $0xFFFFFC00  }
0x5a6: {  	_ =	swait.ge [sflag:s8], $0x400  }
0x5a7: {  	[sflag:s8] =	ssyncset.done $0x0  }
0x5a8: {  	[sflag:s8] =	ssyncadd.s32 $0xFFFFFC00  }
0x5a9: {  	_ =	swait.ge [sflag:s8], $0x400  }
0x5aa: {  	[sflag:s8] =	ssyncset.done $0x0  }
0x5ab: {  	[sflag:s8] =	ssyncadd.s32 $0xFFFFFC00  }
.Ltmp3:
0x5ac: {  	_ =	swait.ge [sflag:s8], $0x400;
	(pc) =	sbr.rel @p1 .LBB2_5-.Ltmp3, $4  }
0x5ad: {  	[sflag:s8] =	ssyncset.done $0x0  }
0x5ae: {  	s11 =	sshll.u32 s13, $0x3;
	[sflag:s8] =	ssyncadd.s32 $0xFFFFFC00  }
0x5af: {  	s15 =	smov.u32 s12;
	s31 =	sor.u32 s4, s11;
	_ =	swait.ge [sflag:s8], $0x400  }
0x5b0: {  	s14 =	ssub.s32 $0xA178, s11;
	s10 =	sshll.u32 s31, $0xC;
	[sflag:s8] =	ssyncset.done $0x0  }
.LBB2_6:
0x5b1: {  	s12 =	sadd.s32 s1, s10;
	[sflag:s8] =	ssyncadd.s32 @p0 $0xFFFFFC00  }
0x5b2: {  	[hbm4b:s12+s2] =	stream.linear.scatter [tilespmem:s14], [sflag:$0x1], $0x80, $0x38;
	[tilespmem:$0x13F80] =	vst v63  }
0x5b3: {  	s13 =	ssub.s32 $0xAB78, s11;
	s20 =	sadd.s32 $0x10, s12  }
0x5b4: {  	[hbm4b:s20+s2] =	stream.linear.scatter [tilespmem:s13], [sflag:$0x1], $0x80, $0x38;
	[tilespmem:$0x13F80] =	vst v63  }
0x5b5: {  	s21 =	ssub.s32 $0xB578, s11;
	s22 =	sadd.s32 $0x20, s12  }
0x5b6: {  	[hbm4b:s22+s2] =	stream.linear.scatter [tilespmem:s21], [sflag:$0x1], $0x80, $0x38;
	[tilespmem:$0x13F80] =	vst v63  }
0x5b7: {  	s23 =	ssub.s32 $0xBF78, s11;
	s24 =	sadd.s32 $0x30, s12  }
0x5b8: {  	[hbm4b:s24+s2] =	stream.linear.scatter [tilespmem:s23], [sflag:$0x1], $0x80, $0x38;
	[tilespmem:$0x13F80] =	vst v63  }
0x5b9: {  	s25 =	ssub.s32 $0xC978, s11;
	s26 =	sadd.s32 $0x40, s12  }
0x5ba: {  	[hbm4b:s26+s2] =	stream.linear.scatter [tilespmem:s25], [sflag:$0x1], $0x80, $0x38;
	[tilespmem:$0x13F80] =	vst v63  }
0x5bb: {  	s28 =	ssub.s32 $0xD378, s11;
	s29 =	sadd.s32 $0x50, s12  }
0x5bc: {  	[hbm4b:s29+s2] =	stream.linear.scatter [tilespmem:s28], [sflag:$0x1], $0x80, $0x38;
	[tilespmem:$0x13F80] =	vst v63  }
0x5bd: {  	s30 =	ssub.s32 $0xDD78, s11;
	s31 =	sadd.s32 $0x60, s12  }
0x5be: {  	[hbm4b:s31+s2] =	stream.linear.scatter [tilespmem:s30], [sflag:$0x1], $0x80, $0x38;
	[tilespmem:$0x13F80] =	vst v63  }
0x5bf: {  	s15 =	rddreg [dreg:$0x3];
	s14 =	ssub.s32 $0xE778, s11;
	s12 =	sadd.s32 $0x70, s12  }
0x5c0: {  	[hbm4b:s12+s2] =	stream.linear.scatter [tilespmem:s14], [sflag:$0x1], $0x80, $0x38;
	[tilespmem:$0x13F80] =	vst v63  }
0x5c1: {  	s17 =	ssub.s32 $0xA1F8, s11;
	s16 =	sadd.s32 s10, s15  }
0x5c2: {  	[hbm4b:s16+s2] =	stream.linear.scatter [tilespmem:s17], [sflag:$0x1], $0x80, $0x38;
	[tilespmem:$0x13F80] =	vst v63  }
0x5c3: {  	s18 =	ssub.s32 $0xABF8, s11;
	s19 =	sadd.s32 $0x10, s16  }
0x5c4: {  	[hbm4b:s19+s2] =	stream.linear.scatter [tilespmem:s18], [sflag:$0x1], $0x80, $0x38;
	[tilespmem:$0x13F80] =	vst v63  }
0x5c5: {  	s20 =	ssub.s32 $0xB5F8, s11;
	s21 =	sadd.s32 $0x20, s16  }
0x5c6: {  	[hbm4b:s21+s2] =	stream.linear.scatter [tilespmem:s20], [sflag:$0x1], $0x80, $0x38;
	[tilespmem:$0x13F80] =	vst v63  }
0x5c7: {  	s22 =	ssub.s32 $0xBFF8, s11;
	s23 =	sadd.s32 $0x30, s16  }
0x5c8: {  	[hbm4b:s23+s2] =	stream.linear.scatter [tilespmem:s22], [sflag:$0x1], $0x80, $0x38;
	[tilespmem:$0x13F80] =	vst v63  }
0x5c9: {  	s24 =	ssub.s32 $0xC9F8, s11;
	s25 =	sadd.s32 $0x40, s16  }
0x5ca: {  	[hbm4b:s25+s2] =	stream.linear.scatter [tilespmem:s24], [sflag:$0x1], $0x80, $0x38;
	[tilespmem:$0x13F80] =	vst v63  }
0x5cb: {  	s26 =	ssub.s32 $0xD3F8, s11;
	s28 =	sadd.s32 $0x50, s16  }
0x5cc: {  	[hbm4b:s28+s2] =	stream.linear.scatter [tilespmem:s26], [sflag:$0x1], $0x80, $0x38;
	[tilespmem:$0x13F80] =	vst v63  }
0x5cd: {  	s29 =	ssub.s32 $0xDDF8, s11;
	s30 =	sadd.s32 $0x60, s16  }
0x5ce: {  	[hbm4b:s30+s2] =	stream.linear.scatter [tilespmem:s29], [sflag:$0x1], $0x80, $0x38;
	[tilespmem:$0x13F80] =	vst v63  }
0x5cf: {  	s31 =	rddreg [dreg:$0x4];
	s14 =	ssub.s32 $0xE7F8, s11;
	s12 =	sadd.s32 $0x70, s16  }
0x5d0: {  	[hbm4b:s12+s2] =	stream.linear.scatter [tilespmem:s14], [sflag:$0x1], $0x80, $0x38;
	[tilespmem:$0x13F80] =	vst v63  }
0x5d1: {  	s16 =	sadd.s32 s10, s31;
	s17 =	ssub.s32 $0xA278, s11  }
0x5d2: {  	[hbm4b:s16+s2] =	stream.linear.scatter [tilespmem:s17], [sflag:$0x1], $0x80, $0x38;
	[tilespmem:$0x13F80] =	vst v63  }
0x5d3: {  	s18 =	ssub.s32 $0xAC78, s11;
	s19 =	sadd.s32 $0x10, s16  }
0x5d4: {  	[hbm4b:s19+s2] =	stream.linear.scatter [tilespmem:s18], [sflag:$0x1], $0x80, $0x38;
	[tilespmem:$0x13F80] =	vst v63  }
0x5d5: {  	s20 =	ssub.s32 $0xB678, s11;
	s21 =	sadd.s32 $0x20, s16  }
0x5d6: {  	[hbm4b:s21+s2] =	stream.linear.scatter [tilespmem:s20], [sflag:$0x1], $0x80, $0x38;
	[tilespmem:$0x13F80] =	vst v63  }
0x5d7: {  	s22 =	ssub.s32 $0xC078, s11;
	s23 =	sadd.s32 $0x30, s16  }
0x5d8: {  	[hbm4b:s23+s2] =	stream.linear.scatter [tilespmem:s22], [sflag:$0x1], $0x80, $0x38;
	[tilespmem:$0x13F80] =	vst v63  }
0x5d9: {  	s24 =	ssub.s32 $0xCA78, s11;
	s25 =	sadd.s32 $0x40, s16  }
0x5da: {  	[hbm4b:s25+s2] =	stream.linear.scatter [tilespmem:s24], [sflag:$0x1], $0x80, $0x38;
	[tilespmem:$0x13F80] =	vst v63  }
0x5db: {  	s26 =	ssub.s32 $0xD478, s11;
	s28 =	sadd.s32 $0x50, s16  }
0x5dc: {  	[hbm4b:s28+s2] =	stream.linear.scatter [tilespmem:s26], [sflag:$0x1], $0x80, $0x38;
	[tilespmem:$0x13F80] =	vst v63  }
0x5dd: {  	s29 =	ssub.s32 $0xDE78, s11;
	s30 =	sadd.s32 $0x60, s16  }
0x5de: {  	[hbm4b:s30+s2] =	stream.linear.scatter [tilespmem:s29], [sflag:$0x1], $0x80, $0x38;
	[tilespmem:$0x13F80] =	vst v63  }
0x5df: {  	s31 =	rddreg [dreg:$0x5];
	s14 =	ssub.s32 $0xE878, s11;
	s12 =	sadd.s32 $0x70, s16  }
0x5e0: {  	[hbm4b:s12+s2] =	stream.linear.scatter [tilespmem:s14], [sflag:$0x1], $0x80, $0x38;
	[tilespmem:$0x13F80] =	vst v63  }
0x5e1: {  	s16 =	sadd.s32 s10, s31;
	s17 =	ssub.s32 $0xA2F8, s11  }
0x5e2: {  	[hbm4b:s16+s2] =	stream.linear.scatter [tilespmem:s17], [sflag:$0x1], $0x80, $0x38;
	[tilespmem:$0x13F80] =	vst v63  }
0x5e3: {  	s18 =	ssub.s32 $0xACF8, s11;
	s19 =	sadd.s32 $0x10, s16  }
0x5e4: {  	[hbm4b:s19+s2] =	stream.linear.scatter [tilespmem:s18], [sflag:$0x1], $0x80, $0x38;
	[tilespmem:$0x13F80] =	vst v63  }
0x5e5: {  	s20 =	ssub.s32 $0xB6F8, s11;
	s21 =	sadd.s32 $0x20, s16  }
0x5e6: {  	[hbm4b:s21+s2] =	stream.linear.scatter [tilespmem:s20], [sflag:$0x1], $0x80, $0x38;
	[tilespmem:$0x13F80] =	vst v63  }
0x5e7: {  	s22 =	ssub.s32 $0xC0F8, s11;
	s23 =	sadd.s32 $0x30, s16  }
0x5e8: {  	[hbm4b:s23+s2] =	stream.linear.scatter [tilespmem:s22], [sflag:$0x1], $0x80, $0x38;
	[tilespmem:$0x13F80] =	vst v63  }
0x5e9: {  	s24 =	ssub.s32 $0xCAF8, s11;
	s25 =	sadd.s32 $0x40, s16  }
0x5ea: {  	[hbm4b:s25+s2] =	stream.linear.scatter [tilespmem:s24], [sflag:$0x1], $0x80, $0x38;
	[tilespmem:$0x13F80] =	vst v63  }
0x5eb: {  	s26 =	ssub.s32 $0xD4F8, s11;
	s28 =	sadd.s32 $0x50, s16  }
0x5ec: {  	[hbm4b:s28+s2] =	stream.linear.scatter [tilespmem:s26], [sflag:$0x1], $0x80, $0x38;
	[tilespmem:$0x13F80] =	vst v63  }
0x5ed: {  	s29 =	ssub.s32 $0xDEF8, s11;
	s30 =	sadd.s32 $0x60, s16  }
0x5ee: {  	[hbm4b:s30+s2] =	stream.linear.scatter [tilespmem:s29], [sflag:$0x1], $0x80, $0x38;
	[tilespmem:$0x13F80] =	vst v63  }
0x5ef: {  	s31 =	rddreg [dreg:$0x6];
	s14 =	ssub.s32 $0xE8F8, s11;
	s12 =	sadd.s32 $0x70, s16  }
0x5f0: {  	[hbm4b:s12+s2] =	stream.linear.scatter [tilespmem:s14], [sflag:$0x1], $0x80, $0x38;
	[tilespmem:$0x13F80] =	vst v63  }
0x5f1: {  	s16 =	sadd.s32 s10, s31;
	s17 =	ssub.s32 $0xA378, s11  }
0x5f2: {  	[hbm4b:s16+s2] =	stream.linear.scatter [tilespmem:s17], [sflag:$0x1], $0x80, $0x38;
	[tilespmem:$0x13F80] =	vst v63  }
0x5f3: {  	s18 =	ssub.s32 $0xAD78, s11;
	s19 =	sadd.s32 $0x10, s16  }
0x5f4: {  	[hbm4b:s19+s2] =	stream.linear.scatter [tilespmem:s18], [sflag:$0x1], $0x80, $0x38;
	[tilespmem:$0x13F80] =	vst v63  }
0x5f5: {  	s20 =	ssub.s32 $0xB778, s11;
	s21 =	sadd.s32 $0x20, s16  }
0x5f6: {  	[hbm4b:s21+s2] =	stream.linear.scatter [tilespmem:s20], [sflag:$0x1], $0x80, $0x38;
	[tilespmem:$0x13F80] =	vst v63  }
0x5f7: {  	s22 =	ssub.s32 $0xC178, s11;
	s23 =	sadd.s32 $0x30, s16  }
0x5f8: {  	[hbm4b:s23+s2] =	stream.linear.scatter [tilespmem:s22], [sflag:$0x1], $0x80, $0x38;
	[tilespmem:$0x13F80] =	vst v63  }
0x5f9: {  	s24 =	ssub.s32 $0xCB78, s11;
	s25 =	sadd.s32 $0x40, s16  }
0x5fa: {  	[hbm4b:s25+s2] =	stream.linear.scatter [tilespmem:s24], [sflag:$0x1], $0x80, $0x38;
	[tilespmem:$0x13F80] =	vst v63  }
0x5fb: {  	s26 =	ssub.s32 $0xD578, s11;
	s28 =	sadd.s32 $0x50, s16  }
0x5fc: {  	[hbm4b:s28+s2] =	stream.linear.scatter [tilespmem:s26], [sflag:$0x1], $0x80, $0x38;
	[tilespmem:$0x13F80] =	vst v63  }
0x5fd: {  	s29 =	ssub.s32 $0xDF78, s11;
	s30 =	sadd.s32 $0x60, s16  }
0x5fe: {  	[hbm4b:s30+s2] =	stream.linear.scatter [tilespmem:s29], [sflag:$0x1], $0x80, $0x38;
	[tilespmem:$0x13F80] =	vst v63  }
0x5ff: {  	s31 =	rddreg [dreg:$0x7];
	s14 =	ssub.s32 $0xE978, s11;
	s12 =	sadd.s32 $0x70, s16  }
0x600: {  	[hbm4b:s12+s2] =	stream.linear.scatter [tilespmem:s14], [sflag:$0x1], $0x80, $0x38;
	[tilespmem:$0x13F80] =	vst v63  }
0x601: {  	s16 =	sadd.s32 s10, s31;
	s17 =	ssub.s32 $0xA3F8, s11  }
0x602: {  	[hbm4b:s16+s2] =	stream.linear.scatter [tilespmem:s17], [sflag:$0x1], $0x80, $0x38;
	[tilespmem:$0x13F80] =	vst v63  }
0x603: {  	s18 =	ssub.s32 $0xADF8, s11;
	s19 =	sadd.s32 $0x10, s16  }
0x604: {  	[hbm4b:s19+s2] =	stream.linear.scatter [tilespmem:s18], [sflag:$0x1], $0x80, $0x38;
	[tilespmem:$0x13F80] =	vst v63  }
0x605: {  	s20 =	ssub.s32 $0xB7F8, s11;
	s21 =	sadd.s32 $0x20, s16  }
0x606: {  	[hbm4b:s21+s2] =	stream.linear.scatter [tilespmem:s20], [sflag:$0x1], $0x80, $0x38;
	[tilespmem:$0x13F80] =	vst v63  }
0x607: {  	s22 =	ssub.s32 $0xC1F8, s11;
	s23 =	sadd.s32 $0x30, s16  }
0x608: {  	[hbm4b:s23+s2] =	stream.linear.scatter [tilespmem:s22], [sflag:$0x1], $0x80, $0x38;
	[tilespmem:$0x13F80] =	vst v63  }
0x609: {  	s24 =	ssub.s32 $0xCBF8, s11;
	s25 =	sadd.s32 $0x40, s16  }
0x60a: {  	[hbm4b:s25+s2] =	stream.linear.scatter [tilespmem:s24], [sflag:$0x1], $0x80, $0x38;
	[tilespmem:$0x13F80] =	vst v63  }
0x60b: {  	s26 =	ssub.s32 $0xD5F8, s11;
	s28 =	sadd.s32 $0x50, s16  }
0x60c: {  	[hbm4b:s28+s2] =	stream.linear.scatter [tilespmem:s26], [sflag:$0x1], $0x80, $0x38;
	[tilespmem:$0x13F80] =	vst v63  }
0x60d: {  	s29 =	ssub.s32 $0xDFF8, s11;
	s30 =	sadd.s32 $0x60, s16  }
0x60e: {  	[hbm4b:s30+s2] =	stream.linear.scatter [tilespmem:s29], [sflag:$0x1], $0x80, $0x38;
	[tilespmem:$0x13F80] =	vst v63  }
0x60f: {  	s31 =	rddreg [dreg:$0x8];
	s14 =	ssub.s32 $0xE9F8, s11;
	s12 =	sadd.s32 $0x70, s16  }
0x610: {  	[hbm4b:s12+s2] =	stream.linear.scatter [tilespmem:s14], [sflag:$0x1], $0x80, $0x38;
	[tilespmem:$0x13F80] =	vst v63  }
0x611: {  	s16 =	sadd.s32 s10, s31;
	s17 =	ssub.s32 $0xA478, s11  }
0x612: {  	[hbm4b:s16+s2] =	stream.linear.scatter [tilespmem:s17], [sflag:$0x1], $0x80, $0x38;
	[tilespmem:$0x13F80] =	vst v63  }
0x613: {  	s18 =	ssub.s32 $0xAE78, s11;
	s19 =	sadd.s32 $0x10, s16  }
0x614: {  	[hbm4b:s19+s2] =	stream.linear.scatter [tilespmem:s18], [sflag:$0x1], $0x80, $0x38;
	[tilespmem:$0x13F80] =	vst v63  }
0x615: {  	s20 =	ssub.s32 $0xB878, s11;
	s21 =	sadd.s32 $0x20, s16  }
0x616: {  	[hbm4b:s21+s2] =	stream.linear.scatter [tilespmem:s20], [sflag:$0x1], $0x80, $0x38;
	[tilespmem:$0x13F80] =	vst v63  }
0x617: {  	s22 =	ssub.s32 $0xC278, s11;
	s23 =	sadd.s32 $0x30, s16  }
0x618: {  	[hbm4b:s23+s2] =	stream.linear.scatter [tilespmem:s22], [sflag:$0x1], $0x80, $0x38;
	[tilespmem:$0x13F80] =	vst v63  }
0x619: {  	s24 =	ssub.s32 $0xCC78, s11;
	s25 =	sadd.s32 $0x40, s16  }
0x61a: {  	[hbm4b:s25+s2] =	stream.linear.scatter [tilespmem:s24], [sflag:$0x1], $0x80, $0x38;
	[tilespmem:$0x13F80] =	vst v63  }
0x61b: {  	s26 =	ssub.s32 $0xD678, s11;
	s28 =	sadd.s32 $0x50, s16  }
0x61c: {  	[hbm4b:s28+s2] =	stream.linear.scatter [tilespmem:s26], [sflag:$0x1], $0x80, $0x38;
	[tilespmem:$0x13F80] =	vst v63  }
0x61d: {  	s29 =	ssub.s32 $0xE078, s11;
	s30 =	sadd.s32 $0x60, s16  }
0x61e: {  	[hbm4b:s30+s2] =	stream.linear.scatter [tilespmem:s29], [sflag:$0x1], $0x80, $0x38;
	[tilespmem:$0x13F80] =	vst v63  }
0x61f: {  	s31 =	rddreg [dreg:$0x9];
	s14 =	ssub.s32 $0xEA78, s11;
	s12 =	sadd.s32 $0x70, s16  }
0x620: {  	[hbm4b:s12+s2] =	stream.linear.scatter [tilespmem:s14], [sflag:$0x1], $0x80, $0x38;
	[tilespmem:$0x13F80] =	vst v63  }
0x621: {  	s16 =	sadd.s32 s10, s31;
	s17 =	ssub.s32 $0xA4F8, s11  }
0x622: {  	[hbm4b:s16+s2] =	stream.linear.scatter [tilespmem:s17], [sflag:$0x1], $0x80, $0x38;
	[tilespmem:$0x13F80] =	vst v63  }
0x623: {  	s18 =	ssub.s32 $0xAEF8, s11;
	s19 =	sadd.s32 $0x10, s16  }
0x624: {  	[hbm4b:s19+s2] =	stream.linear.scatter [tilespmem:s18], [sflag:$0x1], $0x80, $0x38;
	[tilespmem:$0x13F80] =	vst v63  }
0x625: {  	s20 =	ssub.s32 $0xB8F8, s11;
	s21 =	sadd.s32 $0x20, s16  }
0x626: {  	[hbm4b:s21+s2] =	stream.linear.scatter [tilespmem:s20], [sflag:$0x1], $0x80, $0x38;
	[tilespmem:$0x13F80] =	vst v63  }
0x627: {  	s22 =	ssub.s32 $0xC2F8, s11;
	s23 =	sadd.s32 $0x30, s16  }
0x628: {  	[hbm4b:s23+s2] =	stream.linear.scatter [tilespmem:s22], [sflag:$0x1], $0x80, $0x38;
	[tilespmem:$0x13F80] =	vst v63  }
0x629: {  	s24 =	ssub.s32 $0xCCF8, s11;
	s25 =	sadd.s32 $0x40, s16  }
0x62a: {  	[hbm4b:s25+s2] =	stream.linear.scatter [tilespmem:s24], [sflag:$0x1], $0x80, $0x38;
	[tilespmem:$0x13F80] =	vst v63  }
0x62b: {  	s26 =	ssub.s32 $0xD6F8, s11;
	s28 =	sadd.s32 $0x50, s16  }
0x62c: {  	[hbm4b:s28+s2] =	stream.linear.scatter [tilespmem:s26], [sflag:$0x1], $0x80, $0x38;
	[tilespmem:$0x13F80] =	vst v63  }
0x62d: {  	s29 =	ssub.s32 $0xE0F8, s11;
	s30 =	sadd.s32 $0x60, s16  }
0x62e: {  	[hbm4b:s30+s2] =	stream.linear.scatter [tilespmem:s29], [sflag:$0x1], $0x80, $0x38;
	[tilespmem:$0x13F80] =	vst v63  }
0x62f: {  	s31 =	rddreg [dreg:$0xa];
	s14 =	ssub.s32 $0xEAF8, s11;
	s12 =	sadd.s32 $0x70, s16  }
0x630: {  	[hbm4b:s12+s2] =	stream.linear.scatter [tilespmem:s14], [sflag:$0x1], $0x80, $0x38;
	[tilespmem:$0x13F80] =	vst v63  }
0x631: {  	s16 =	sadd.s32 s10, s31;
	s17 =	ssub.s32 $0xA578, s11  }
0x632: {  	[hbm4b:s16+s2] =	stream.linear.scatter [tilespmem:s17], [sflag:$0x1], $0x80, $0x38;
	[tilespmem:$0x13F80] =	vst v63  }
0x633: {  	s18 =	ssub.s32 $0xAF78, s11;
	s19 =	sadd.s32 $0x10, s16  }
0x634: {  	[hbm4b:s19+s2] =	stream.linear.scatter [tilespmem:s18], [sflag:$0x1], $0x80, $0x38;
	[tilespmem:$0x13F80] =	vst v63  }
0x635: {  	s20 =	ssub.s32 $0xB978, s11;
	s21 =	sadd.s32 $0x20, s16  }
0x636: {  	[hbm4b:s21+s2] =	stream.linear.scatter [tilespmem:s20], [sflag:$0x1], $0x80, $0x38;
	[tilespmem:$0x13F80] =	vst v63  }
0x637: {  	s22 =	ssub.s32 $0xC378, s11;
	s23 =	sadd.s32 $0x30, s16  }
0x638: {  	[hbm4b:s23+s2] =	stream.linear.scatter [tilespmem:s22], [sflag:$0x1], $0x80, $0x38;
	[tilespmem:$0x13F80] =	vst v63  }
0x639: {  	s24 =	ssub.s32 $0xCD78, s11;
	s25 =	sadd.s32 $0x40, s16  }
0x63a: {  	[hbm4b:s25+s2] =	stream.linear.scatter [tilespmem:s24], [sflag:$0x1], $0x80, $0x38;
	[tilespmem:$0x13F80] =	vst v63  }
0x63b: {  	s26 =	ssub.s32 $0xD778, s11;
	s28 =	sadd.s32 $0x50, s16  }
0x63c: {  	[hbm4b:s28+s2] =	stream.linear.scatter [tilespmem:s26], [sflag:$0x1], $0x80, $0x38;
	[tilespmem:$0x13F80] =	vst v63  }
0x63d: {  	s29 =	ssub.s32 $0xE178, s11;
	s30 =	sadd.s32 $0x60, s16  }
0x63e: {  	[hbm4b:s30+s2] =	stream.linear.scatter [tilespmem:s29], [sflag:$0x1], $0x80, $0x38;
	[tilespmem:$0x13F80] =	vst v63  }
0x63f: {  	s31 =	rddreg [dreg:$0xb];
	s14 =	ssub.s32 $0xEB78, s11;
	s12 =	sadd.s32 $0x70, s16  }
0x640: {  	[hbm4b:s12+s2] =	stream.linear.scatter [tilespmem:s14], [sflag:$0x1], $0x80, $0x38;
	[tilespmem:$0x13F80] =	vst v63  }
0x641: {  	s16 =	sadd.s32 s10, s31;
	s17 =	ssub.s32 $0xA5F8, s11  }
0x642: {  	[hbm4b:s16+s2] =	stream.linear.scatter [tilespmem:s17], [sflag:$0x1], $0x80, $0x38;
	[tilespmem:$0x13F80] =	vst v63  }
0x643: {  	s18 =	ssub.s32 $0xAFF8, s11;
	s19 =	sadd.s32 $0x10, s16  }
0x644: {  	[hbm4b:s19+s2] =	stream.linear.scatter [tilespmem:s18], [sflag:$0x1], $0x80, $0x38;
	[tilespmem:$0x13F80] =	vst v63  }
0x645: {  	s20 =	ssub.s32 $0xB9F8, s11;
	s21 =	sadd.s32 $0x20, s16  }
0x646: {  	[hbm4b:s21+s2] =	stream.linear.scatter [tilespmem:s20], [sflag:$0x1], $0x80, $0x38;
	[tilespmem:$0x13F80] =	vst v63  }
0x647: {  	s22 =	ssub.s32 $0xC3F8, s11;
	s23 =	sadd.s32 $0x30, s16  }
0x648: {  	[hbm4b:s23+s2] =	stream.linear.scatter [tilespmem:s22], [sflag:$0x1], $0x80, $0x38;
	[tilespmem:$0x13F80] =	vst v63  }
0x649: {  	s24 =	ssub.s32 $0xCDF8, s11;
	s25 =	sadd.s32 $0x40, s16  }
0x64a: {  	[hbm4b:s25+s2] =	stream.linear.scatter [tilespmem:s24], [sflag:$0x1], $0x80, $0x38;
	[tilespmem:$0x13F80] =	vst v63  }
0x64b: {  	s26 =	ssub.s32 $0xD7F8, s11;
	s28 =	sadd.s32 $0x50, s16  }
0x64c: {  	[hbm4b:s28+s2] =	stream.linear.scatter [tilespmem:s26], [sflag:$0x1], $0x80, $0x38;
	[tilespmem:$0x13F80] =	vst v63  }
0x64d: {  	s29 =	ssub.s32 $0xE1F8, s11;
	s30 =	sadd.s32 $0x60, s16  }
0x64e: {  	[hbm4b:s30+s2] =	stream.linear.scatter [tilespmem:s29], [sflag:$0x1], $0x80, $0x38;
	[tilespmem:$0x13F80] =	vst v63  }
0x64f: {  	s31 =	rddreg [dreg:$0xc];
	s14 =	ssub.s32 $0xEBF8, s11;
	s12 =	sadd.s32 $0x70, s16  }
0x650: {  	[hbm4b:s12+s2] =	stream.linear.scatter [tilespmem:s14], [sflag:$0x1], $0x80, $0x38;
	[tilespmem:$0x13F80] =	vst v63  }
0x651: {  	s16 =	sadd.s32 s10, s31;
	s17 =	ssub.s32 $0xA678, s11  }
0x652: {  	[hbm4b:s16+s2] =	stream.linear.scatter [tilespmem:s17], [sflag:$0x1], $0x80, $0x38;
	[tilespmem:$0x13F80] =	vst v63  }
0x653: {  	s18 =	ssub.s32 $0xB078, s11;
	s19 =	sadd.s32 $0x10, s16  }
0x654: {  	[hbm4b:s19+s2] =	stream.linear.scatter [tilespmem:s18], [sflag:$0x1], $0x80, $0x38;
	[tilespmem:$0x13F80] =	vst v63  }
0x655: {  	s20 =	ssub.s32 $0xBA78, s11;
	s21 =	sadd.s32 $0x20, s16  }
0x656: {  	[hbm4b:s21+s2] =	stream.linear.scatter [tilespmem:s20], [sflag:$0x1], $0x80, $0x38;
	[tilespmem:$0x13F80] =	vst v63  }
0x657: {  	s22 =	ssub.s32 $0xC478, s11;
	s23 =	sadd.s32 $0x30, s16  }
0x658: {  	[hbm4b:s23+s2] =	stream.linear.scatter [tilespmem:s22], [sflag:$0x1], $0x80, $0x38;
	[tilespmem:$0x13F80] =	vst v63  }
0x659: {  	s24 =	ssub.s32 $0xCE78, s11;
	s25 =	sadd.s32 $0x40, s16  }
0x65a: {  	[hbm4b:s25+s2] =	stream.linear.scatter [tilespmem:s24], [sflag:$0x1], $0x80, $0x38;
	[tilespmem:$0x13F80] =	vst v63  }
0x65b: {  	s26 =	ssub.s32 $0xD878, s11;
	s28 =	sadd.s32 $0x50, s16  }
0x65c: {  	[hbm4b:s28+s2] =	stream.linear.scatter [tilespmem:s26], [sflag:$0x1], $0x80, $0x38;
	[tilespmem:$0x13F80] =	vst v63  }
0x65d: {  	s29 =	ssub.s32 $0xE278, s11;
	s30 =	sadd.s32 $0x60, s16  }
0x65e: {  	[hbm4b:s30+s2] =	stream.linear.scatter [tilespmem:s29], [sflag:$0x1], $0x80, $0x38;
	[tilespmem:$0x13F80] =	vst v63  }
0x65f: {  	s31 =	rddreg [dreg:$0xd];
	s14 =	ssub.s32 $0xEC78, s11;
	s12 =	sadd.s32 $0x70, s16  }
0x660: {  	[hbm4b:s12+s2] =	stream.linear.scatter [tilespmem:s14], [sflag:$0x1], $0x80, $0x38;
	[tilespmem:$0x13F80] =	vst v63  }
0x661: {  	s16 =	sadd.s32 s10, s31;
	s17 =	ssub.s32 $0xA6F8, s11  }
0x662: {  	[hbm4b:s16+s2] =	stream.linear.scatter [tilespmem:s17], [sflag:$0x1], $0x80, $0x38;
	[tilespmem:$0x13F80] =	vst v63  }
0x663: {  	s18 =	ssub.s32 $0xB0F8, s11;
	s19 =	sadd.s32 $0x10, s16  }
0x664: {  	[hbm4b:s19+s2] =	stream.linear.scatter [tilespmem:s18], [sflag:$0x1], $0x80, $0x38;
	[tilespmem:$0x13F80] =	vst v63  }
0x665: {  	s20 =	ssub.s32 $0xBAF8, s11;
	s21 =	sadd.s32 $0x20, s16  }
0x666: {  	[hbm4b:s21+s2] =	stream.linear.scatter [tilespmem:s20], [sflag:$0x1], $0x80, $0x38;
	[tilespmem:$0x13F80] =	vst v63  }
0x667: {  	s22 =	ssub.s32 $0xC4F8, s11;
	s23 =	sadd.s32 $0x30, s16  }
0x668: {  	[hbm4b:s23+s2] =	stream.linear.scatter [tilespmem:s22], [sflag:$0x1], $0x80, $0x38;
	[tilespmem:$0x13F80] =	vst v63  }
0x669: {  	s24 =	ssub.s32 $0xCEF8, s11;
	s25 =	sadd.s32 $0x40, s16  }
0x66a: {  	[hbm4b:s25+s2] =	stream.linear.scatter [tilespmem:s24], [sflag:$0x1], $0x80, $0x38;
	[tilespmem:$0x13F80] =	vst v63  }
0x66b: {  	s26 =	ssub.s32 $0xD8F8, s11;
	s28 =	sadd.s32 $0x50, s16  }
0x66c: {  	[hbm4b:s28+s2] =	stream.linear.scatter [tilespmem:s26], [sflag:$0x1], $0x80, $0x38;
	[tilespmem:$0x13F80] =	vst v63  }
0x66d: {  	s29 =	ssub.s32 $0xE2F8, s11;
	s30 =	sadd.s32 $0x60, s16  }
0x66e: {  	[hbm4b:s30+s2] =	stream.linear.scatter [tilespmem:s29], [sflag:$0x1], $0x80, $0x38;
	[tilespmem:$0x13F80] =	vst v63  }
0x66f: {  	s31 =	rddreg [dreg:$0xe];
	s14 =	ssub.s32 $0xECF8, s11;
	s12 =	sadd.s32 $0x70, s16  }
0x670: {  	[hbm4b:s12+s2] =	stream.linear.scatter [tilespmem:s14], [sflag:$0x1], $0x80, $0x38;
	[tilespmem:$0x13F80] =	vst v63  }
0x671: {  	s16 =	sadd.s32 s10, s31;
	s17 =	ssub.s32 $0xA778, s11  }
0x672: {  	[hbm4b:s16+s2] =	stream.linear.scatter [tilespmem:s17], [sflag:$0x1], $0x80, $0x38;
	[tilespmem:$0x13F80] =	vst v63  }
0x673: {  	s18 =	ssub.s32 $0xB178, s11;
	s19 =	sadd.s32 $0x10, s16  }
0x674: {  	[hbm4b:s19+s2] =	stream.linear.scatter [tilespmem:s18], [sflag:$0x1], $0x80, $0x38;
	[tilespmem:$0x13F80] =	vst v63  }
0x675: {  	s20 =	ssub.s32 $0xBB78, s11;
	s21 =	sadd.s32 $0x20, s16  }
0x676: {  	[hbm4b:s21+s2] =	stream.linear.scatter [tilespmem:s20], [sflag:$0x1], $0x80, $0x38;
	[tilespmem:$0x13F80] =	vst v63  }
0x677: {  	s22 =	ssub.s32 $0xC578, s11;
	s23 =	sadd.s32 $0x30, s16  }
0x678: {  	[hbm4b:s23+s2] =	stream.linear.scatter [tilespmem:s22], [sflag:$0x1], $0x80, $0x38;
	[tilespmem:$0x13F80] =	vst v63  }
0x679: {  	s24 =	ssub.s32 $0xCF78, s11;
	s25 =	sadd.s32 $0x40, s16  }
0x67a: {  	[hbm4b:s25+s2] =	stream.linear.scatter [tilespmem:s24], [sflag:$0x1], $0x80, $0x38;
	[tilespmem:$0x13F80] =	vst v63  }
0x67b: {  	s26 =	ssub.s32 $0xD978, s11;
	s28 =	sadd.s32 $0x50, s16  }
0x67c: {  	[hbm4b:s28+s2] =	stream.linear.scatter [tilespmem:s26], [sflag:$0x1], $0x80, $0x38;
	[tilespmem:$0x13F80] =	vst v63  }
0x67d: {  	s29 =	ssub.s32 $0xE378, s11;
	s30 =	sadd.s32 $0x60, s16  }
0x67e: {  	[hbm4b:s30+s2] =	stream.linear.scatter [tilespmem:s29], [sflag:$0x1], $0x80, $0x38;
	[tilespmem:$0x13F80] =	vst v63  }
0x67f: {  	s31 =	rddreg [dreg:$0xf];
	s14 =	ssub.s32 $0xED78, s11;
	s12 =	sadd.s32 $0x70, s16  }
0x680: {  	[hbm4b:s12+s2] =	stream.linear.scatter [tilespmem:s14], [sflag:$0x1], $0x80, $0x38;
	[tilespmem:$0x13F80] =	vst v63  }
0x681: {  	s16 =	sadd.s32 s10, s31;
	s17 =	ssub.s32 $0xA7F8, s11  }
0x682: {  	[hbm4b:s16+s2] =	stream.linear.scatter [tilespmem:s17], [sflag:$0x1], $0x80, $0x38;
	[tilespmem:$0x13F80] =	vst v63  }
0x683: {  	s18 =	ssub.s32 $0xB1F8, s11;
	s19 =	sadd.s32 $0x10, s16  }
0x684: {  	[hbm4b:s19+s2] =	stream.linear.scatter [tilespmem:s18], [sflag:$0x1], $0x80, $0x38;
	[tilespmem:$0x13F80] =	vst v63  }
0x685: {  	s20 =	ssub.s32 $0xBBF8, s11;
	s21 =	sadd.s32 $0x20, s16  }
0x686: {  	[hbm4b:s21+s2] =	stream.linear.scatter [tilespmem:s20], [sflag:$0x1], $0x80, $0x38;
	[tilespmem:$0x13F80] =	vst v63  }
0x687: {  	s22 =	ssub.s32 $0xC5F8, s11;
	s23 =	sadd.s32 $0x30, s16  }
0x688: {  	[hbm4b:s23+s2] =	stream.linear.scatter [tilespmem:s22], [sflag:$0x1], $0x80, $0x38;
	[tilespmem:$0x13F80] =	vst v63  }
0x689: {  	s24 =	ssub.s32 $0xCFF8, s11;
	s25 =	sadd.s32 $0x40, s16  }
0x68a: {  	[hbm4b:s25+s2] =	stream.linear.scatter [tilespmem:s24], [sflag:$0x1], $0x80, $0x38;
	[tilespmem:$0x13F80] =	vst v63  }
0x68b: {  	s26 =	ssub.s32 $0xD9F8, s11;
	s28 =	sadd.s32 $0x50, s16  }
0x68c: {  	[hbm4b:s28+s2] =	stream.linear.scatter [tilespmem:s26], [sflag:$0x1], $0x80, $0x38;
	[tilespmem:$0x13F80] =	vst v63  }
0x68d: {  	s29 =	ssub.s32 $0xE3F8, s11;
	s30 =	sadd.s32 $0x60, s16  }
0x68e: {  	[hbm4b:s30+s2] =	stream.linear.scatter [tilespmem:s29], [sflag:$0x1], $0x80, $0x38;
	[tilespmem:$0x13F80] =	vst v63  }
0x68f: {  	s31 =	rddreg [dreg:$0x10];
	s14 =	ssub.s32 $0xEDF8, s11;
	s12 =	sadd.s32 $0x70, s16  }
0x690: {  	[hbm4b:s12+s2] =	stream.linear.scatter [tilespmem:s14], [sflag:$0x1], $0x80, $0x38;
	[tilespmem:$0x13F80] =	vst v63  }
0x691: {  	s16 =	sadd.s32 s10, s31;
	s17 =	ssub.s32 $0xA878, s11  }
0x692: {  	[hbm4b:s16+s2] =	stream.linear.scatter [tilespmem:s17], [sflag:$0x1], $0x80, $0x38;
	[tilespmem:$0x13F80] =	vst v63  }
0x693: {  	s18 =	ssub.s32 $0xB278, s11;
	s19 =	sadd.s32 $0x10, s16  }
0x694: {  	[hbm4b:s19+s2] =	stream.linear.scatter [tilespmem:s18], [sflag:$0x1], $0x80, $0x38;
	[tilespmem:$0x13F80] =	vst v63  }
0x695: {  	s20 =	ssub.s32 $0xBC78, s11;
	s21 =	sadd.s32 $0x20, s16  }
0x696: {  	[hbm4b:s21+s2] =	stream.linear.scatter [tilespmem:s20], [sflag:$0x1], $0x80, $0x38;
	[tilespmem:$0x13F80] =	vst v63  }
0x697: {  	s22 =	ssub.s32 $0xC678, s11;
	s23 =	sadd.s32 $0x30, s16  }
0x698: {  	[hbm4b:s23+s2] =	stream.linear.scatter [tilespmem:s22], [sflag:$0x1], $0x80, $0x38;
	[tilespmem:$0x13F80] =	vst v63  }
0x699: {  	s24 =	ssub.s32 $0xD078, s11;
	s25 =	sadd.s32 $0x40, s16  }
0x69a: {  	[hbm4b:s25+s2] =	stream.linear.scatter [tilespmem:s24], [sflag:$0x1], $0x80, $0x38;
	[tilespmem:$0x13F80] =	vst v63  }
0x69b: {  	s26 =	ssub.s32 $0xDA78, s11;
	s28 =	sadd.s32 $0x50, s16  }
0x69c: {  	[hbm4b:s28+s2] =	stream.linear.scatter [tilespmem:s26], [sflag:$0x1], $0x80, $0x38;
	[tilespmem:$0x13F80] =	vst v63  }
0x69d: {  	s29 =	ssub.s32 $0xE478, s11;
	s30 =	sadd.s32 $0x60, s16  }
0x69e: {  	[hbm4b:s30+s2] =	stream.linear.scatter [tilespmem:s29], [sflag:$0x1], $0x80, $0x38;
	[tilespmem:$0x13F80] =	vst v63  }
0x69f: {  	s31 =	rddreg [dreg:$0x11];
	s14 =	ssub.s32 $0xEE78, s11;
	s12 =	sadd.s32 $0x70, s16  }
0x6a0: {  	[hbm4b:s12+s2] =	stream.linear.scatter [tilespmem:s14], [sflag:$0x1], $0x80, $0x38;
	[tilespmem:$0x13F80] =	vst v63  }
0x6a1: {  	s16 =	sadd.s32 s10, s31;
	s17 =	ssub.s32 $0xA8F8, s11  }
0x6a2: {  	[hbm4b:s16+s2] =	stream.linear.scatter [tilespmem:s17], [sflag:$0x1], $0x80, $0x38;
	[tilespmem:$0x13F80] =	vst v63  }
0x6a3: {  	s18 =	ssub.s32 $0xB2F8, s11;
	s19 =	sadd.s32 $0x10, s16  }
0x6a4: {  	[hbm4b:s19+s2] =	stream.linear.scatter [tilespmem:s18], [sflag:$0x1], $0x80, $0x38;
	[tilespmem:$0x13F80] =	vst v63  }
0x6a5: {  	s20 =	ssub.s32 $0xBCF8, s11;
	s21 =	sadd.s32 $0x20, s16  }
0x6a6: {  	[hbm4b:s21+s2] =	stream.linear.scatter [tilespmem:s20], [sflag:$0x1], $0x80, $0x38;
	[tilespmem:$0x13F80] =	vst v63  }
0x6a7: {  	s22 =	ssub.s32 $0xC6F8, s11;
	s23 =	sadd.s32 $0x30, s16  }
0x6a8: {  	[hbm4b:s23+s2] =	stream.linear.scatter [tilespmem:s22], [sflag:$0x1], $0x80, $0x38;
	[tilespmem:$0x13F80] =	vst v63  }
0x6a9: {  	s24 =	ssub.s32 $0xD0F8, s11;
	s25 =	sadd.s32 $0x40, s16  }
0x6aa: {  	[hbm4b:s25+s2] =	stream.linear.scatter [tilespmem:s24], [sflag:$0x1], $0x80, $0x38;
	[tilespmem:$0x13F80] =	vst v63  }
0x6ab: {  	s26 =	ssub.s32 $0xDAF8, s11;
	s28 =	sadd.s32 $0x50, s16  }
0x6ac: {  	[hbm4b:s28+s2] =	stream.linear.scatter [tilespmem:s26], [sflag:$0x1], $0x80, $0x38;
	[tilespmem:$0x13F80] =	vst v63  }
0x6ad: {  	s29 =	ssub.s32 $0xE4F8, s11;
	s30 =	sadd.s32 $0x60, s16  }
0x6ae: {  	[hbm4b:s30+s2] =	stream.linear.scatter [tilespmem:s29], [sflag:$0x1], $0x80, $0x38;
	[tilespmem:$0x13F80] =	vst v63  }
0x6af: {  	s31 =	rddreg [dreg:$0x12];
	s14 =	ssub.s32 $0xEEF8, s11;
	s12 =	sadd.s32 $0x70, s16  }
0x6b0: {  	[hbm4b:s12+s2] =	stream.linear.scatter [tilespmem:s14], [sflag:$0x1], $0x80, $0x38;
	[tilespmem:$0x13F80] =	vst v63  }
0x6b1: {  	s16 =	sadd.s32 s10, s31;
	s17 =	ssub.s32 $0xF178, s11  }
0x6b2: {  	[hbm4b:s16+s2] =	stream.linear.scatter [tilespmem:s17], [sflag:$0x1], $0x80, $0x38;
	[tilespmem:$0x13F80] =	vst v63  }
0x6b3: {  	s18 =	ssub.s32 $0xFB78, s11;
	s19 =	sadd.s32 $0x10, s16  }
0x6b4: {  	[hbm4b:s19+s2] =	stream.linear.scatter [tilespmem:s18], [sflag:$0x1], $0x80, $0x38;
	[tilespmem:$0x13F80] =	vst v63  }
0x6b5: {  	s20 =	ssub.s32 $0x10578, s11;
	s21 =	sadd.s32 $0x20, s16  }
0x6b6: {  	[hbm4b:s21+s2] =	stream.linear.scatter [tilespmem:s20], [sflag:$0x1], $0x80, $0x38;
	[tilespmem:$0x13F80] =	vst v63  }
0x6b7: {  	s22 =	ssub.s32 $0x10F78, s11;
	s23 =	sadd.s32 $0x30, s16  }
0x6b8: {  	[hbm4b:s23+s2] =	stream.linear.scatter [tilespmem:s22], [sflag:$0x1], $0x80, $0x38;
	[tilespmem:$0x13F80] =	vst v63  }
0x6b9: {  	s24 =	ssub.s32 $0x11978, s11;
	s25 =	sadd.s32 $0x40, s16  }
0x6ba: {  	[hbm4b:s25+s2] =	stream.linear.scatter [tilespmem:s24], [sflag:$0x1], $0x80, $0x38;
	[tilespmem:$0x13F80] =	vst v63  }
0x6bb: {  	s26 =	ssub.s32 $0x12378, s11;
	s28 =	sadd.s32 $0x50, s16  }
0x6bc: {  	[hbm4b:s28+s2] =	stream.linear.scatter [tilespmem:s26], [sflag:$0x1], $0x80, $0x38;
	[tilespmem:$0x13F80] =	vst v63  }
0x6bd: {  	s29 =	ssub.s32 $0x12D78, s11;
	s30 =	sadd.s32 $0x60, s16  }
0x6be: {  	[hbm4b:s30+s2] =	stream.linear.scatter [tilespmem:s29], [sflag:$0x1], $0x80, $0x38;
	[tilespmem:$0x13F80] =	vst v63  }
0x6bf: {  	s31 =	rddreg [dreg:$0x13];
	s14 =	ssub.s32 $0x13778, s11;
	s12 =	sadd.s32 $0x70, s16  }
0x6c0: {  	[hbm4b:s12+s2] =	stream.linear.scatter [tilespmem:s14], [sflag:$0x1], $0x80, $0x38;
	[tilespmem:$0x13F80] =	vst v63  }
0x6c1: {  	s16 =	sadd.s32 s10, s31;
	s17 =	ssub.s32 $0xF1F8, s11  }
0x6c2: {  	[hbm4b:s16+s2] =	stream.linear.scatter [tilespmem:s17], [sflag:$0x1], $0x80, $0x38;
	[tilespmem:$0x13F80] =	vst v63  }
0x6c3: {  	s18 =	ssub.s32 $0xFBF8, s11;
	s19 =	sadd.s32 $0x10, s16  }
0x6c4: {  	[hbm4b:s19+s2] =	stream.linear.scatter [tilespmem:s18], [sflag:$0x1], $0x80, $0x38;
	[tilespmem:$0x13F80] =	vst v63  }
0x6c5: {  	s20 =	ssub.s32 $0x105F8, s11;
	s21 =	sadd.s32 $0x20, s16  }
0x6c6: {  	[hbm4b:s21+s2] =	stream.linear.scatter [tilespmem:s20], [sflag:$0x1], $0x80, $0x38;
	[tilespmem:$0x13F80] =	vst v63  }
0x6c7: {  	s22 =	ssub.s32 $0x10FF8, s11;
	s23 =	sadd.s32 $0x30, s16  }
0x6c8: {  	[hbm4b:s23+s2] =	stream.linear.scatter [tilespmem:s22], [sflag:$0x1], $0x80, $0x38;
	[tilespmem:$0x13F80] =	vst v63  }
0x6c9: {  	s24 =	ssub.s32 $0x119F8, s11;
	s25 =	sadd.s32 $0x40, s16  }
0x6ca: {  	[hbm4b:s25+s2] =	stream.linear.scatter [tilespmem:s24], [sflag:$0x1], $0x80, $0x38;
	[tilespmem:$0x13F80] =	vst v63  }
0x6cb: {  	s26 =	ssub.s32 $0x123F8, s11;
	s28 =	sadd.s32 $0x50, s16  }
0x6cc: {  	[hbm4b:s28+s2] =	stream.linear.scatter [tilespmem:s26], [sflag:$0x1], $0x80, $0x38;
	[tilespmem:$0x13F80] =	vst v63  }
0x6cd: {  	s29 =	ssub.s32 $0x12DF8, s11;
	s30 =	sadd.s32 $0x60, s16  }
0x6ce: {  	[hbm4b:s30+s2] =	stream.linear.scatter [tilespmem:s29], [sflag:$0x1], $0x80, $0x38;
	[tilespmem:$0x13F80] =	vst v63  }
0x6cf: {  	s31 =	rddreg [dreg:$0x14];
	s14 =	ssub.s32 $0x137F8, s11;
	s12 =	sadd.s32 $0x70, s16  }
0x6d0: {  	[hbm4b:s12+s2] =	stream.linear.scatter [tilespmem:s14], [sflag:$0x1], $0x80, $0x38;
	[tilespmem:$0x13F80] =	vst v63  }
0x6d1: {  	s16 =	sadd.s32 s10, s31;
	s17 =	ssub.s32 $0xF278, s11  }
0x6d2: {  	[hbm4b:s16+s2] =	stream.linear.scatter [tilespmem:s17], [sflag:$0x1], $0x80, $0x38;
	[tilespmem:$0x13F80] =	vst v63  }
0x6d3: {  	s18 =	ssub.s32 $0xFC78, s11;
	s19 =	sadd.s32 $0x10, s16  }
0x6d4: {  	[hbm4b:s19+s2] =	stream.linear.scatter [tilespmem:s18], [sflag:$0x1], $0x80, $0x38;
	[tilespmem:$0x13F80] =	vst v63  }
0x6d5: {  	s20 =	ssub.s32 $0x10678, s11;
	s21 =	sadd.s32 $0x20, s16  }
0x6d6: {  	[hbm4b:s21+s2] =	stream.linear.scatter [tilespmem:s20], [sflag:$0x1], $0x80, $0x38;
	[tilespmem:$0x13F80] =	vst v63  }
0x6d7: {  	s22 =	ssub.s32 $0x11078, s11;
	s23 =	sadd.s32 $0x30, s16  }
0x6d8: {  	[hbm4b:s23+s2] =	stream.linear.scatter [tilespmem:s22], [sflag:$0x1], $0x80, $0x38;
	[tilespmem:$0x13F80] =	vst v63  }
0x6d9: {  	s24 =	ssub.s32 $0x11A78, s11;
	s25 =	sadd.s32 $0x40, s16  }
0x6da: {  	[hbm4b:s25+s2] =	stream.linear.scatter [tilespmem:s24], [sflag:$0x1], $0x80, $0x38;
	[tilespmem:$0x13F80] =	vst v63  }
0x6db: {  	s26 =	ssub.s32 $0x12478, s11;
	s28 =	sadd.s32 $0x50, s16  }
0x6dc: {  	[hbm4b:s28+s2] =	stream.linear.scatter [tilespmem:s26], [sflag:$0x1], $0x80, $0x38;
	[tilespmem:$0x13F80] =	vst v63  }
0x6dd: {  	s29 =	ssub.s32 $0x12E78, s11;
	s30 =	sadd.s32 $0x60, s16  }
0x6de: {  	[hbm4b:s30+s2] =	stream.linear.scatter [tilespmem:s29], [sflag:$0x1], $0x80, $0x38;
	[tilespmem:$0x13F80] =	vst v63  }
0x6df: {  	s31 =	rddreg [dreg:$0x15];
	s14 =	ssub.s32 $0x13878, s11;
	s12 =	sadd.s32 $0x70, s16  }
0x6e0: {  	[hbm4b:s12+s2] =	stream.linear.scatter [tilespmem:s14], [sflag:$0x1], $0x80, $0x38;
	[tilespmem:$0x13F80] =	vst v63  }
0x6e1: {  	s16 =	sadd.s32 s10, s31;
	s17 =	ssub.s32 $0xF2F8, s11  }
0x6e2: {  	[hbm4b:s16+s2] =	stream.linear.scatter [tilespmem:s17], [sflag:$0x1], $0x80, $0x38;
	[tilespmem:$0x13F80] =	vst v63  }
0x6e3: {  	s18 =	ssub.s32 $0xFCF8, s11;
	s19 =	sadd.s32 $0x10, s16  }
0x6e4: {  	[hbm4b:s19+s2] =	stream.linear.scatter [tilespmem:s18], [sflag:$0x1], $0x80, $0x38;
	[tilespmem:$0x13F80] =	vst v63  }
0x6e5: {  	s20 =	ssub.s32 $0x106F8, s11;
	s21 =	sadd.s32 $0x20, s16  }
0x6e6: {  	[hbm4b:s21+s2] =	stream.linear.scatter [tilespmem:s20], [sflag:$0x1], $0x80, $0x38;
	[tilespmem:$0x13F80] =	vst v63  }
0x6e7: {  	s22 =	ssub.s32 $0x110F8, s11;
	s23 =	sadd.s32 $0x30, s16  }
0x6e8: {  	[hbm4b:s23+s2] =	stream.linear.scatter [tilespmem:s22], [sflag:$0x1], $0x80, $0x38;
	[tilespmem:$0x13F80] =	vst v63  }
0x6e9: {  	s24 =	ssub.s32 $0x11AF8, s11;
	s25 =	sadd.s32 $0x40, s16  }
0x6ea: {  	[hbm4b:s25+s2] =	stream.linear.scatter [tilespmem:s24], [sflag:$0x1], $0x80, $0x38;
	[tilespmem:$0x13F80] =	vst v63  }
0x6eb: {  	s26 =	ssub.s32 $0x124F8, s11;
	s28 =	sadd.s32 $0x50, s16  }
0x6ec: {  	[hbm4b:s28+s2] =	stream.linear.scatter [tilespmem:s26], [sflag:$0x1], $0x80, $0x38;
	[tilespmem:$0x13F80] =	vst v63  }
0x6ed: {  	s29 =	ssub.s32 $0x12EF8, s11;
	s30 =	sadd.s32 $0x60, s16  }
0x6ee: {  	[hbm4b:s30+s2] =	stream.linear.scatter [tilespmem:s29], [sflag:$0x1], $0x80, $0x38;
	[tilespmem:$0x13F80] =	vst v63  }
0x6ef: {  	s31 =	rddreg [dreg:$0x16];
	s14 =	ssub.s32 $0x138F8, s11;
	s12 =	sadd.s32 $0x70, s16  }
0x6f0: {  	[hbm4b:s12+s2] =	stream.linear.scatter [tilespmem:s14], [sflag:$0x1], $0x80, $0x38;
	[tilespmem:$0x13F80] =	vst v63  }
0x6f1: {  	s16 =	sadd.s32 s10, s31;
	s17 =	ssub.s32 $0xF378, s11  }
0x6f2: {  	[hbm4b:s16+s2] =	stream.linear.scatter [tilespmem:s17], [sflag:$0x1], $0x80, $0x38;
	[tilespmem:$0x13F80] =	vst v63  }
0x6f3: {  	s18 =	ssub.s32 $0xFD78, s11;
	s19 =	sadd.s32 $0x10, s16  }
0x6f4: {  	[hbm4b:s19+s2] =	stream.linear.scatter [tilespmem:s18], [sflag:$0x1], $0x80, $0x38;
	[tilespmem:$0x13F80] =	vst v63  }
0x6f5: {  	s20 =	ssub.s32 $0x10778, s11;
	s21 =	sadd.s32 $0x20, s16  }
0x6f6: {  	[hbm4b:s21+s2] =	stream.linear.scatter [tilespmem:s20], [sflag:$0x1], $0x80, $0x38;
	[tilespmem:$0x13F80] =	vst v63  }
0x6f7: {  	s22 =	ssub.s32 $0x11178, s11;
	s23 =	sadd.s32 $0x30, s16  }
0x6f8: {  	[hbm4b:s23+s2] =	stream.linear.scatter [tilespmem:s22], [sflag:$0x1], $0x80, $0x38;
	[tilespmem:$0x13F80] =	vst v63  }
0x6f9: {  	s24 =	ssub.s32 $0x11B78, s11;
	s25 =	sadd.s32 $0x40, s16  }
0x6fa: {  	[hbm4b:s25+s2] =	stream.linear.scatter [tilespmem:s24], [sflag:$0x1], $0x80, $0x38;
	[tilespmem:$0x13F80] =	vst v63  }
0x6fb: {  	s26 =	ssub.s32 $0x12578, s11;
	s28 =	sadd.s32 $0x50, s16  }
0x6fc: {  	[hbm4b:s28+s2] =	stream.linear.scatter [tilespmem:s26], [sflag:$0x1], $0x80, $0x38;
	[tilespmem:$0x13F80] =	vst v63  }
0x6fd: {  	s29 =	ssub.s32 $0x12F78, s11;
	s30 =	sadd.s32 $0x60, s16  }
0x6fe: {  	[hbm4b:s30+s2] =	stream.linear.scatter [tilespmem:s29], [sflag:$0x1], $0x80, $0x38;
	[tilespmem:$0x13F80] =	vst v63  }
0x6ff: {  	s31 =	rddreg [dreg:$0x17];
	s14 =	ssub.s32 $0x13978, s11;
	s12 =	sadd.s32 $0x70, s16  }
0x700: {  	[hbm4b:s12+s2] =	stream.linear.scatter [tilespmem:s14], [sflag:$0x1], $0x80, $0x38;
	[tilespmem:$0x13F80] =	vst v63  }
0x701: {  	s16 =	sadd.s32 s10, s31;
	s17 =	ssub.s32 $0xF3F8, s11  }
0x702: {  	[hbm4b:s16+s2] =	stream.linear.scatter [tilespmem:s17], [sflag:$0x1], $0x80, $0x38;
	[tilespmem:$0x13F80] =	vst v63  }
0x703: {  	s18 =	ssub.s32 $0xFDF8, s11;
	s19 =	sadd.s32 $0x10, s16  }
0x704: {  	[hbm4b:s19+s2] =	stream.linear.scatter [tilespmem:s18], [sflag:$0x1], $0x80, $0x38;
	[tilespmem:$0x13F80] =	vst v63  }
0x705: {  	s20 =	ssub.s32 $0x107F8, s11;
	s21 =	sadd.s32 $0x20, s16  }
0x706: {  	[hbm4b:s21+s2] =	stream.linear.scatter [tilespmem:s20], [sflag:$0x1], $0x80, $0x38;
	[tilespmem:$0x13F80] =	vst v63  }
0x707: {  	s22 =	ssub.s32 $0x111F8, s11;
	s23 =	sadd.s32 $0x30, s16  }
0x708: {  	[hbm4b:s23+s2] =	stream.linear.scatter [tilespmem:s22], [sflag:$0x1], $0x80, $0x38;
	[tilespmem:$0x13F80] =	vst v63  }
0x709: {  	s24 =	ssub.s32 $0x11BF8, s11;
	s25 =	sadd.s32 $0x40, s16  }
0x70a: {  	[hbm4b:s25+s2] =	stream.linear.scatter [tilespmem:s24], [sflag:$0x1], $0x80, $0x38;
	[tilespmem:$0x13F80] =	vst v63  }
0x70b: {  	s26 =	ssub.s32 $0x125F8, s11;
	s28 =	sadd.s32 $0x50, s16  }
0x70c: {  	[hbm4b:s28+s2] =	stream.linear.scatter [tilespmem:s26], [sflag:$0x1], $0x80, $0x38;
	[tilespmem:$0x13F80] =	vst v63  }
0x70d: {  	s29 =	ssub.s32 $0x12FF8, s11;
	s30 =	sadd.s32 $0x60, s16  }
0x70e: {  	[hbm4b:s30+s2] =	stream.linear.scatter [tilespmem:s29], [sflag:$0x1], $0x80, $0x38;
	[tilespmem:$0x13F80] =	vst v63  }
0x70f: {  	s31 =	rddreg [dreg:$0x18];
	s14 =	ssub.s32 $0x139F8, s11;
	s12 =	sadd.s32 $0x70, s16  }
0x710: {  	[hbm4b:s12+s2] =	stream.linear.scatter [tilespmem:s14], [sflag:$0x1], $0x80, $0x38;
	[tilespmem:$0x13F80] =	vst v63  }
0x711: {  	s16 =	sadd.s32 s10, s31;
	s17 =	ssub.s32 $0xF478, s11  }
0x712: {  	[hbm4b:s16+s2] =	stream.linear.scatter [tilespmem:s17], [sflag:$0x1], $0x80, $0x38;
	[tilespmem:$0x13F80] =	vst v63  }
0x713: {  	s18 =	ssub.s32 $0xFE78, s11;
	s19 =	sadd.s32 $0x10, s16  }
0x714: {  	[hbm4b:s19+s2] =	stream.linear.scatter [tilespmem:s18], [sflag:$0x1], $0x80, $0x38;
	[tilespmem:$0x13F80] =	vst v63  }
0x715: {  	s20 =	ssub.s32 $0x10878, s11;
	s21 =	sadd.s32 $0x20, s16  }
0x716: {  	[hbm4b:s21+s2] =	stream.linear.scatter [tilespmem:s20], [sflag:$0x1], $0x80, $0x38;
	[tilespmem:$0x13F80] =	vst v63  }
0x717: {  	s22 =	ssub.s32 $0x11278, s11;
	s23 =	sadd.s32 $0x30, s16  }
0x718: {  	[hbm4b:s23+s2] =	stream.linear.scatter [tilespmem:s22], [sflag:$0x1], $0x80, $0x38;
	[tilespmem:$0x13F80] =	vst v63  }
0x719: {  	s24 =	ssub.s32 $0x11C78, s11;
	s25 =	sadd.s32 $0x40, s16  }
0x71a: {  	[hbm4b:s25+s2] =	stream.linear.scatter [tilespmem:s24], [sflag:$0x1], $0x80, $0x38;
	[tilespmem:$0x13F80] =	vst v63  }
0x71b: {  	s26 =	ssub.s32 $0x12678, s11;
	s28 =	sadd.s32 $0x50, s16  }
0x71c: {  	[hbm4b:s28+s2] =	stream.linear.scatter [tilespmem:s26], [sflag:$0x1], $0x80, $0x38;
	[tilespmem:$0x13F80] =	vst v63  }
0x71d: {  	s29 =	ssub.s32 $0x13078, s11;
	s30 =	sadd.s32 $0x60, s16  }
0x71e: {  	[hbm4b:s30+s2] =	stream.linear.scatter [tilespmem:s29], [sflag:$0x1], $0x80, $0x38;
	[tilespmem:$0x13F80] =	vst v63  }
0x71f: {  	s31 =	rddreg [dreg:$0x19];
	s14 =	ssub.s32 $0x13A78, s11;
	s12 =	sadd.s32 $0x70, s16  }
0x720: {  	[hbm4b:s12+s2] =	stream.linear.scatter [tilespmem:s14], [sflag:$0x1], $0x80, $0x38;
	[tilespmem:$0x13F80] =	vst v63  }
0x721: {  	s16 =	sadd.s32 s10, s31;
	s17 =	ssub.s32 $0xF4F8, s11  }
0x722: {  	[hbm4b:s16+s2] =	stream.linear.scatter [tilespmem:s17], [sflag:$0x1], $0x80, $0x38;
	[tilespmem:$0x13F80] =	vst v63  }
0x723: {  	s18 =	ssub.s32 $0xFEF8, s11;
	s19 =	sadd.s32 $0x10, s16  }
0x724: {  	[hbm4b:s19+s2] =	stream.linear.scatter [tilespmem:s18], [sflag:$0x1], $0x80, $0x38;
	[tilespmem:$0x13F80] =	vst v63  }
0x725: {  	s20 =	ssub.s32 $0x108F8, s11;
	s21 =	sadd.s32 $0x20, s16  }
0x726: {  	[hbm4b:s21+s2] =	stream.linear.scatter [tilespmem:s20], [sflag:$0x1], $0x80, $0x38;
	[tilespmem:$0x13F80] =	vst v63  }
0x727: {  	s22 =	ssub.s32 $0x112F8, s11;
	s23 =	sadd.s32 $0x30, s16  }
0x728: {  	[hbm4b:s23+s2] =	stream.linear.scatter [tilespmem:s22], [sflag:$0x1], $0x80, $0x38;
	[tilespmem:$0x13F80] =	vst v63  }
0x729: {  	s24 =	ssub.s32 $0x11CF8, s11;
	s25 =	sadd.s32 $0x40, s16  }
0x72a: {  	[hbm4b:s25+s2] =	stream.linear.scatter [tilespmem:s24], [sflag:$0x1], $0x80, $0x38;
	[tilespmem:$0x13F80] =	vst v63  }
0x72b: {  	s26 =	ssub.s32 $0x126F8, s11;
	s28 =	sadd.s32 $0x50, s16  }
0x72c: {  	[hbm4b:s28+s2] =	stream.linear.scatter [tilespmem:s26], [sflag:$0x1], $0x80, $0x38;
	[tilespmem:$0x13F80] =	vst v63  }
0x72d: {  	s29 =	ssub.s32 $0x130F8, s11;
	s30 =	sadd.s32 $0x60, s16  }
0x72e: {  	[hbm4b:s30+s2] =	stream.linear.scatter [tilespmem:s29], [sflag:$0x1], $0x80, $0x38;
	[tilespmem:$0x13F80] =	vst v63  }
0x72f: {  	s31 =	rddreg [dreg:$0x1a];
	s14 =	ssub.s32 $0x13AF8, s11;
	s12 =	sadd.s32 $0x70, s16  }
0x730: {  	[hbm4b:s12+s2] =	stream.linear.scatter [tilespmem:s14], [sflag:$0x1], $0x80, $0x38;
	[tilespmem:$0x13F80] =	vst v63  }
0x731: {  	s16 =	sadd.s32 s10, s31;
	s17 =	ssub.s32 $0xF578, s11  }
0x732: {  	[hbm4b:s16+s2] =	stream.linear.scatter [tilespmem:s17], [sflag:$0x1], $0x80, $0x38;
	[tilespmem:$0x13F80] =	vst v63  }
0x733: {  	s18 =	ssub.s32 $0xFF78, s11;
	s19 =	sadd.s32 $0x10, s16  }
0x734: {  	[hbm4b:s19+s2] =	stream.linear.scatter [tilespmem:s18], [sflag:$0x1], $0x80, $0x38;
	[tilespmem:$0x13F80] =	vst v63  }
0x735: {  	s20 =	ssub.s32 $0x10978, s11;
	s21 =	sadd.s32 $0x20, s16  }
0x736: {  	[hbm4b:s21+s2] =	stream.linear.scatter [tilespmem:s20], [sflag:$0x1], $0x80, $0x38;
	[tilespmem:$0x13F80] =	vst v63  }
0x737: {  	s22 =	ssub.s32 $0x11378, s11;
	s23 =	sadd.s32 $0x30, s16  }
0x738: {  	[hbm4b:s23+s2] =	stream.linear.scatter [tilespmem:s22], [sflag:$0x1], $0x80, $0x38;
	[tilespmem:$0x13F80] =	vst v63  }
0x739: {  	s24 =	ssub.s32 $0x11D78, s11;
	s25 =	sadd.s32 $0x40, s16  }
0x73a: {  	[hbm4b:s25+s2] =	stream.linear.scatter [tilespmem:s24], [sflag:$0x1], $0x80, $0x38;
	[tilespmem:$0x13F80] =	vst v63  }
0x73b: {  	s26 =	ssub.s32 $0x12778, s11;
	s28 =	sadd.s32 $0x50, s16  }
0x73c: {  	[hbm4b:s28+s2] =	stream.linear.scatter [tilespmem:s26], [sflag:$0x1], $0x80, $0x38;
	[tilespmem:$0x13F80] =	vst v63  }
0x73d: {  	s29 =	ssub.s32 $0x13178, s11;
	s30 =	sadd.s32 $0x60, s16  }
0x73e: {  	[hbm4b:s30+s2] =	stream.linear.scatter [tilespmem:s29], [sflag:$0x1], $0x80, $0x38;
	[tilespmem:$0x13F80] =	vst v63  }
0x73f: {  	s31 =	rddreg [dreg:$0x1b];
	s14 =	ssub.s32 $0x13B78, s11;
	s12 =	sadd.s32 $0x70, s16  }
0x740: {  	[hbm4b:s12+s2] =	stream.linear.scatter [tilespmem:s14], [sflag:$0x1], $0x80, $0x38;
	[tilespmem:$0x13F80] =	vst v63  }
0x741: {  	s16 =	sadd.s32 s10, s31;
	s17 =	ssub.s32 $0xF5F8, s11  }
0x742: {  	[hbm4b:s16+s2] =	stream.linear.scatter [tilespmem:s17], [sflag:$0x1], $0x80, $0x38;
	[tilespmem:$0x13F80] =	vst v63  }
0x743: {  	s18 =	ssub.s32 $0xFFF8, s11;
	s19 =	sadd.s32 $0x10, s16  }
0x744: {  	[hbm4b:s19+s2] =	stream.linear.scatter [tilespmem:s18], [sflag:$0x1], $0x80, $0x38;
	[tilespmem:$0x13F80] =	vst v63  }
0x745: {  	s20 =	ssub.s32 $0x109F8, s11;
	s21 =	sadd.s32 $0x20, s16  }
0x746: {  	[hbm4b:s21+s2] =	stream.linear.scatter [tilespmem:s20], [sflag:$0x1], $0x80, $0x38;
	[tilespmem:$0x13F80] =	vst v63  }
0x747: {  	s22 =	ssub.s32 $0x113F8, s11;
	s23 =	sadd.s32 $0x30, s16  }
0x748: {  	[hbm4b:s23+s2] =	stream.linear.scatter [tilespmem:s22], [sflag:$0x1], $0x80, $0x38;
	[tilespmem:$0x13F80] =	vst v63  }
0x749: {  	s24 =	ssub.s32 $0x11DF8, s11;
	s25 =	sadd.s32 $0x40, s16  }
0x74a: {  	[hbm4b:s25+s2] =	stream.linear.scatter [tilespmem:s24], [sflag:$0x1], $0x80, $0x38;
	[tilespmem:$0x13F80] =	vst v63  }
0x74b: {  	s26 =	ssub.s32 $0x127F8, s11;
	s28 =	sadd.s32 $0x50, s16  }
0x74c: {  	[hbm4b:s28+s2] =	stream.linear.scatter [tilespmem:s26], [sflag:$0x1], $0x80, $0x38;
	[tilespmem:$0x13F80] =	vst v63  }
0x74d: {  	s29 =	ssub.s32 $0x131F8, s11;
	s30 =	sadd.s32 $0x60, s16  }
0x74e: {  	[hbm4b:s30+s2] =	stream.linear.scatter [tilespmem:s29], [sflag:$0x1], $0x80, $0x38;
	[tilespmem:$0x13F80] =	vst v63  }
0x74f: {  	s31 =	rddreg [dreg:$0x1c];
	s14 =	ssub.s32 $0x13BF8, s11;
	s12 =	sadd.s32 $0x70, s16  }
0x750: {  	[hbm4b:s12+s2] =	stream.linear.scatter [tilespmem:s14], [sflag:$0x1], $0x80, $0x38;
	[tilespmem:$0x13F80] =	vst v63  }
0x751: {  	s16 =	sadd.s32 s10, s31;
	s17 =	ssub.s32 $0xF678, s11  }
0x752: {  	[hbm4b:s16+s2] =	stream.linear.scatter [tilespmem:s17], [sflag:$0x1], $0x80, $0x38;
	[tilespmem:$0x13F80] =	vst v63  }
0x753: {  	s18 =	ssub.s32 $0x10078, s11;
	s19 =	sadd.s32 $0x10, s16  }
0x754: {  	[hbm4b:s19+s2] =	stream.linear.scatter [tilespmem:s18], [sflag:$0x1], $0x80, $0x38;
	[tilespmem:$0x13F80] =	vst v63  }
0x755: {  	s20 =	ssub.s32 $0x10A78, s11;
	s21 =	sadd.s32 $0x20, s16  }
0x756: {  	[hbm4b:s21+s2] =	stream.linear.scatter [tilespmem:s20], [sflag:$0x1], $0x80, $0x38;
	[tilespmem:$0x13F80] =	vst v63  }
0x757: {  	s22 =	ssub.s32 $0x11478, s11;
	s23 =	sadd.s32 $0x30, s16  }
0x758: {  	[hbm4b:s23+s2] =	stream.linear.scatter [tilespmem:s22], [sflag:$0x1], $0x80, $0x38;
	[tilespmem:$0x13F80] =	vst v63  }
0x759: {  	s24 =	ssub.s32 $0x11E78, s11;
	s25 =	sadd.s32 $0x40, s16  }
0x75a: {  	[hbm4b:s25+s2] =	stream.linear.scatter [tilespmem:s24], [sflag:$0x1], $0x80, $0x38;
	[tilespmem:$0x13F80] =	vst v63  }
0x75b: {  	s26 =	ssub.s32 $0x12878, s11;
	s28 =	sadd.s32 $0x50, s16  }
0x75c: {  	[hbm4b:s28+s2] =	stream.linear.scatter [tilespmem:s26], [sflag:$0x1], $0x80, $0x38;
	[tilespmem:$0x13F80] =	vst v63  }
0x75d: {  	s29 =	ssub.s32 $0x13278, s11;
	s30 =	sadd.s32 $0x60, s16  }
0x75e: {  	[hbm4b:s30+s2] =	stream.linear.scatter [tilespmem:s29], [sflag:$0x1], $0x80, $0x38;
	[tilespmem:$0x13F80] =	vst v63  }
0x75f: {  	s31 =	rddreg [dreg:$0x1d];
	s14 =	ssub.s32 $0x13C78, s11;
	s12 =	sadd.s32 $0x70, s16  }
0x760: {  	[hbm4b:s12+s2] =	stream.linear.scatter [tilespmem:s14], [sflag:$0x1], $0x80, $0x38;
	[tilespmem:$0x13F80] =	vst v63  }
0x761: {  	s16 =	sadd.s32 s10, s31;
	s17 =	ssub.s32 $0xF6F8, s11  }
0x762: {  	[hbm4b:s16+s2] =	stream.linear.scatter [tilespmem:s17], [sflag:$0x1], $0x80, $0x38;
	[tilespmem:$0x13F80] =	vst v63  }
0x763: {  	s18 =	ssub.s32 $0x100F8, s11;
	s19 =	sadd.s32 $0x10, s16  }
0x764: {  	[hbm4b:s19+s2] =	stream.linear.scatter [tilespmem:s18], [sflag:$0x1], $0x80, $0x38;
	[tilespmem:$0x13F80] =	vst v63  }
0x765: {  	s20 =	ssub.s32 $0x10AF8, s11;
	s21 =	sadd.s32 $0x20, s16  }
0x766: {  	[hbm4b:s21+s2] =	stream.linear.scatter [tilespmem:s20], [sflag:$0x1], $0x80, $0x38;
	[tilespmem:$0x13F80] =	vst v63  }
0x767: {  	s22 =	ssub.s32 $0x114F8, s11;
	s23 =	sadd.s32 $0x30, s16  }
0x768: {  	[hbm4b:s23+s2] =	stream.linear.scatter [tilespmem:s22], [sflag:$0x1], $0x80, $0x38;
	[tilespmem:$0x13F80] =	vst v63  }
0x769: {  	s24 =	ssub.s32 $0x11EF8, s11;
	s25 =	sadd.s32 $0x40, s16  }
0x76a: {  	[hbm4b:s25+s2] =	stream.linear.scatter [tilespmem:s24], [sflag:$0x1], $0x80, $0x38;
	[tilespmem:$0x13F80] =	vst v63  }
0x76b: {  	s26 =	ssub.s32 $0x128F8, s11;
	s28 =	sadd.s32 $0x50, s16  }
0x76c: {  	[hbm4b:s28+s2] =	stream.linear.scatter [tilespmem:s26], [sflag:$0x1], $0x80, $0x38;
	[tilespmem:$0x13F80] =	vst v63  }
0x76d: {  	s29 =	ssub.s32 $0x132F8, s11;
	s30 =	sadd.s32 $0x60, s16  }
0x76e: {  	[hbm4b:s30+s2] =	stream.linear.scatter [tilespmem:s29], [sflag:$0x1], $0x80, $0x38;
	[tilespmem:$0x13F80] =	vst v63  }
0x76f: {  	s31 =	rddreg [dreg:$0x1e];
	s14 =	ssub.s32 $0x13CF8, s11;
	s12 =	sadd.s32 $0x70, s16  }
0x770: {  	[hbm4b:s12+s2] =	stream.linear.scatter [tilespmem:s14], [sflag:$0x1], $0x80, $0x38;
	[tilespmem:$0x13F80] =	vst v63  }
0x771: {  	s16 =	sadd.s32 s10, s31;
	s17 =	ssub.s32 $0xF778, s11  }
0x772: {  	[hbm4b:s16+s2] =	stream.linear.scatter [tilespmem:s17], [sflag:$0x1], $0x80, $0x38;
	[tilespmem:$0x13F80] =	vst v63  }
0x773: {  	s18 =	ssub.s32 $0x10178, s11;
	s19 =	sadd.s32 $0x10, s16  }
0x774: {  	[hbm4b:s19+s2] =	stream.linear.scatter [tilespmem:s18], [sflag:$0x1], $0x80, $0x38;
	[tilespmem:$0x13F80] =	vst v63  }
0x775: {  	s20 =	ssub.s32 $0x10B78, s11;
	s21 =	sadd.s32 $0x20, s16  }
0x776: {  	[hbm4b:s21+s2] =	stream.linear.scatter [tilespmem:s20], [sflag:$0x1], $0x80, $0x38;
	[tilespmem:$0x13F80] =	vst v63  }
0x777: {  	s22 =	ssub.s32 $0x11578, s11;
	s23 =	sadd.s32 $0x30, s16  }
0x778: {  	[hbm4b:s23+s2] =	stream.linear.scatter [tilespmem:s22], [sflag:$0x1], $0x80, $0x38;
	[tilespmem:$0x13F80] =	vst v63  }
0x779: {  	s24 =	ssub.s32 $0x11F78, s11;
	s25 =	sadd.s32 $0x40, s16  }
0x77a: {  	[hbm4b:s25+s2] =	stream.linear.scatter [tilespmem:s24], [sflag:$0x1], $0x80, $0x38;
	[tilespmem:$0x13F80] =	vst v63  }
0x77b: {  	s26 =	ssub.s32 $0x12978, s11;
	s28 =	sadd.s32 $0x50, s16  }
0x77c: {  	[hbm4b:s28+s2] =	stream.linear.scatter [tilespmem:s26], [sflag:$0x1], $0x80, $0x38;
	[tilespmem:$0x13F80] =	vst v63  }
0x77d: {  	s29 =	ssub.s32 $0x13378, s11;
	s30 =	sadd.s32 $0x60, s16  }
0x77e: {  	[hbm4b:s30+s2] =	stream.linear.scatter [tilespmem:s29], [sflag:$0x1], $0x80, $0x38;
	[tilespmem:$0x13F80] =	vst v63  }
0x77f: {  	s31 =	rddreg [dreg:$0x1f];
	s14 =	ssub.s32 $0x13D78, s11;
	s12 =	sadd.s32 $0x70, s16  }
0x780: {  	[hbm4b:s12+s2] =	stream.linear.scatter [tilespmem:s14], [sflag:$0x1], $0x80, $0x38;
	[tilespmem:$0x13F80] =	vst v63  }
0x781: {  	s16 =	sadd.s32 s10, s31;
	s17 =	ssub.s32 $0xF7F8, s11  }
0x782: {  	[hbm4b:s16+s2] =	stream.linear.scatter [tilespmem:s17], [sflag:$0x1], $0x80, $0x38;
	[tilespmem:$0x13F80] =	vst v63  }
0x783: {  	s18 =	ssub.s32 $0x101F8, s11;
	s19 =	sadd.s32 $0x10, s16  }
0x784: {  	[hbm4b:s19+s2] =	stream.linear.scatter [tilespmem:s18], [sflag:$0x1], $0x80, $0x38;
	[tilespmem:$0x13F80] =	vst v63  }
0x785: {  	s20 =	ssub.s32 $0x10BF8, s11;
	s21 =	sadd.s32 $0x20, s16  }
0x786: {  	[hbm4b:s21+s2] =	stream.linear.scatter [tilespmem:s20], [sflag:$0x1], $0x80, $0x38;
	[tilespmem:$0x13F80] =	vst v63  }
0x787: {  	s22 =	ssub.s32 $0x115F8, s11;
	s23 =	sadd.s32 $0x30, s16  }
0x788: {  	[hbm4b:s23+s2] =	stream.linear.scatter [tilespmem:s22], [sflag:$0x1], $0x80, $0x38;
	[tilespmem:$0x13F80] =	vst v63  }
0x789: {  	s24 =	ssub.s32 $0x11FF8, s11;
	s25 =	sadd.s32 $0x40, s16  }
0x78a: {  	[hbm4b:s25+s2] =	stream.linear.scatter [tilespmem:s24], [sflag:$0x1], $0x80, $0x38;
	[tilespmem:$0x13F80] =	vst v63  }
0x78b: {  	s26 =	ssub.s32 $0x129F8, s11;
	s28 =	sadd.s32 $0x50, s16  }
0x78c: {  	[hbm4b:s28+s2] =	stream.linear.scatter [tilespmem:s26], [sflag:$0x1], $0x80, $0x38;
	[tilespmem:$0x13F80] =	vst v63  }
0x78d: {  	s31 =	sld [smem:$0x7FC];
	s29 =	ssub.s32 $0x133F8, s11;
	s30 =	sadd.s32 $0x60, s16  }
0x78e: {  	[hbm4b:s30+s2] =	stream.linear.scatter [tilespmem:s29], [sflag:$0x1], $0x80, $0x38;
	[tilespmem:$0x13F80] =	vst v63  }
0x78f: {  	s14 =	ssub.s32 $0x13DF8, s11;
	s12 =	sadd.s32 $0x70, s16  }
0x790: {  	[hbm4b:s12+s2] =	stream.linear.scatter [tilespmem:s14], [sflag:$0x1], $0x80, $0x38;
	[tilespmem:$0x13F80] =	vst v63  }
0x791: {  	s16 =	sadd.s32 s10, s31;
	s17 =	ssub.s32 $0xF878, s11  }
0x792: {  	[hbm4b:s16+s2] =	stream.linear.scatter [tilespmem:s17], [sflag:$0x1], $0x80, $0x38;
	[tilespmem:$0x13F80] =	vst v63  }
0x793: {  	s18 =	ssub.s32 $0x10278, s11;
	s19 =	sadd.s32 $0x10, s16  }
0x794: {  	[hbm4b:s19+s2] =	stream.linear.scatter [tilespmem:s18], [sflag:$0x1], $0x80, $0x38;
	[tilespmem:$0x13F80] =	vst v63  }
0x795: {  	s20 =	ssub.s32 $0x10C78, s11;
	s21 =	sadd.s32 $0x20, s16  }
0x796: {  	[hbm4b:s21+s2] =	stream.linear.scatter [tilespmem:s20], [sflag:$0x1], $0x80, $0x38;
	[tilespmem:$0x13F80] =	vst v63  }
0x797: {  	s22 =	ssub.s32 $0x11678, s11;
	s23 =	sadd.s32 $0x30, s16  }
0x798: {  	[hbm4b:s23+s2] =	stream.linear.scatter [tilespmem:s22], [sflag:$0x1], $0x80, $0x38;
	[tilespmem:$0x13F80] =	vst v63  }
0x799: {  	s24 =	ssub.s32 $0x12078, s11;
	s25 =	sadd.s32 $0x40, s16  }
0x79a: {  	[hbm4b:s25+s2] =	stream.linear.scatter [tilespmem:s24], [sflag:$0x1], $0x80, $0x38;
	[tilespmem:$0x13F80] =	vst v63  }
0x79b: {  	s26 =	ssub.s32 $0x12A78, s11;
	s28 =	sadd.s32 $0x50, s16  }
0x79c: {  	[hbm4b:s28+s2] =	stream.linear.scatter [tilespmem:s26], [sflag:$0x1], $0x80, $0x38;
	[tilespmem:$0x13F80] =	vst v63  }
0x79d: {  	s31 =	sld [smem:$0x7FD];
	s29 =	ssub.s32 $0x13478, s11;
	s30 =	sadd.s32 $0x60, s16  }
0x79e: {  	[hbm4b:s30+s2] =	stream.linear.scatter [tilespmem:s29], [sflag:$0x1], $0x80, $0x38;
	[tilespmem:$0x13F80] =	vst v63  }
0x79f: {  	s14 =	ssub.s32 $0x13E78, s11;
	s12 =	sadd.s32 $0x70, s16  }
0x7a0: {  	[hbm4b:s12+s2] =	stream.linear.scatter [tilespmem:s14], [sflag:$0x1], $0x80, $0x38;
	[tilespmem:$0x13F80] =	vst v63  }
0x7a1: {  	s16 =	sadd.s32 s10, s31;
	s17 =	ssub.s32 $0xF8F8, s11  }
0x7a2: {  	[hbm4b:s16+s2] =	stream.linear.scatter [tilespmem:s17], [sflag:$0x1], $0x80, $0x38;
	[tilespmem:$0x13F80] =	vst v63  }
0x7a3: {  	s18 =	ssub.s32 $0x102F8, s11;
	s19 =	sadd.s32 $0x10, s16  }
0x7a4: {  	[hbm4b:s19+s2] =	stream.linear.scatter [tilespmem:s18], [sflag:$0x1], $0x80, $0x38;
	[tilespmem:$0x13F80] =	vst v63  }
0x7a5: {  	s20 =	ssub.s32 $0x10CF8, s11;
	s21 =	sadd.s32 $0x20, s16  }
0x7a6: {  	[hbm4b:s21+s2] =	stream.linear.scatter [tilespmem:s20], [sflag:$0x1], $0x80, $0x38;
	[tilespmem:$0x13F80] =	vst v63  }
0x7a7: {  	s22 =	ssub.s32 $0x116F8, s11;
	s23 =	sadd.s32 $0x30, s16  }
0x7a8: {  	[hbm4b:s23+s2] =	stream.linear.scatter [tilespmem:s22], [sflag:$0x1], $0x80, $0x38;
	[tilespmem:$0x13F80] =	vst v63  }
0x7a9: {  	s24 =	ssub.s32 $0x120F8, s11;
	s25 =	sadd.s32 $0x40, s16  }
0x7aa: {  	[hbm4b:s25+s2] =	stream.linear.scatter [tilespmem:s24], [sflag:$0x1], $0x80, $0x38;
	[tilespmem:$0x13F80] =	vst v63  }
0x7ab: {  	s26 =	ssub.s32 $0x12AF8, s11;
	s28 =	sadd.s32 $0x50, s16  }
0x7ac: {  	[hbm4b:s28+s2] =	stream.linear.scatter [tilespmem:s26], [sflag:$0x1], $0x80, $0x38;
	[tilespmem:$0x13F80] =	vst v63  }
0x7ad: {  	s29 =	ssub.s32 $0x134F8, s11;
	s30 =	sadd.s32 $0x60, s16  }
0x7ae: {  	[hbm4b:s30+s2] =	stream.linear.scatter [tilespmem:s29], [sflag:$0x1], $0x80, $0x38;
	[tilespmem:$0x13F80] =	vst v63  }
0x7af: {  	s31 =	ssub.s32 $0x13EF8, s11;
	s10 =	sadd.s32 $0x70, s16  }
0x7b0: {  	[hbm4b:s10+s2] =	stream.linear.scatter [tilespmem:s31], [sflag:$0x1], $0x80, $0x38;
	[tilespmem:$0x13F80] =	vst v63  }
0x7b1: {  	_ =	swait.ge [sflag:s8], $0x400  }
0x7b2: {  	[sflag:s8] =	ssyncset.done $0x0  }
0x7b3: {  	[sflag:s8] =	ssyncadd.s32 $0xFFFFFC00  }
0x7b4: {  	_ =	swait.ge [sflag:s8], $0x400  }
0x7b5: {  	[sflag:s8] =	ssyncset.done $0x0  }
0x7b6: {  	[sflag:s8] =	ssyncadd.s32 $0xFFFFFC00  }
0x7b7: {  	_ =	swait.ge [sflag:s8], $0x400  }
0x7b8: {  	[sflag:s8] =	ssyncset.done $0x0  }
0x7b9: {  	[sflag:s8] =	ssyncadd.s32 $0xFFFFFC00  }
0x7ba: {  	_ =	swait.ge [sflag:s8], $0x400  }
0x7bb: {  	[sflag:s8] =	ssyncset.done $0x0  }
0x7bc: {  	[sflag:s8] =	ssyncadd.s32 $0xFFFFFC00  }
0x7bd: {  	_ =	swait.ge [sflag:s8], $0x400  }
0x7be: {  	[sflag:s8] =	ssyncset.done $0x0  }
0x7bf: {  	[sflag:s8] =	ssyncadd.s32 $0xFFFFFC00  }
0x7c0: {  	_ =	swait.ge [sflag:s8], $0x400  }
0x7c1: {  	[sflag:s8] =	ssyncset.done $0x0  }
0x7c2: {  	[sflag:s8] =	ssyncadd.s32 $0xFFFFFC00  }
0x7c3: {  	_ =	swait.ge [sflag:s8], $0x400  }
0x7c4: {  	[sflag:s8] =	ssyncset.done $0x0  }
0x7c5: {  	[sflag:s8] =	ssyncadd.s32 $0xFFFFFC00  }
0x7c6: {  	_ =	swait.ge [sflag:s8], $0x400  }
0x7c7: {  	[sflag:s8] =	ssyncset.done $0x0  }
0x7c8: {  	[sflag:s8] =	ssyncadd.s32 $0xFFFFFC00  }
0x7c9: {  	_ =	swait.ge [sflag:s8], $0x400  }
0x7ca: {  	[sflag:s8] =	ssyncset.done $0x0  }
0x7cb: {  	[sflag:s8] =	ssyncadd.s32 $0xFFFFFC00  }
0x7cc: {  	_ =	swait.ge [sflag:s8], $0x400  }
0x7cd: {  	[sflag:s8] =	ssyncset.done $0x0  }
0x7ce: {  	[sflag:s8] =	ssyncadd.s32 $0xFFFFFC00  }
0x7cf: {  	_ =	swait.ge [sflag:s8], $0x400  }
0x7d0: {  	[sflag:s8] =	ssyncset.done $0x0  }
0x7d1: {  	[sflag:s8] =	ssyncadd.s32 $0xFFFFFC00  }
0x7d2: {  	_ =	swait.ge [sflag:s8], $0x400  }
0x7d3: {  	[sflag:s8] =	ssyncset.done $0x0  }
0x7d4: {  	[sflag:s8] =	ssyncadd.s32 $0xFFFFFC00  }
0x7d5: {  	_ =	swait.ge [sflag:s8], $0x400  }
0x7d6: {  	[sflag:s8] =	ssyncset.done $0x0  }
0x7d7: {  	[sflag:s8] =	ssyncadd.s32 $0xFFFFFC00  }
0x7d8: {  	_ =	swait.ge [sflag:s8], $0x400  }
0x7d9: {  	[sflag:s8] =	ssyncset.done $0x0  }
0x7da: {  	[sflag:s8] =	ssyncadd.s32 $0xFFFFFC00  }
0x7db: {  	_ =	swait.ge [sflag:s8], $0x400  }
0x7dc: {  	[sflag:s8] =	ssyncset.done $0x0  }
0x7dd: {  	[sflag:s8] =	ssyncadd.s32 $0xFFFFFC00  }
0x7de: {  	_ =	swait.ge [sflag:s8], $0x400  }
0x7df: {  	[sflag:s8] =	ssyncset.done $0x0  }
0x7e0: {  	[sflag:s8] =	ssyncadd.s32 $0xFFFFFC00  }
0x7e1: {  	_ =	swait.ge [sflag:s8], $0x400  }
0x7e2: {  	[sflag:s8] =	ssyncset.done $0x0  }
0x7e3: {  	[sflag:s8] =	ssyncadd.s32 $0xFFFFFC00  }
0x7e4: {  	_ =	swait.ge [sflag:s8], $0x400  }
0x7e5: {  	[sflag:s8] =	ssyncset.done $0x0  }
0x7e6: {  	[sflag:s8] =	ssyncadd.s32 $0xFFFFFC00  }
0x7e7: {  	_ =	swait.ge [sflag:s8], $0x400  }
0x7e8: {  	[sflag:s8] =	ssyncset.done $0x0  }
0x7e9: {  	[sflag:s8] =	ssyncadd.s32 $0xFFFFFC00  }
0x7ea: {  	_ =	swait.ge [sflag:s8], $0x400  }
0x7eb: {  	[sflag:s8] =	ssyncset.done $0x0  }
0x7ec: {  	[sflag:s8] =	ssyncadd.s32 $0xFFFFFC00  }
0x7ed: {  	_ =	swait.ge [sflag:s8], $0x400  }
0x7ee: {  	[sflag:s8] =	ssyncset.done $0x0  }
0x7ef: {  	[sflag:s8] =	ssyncadd.s32 $0xFFFFFC00  }
0x7f0: {  	_ =	swait.ge [sflag:s8], $0x400  }
0x7f1: {  	[sflag:s8] =	ssyncset.done $0x0  }
0x7f2: {  	[sflag:s8] =	ssyncadd.s32 $0xFFFFFC00  }
0x7f3: {  	_ =	swait.ge [sflag:s8], $0x400  }
0x7f4: {  	[sflag:s8] =	ssyncset.done $0x0  }
0x7f5: {  	[sflag:s8] =	ssyncadd.s32 $0xFFFFFC00  }
0x7f6: {  	_ =	swait.ge [sflag:s8], $0x400  }
0x7f7: {  	[sflag:s8] =	ssyncset.done $0x0  }
0x7f8: {  	[sflag:s8] =	ssyncadd.s32 $0xFFFFFC00  }
0x7f9: {  	_ =	swait.ge [sflag:s8], $0x400  }
0x7fa: {  	[sflag:s8] =	ssyncset.done $0x0  }
0x7fb: {  	[sflag:s8] =	ssyncadd.s32 $0xFFFFFC00  }
0x7fc: {  	_ =	swait.ge [sflag:s8], $0x400  }
0x7fd: {  	[sflag:s8] =	ssyncset.done $0x0  }
0x7fe: {  	[sflag:s8] =	ssyncadd.s32 $0xFFFFFC00  }
0x7ff: {  	_ =	swait.ge [sflag:s8], $0x400  }
0x800: {  	[sflag:s8] =	ssyncset.done $0x0  }
0x801: {  	[sflag:s8] =	ssyncadd.s32 $0xFFFFFC00  }
0x802: {  	_ =	swait.ge [sflag:s8], $0x400  }
0x803: {  	[sflag:s8] =	ssyncset.done $0x0  }
0x804: {  	[sflag:s8] =	ssyncadd.s32 $0xFFFFFC00  }
0x805: {  	_ =	swait.ge [sflag:s8], $0x400  }
0x806: {  	[sflag:s8] =	ssyncset.done $0x0  }
0x807: {  	[sflag:s8] =	ssyncadd.s32 $0xFFFFFC00  }
0x808: {  	_ =	swait.ge [sflag:s8], $0x400  }
0x809: {  	[sflag:s8] =	ssyncset.done $0x0  }
0x80a: {  	s9 =	sadd.s32 $0x1, s9;
	[sflag:s8] =	ssyncadd.s32 $0xFFFFFC00  }
0x80b: {  	p0 =	sne.s32 s9, s6;
	_ =	swait.ge [sflag:s8], $0x400  }
.Ltmp4:
0x80c: {  	[sflag:s8] =	ssyncset.done $0x0;
	(pc) =	sbr.rel @p0 .LBB2_1-.Ltmp4, $4  }
0x80d: {  	[sflag:s8] =	ssyncadd.s32 $0xFFFFFC00  }
0x80e: {  	_ =	swait.ge [sflag:s8], $0x400  }
0x80f: {  	[sflag:s8] =	ssyncset.done $0x0  }
0x810: {  	[sflag:s8] =	ssyncadd.s32 $0xFFFFFC00  }
0x811: {  	_ =	sfence.sel $0x180000  }
0x812: {  	[bflag:$0x0] =	sbarrier.arrive $0xFFFF  }
0x813: {  	p0 =	sne.s32 s3, $0x0;
	_ =	strace $0x90000047  }
0x814: {  	s0 =	sadd.s32 @!p0 $0x100000, s0;
	[bflag:$0x2] =	sbarrier.arrive $0xFFFF  }
0x815: {  	[sflag:s0] =	ssyncadd.tile.s32 @!p0 $0x1;
	_ =	shalt  }
.Lfunc_end2:
_tile_overlayer_lowered:
.L_overlay_start_2:
0x816: {  	(tag) =	ssettag $0x2  }
0x817: {  	s0 =	rddreg [dreg:$0x0];
	s2 =	stileid.u32  }
0x818: {  	s1 =	rddreg [dreg:$0x1];
	p0 =	sne.s32 s2, $0x0  }
0x819: {  	s3 =	rddreg [dreg:$0x2];
	[bflag:$0x3] =	sbarrier.arrive $0xFFFF;
	s2 =	simm.s32 @!p0 $0x1C02  }
0x81a: {  	[timem:s3], [sflag:s2] =	dma.local @!p0 [hbm:s0], s1  }
0x81b: {  	s0 =	simm.s32 @!p0 $0x2  }
0x81c: {  	_ =	swait.ge @!p0 [sflag:s0], s1  }
0x81d: {  	s1 =	ssub.s32 @!p0 $0x0, s1;
	[sflag:s0] =	ssyncset.done @!p0 $0x0  }
0x81e: {  	[sflag:s0] =	ssyncadd.s32 @!p0 s1  }
0x81f: {  	[bflag:$0x3] =	sbarrier.arrive $0xFFFF  }
0x820: {  	_ =	shalt  }

</sc_bundles>
